<compile_context>
chip_gen: v7x
topology: tpu7x:2x2x1
jax: 0.10.2.dev20260603
libtpu: 0.0.44.dev20260713+nightly
codegen_flags: <defaults>
</compile_context>

<pallas_src>
import functools

import jax
import jax.numpy as jnp
from jax import lax
from jax.experimental import pallas as pl
from jax.experimental.pallas import tpu as pltpu
from jax.experimental.pallas import tpu_sc as plsc

N = 10000
E = 320000
F = 128
H = 8
D = 16
ACC_W = F + D

NC = 2
NS = 16
NW = NC * NS
EPT = E // NW
C = 40
NCH = EPT // C
CPS = 25
SUPE = CPS * C
NSUP = NCH // CPS
RPT = N // NS
ZROWS = 25

BROWS = 400


def _ln(x, g, b):
    mu = jnp.mean(x, axis=1, keepdims=True)
    xm = x - mu
    var = jnp.mean(xm * xm, axis=1, keepdims=True)
    return xm * lax.rsqrt(var + 1e-5) * g + b


def _elu(x):
    return jnp.where(x > 0, x, jnp.exp(x) - 1.0)


def _tc_a_body(h_ref, wfc_ref, g_ref, b_ref, hln_ref, ft_ref):
    hln = _ln(h_ref[...], g_ref[...], b_ref[...])
    hln_ref[...] = hln
    ft_ref[...] = jnp.dot(hln, wfc_ref[...], preferred_element_type=jnp.float32)


def _tc_a(h, W_fc, ln1_g, ln1_b):
    return pl.pallas_call(
        _tc_a_body,
        grid=(N // BROWS,),
        in_specs=[
            pl.BlockSpec((BROWS, F), lambda i: (i, 0)),
            pl.BlockSpec((F, F), lambda i: (0, 0)),
            pl.BlockSpec((1, F), lambda i: (0, 0)),
            pl.BlockSpec((1, F), lambda i: (0, 0)),
        ],
        out_specs=[
            pl.BlockSpec((BROWS, F), lambda i: (i, 0)),
            pl.BlockSpec((BROWS, F), lambda i: (i, 0)),
        ],
        out_shape=[
            jax.ShapeDtypeStruct((N, F), jnp.float32),
            jax.ShapeDtypeStruct((N, F), jnp.float32),
        ],
    )(h, W_fc, ln1_g.reshape(1, F), ln1_b.reshape(1, F))


_sc_mesh = plsc.VectorSubcoreMesh(core_axis_name="c", subcore_axis_name="s")


@functools.partial(
    pl.kernel,
    out_type=jax.ShapeDtypeStruct((NC, N, ACC_W), jnp.float32),
    mesh=_sc_mesh,
    compiler_params=pltpu.CompilerParams(use_tc_tiling_on_sc=False,
                                         needs_layout_passes=False),
    scratch_types=[
        pltpu.VMEM((2, SUPE), jnp.int32),
        pltpu.VMEM((2, SUPE), jnp.int32),
        pltpu.VMEM((2, C, F), jnp.float32),
        pltpu.VMEM((2, C, F), jnp.float32),
        pltpu.VMEM((2, C, ACC_W), jnp.float32),
        pltpu.VMEM((2, C), jnp.int32),
        pltpu.VMEM((ZROWS, ACC_W), jnp.float32),
        pltpu.VMEM_SHARED((N, ACC_W), jnp.float32),
        pltpu.SemaphoreType.DMA,
        pltpu.SemaphoreType.DMA,
        pltpu.SemaphoreType.DMA,
        pltpu.SemaphoreType.DMA,
        pltpu.SemaphoreType.DMA,
        pltpu.SemaphoreType.DMA,
    ],
)
def _sc_edges(ft_hbm, ei_hbm, acc_hbm, sidx, didx, srows, drows, obuf, scidx,
              zbuf, acc, gsem0, gsem1, ssem0, ssem1, isem, zsem):
    cid = lax.axis_index("c")
    sid = lax.axis_index("s")
    wid = cid * NS + sid
    base = wid * EPT

    gsems = (gsem0, gsem1)
    ssems = (ssem0, ssem1)

    def _sfetch(sup):
        q = sup % 2
        eb = base + sup * SUPE
        pltpu.async_copy(ei_hbm.at[pl.ds(eb, SUPE)], sidx.at[q], isem)
        pltpu.async_copy(ei_hbm.at[pl.ds(E + eb, SUPE)], didx.at[q], isem)

    def _swait(sup):
        q = sup % 2
        eb = base + sup * SUPE
        pltpu.make_async_copy(ei_hbm.at[pl.ds(eb, SUPE)], sidx.at[q],
                              isem).wait()
        pltpu.make_async_copy(ei_hbm.at[pl.ds(E + eb, SUPE)], didx.at[q],
                              isem).wait()

    def _fetch(slot, chunk):
        q = (chunk // CPS) % 2
        off = (chunk % CPS) * C
        pltpu.async_copy(ft_hbm.at[sidx.at[q, pl.ds(off, C)]],
                         srows.at[slot], gsems[slot])
        pltpu.async_copy(ft_hbm.at[didx.at[q, pl.ds(off, C)]],
                         drows.at[slot], gsems[slot])

    _sfetch(0)
    _swait(0)
    _sfetch(1)
    for b in range(2):
        _fetch(b, b)

    zv = jnp.zeros((D,), jnp.float32)

    @pl.loop(0, ZROWS)
    def _(r):
        for k in range(ACC_W // D):
            zbuf[r, pl.ds(k * D, D)] = zv

    @pl.loop(0, RPT, step=ZROWS)
    def _(r0):
        pltpu.async_copy(zbuf, acc.at[pl.ds(sid * RPT + r0, ZROWS), :], zsem)

    @pl.loop(0, RPT, step=ZROWS)
    def _(r0):
        pltpu.make_async_copy(zbuf, acc.at[pl.ds(sid * RPT + r0, ZROWS), :],
                              zsem).wait()

    plsc.subcore_barrier()

    iota16 = lax.iota(jnp.int32, D)
    lane15 = jnp.full((D, 1), D - 1, jnp.int32)

    def _bcast_last(v):
        return lax.gather(
            v, lane15,
            dimension_numbers=lax.GatherDimensionNumbers(
                offset_dims=(), collapsed_slice_dims=(0,),
                start_index_map=(0,)),
            slice_sizes=(1,),
            mode=lax.GatherScatterMode.PROMISE_IN_BOUNDS)

    @pl.loop(0, NCH, step=2)
    def _(i0):
        for b in range(2):
            i = i0 + b
            qi = (i // CPS) % 2
            offi = (i % CPS) * C
            pltpu.make_async_copy(ft_hbm.at[sidx.at[qi, pl.ds(offi, C)]],
                                  srows.at[b], gsems[b]).wait()
            pltpu.make_async_copy(ft_hbm.at[didx.at[qi, pl.ds(offi, C)]],
                                  drows.at[b], gsems[b]).wait()

            @pl.when(i >= 2)
            def _():
                pltpu.make_async_copy(obuf.at[b], acc.at[scidx.at[b]],
                                      ssems[b]).wait()

            @plsc.parallel_loop(0, C, unroll=5)
            def _(e):
                wrow = zv
                for hh in range(H):
                    s = srows[b, e, pl.ds(hh * D, D)]
                    d = drows[b, e, pl.ds(hh * D, D)]
                    cs = plsc.cumsum(s * d)
                    w = jnp.exp(_bcast_last(cs) * 0.25)
                    obuf[b, e, pl.ds(hh * D, D)] = w * s
                    wrow = jnp.where(iota16 == hh, w, wrow)
                obuf[b, e, pl.ds(F, D)] = wrow

            for off in (0, D, C - D):
                scidx[b, pl.ds(off, D)] = didx[qi, pl.ds(offi + off, D)]
            pltpu.async_copy(obuf.at[b], acc.at[scidx.at[b]], ssems[b],
                             add=True)

            j = i + 2

            @pl.when(j < NCH)
            def _():
                sj = j // CPS

                @pl.when(j % CPS == 0)
                def _():
                    _swait(sj)

                _fetch(b, j)

                @pl.when((j % CPS == 1) & (sj + 1 < NSUP))
                def _():
                    _sfetch(sj + 1)

    for b in range(2):
        pltpu.make_async_copy(obuf.at[b], acc.at[scidx.at[b]], ssems[b]).wait()

    plsc.subcore_barrier()
    pltpu.sync_copy(acc.at[pl.ds(sid * RPT, RPT), :],
                    acc_hbm.at[cid, pl.ds(sid * RPT, RPT), :])


def _tc_b_body(acc_ref, hln_ref, wh_ref, bh_ref, wsi_ref, bsi_ref, g2_ref,
               b2_ref, exp8_ref, out_ref):
    a = acc_ref[0] + acc_ref[1]
    msg = a[:, :F]
    den = a[:, F:F + H]
    denb = jnp.dot(den, exp8_ref[...], preferred_element_type=jnp.float32)
    agg = _elu(msg / jnp.maximum(denb, 1e-30))
    y = (jnp.dot(agg, wh_ref[...], preferred_element_type=jnp.float32)
         + bh_ref[...] + hln_ref[...])
    yln = _ln(y, g2_ref[...], b2_ref[...])
    z = jnp.dot(yln, wsi_ref[...], preferred_element_type=jnp.float32) + bsi_ref[...]
    out_ref[...] = _elu(z) + yln


def _tc_b(acc, h_ln, W_head, b_head, W_si, b_si, ln2_g, ln2_b):
    exp8 = (lax.broadcasted_iota(jnp.int32, (H, F), 1) // D
            == lax.broadcasted_iota(jnp.int32, (H, F), 0)).astype(jnp.float32)
    return pl.pallas_call(
        _tc_b_body,
        grid=(N // BROWS,),
        in_specs=[
            pl.BlockSpec((NC, BROWS, ACC_W), lambda i: (0, i, 0)),
            pl.BlockSpec((BROWS, F), lambda i: (i, 0)),
            pl.BlockSpec((F, F), lambda i: (0, 0)),
            pl.BlockSpec((1, F), lambda i: (0, 0)),
            pl.BlockSpec((F, F), lambda i: (0, 0)),
            pl.BlockSpec((1, F), lambda i: (0, 0)),
            pl.BlockSpec((1, F), lambda i: (0, 0)),
            pl.BlockSpec((1, F), lambda i: (0, 0)),
            pl.BlockSpec((H, F), lambda i: (0, 0)),
        ],
        out_specs=pl.BlockSpec((BROWS, F), lambda i: (i, 0)),
        out_shape=jax.ShapeDtypeStruct((N, F), jnp.float32),
    )(acc, h_ln, W_head, b_head.reshape(1, F), W_si, b_si.reshape(1, F),
      ln2_g.reshape(1, F), ln2_b.reshape(1, F), exp8)


def kernel(h, edge_index, W_fc, W_head, b_head, W_si, b_si, ln1_g, ln1_b,
           ln2_g, ln2_b):
    h_ln, ft = _tc_a(h, W_fc, ln1_g, ln1_b)
    acc = _sc_edges(ft, edge_index.reshape(2 * E))
    return _tc_b(acc, h_ln, W_head, b_head, W_si, b_si, ln2_g, ln2_b)

# --- scband reference (transcript-rebuilt; emitter-appended) ---
"""Pipeline reference for scband-residual-graph-block-12790412607605 (READ-ONLY COPY).

The authoritative reference and input builder live on the scoring server;
editing this copy changes nothing except your own understanding.
"""

import jax, jax.numpy as jnp
import numpy as np

N = 10000
E = 320000
IN_F = 128
OUT_F = 128
H = 8
D = 16  # ceil(out_feats / num_heads)


def setup_inputs(seed: int = 0) -> dict:
    key = jax.random.key(seed)
    ks = jax.random.split(key, 12)
    h = jax.random.normal(ks[0], (N, IN_F), dtype=jnp.float32)
    edge_index = jax.random.randint(ks[1], (2, E), 0, N, dtype=jnp.int32)
    # DotGatConv shared projection fc: Linear(in_feats, num_heads*head_dim, bias=False)
    W_fc = jax.random.normal(ks[2], (IN_F, H * D), dtype=jnp.float32) * (1.0 / np.sqrt(IN_F))
    # head_reducer: Linear(num_heads*head_dim, out_feats)
    W_head = jax.random.normal(ks[3], (H * D, OUT_F), dtype=jnp.float32) * (1.0 / np.sqrt(H * D))
    b_head = jax.random.normal(ks[4], (OUT_F,), dtype=jnp.float32) * 0.01
    # self_interaction: Linear(out_feats, out_feats)
    W_si = jax.random.normal(ks[5], (OUT_F, OUT_F), dtype=jnp.float32) * (1.0 / np.sqrt(OUT_F))
    b_si = jax.random.normal(ks[6], (OUT_F,), dtype=jnp.float32) * 0.01
    # layer norms (input norm and interaction norm)
    ln1_g = jnp.ones((IN_F,), dtype=jnp.float32)
    ln1_b = jnp.zeros((IN_F,), dtype=jnp.float32)
    ln2_g = jnp.ones((OUT_F,), dtype=jnp.float32)
    ln2_b = jnp.zeros((OUT_F,), dtype=jnp.float32)
    return {"h": h, "edge_index": edge_index, "W_fc": W_fc, "W_head": W_head,
            "b_head": b_head, "W_si": W_si, "b_si": b_si,
            "ln1_g": ln1_g, "ln1_b": ln1_b, "ln2_g": ln2_g, "ln2_b": ln2_b}


def _layer_norm(x, g, b, eps=1e-5):
    mu = jnp.mean(x, axis=-1, keepdims=True)
    var = jnp.var(x, axis=-1, keepdims=True)
    return (x - mu) / jnp.sqrt(var + eps) * g + b


def reference(h, edge_index, W_fc, W_head, b_head, W_si, b_si, ln1_g, ln1_b, ln2_g, ln2_b):
    # layer norm at block start
    h = _layer_norm(h, ln1_g, ln1_b)
    h_skip = h
    # DotGatConv (shared fc for src/dst on homogeneous graph)
    ft = (h @ W_fc).reshape(N, H, D)
    src = edge_index[0]
    dst = edge_index[1]
    # u_dot_v attention logits, scaled by sqrt(head_dim)
    e = jnp.sum(ft[src] * ft[dst], axis=-1) / jnp.sqrt(jnp.float32(D))  # [E, H]
    # edge softmax over incoming edges of each dst node (numerically stable)
    m = jax.ops.segment_max(e, dst, num_segments=N)  # [N, H]
    m = jnp.where(jnp.isfinite(m), m, 0.0)
    ee = jnp.exp(e - m[dst])
    denom = jax.ops.segment_sum(ee, dst, num_segments=N)  # [N, H]
    alpha = ee / jnp.maximum(denom[dst], 1e-9)  # [E, H]
    # weighted message aggregation (u_mul_e -> sum)
    msg = ft[src] * alpha[:, :, None]  # [E, H, D]
    agg = jax.ops.segment_sum(msg, dst, num_segments=N)  # [N, H, D]
    # activation, head flatten, head_reducer, residual
    out = jax.nn.elu(agg)
    out = out.reshape(N, H * D)
    out = out @ W_head + b_head
    out = out + h_skip
    # interaction norm + self interaction + residual
    out = _layer_norm(out, ln2_g, ln2_b)
    skip2 = out
    out = jax.nn.elu(out @ W_si + b_si)
    out = out + skip2
    return out

if __name__ == "__main__":
    import jax
    _d = setup_inputs()
    print(jax.jit(kernel)(*tuple(_d.values())))

</pallas_src>

<mosaic_0001>
#map = affine_map<(d0, d1) -> (0, 0)>
#map1 = affine_map<(d0, d1) -> (0)>
#map2 = affine_map<(d0, d1) -> (0, 0, 0)>
module attributes {stable_mosaic.version = 14 : i64} {
  func.func @_sc_edges(%arg0: i32, %arg1: i32, %arg2: memref<10000x128xf32, #tpu.memory_space<hbm>>, %arg3: memref<640000xi32, #tpu.memory_space<hbm>>, %arg4: memref<2x10000x144xf32, #tpu.memory_space<hbm>>, %arg5: memref<2x1000xi32, #tpu.memory_space<vmem>>, %arg6: memref<2x1000xi32, #tpu.memory_space<vmem>>, %arg7: memref<2x40x128xf32, #tpu.memory_space<vmem>>, %arg8: memref<2x40x128xf32, #tpu.memory_space<vmem>>, %arg9: memref<2x40x144xf32, #tpu.memory_space<vmem>>, %arg10: memref<2x40xi32, #tpu.memory_space<vmem>>, %arg11: memref<25x144xf32, #tpu.memory_space<vmem>>, %arg12: memref<10000x144xf32, #tpu.memory_space<vmem_shared>>, %arg13: memref<!tpu.dma_semaphore, #tpu.memory_space<semaphore_mem>>, %arg14: memref<!tpu.dma_semaphore, #tpu.memory_space<semaphore_mem>>, %arg15: memref<!tpu.dma_semaphore, #tpu.memory_space<semaphore_mem>>, %arg16: memref<!tpu.dma_semaphore, #tpu.memory_space<semaphore_mem>>, %arg17: memref<!tpu.dma_semaphore, #tpu.memory_space<semaphore_mem>>, %arg18: memref<!tpu.dma_semaphore, #tpu.memory_space<semaphore_mem>>) attributes {dimension_semantics = [#tpu.dimension_semantics<core_parallel>, #tpu.dimension_semantics<subcore_parallel>], iteration_bounds = array<i64: 2, 16>, scalar_prefetch = 0 : i64, scratch_operands = 14 : i64, tpu.core_type = #tpu.core_type<sc_vector_subcore>, window_params = [{transform_indices = #map}, {transform_indices = #map1}, {transform_indices = #map2}]} {
    %mul3A = arith.constant 16 : i32
    %mul3A_0 = arith.muli %arg0, %mul3A : i32
    %add3A = arith.addi %mul3A_0, %arg1 : i32
    %mul3A_1 = arith.constant 10000 : i32
    %mul3A_2 = arith.muli %add3A, %mul3A_1 : i32
    %add3A_3 = arith.constant 0 : i32
    %add3A_4 = arith.addi %mul3A_2, %add3A_3 : i32
    %dma_start3A = arith.constant 0 : i32
    %dma_start3A_5 = arith.constant 0 : i32
    %dma_start3A_6 = tpu.memref_slice %arg5[%dma_start3A, %dma_start3A_5] : memref<2x1000xi32, #tpu.memory_space<vmem>> -> memref<1x1000xi32, #tpu.memory_space<vmem>>
    %dma_start3A_7 = tpu.memref_squeeze %dma_start3A_6 : memref<1x1000xi32, #tpu.memory_space<vmem>> -> memref<1000xi32, #tpu.memory_space<vmem>>
    %dma_start3A_8 = tpu.memref_slice %arg3[%add3A_4] : memref<640000xi32, #tpu.memory_space<hbm>> -> memref<1000xi32, #tpu.memory_space<hbm>>
    %dma_start3A_9 = arith.constant 0 : i32
    %dma_start3A_10 = tpu.memref_slice %arg5[%dma_start3A, %dma_start3A_9] : memref<2x1000xi32, #tpu.memory_space<vmem>> -> memref<1x1000xi32, #tpu.memory_space<vmem>>
    %dma_start3A_11 = tpu.memref_squeeze %dma_start3A_10 : memref<1x1000xi32, #tpu.memory_space<vmem>> -> memref<1000xi32, #tpu.memory_space<vmem>>
    %dma_start3A_12 = tpu.memref_slice %arg3[%add3A_4] : memref<640000xi32, #tpu.memory_space<hbm>> -> memref<1000xi32, #tpu.memory_space<hbm>>
    tpu.enqueue_dma source(%dma_start3A_12 : memref<1000xi32, #tpu.memory_space<hbm>>) target(%dma_start3A_11 : memref<1000xi32, #tpu.memory_space<vmem>>) target_semaphore(%arg17 : memref<!tpu.dma_semaphore, #tpu.memory_space<semaphore_mem>>)
    %add3A_13 = arith.constant 320000 : i32
    %add3A_14 = arith.addi %add3A_13, %add3A_4 : i32
    %dma_start3A_15 = arith.constant 0 : i32
    %dma_start3A_16 = arith.constant 0 : i32
    %dma_start3A_17 = tpu.memref_slice %arg6[%dma_start3A_15, %dma_start3A_16] : memref<2x1000xi32, #tpu.memory_space<vmem>> -> memref<1x1000xi32, #tpu.memory_space<vmem>>
    %dma_start3A_18 = tpu.memref_squeeze %dma_start3A_17 : memref<1x1000xi32, #tpu.memory_space<vmem>> -> memref<1000xi32, #tpu.memory_space<vmem>>
    %dma_start3A_19 = tpu.memref_slice %arg3[%add3A_14] : memref<640000xi32, #tpu.memory_space<hbm>> -> memref<1000xi32, #tpu.memory_space<hbm>>
    %dma_start3A_20 = arith.constant 0 : i32
    %dma_start3A_21 = tpu.memref_slice %arg6[%dma_start3A_15, %dma_start3A_20] : memref<2x1000xi32, #tpu.memory_space<vmem>> -> memref<1x1000xi32, #tpu.memory_space<vmem>>
    %dma_start3A_22 = tpu.memref_squeeze %dma_start3A_21 : memref<1x1000xi32, #tpu.memory_space<vmem>> -> memref<1000xi32, #tpu.memory_space<vmem>>
    %dma_start3A_23 = tpu.memref_slice %arg3[%add3A_14] : memref<640000xi32, #tpu.memory_space<hbm>> -> memref<1000xi32, #tpu.memory_space<hbm>>
    tpu.enqueue_dma source(%dma_start3A_23 : memref<1000xi32, #tpu.memory_space<hbm>>) target(%dma_start3A_22 : memref<1000xi32, #tpu.memory_space<vmem>>) target_semaphore(%arg17 : memref<!tpu.dma_semaphore, #tpu.memory_space<semaphore_mem>>)
    %add3A_24 = arith.constant 0 : i32
    %add3A_25 = arith.addi %mul3A_2, %add3A_24 : i32
    %dma_wait3A = arith.constant 0 : i32
    %dma_wait3A_26 = arith.constant 0 : i32
    %dma_wait3A_27 = tpu.memref_slice %arg5[%dma_wait3A, %dma_wait3A_26] : memref<2x1000xi32, #tpu.memory_space<vmem>> -> memref<1x1000xi32, #tpu.memory_space<vmem>>
    %dma_wait3A_28 = tpu.memref_squeeze %dma_wait3A_27 : memref<1x1000xi32, #tpu.memory_space<vmem>> -> memref<1000xi32, #tpu.memory_space<vmem>>
    %dma_wait3A_29 = tpu.memref_slice %arg3[%add3A_25] : memref<640000xi32, #tpu.memory_space<hbm>> -> memref<1000xi32, #tpu.memory_space<hbm>>
    %dma_wait3A_30 = arith.constant 0 : i32
    %dma_wait3A_31 = tpu.memref_slice %arg5[%dma_wait3A, %dma_wait3A_30] : memref<2x1000xi32, #tpu.memory_space<vmem>> -> memref<1x1000xi32, #tpu.memory_space<vmem>>
    %dma_wait3A_32 = tpu.memref_squeeze %dma_wait3A_31 : memref<1x1000xi32, #tpu.memory_space<vmem>> -> memref<1000xi32, #tpu.memory_space<vmem>>
    %dma_wait3A_33 = tpu.memref_slice %arg3[%add3A_25] : memref<640000xi32, #tpu.memory_space<hbm>> -> memref<1000xi32, #tpu.memory_space<hbm>>
    tpu.wait_dma2 semaphore(%arg17 : memref<!tpu.dma_semaphore, #tpu.memory_space<semaphore_mem>>) src(%dma_wait3A_33 : memref<1000xi32, #tpu.memory_space<hbm>>) dst(%dma_wait3A_32 : memref<1000xi32, #tpu.memory_space<vmem>>)
    %add3A_34 = arith.constant 320000 : i32
    %add3A_35 = arith.addi %add3A_34, %add3A_25 : i32
    %dma_wait3A_36 = arith.constant 0 : i32
    %dma_wait3A_37 = arith.constant 0 : i32
    %dma_wait3A_38 = tpu.memref_slice %arg6[%dma_wait3A_36, %dma_wait3A_37] : memref<2x1000xi32, #tpu.memory_space<vmem>> -> memref<1x1000xi32, #tpu.memory_space<vmem>>
    %dma_wait3A_39 = tpu.memref_squeeze %dma_wait3A_38 : memref<1x1000xi32, #tpu.memory_space<vmem>> -> memref<1000xi32, #tpu.memory_space<vmem>>
    %dma_wait3A_40 = tpu.memref_slice %arg3[%add3A_35] : memref<640000xi32, #tpu.memory_space<hbm>> -> memref<1000xi32, #tpu.memory_space<hbm>>
    %dma_wait3A_41 = arith.constant 0 : i32
    %dma_wait3A_42 = tpu.memref_slice %arg6[%dma_wait3A_36, %dma_wait3A_41] : memref<2x1000xi32, #tpu.memory_space<vmem>> -> memref<1x1000xi32, #tpu.memory_space<vmem>>
    %dma_wait3A_43 = tpu.memref_squeeze %dma_wait3A_42 : memref<1x1000xi32, #tpu.memory_space<vmem>> -> memref<1000xi32, #tpu.memory_space<vmem>>
    %dma_wait3A_44 = tpu.memref_slice %arg3[%add3A_35] : memref<640000xi32, #tpu.memory_space<hbm>> -> memref<1000xi32, #tpu.memory_space<hbm>>
    tpu.wait_dma2 semaphore(%arg17 : memref<!tpu.dma_semaphore, #tpu.memory_space<semaphore_mem>>) src(%dma_wait3A_44 : memref<1000xi32, #tpu.memory_space<hbm>>) dst(%dma_wait3A_43 : memref<1000xi32, #tpu.memory_space<vmem>>)
    %add3A_45 = arith.constant 1000 : i32
    %add3A_46 = arith.addi %mul3A_2, %add3A_45 : i32
    %dma_start3A_47 = arith.constant 1 : i32
    %dma_start3A_48 = arith.constant 0 : i32
    %dma_start3A_49 = tpu.memref_slice %arg5[%dma_start3A_47, %dma_start3A_48] : memref<2x1000xi32, #tpu.memory_space<vmem>> -> memref<1x1000xi32, #tpu.memory_space<vmem>>
    %dma_start3A_50 = tpu.memref_squeeze %dma_start3A_49 : memref<1x1000xi32, #tpu.memory_space<vmem>> -> memref<1000xi32, #tpu.memory_space<vmem>>
    %dma_start3A_51 = tpu.memref_slice %arg3[%add3A_46] : memref<640000xi32, #tpu.memory_space<hbm>> -> memref<1000xi32, #tpu.memory_space<hbm>>
    %dma_start3A_52 = arith.constant 0 : i32
    %dma_start3A_53 = tpu.memref_slice %arg5[%dma_start3A_47, %dma_start3A_52] : memref<2x1000xi32, #tpu.memory_space<vmem>> -> memref<1x1000xi32, #tpu.memory_space<vmem>>
    %dma_start3A_54 = tpu.memref_squeeze %dma_start3A_53 : memref<1x1000xi32, #tpu.memory_space<vmem>> -> memref<1000xi32, #tpu.memory_space<vmem>>
    %dma_start3A_55 = tpu.memref_slice %arg3[%add3A_46] : memref<640000xi32, #tpu.memory_space<hbm>> -> memref<1000xi32, #tpu.memory_space<hbm>>
    tpu.enqueue_dma source(%dma_start3A_55 : memref<1000xi32, #tpu.memory_space<hbm>>) target(%dma_start3A_54 : memref<1000xi32, #tpu.memory_space<vmem>>) target_semaphore(%arg17 : memref<!tpu.dma_semaphore, #tpu.memory_space<semaphore_mem>>)
    %add3A_56 = arith.constant 320000 : i32
    %add3A_57 = arith.addi %add3A_56, %add3A_46 : i32
    %dma_start3A_58 = arith.constant 1 : i32
    %dma_start3A_59 = arith.constant 0 : i32
    %dma_start3A_60 = tpu.memref_slice %arg6[%dma_start3A_58, %dma_start3A_59] : memref<2x1000xi32, #tpu.memory_space<vmem>> -> memref<1x1000xi32, #tpu.memory_space<vmem>>
    %dma_start3A_61 = tpu.memref_squeeze %dma_start3A_60 : memref<1x1000xi32, #tpu.memory_space<vmem>> -> memref<1000xi32, #tpu.memory_space<vmem>>
    %dma_start3A_62 = tpu.memref_slice %arg3[%add3A_57] : memref<640000xi32, #tpu.memory_space<hbm>> -> memref<1000xi32, #tpu.memory_space<hbm>>
    %dma_start3A_63 = arith.constant 0 : i32
    %dma_start3A_64 = tpu.memref_slice %arg6[%dma_start3A_58, %dma_start3A_63] : memref<2x1000xi32, #tpu.memory_space<vmem>> -> memref<1x1000xi32, #tpu.memory_space<vmem>>
    %dma_start3A_65 = tpu.memref_squeeze %dma_start3A_64 : memref<1x1000xi32, #tpu.memory_space<vmem>> -> memref<1000xi32, #tpu.memory_space<vmem>>
    %dma_start3A_66 = tpu.memref_slice %arg3[%add3A_57] : memref<640000xi32, #tpu.memory_space<hbm>> -> memref<1000xi32, #tpu.memory_space<hbm>>
    tpu.enqueue_dma source(%dma_start3A_66 : memref<1000xi32, #tpu.memory_space<hbm>>) target(%dma_start3A_65 : memref<1000xi32, #tpu.memory_space<vmem>>) target_semaphore(%arg17 : memref<!tpu.dma_semaphore, #tpu.memory_space<semaphore_mem>>)
    %dma_start3A_67 = arith.constant 0 : i32
    %dma_start3A_68 = arith.constant 0 : i32
    %dma_start3A_69 = arith.constant 0 : i32
    %dma_start3A_70 = arith.constant 0 : i32
    %dma_start3A_71 = tpu.memref_slice %arg7[%dma_start3A_68, %dma_start3A_69, %dma_start3A_70] : memref<2x40x128xf32, #tpu.memory_space<vmem>> -> memref<1x40x128xf32, #tpu.memory_space<vmem>>
    %dma_start3A_72 = tpu.memref_squeeze %dma_start3A_71 : memref<1x40x128xf32, #tpu.memory_space<vmem>> -> memref<40x128xf32, #tpu.memory_space<vmem>>
    %dma_start3A_73 = arith.constant 0 : i32
    %dma_start3A_74 = tpu.memref_slice %arg5[%dma_start3A_67, %dma_start3A_73] : memref<2x1000xi32, #tpu.memory_space<vmem>> -> memref<1x40xi32, #tpu.memory_space<vmem>>
    %dma_start3A_75 = tpu.memref_squeeze %dma_start3A_74 : memref<1x40xi32, #tpu.memory_space<vmem>> -> memref<40xi32, #tpu.memory_space<vmem>>
    %dma_start3A_76 = arith.constant 0 : i32
    %dma_start3A_77 = arith.constant 0 : i32
    %dma_start3A_78 = tpu.memref_slice %arg2[%dma_start3A_76, %dma_start3A_77] : memref<10000x128xf32, #tpu.memory_space<hbm>> -> memref<10000x128xf32, #tpu.memory_space<hbm>>
    tpu.enqueue_indirect_dma source(%dma_start3A_78 : memref<10000x128xf32, #tpu.memory_space<hbm>>) target(%dma_start3A_72 : memref<40x128xf32, #tpu.memory_space<vmem>>) offsets(%dma_start3A_75 : memref<40xi32, #tpu.memory_space<vmem>>) semaphore(%arg13 : memref<!tpu.dma_semaphore, #tpu.memory_space<semaphore_mem>>)
    %dma_start3A_79 = arith.constant 0 : i32
    %dma_start3A_80 = arith.constant 0 : i32
    %dma_start3A_81 = arith.constant 0 : i32
    %dma_start3A_82 = arith.constant 0 : i32
    %dma_start3A_83 = tpu.memref_slice %arg8[%dma_start3A_80, %dma_start3A_81, %dma_start3A_82] : memref<2x40x128xf32, #tpu.memory_space<vmem>> -> memref<1x40x128xf32, #tpu.memory_space<vmem>>
    %dma_start3A_84 = tpu.memref_squeeze %dma_start3A_83 : memref<1x40x128xf32, #tpu.memory_space<vmem>> -> memref<40x128xf32, #tpu.memory_space<vmem>>
    %dma_start3A_85 = arith.constant 0 : i32
    %dma_start3A_86 = tpu.memref_slice %arg6[%dma_start3A_79, %dma_start3A_85] : memref<2x1000xi32, #tpu.memory_space<vmem>> -> memref<1x40xi32, #tpu.memory_space<vmem>>
    %dma_start3A_87 = tpu.memref_squeeze %dma_start3A_86 : memref<1x40xi32, #tpu.memory_space<vmem>> -> memref<40xi32, #tpu.memory_space<vmem>>
    %dma_start3A_88 = arith.constant 0 : i32
    %dma_start3A_89 = arith.constant 0 : i32
    %dma_start3A_90 = tpu.memref_slice %arg2[%dma_start3A_88, %dma_start3A_89] : memref<10000x128xf32, #tpu.memory_space<hbm>> -> memref<10000x128xf32, #tpu.memory_space<hbm>>
    tpu.enqueue_indirect_dma source(%dma_start3A_90 : memref<10000x128xf32, #tpu.memory_space<hbm>>) target(%dma_start3A_84 : memref<40x128xf32, #tpu.memory_space<vmem>>) offsets(%dma_start3A_87 : memref<40xi32, #tpu.memory_space<vmem>>) semaphore(%arg13 : memref<!tpu.dma_semaphore, #tpu.memory_space<semaphore_mem>>)
    %dma_start3A_91 = arith.constant 0 : i32
    %dma_start3A_92 = arith.constant 1 : i32
    %dma_start3A_93 = arith.constant 0 : i32
    %dma_start3A_94 = arith.constant 0 : i32
    %dma_start3A_95 = tpu.memref_slice %arg7[%dma_start3A_92, %dma_start3A_93, %dma_start3A_94] : memref<2x40x128xf32, #tpu.memory_space<vmem>> -> memref<1x40x128xf32, #tpu.memory_space<vmem>>
    %dma_start3A_96 = tpu.memref_squeeze %dma_start3A_95 : memref<1x40x128xf32, #tpu.memory_space<vmem>> -> memref<40x128xf32, #tpu.memory_space<vmem>>
    %dma_start3A_97 = arith.constant 40 : i32
    %dma_start3A_98 = tpu.memref_slice %arg5[%dma_start3A_91, %dma_start3A_97] : memref<2x1000xi32, #tpu.memory_space<vmem>> -> memref<1x40xi32, #tpu.memory_space<vmem>>
    %dma_start3A_99 = tpu.memref_squeeze %dma_start3A_98 : memref<1x40xi32, #tpu.memory_space<vmem>> -> memref<40xi32, #tpu.memory_space<vmem>>
    %dma_start3A_100 = arith.constant 0 : i32
    %dma_start3A_101 = arith.constant 0 : i32
    %dma_start3A_102 = tpu.memref_slice %arg2[%dma_start3A_100, %dma_start3A_101] : memref<10000x128xf32, #tpu.memory_space<hbm>> -> memref<10000x128xf32, #tpu.memory_space<hbm>>
    tpu.enqueue_indirect_dma source(%dma_start3A_102 : memref<10000x128xf32, #tpu.memory_space<hbm>>) target(%dma_start3A_96 : memref<40x128xf32, #tpu.memory_space<vmem>>) offsets(%dma_start3A_99 : memref<40xi32, #tpu.memory_space<vmem>>) semaphore(%arg14 : memref<!tpu.dma_semaphore, #tpu.memory_space<semaphore_mem>>)
    %dma_start3A_103 = arith.constant 0 : i32
    %dma_start3A_104 = arith.constant 1 : i32
    %dma_start3A_105 = arith.constant 0 : i32
    %dma_start3A_106 = arith.constant 0 : i32
    %dma_start3A_107 = tpu.memref_slice %arg8[%dma_start3A_104, %dma_start3A_105, %dma_start3A_106] : memref<2x40x128xf32, #tpu.memory_space<vmem>> -> memref<1x40x128xf32, #tpu.memory_space<vmem>>
    %dma_start3A_108 = tpu.memref_squeeze %dma_start3A_107 : memref<1x40x128xf32, #tpu.memory_space<vmem>> -> memref<40x128xf32, #tpu.memory_space<vmem>>
    %dma_start3A_109 = arith.constant 40 : i32
    %dma_start3A_110 = tpu.memref_slice %arg6[%dma_start3A_103, %dma_start3A_109] : memref<2x1000xi32, #tpu.memory_space<vmem>> -> memref<1x40xi32, #tpu.memory_space<vmem>>
    %dma_start3A_111 = tpu.memref_squeeze %dma_start3A_110 : memref<1x40xi32, #tpu.memory_space<vmem>> -> memref<40xi32, #tpu.memory_space<vmem>>
    %dma_start3A_112 = arith.constant 0 : i32
    %dma_start3A_113 = arith.constant 0 : i32
    %dma_start3A_114 = tpu.memref_slice %arg2[%dma_start3A_112, %dma_start3A_113] : memref<10000x128xf32, #tpu.memory_space<hbm>> -> memref<10000x128xf32, #tpu.memory_space<hbm>>
    tpu.enqueue_indirect_dma source(%dma_start3A_114 : memref<10000x128xf32, #tpu.memory_space<hbm>>) target(%dma_start3A_108 : memref<40x128xf32, #tpu.memory_space<vmem>>) offsets(%dma_start3A_111 : memref<40xi32, #tpu.memory_space<vmem>>) semaphore(%arg14 : memref<!tpu.dma_semaphore, #tpu.memory_space<semaphore_mem>>)
    %broadcast_in_dim3A = arith.constant 0.000000e+00 : f32
    %broadcast_in_dim3A_115 = vector.broadcast %broadcast_in_dim3A : f32 to vector<16xf32>
    %scan3A = arith.constant 0 : i32
    %scan3A_116 = arith.constant 25 : i32
    %scan3A_117 = arith.addi %scan3A, %scan3A_116 : i32
    %scan3A_118 = arith.constant 1 : i32
    scf.for %scan3A_166 = %scan3A to %scan3A_117 step %scan3A_118  : i32 {
      %mul3A_167 = arith.constant 1 : i32
      %mul3A_168 = arith.muli %scan3A_166, %mul3A_167 : i32
      %add3A_169 = arith.constant 0 : i32
      %add3A_170 = arith.addi %add3A_169, %mul3A_168 : i32
      %swap3A = arith.index_cast %add3A_170 : i32 to index
      %swap3A_171 = arith.constant 0 : index
      %swap3A_172 = tpu.vector_load %arg11[%swap3A, %swap3A_171] {strides = array<i32>} : memref<25x144xf32, #tpu.memory_space<vmem>>, vector<16xf32>,
      tpu.vector_store %arg11[%swap3A, %swap3A_171], %broadcast_in_dim3A_115 {strides = array<i32>} : memref<25x144xf32, #tpu.memory_space<vmem>>, vector<16xf32>,
      %swap3A_173 = arith.index_cast %add3A_170 : i32 to index
      %swap3A_174 = arith.constant 16 : index
      %swap3A_175 = tpu.vector_load %arg11[%swap3A_173, %swap3A_174] {strides = array<i32>} : memref<25x144xf32, #tpu.memory_space<vmem>>, vector<16xf32>,
      tpu.vector_store %arg11[%swap3A_173, %swap3A_174], %broadcast_in_dim3A_115 {strides = array<i32>} : memref<25x144xf32, #tpu.memory_space<vmem>>, vector<16xf32>,
      %swap3A_176 = arith.index_cast %add3A_170 : i32 to index
      %swap3A_177 = arith.constant 32 : index
      %swap3A_178 = tpu.vector_load %arg11[%swap3A_176, %swap3A_177] {strides = array<i32>} : memref<25x144xf32, #tpu.memory_space<vmem>>, vector<16xf32>,
      tpu.vector_store %arg11[%swap3A_176, %swap3A_177], %broadcast_in_dim3A_115 {strides = array<i32>} : memref<25x144xf32, #tpu.memory_space<vmem>>, vector<16xf32>,
      %swap3A_179 = arith.index_cast %add3A_170 : i32 to index
      %swap3A_180 = arith.constant 48 : index
      %swap3A_181 = tpu.vector_load %arg11[%swap3A_179, %swap3A_180] {strides = array<i32>} : memref<25x144xf32, #tpu.memory_space<vmem>>, vector<16xf32>,
      tpu.vector_store %arg11[%swap3A_179, %swap3A_180], %broadcast_in_dim3A_115 {strides = array<i32>} : memref<25x144xf32, #tpu.memory_space<vmem>>, vector<16xf32>,
      %swap3A_182 = arith.index_cast %add3A_170 : i32 to index
      %swap3A_183 = arith.constant 64 : index
      %swap3A_184 = tpu.vector_load %arg11[%swap3A_182, %swap3A_183] {strides = array<i32>} : memref<25x144xf32, #tpu.memory_space<vmem>>, vector<16xf32>,
      tpu.vector_store %arg11[%swap3A_182, %swap3A_183], %broadcast_in_dim3A_115 {strides = array<i32>} : memref<25x144xf32, #tpu.memory_space<vmem>>, vector<16xf32>,
      %swap3A_185 = arith.index_cast %add3A_170 : i32 to index
      %swap3A_186 = arith.constant 80 : index
      %swap3A_187 = tpu.vector_load %arg11[%swap3A_185, %swap3A_186] {strides = array<i32>} : memref<25x144xf32, #tpu.memory_space<vmem>>, vector<16xf32>,
      tpu.vector_store %arg11[%swap3A_185, %swap3A_186], %broadcast_in_dim3A_115 {strides = array<i32>} : memref<25x144xf32, #tpu.memory_space<vmem>>, vector<16xf32>,
      %swap3A_188 = arith.index_cast %add3A_170 : i32 to index
      %swap3A_189 = arith.constant 96 : index
      %swap3A_190 = tpu.vector_load %arg11[%swap3A_188, %swap3A_189] {strides = array<i32>} : memref<25x144xf32, #tpu.memory_space<vmem>>, vector<16xf32>,
      tpu.vector_store %arg11[%swap3A_188, %swap3A_189], %broadcast_in_dim3A_115 {strides = array<i32>} : memref<25x144xf32, #tpu.memory_space<vmem>>, vector<16xf32>,
      %swap3A_191 = arith.index_cast %add3A_170 : i32 to index
      %swap3A_192 = arith.constant 112 : index
      %swap3A_193 = tpu.vector_load %arg11[%swap3A_191, %swap3A_192] {strides = array<i32>} : memref<25x144xf32, #tpu.memory_space<vmem>>, vector<16xf32>,
      tpu.vector_store %arg11[%swap3A_191, %swap3A_192], %broadcast_in_dim3A_115 {strides = array<i32>} : memref<25x144xf32, #tpu.memory_space<vmem>>, vector<16xf32>,
      %swap3A_194 = arith.index_cast %add3A_170 : i32 to index
      %swap3A_195 = arith.constant 128 : index
      %swap3A_196 = tpu.vector_load %arg11[%swap3A_194, %swap3A_195] {strides = array<i32>} : memref<25x144xf32, #tpu.memory_space<vmem>>, vector<16xf32>,
      tpu.vector_store %arg11[%swap3A_194, %swap3A_195], %broadcast_in_dim3A_115 {strides = array<i32>} : memref<25x144xf32, #tpu.memory_space<vmem>>, vector<16xf32>,
    }
    %scan3A_119 = arith.constant 25 : i32
    %scan3A_120 = arith.constant 0 : i32
    %scan3A_121 = arith.constant 25 : i32
    %scan3A_122 = arith.addi %scan3A_120, %scan3A_121 : i32
    %scan3A_123 = arith.constant 1 : i32
    scf.for %scan3A_166 = %scan3A_120 to %scan3A_122 step %scan3A_123  : i32 {
      %mul3A_167 = arith.constant 25 : i32
      %mul3A_168 = arith.muli %scan3A_166, %mul3A_167 : i32
      %add3A_169 = arith.constant 0 : i32
      %add3A_170 = arith.addi %add3A_169, %mul3A_168 : i32
      %mul3A_171 = arith.constant 625 : i32
      %mul3A_172 = arith.muli %arg1, %mul3A_171 : i32
      %add3A_173 = arith.addi %mul3A_172, %add3A_170 : i32
      %dma_start3A_174 = arith.constant 0 : i32
      %dma_start3A_175 = tpu.memref_slice %arg12[%add3A_173, %dma_start3A_174] : memref<10000x144xf32, #tpu.memory_space<vmem_shared>> -> memref<25x144xf32, #tpu.memory_space<vmem_shared>>
      %dma_start3A_176 = arith.constant 0 : i32
      %dma_start3A_177 = tpu.memref_slice %arg12[%add3A_173, %dma_start3A_176] : memref<10000x144xf32, #tpu.memory_space<vmem_shared>> -> memref<25x144xf32, #tpu.memory_space<vmem_shared>>
      tpu.enqueue_dma source(%arg11 : memref<25x144xf32, #tpu.memory_space<vmem>>) target(%dma_start3A_177 : memref<25x144xf32, #tpu.memory_space<vmem_shared>>) target_semaphore(%arg18 : memref<!tpu.dma_semaphore, #tpu.memory_space<semaphore_mem>>)
    }
    %scan3A_124 = arith.constant 25 : i32
    %scan3A_125 = arith.constant 0 : i32
    %scan3A_126 = arith.constant 25 : i32
    %scan3A_127 = arith.addi %scan3A_125, %scan3A_126 : i32
    %scan3A_128 = arith.constant 1 : i32
    scf.for %scan3A_166 = %scan3A_125 to %scan3A_127 step %scan3A_128  : i32 {
      %mul3A_167 = arith.constant 25 : i32
      %mul3A_168 = arith.muli %scan3A_166, %mul3A_167 : i32
      %add3A_169 = arith.constant 0 : i32
      %add3A_170 = arith.addi %add3A_169, %mul3A_168 : i32
      %mul3A_171 = arith.constant 625 : i32
      %mul3A_172 = arith.muli %arg1, %mul3A_171 : i32
      %add3A_173 = arith.addi %mul3A_172, %add3A_170 : i32
      %dma_wait3A_174 = arith.constant 0 : i32
      %dma_wait3A_175 = tpu.memref_slice %arg12[%add3A_173, %dma_wait3A_174] : memref<10000x144xf32, #tpu.memory_space<vmem_shared>> -> memref<25x144xf32, #tpu.memory_space<vmem_shared>>
      %dma_wait3A_176 = arith.constant 0 : i32
      %dma_wait3A_177 = tpu.memref_slice %arg12[%add3A_173, %dma_wait3A_176] : memref<10000x144xf32, #tpu.memory_space<vmem_shared>> -> memref<25x144xf32, #tpu.memory_space<vmem_shared>>
      tpu.wait_dma2 semaphore(%arg18 : memref<!tpu.dma_semaphore, #tpu.memory_space<semaphore_mem>>) src(%arg11 : memref<25x144xf32, #tpu.memory_space<vmem>>) dst(%dma_wait3A_177 : memref<25x144xf32, #tpu.memory_space<vmem_shared>>)
    }
    %scan3A_129 = arith.constant 25 : i32
    %barrier3A = arith.constant 0 : index
    tpu.barrier barrier_id(%barrier3A)
    %iota3A = tpu.iota {dimensions = array<i32: 0>} : vector<16xi32>
    %broadcast_in_dim3A_130 = arith.constant 15 : i32
    %broadcast_in_dim3A_131 = vector.broadcast %broadcast_in_dim3A_130 : i32 to vector<16x1xi32>
    %scan3A_132 = arith.constant 0 : i32
    %scan3A_133 = arith.constant 125 : i32
    %scan3A_134 = arith.addi %scan3A_132, %scan3A_133 : i32
    %scan3A_135 = arith.constant 1 : i32
    scf.for %scan3A_166 = %scan3A_132 to %scan3A_134 step %scan3A_135  : i32 {
      %mul3A_167 = arith.constant 2 : i32
      %mul3A_168 = arith.muli %scan3A_166, %mul3A_167 : i32
      %add3A_169 = arith.constant 0 : i32
      %add3A_170 = arith.addi %add3A_169, %mul3A_168 : i32
      %add3A_171 = arith.constant 0 : i32
      %add3A_172 = arith.addi %add3A_170, %add3A_171 : i32
      %jit3A = arith.constant 25 : i32
      %div3A = arith.divsi %add3A_172, %jit3A : i32
      %sign3A = arith.constant 0 : i32
      %sign3A_173 = arith.cmpi sgt, %add3A_172, %sign3A : i32
      %sign3A_174 = arith.extui %sign3A_173 : i1 to i32
      %sign3A_175 = arith.constant 0 : i32
      %sign3A_176 = arith.cmpi slt, %add3A_172, %sign3A_175 : i32
      %sign3A_177 = arith.extui %sign3A_176 : i1 to i32
      %sign3A_178 = arith.subi %sign3A_174, %sign3A_177 : i32
      %sign3A_179 = arith.constant 0 : i32
      %sign3A_180 = arith.cmpi sgt, %jit3A, %sign3A_179 : i32
      %sign3A_181 = arith.extui %sign3A_180 : i1 to i32
      %sign3A_182 = arith.constant 0 : i32
      %sign3A_183 = arith.cmpi slt, %jit3A, %sign3A_182 : i32
      %sign3A_184 = arith.extui %sign3A_183 : i1 to i32
      %sign3A_185 = arith.subi %sign3A_181, %sign3A_184 : i32
      %ne3A = arith.cmpi ne, %sign3A_178, %sign3A_185 : i32
      %rem3A = arith.remsi %add3A_172, %jit3A : i32
      %ne3A_186 = arith.constant 0 : i32
      %ne3A_187 = arith.cmpi ne, %rem3A, %ne3A_186 : i32
      %and3A = arith.andi %ne3A, %ne3A_187 : i1
      %sub3A = arith.constant 1 : i32
      %sub3A_188 = arith.subi %div3A, %sub3A : i32
      %select_n3A = arith.select %and3A, %sub3A_188, %div3A : i32
      %jit3A_189 = arith.constant 2 : i32
      %eq3A = arith.constant 0 : i32
      %eq3A_190 = arith.cmpi eq, %jit3A_189, %eq3A : i32
      %jit3A_191 = arith.constant 1 : i32
      %select_n3A_192 = arith.select %eq3A_190, %jit3A_191, %jit3A_189 : i32
      %rem3A_193 = arith.remsi %select_n3A, %select_n3A_192 : i32
      %ne3A_194 = arith.constant 0 : i32
      %ne3A_195 = arith.cmpi ne, %rem3A_193, %ne3A_194 : i32
      %lt3A = arith.constant 0 : i32
      %lt3A_196 = arith.cmpi slt, %rem3A_193, %lt3A : i32
      %lt3A_197 = arith.constant 0 : i32
      %lt3A_198 = arith.cmpi slt, %select_n3A_192, %lt3A_197 : i32
      %ne3A_199 = arith.xori %lt3A_196, %lt3A_198 : i1
      %and3A_200 = arith.andi %ne3A_199, %ne3A_195 : i1
      %add3A_201 = arith.addi %rem3A_193, %select_n3A_192 : i32
      %select_n3A_202 = arith.select %and3A_200, %add3A_201, %rem3A_193 : i32
      %jit3A_203 = arith.constant 25 : i32
      %eq3A_204 = arith.constant 0 : i32
      %eq3A_205 = arith.cmpi eq, %jit3A_203, %eq3A_204 : i32
      %jit3A_206 = arith.constant 1 : i32
      %select_n3A_207 = arith.select %eq3A_205, %jit3A_206, %jit3A_203 : i32
      %rem3A_208 = arith.remsi %add3A_172, %select_n3A_207 : i32
      %ne3A_209 = arith.constant 0 : i32
      %ne3A_210 = arith.cmpi ne, %rem3A_208, %ne3A_209 : i32
      %lt3A_211 = arith.constant 0 : i32
      %lt3A_212 = arith.cmpi slt, %rem3A_208, %lt3A_211 : i32
      %lt3A_213 = arith.constant 0 : i32
      %lt3A_214 = arith.cmpi slt, %select_n3A_207, %lt3A_213 : i32
      %ne3A_215 = arith.xori %lt3A_212, %lt3A_214 : i1
      %and3A_216 = arith.andi %ne3A_215, %ne3A_210 : i1
      %add3A_217 = arith.addi %rem3A_208, %select_n3A_207 : i32
      %select_n3A_218 = arith.select %and3A_216, %add3A_217, %rem3A_208 : i32
      %mul3A_219 = arith.constant 40 : i32
      %mul3A_220 = arith.muli %select_n3A_218, %mul3A_219 : i32
      %dma_wait3A_221 = arith.constant 0 : i32
      %dma_wait3A_222 = arith.constant 0 : i32
      %dma_wait3A_223 = arith.constant 0 : i32
      %dma_wait3A_224 = tpu.memref_slice %arg7[%dma_wait3A_221, %dma_wait3A_222, %dma_wait3A_223] : memref<2x40x128xf32, #tpu.memory_space<vmem>> -> memref<1x40x128xf32, #tpu.memory_space<vmem>>
      %dma_wait3A_225 = tpu.memref_squeeze %dma_wait3A_224 : memref<1x40x128xf32, #tpu.memory_space<vmem>> -> memref<40x128xf32, #tpu.memory_space<vmem>>
      %dma_wait3A_226 = tpu.memref_slice %arg5[%select_n3A_202, %mul3A_220] : memref<2x1000xi32, #tpu.memory_space<vmem>> -> memref<1x40xi32, #tpu.memory_space<vmem>>
      %dma_wait3A_227 = tpu.memref_squeeze %dma_wait3A_226 : memref<1x40xi32, #tpu.memory_space<vmem>> -> memref<40xi32, #tpu.memory_space<vmem>>
      %dma_wait3A_228 = arith.constant 0 : i32
      %dma_wait3A_229 = arith.constant 0 : i32
      %dma_wait3A_230 = tpu.memref_slice %arg2[%dma_wait3A_228, %dma_wait3A_229] : memref<10000x128xf32, #tpu.memory_space<hbm>> -> memref<10000x128xf32, #tpu.memory_space<hbm>>
      tpu.wait_indirect_dma semaphore(%arg13 : memref<!tpu.dma_semaphore, #tpu.memory_space<semaphore_mem>>) src(%dma_wait3A_230 : memref<10000x128xf32, #tpu.memory_space<hbm>>) dst(%dma_wait3A_225 : memref<40x128xf32, #tpu.memory_space<vmem>>)
      %dma_wait3A_231 = arith.constant 0 : i32
      %dma_wait3A_232 = arith.constant 0 : i32
      %dma_wait3A_233 = arith.constant 0 : i32
      %dma_wait3A_234 = tpu.memref_slice %arg8[%dma_wait3A_231, %dma_wait3A_232, %dma_wait3A_233] : memref<2x40x128xf32, #tpu.memory_space<vmem>> -> memref<1x40x128xf32, #tpu.memory_space<vmem>>
      %dma_wait3A_235 = tpu.memref_squeeze %dma_wait3A_234 : memref<1x40x128xf32, #tpu.memory_space<vmem>> -> memref<40x128xf32, #tpu.memory_space<vmem>>
      %dma_wait3A_236 = tpu.memref_slice %arg6[%select_n3A_202, %mul3A_220] : memref<2x1000xi32, #tpu.memory_space<vmem>> -> memref<1x40xi32, #tpu.memory_space<vmem>>
      %dma_wait3A_237 = tpu.memref_squeeze %dma_wait3A_236 : memref<1x40xi32, #tpu.memory_space<vmem>> -> memref<40xi32, #tpu.memory_space<vmem>>
      %dma_wait3A_238 = arith.constant 0 : i32
      %dma_wait3A_239 = arith.constant 0 : i32
      %dma_wait3A_240 = tpu.memref_slice %arg2[%dma_wait3A_238, %dma_wait3A_239] : memref<10000x128xf32, #tpu.memory_space<hbm>> -> memref<10000x128xf32, #tpu.memory_space<hbm>>
      tpu.wait_indirect_dma semaphore(%arg13 : memref<!tpu.dma_semaphore, #tpu.memory_space<semaphore_mem>>) src(%dma_wait3A_240 : memref<10000x128xf32, #tpu.memory_space<hbm>>) dst(%dma_wait3A_235 : memref<40x128xf32, #tpu.memory_space<vmem>>)
      %ge3A = arith.constant 2 : i32
      %ge3A_241 = arith.cmpi sge, %add3A_172, %ge3A : i32
      %convert_element_type3A = arith.extui %ge3A_241 : i1 to i32
      %cond3A = arith.constant 0 : i32
      %cond3A_242 = arith.cmpi ne, %convert_element_type3A, %cond3A : i32
      scf.if %cond3A_242 {
        %dma_wait3A_423 = arith.constant 0 : i32
        %dma_wait3A_424 = arith.constant 0 : i32
        %dma_wait3A_425 = arith.constant 0 : i32
        %dma_wait3A_426 = arith.constant 0 : i32
        %dma_wait3A_427 = tpu.memref_slice %arg9[%dma_wait3A_423, %dma_wait3A_425, %dma_wait3A_426] : memref<2x40x144xf32, #tpu.memory_space<vmem>> -> memref<1x40x144xf32, #tpu.memory_space<vmem>>
        %dma_wait3A_428 = tpu.memref_squeeze %dma_wait3A_427 : memref<1x40x144xf32, #tpu.memory_space<vmem>> -> memref<40x144xf32, #tpu.memory_space<vmem>>
        %dma_wait3A_429 = arith.constant 0 : i32
        %dma_wait3A_430 = tpu.memref_slice %arg10[%dma_wait3A_424, %dma_wait3A_429] : memref<2x40xi32, #tpu.memory_space<vmem>> -> memref<1x40xi32, #tpu.memory_space<vmem>>
        %dma_wait3A_431 = tpu.memref_squeeze %dma_wait3A_430 : memref<1x40xi32, #tpu.memory_space<vmem>> -> memref<40xi32, #tpu.memory_space<vmem>>
        %dma_wait3A_432 = arith.constant 0 : i32
        %dma_wait3A_433 = arith.constant 0 : i32
        %dma_wait3A_434 = tpu.memref_slice %arg12[%dma_wait3A_432, %dma_wait3A_433] : memref<10000x144xf32, #tpu.memory_space<vmem_shared>> -> memref<10000x144xf32, #tpu.memory_space<vmem_shared>>
        tpu.wait_indirect_dma semaphore(%arg15 : memref<!tpu.dma_semaphore, #tpu.memory_space<semaphore_mem>>) src(%dma_wait3A_428 : memref<40x144xf32, #tpu.memory_space<vmem>>) dst(%dma_wait3A_434 : memref<10000x144xf32, #tpu.memory_space<vmem_shared>>)
      } else {
      }
      %parallel_loop3A = arith.constant 0 : i32
      %parallel_loop3A_243 = arith.constant 40 : i32
      %parallel_loop3A_244 = arith.constant 1 : i32
      scf.for %parallel_loop3A_423 = %parallel_loop3A to %parallel_loop3A_243 step %parallel_loop3A_244  : i32 {
        %parallel_loop3A_424 = arith.constant 0 : i32
        %parallel_loop3A_425 = arith.index_cast %parallel_loop3A_424 : i32 to index
        %parallel_loop3A_426 = arith.index_cast %parallel_loop3A_423 : i32 to index
        %parallel_loop3A_427 = arith.constant 0 : index
        %parallel_loop3A_428 = tpu.vector_load %arg7[%parallel_loop3A_425, %parallel_loop3A_426, %parallel_loop3A_427] {strides = array<i32>} : memref<2x40x128xf32, #tpu.memory_space<vmem>>, vector<16xf32>,
        %parallel_loop3A_429 = arith.constant 0 : i32
        %parallel_loop3A_430 = arith.index_cast %parallel_loop3A_429 : i32 to index
        %parallel_loop3A_431 = arith.index_cast %parallel_loop3A_423 : i32 to index
        %parallel_loop3A_432 = arith.constant 0 : index
        %parallel_loop3A_433 = tpu.vector_load %arg8[%parallel_loop3A_430, %parallel_loop3A_431, %parallel_loop3A_432] {strides = array<i32>} : memref<2x40x128xf32, #tpu.memory_space<vmem>>, vector<16xf32>,
        %parallel_loop3A_434 = arith.mulf %parallel_loop3A_428, %parallel_loop3A_433 : vector<16xf32>
        %parallel_loop3A_435 = arith.constant true
        %parallel_loop3A_436 = vector.broadcast %parallel_loop3A_435 : i1 to vector<16xi1>
        %parallel_loop3A_437 = tpu.scan <sum>, %parallel_loop3A_434 masked %parallel_loop3A_436 : vector<16xf32>, vector<16xi1> -> vector<16xf32>
        %parallel_loop3A_438 = vector.shape_cast %broadcast_in_dim3A_131 : vector<16x1xi32> to vector<16xi32>
        %parallel_loop3A_439 = tpu.dynamic_gather %parallel_loop3A_437[%parallel_loop3A_438] in [0] : vector<16xf32>, vector<16xi32> -> vector<16xf32>
        %parallel_loop3A_440 = arith.constant 2.500000e-01 : f32
        %parallel_loop3A_441 = vector.broadcast %parallel_loop3A_440 : f32 to vector<16xf32>
        %parallel_loop3A_442 = arith.mulf %parallel_loop3A_439, %parallel_loop3A_441 : vector<16xf32>
        %parallel_loop3A_443 = math.exp %parallel_loop3A_442 : vector<16xf32>
        %parallel_loop3A_444 = arith.mulf %parallel_loop3A_443, %parallel_loop3A_428 : vector<16xf32>
        %parallel_loop3A_445 = arith.constant 0 : i32
        %parallel_loop3A_446 = arith.index_cast %parallel_loop3A_445 : i32 to index
        %parallel_loop3A_447 = arith.index_cast %parallel_loop3A_423 : i32 to index
        %parallel_loop3A_448 = arith.constant 0 : index
        %parallel_loop3A_449 = tpu.vector_load %arg9[%parallel_loop3A_446, %parallel_loop3A_447, %parallel_loop3A_448] {strides = array<i32>} : memref<2x40x144xf32, #tpu.memory_space<vmem>>, vector<16xf32>,
        tpu.vector_store %arg9[%parallel_loop3A_446, %parallel_loop3A_447, %parallel_loop3A_448], %parallel_loop3A_444 {strides = array<i32>} : memref<2x40x144xf32, #tpu.memory_space<vmem>>, vector<16xf32>,
        %parallel_loop3A_450 = arith.constant 0 : i32
        %parallel_loop3A_451 = vector.broadcast %parallel_loop3A_450 : i32 to vector<16xi32>
        %parallel_loop3A_452 = arith.cmpi eq, %iota3A, %parallel_loop3A_451 : vector<16xi32>
        %parallel_loop3A_453 = arith.select %parallel_loop3A_452, %parallel_loop3A_443, %broadcast_in_dim3A_115 : vector<16xi1>, vector<16xf32>
        %parallel_loop3A_454 = arith.constant 0 : i32
        %parallel_loop3A_455 = arith.index_cast %parallel_loop3A_454 : i32 to index
        %parallel_loop3A_456 = arith.index_cast %parallel_loop3A_423 : i32 to index
        %parallel_loop3A_457 = arith.constant 16 : index
        %parallel_loop3A_458 = tpu.vector_load %arg7[%parallel_loop3A_455, %parallel_loop3A_456, %parallel_loop3A_457] {strides = array<i32>} : memref<2x40x128xf32, #tpu.memory_space<vmem>>, vector<16xf32>,
        %parallel_loop3A_459 = arith.constant 0 : i32
        %parallel_loop3A_460 = arith.index_cast %parallel_loop3A_459 : i32 to index
        %parallel_loop3A_461 = arith.index_cast %parallel_loop3A_423 : i32 to index
        %parallel_loop3A_462 = arith.constant 16 : index
        %parallel_loop3A_463 = tpu.vector_load %arg8[%parallel_loop3A_460, %parallel_loop3A_461, %parallel_loop3A_462] {strides = array<i32>} : memref<2x40x128xf32, #tpu.memory_space<vmem>>, vector<16xf32>,
        %parallel_loop3A_464 = arith.mulf %parallel_loop3A_458, %parallel_loop3A_463 : vector<16xf32>
        %parallel_loop3A_465 = arith.constant true
        %parallel_loop3A_466 = vector.broadcast %parallel_loop3A_465 : i1 to vector<16xi1>
        %parallel_loop3A_467 = tpu.scan <sum>, %parallel_loop3A_464 masked %parallel_loop3A_466 : vector<16xf32>, vector<16xi1> -> vector<16xf32>
        %parallel_loop3A_468 = vector.shape_cast %broadcast_in_dim3A_131 : vector<16x1xi32> to vector<16xi32>
        %parallel_loop3A_469 = tpu.dynamic_gather %parallel_loop3A_467[%parallel_loop3A_468] in [0] : vector<16xf32>, vector<16xi32> -> vector<16xf32>
        %parallel_loop3A_470 = arith.constant 2.500000e-01 : f32
        %parallel_loop3A_471 = vector.broadcast %parallel_loop3A_470 : f32 to vector<16xf32>
        %parallel_loop3A_472 = arith.mulf %parallel_loop3A_469, %parallel_loop3A_471 : vector<16xf32>
        %parallel_loop3A_473 = math.exp %parallel_loop3A_472 : vector<16xf32>
        %parallel_loop3A_474 = arith.mulf %parallel_loop3A_473, %parallel_loop3A_458 : vector<16xf32>
        %parallel_loop3A_475 = arith.constant 0 : i32
        %parallel_loop3A_476 = arith.index_cast %parallel_loop3A_475 : i32 to index
        %parallel_loop3A_477 = arith.index_cast %parallel_loop3A_423 : i32 to index
        %parallel_loop3A_478 = arith.constant 16 : index
        %parallel_loop3A_479 = tpu.vector_load %arg9[%parallel_loop3A_476, %parallel_loop3A_477, %parallel_loop3A_478] {strides = array<i32>} : memref<2x40x144xf32, #tpu.memory_space<vmem>>, vector<16xf32>,
        tpu.vector_store %arg9[%parallel_loop3A_476, %parallel_loop3A_477, %parallel_loop3A_478], %parallel_loop3A_474 {strides = array<i32>} : memref<2x40x144xf32, #tpu.memory_space<vmem>>, vector<16xf32>,
        %parallel_loop3A_480 = arith.constant 1 : i32
        %parallel_loop3A_481 = vector.broadcast %parallel_loop3A_480 : i32 to vector<16xi32>
        %parallel_loop3A_482 = arith.cmpi eq, %iota3A, %parallel_loop3A_481 : vector<16xi32>
        %parallel_loop3A_483 = arith.select %parallel_loop3A_482, %parallel_loop3A_473, %parallel_loop3A_453 : vector<16xi1>, vector<16xf32>
        %parallel_loop3A_484 = arith.constant 0 : i32
        %parallel_loop3A_485 = arith.index_cast %parallel_loop3A_484 : i32 to index
        %parallel_loop3A_486 = arith.index_cast %parallel_loop3A_423 : i32 to index
        %parallel_loop3A_487 = arith.constant 32 : index
        %parallel_loop3A_488 = tpu.vector_load %arg7[%parallel_loop3A_485, %parallel_loop3A_486, %parallel_loop3A_487] {strides = array<i32>} : memref<2x40x128xf32, #tpu.memory_space<vmem>>, vector<16xf32>,
        %parallel_loop3A_489 = arith.constant 0 : i32
        %parallel_loop3A_490 = arith.index_cast %parallel_loop3A_489 : i32 to index
        %parallel_loop3A_491 = arith.index_cast %parallel_loop3A_423 : i32 to index
        %parallel_loop3A_492 = arith.constant 32 : index
        %parallel_loop3A_493 = tpu.vector_load %arg8[%parallel_loop3A_490, %parallel_loop3A_491, %parallel_loop3A_492] {strides = array<i32>} : memref<2x40x128xf32, #tpu.memory_space<vmem>>, vector<16xf32>,
        %parallel_loop3A_494 = arith.mulf %parallel_loop3A_488, %parallel_loop3A_493 : vector<16xf32>
        %parallel_loop3A_495 = arith.constant true
        %parallel_loop3A_496 = vector.broadcast %parallel_loop3A_495 : i1 to vector<16xi1>
        %parallel_loop3A_497 = tpu.scan <sum>, %parallel_loop3A_494 masked %parallel_loop3A_496 : vector<16xf32>, vector<16xi1> -> vector<16xf32>
        %parallel_loop3A_498 = vector.shape_cast %broadcast_in_dim3A_131 : vector<16x1xi32> to vector<16xi32>
        %parallel_loop3A_499 = tpu.dynamic_gather %parallel_loop3A_497[%parallel_loop3A_498] in [0] : vector<16xf32>, vector<16xi32> -> vector<16xf32>
        %parallel_loop3A_500 = arith.constant 2.500000e-01 : f32
        %parallel_loop3A_501 = vector.broadcast %parallel_loop3A_500 : f32 to vector<16xf32>
        %parallel_loop3A_502 = arith.mulf %parallel_loop3A_499, %parallel_loop3A_501 : vector<16xf32>
        %parallel_loop3A_503 = math.exp %parallel_loop3A_502 : vector<16xf32>
        %parallel_loop3A_504 = arith.mulf %parallel_loop3A_503, %parallel_loop3A_488 : vector<16xf32>
        %parallel_loop3A_505 = arith.constant 0 : i32
        %parallel_loop3A_506 = arith.index_cast %parallel_loop3A_505 : i32 to index
        %parallel_loop3A_507 = arith.index_cast %parallel_loop3A_423 : i32 to index
        %parallel_loop3A_508 = arith.constant 32 : index
        %parallel_loop3A_509 = tpu.vector_load %arg9[%parallel_loop3A_506, %parallel_loop3A_507, %parallel_loop3A_508] {strides = array<i32>} : memref<2x40x144xf32, #tpu.memory_space<vmem>>, vector<16xf32>,
        tpu.vector_store %arg9[%parallel_loop3A_506, %parallel_loop3A_507, %parallel_loop3A_508], %parallel_loop3A_504 {strides = array<i32>} : memref<2x40x144xf32, #tpu.memory_space<vmem>>, vector<16xf32>,
        %parallel_loop3A_510 = arith.constant 2 : i32
        %parallel_loop3A_511 = vector.broadcast %parallel_loop3A_510 : i32 to vector<16xi32>
        %parallel_loop3A_512 = arith.cmpi eq, %iota3A, %parallel_loop3A_511 : vector<16xi32>
        %parallel_loop3A_513 = arith.select %parallel_loop3A_512, %parallel_loop3A_503, %parallel_loop3A_483 : vector<16xi1>, vector<16xf32>
        %parallel_loop3A_514 = arith.constant 0 : i32
        %parallel_loop3A_515 = arith.index_cast %parallel_loop3A_514 : i32 to index
        %parallel_loop3A_516 = arith.index_cast %parallel_loop3A_423 : i32 to index
        %parallel_loop3A_517 = arith.constant 48 : index
        %parallel_loop3A_518 = tpu.vector_load %arg7[%parallel_loop3A_515, %parallel_loop3A_516, %parallel_loop3A_517] {strides = array<i32>} : memref<2x40x128xf32, #tpu.memory_space<vmem>>, vector<16xf32>,
        %parallel_loop3A_519 = arith.constant 0 : i32
        %parallel_loop3A_520 = arith.index_cast %parallel_loop3A_519 : i32 to index
        %parallel_loop3A_521 = arith.index_cast %parallel_loop3A_423 : i32 to index
        %parallel_loop3A_522 = arith.constant 48 : index
        %parallel_loop3A_523 = tpu.vector_load %arg8[%parallel_loop3A_520, %parallel_loop3A_521, %parallel_loop3A_522] {strides = array<i32>} : memref<2x40x128xf32, #tpu.memory_space<vmem>>, vector<16xf32>,
        %parallel_loop3A_524 = arith.mulf %parallel_loop3A_518, %parallel_loop3A_523 : vector<16xf32>
        %parallel_loop3A_525 = arith.constant true
        %parallel_loop3A_526 = vector.broadcast %parallel_loop3A_525 : i1 to vector<16xi1>
        %parallel_loop3A_527 = tpu.scan <sum>, %parallel_loop3A_524 masked %parallel_loop3A_526 : vector<16xf32>, vector<16xi1> -> vector<16xf32>
        %parallel_loop3A_528 = vector.shape_cast %broadcast_in_dim3A_131 : vector<16x1xi32> to vector<16xi32>
        %parallel_loop3A_529 = tpu.dynamic_gather %parallel_loop3A_527[%parallel_loop3A_528] in [0] : vector<16xf32>, vector<16xi32> -> vector<16xf32>
        %parallel_loop3A_530 = arith.constant 2.500000e-01 : f32
        %parallel_loop3A_531 = vector.broadcast %parallel_loop3A_530 : f32 to vector<16xf32>
        %parallel_loop3A_532 = arith.mulf %parallel_loop3A_529, %parallel_loop3A_531 : vector<16xf32>
        %parallel_loop3A_533 = math.exp %parallel_loop3A_532 : vector<16xf32>
        %parallel_loop3A_534 = arith.mulf %parallel_loop3A_533, %parallel_loop3A_518 : vector<16xf32>
        %parallel_loop3A_535 = arith.constant 0 : i32
        %parallel_loop3A_536 = arith.index_cast %parallel_loop3A_535 : i32 to index
        %parallel_loop3A_537 = arith.index_cast %parallel_loop3A_423 : i32 to index
        %parallel_loop3A_538 = arith.constant 48 : index
        %parallel_loop3A_539 = tpu.vector_load %arg9[%parallel_loop3A_536, %parallel_loop3A_537, %parallel_loop3A_538] {strides = array<i32>} : memref<2x40x144xf32, #tpu.memory_space<vmem>>, vector<16xf32>,
        tpu.vector_store %arg9[%parallel_loop3A_536, %parallel_loop3A_537, %parallel_loop3A_538], %parallel_loop3A_534 {strides = array<i32>} : memref<2x40x144xf32, #tpu.memory_space<vmem>>, vector<16xf32>,
        %parallel_loop3A_540 = arith.constant 3 : i32
        %parallel_loop3A_541 = vector.broadcast %parallel_loop3A_540 : i32 to vector<16xi32>
        %parallel_loop3A_542 = arith.cmpi eq, %iota3A, %parallel_loop3A_541 : vector<16xi32>
        %parallel_loop3A_543 = arith.select %parallel_loop3A_542, %parallel_loop3A_533, %parallel_loop3A_513 : vector<16xi1>, vector<16xf32>
        %parallel_loop3A_544 = arith.constant 0 : i32
        %parallel_loop3A_545 = arith.index_cast %parallel_loop3A_544 : i32 to index
        %parallel_loop3A_546 = arith.index_cast %parallel_loop3A_423 : i32 to index
        %parallel_loop3A_547 = arith.constant 64 : index
        %parallel_loop3A_548 = tpu.vector_load %arg7[%parallel_loop3A_545, %parallel_loop3A_546, %parallel_loop3A_547] {strides = array<i32>} : memref<2x40x128xf32, #tpu.memory_space<vmem>>, vector<16xf32>,
        %parallel_loop3A_549 = arith.constant 0 : i32
        %parallel_loop3A_550 = arith.index_cast %parallel_loop3A_549 : i32 to index
        %parallel_loop3A_551 = arith.index_cast %parallel_loop3A_423 : i32 to index
        %parallel_loop3A_552 = arith.constant 64 : index
        %parallel_loop3A_553 = tpu.vector_load %arg8[%parallel_loop3A_550, %parallel_loop3A_551, %parallel_loop3A_552] {strides = array<i32>} : memref<2x40x128xf32, #tpu.memory_space<vmem>>, vector<16xf32>,
        %parallel_loop3A_554 = arith.mulf %parallel_loop3A_548, %parallel_loop3A_553 : vector<16xf32>
        %parallel_loop3A_555 = arith.constant true
        %parallel_loop3A_556 = vector.broadcast %parallel_loop3A_555 : i1 to vector<16xi1>
        %parallel_loop3A_557 = tpu.scan <sum>, %parallel_loop3A_554 masked %parallel_loop3A_556 : vector<16xf32>, vector<16xi1> -> vector<16xf32>
        %parallel_loop3A_558 = vector.shape_cast %broadcast_in_dim3A_131 : vector<16x1xi32> to vector<16xi32>
        %parallel_loop3A_559 = tpu.dynamic_gather %parallel_loop3A_557[%parallel_loop3A_558] in [0] : vector<16xf32>, vector<16xi32> -> vector<16xf32>
        %parallel_loop3A_560 = arith.constant 2.500000e-01 : f32
        %parallel_loop3A_561 = vector.broadcast %parallel_loop3A_560 : f32 to vector<16xf32>
        %parallel_loop3A_562 = arith.mulf %parallel_loop3A_559, %parallel_loop3A_561 : vector<16xf32>
        %parallel_loop3A_563 = math.exp %parallel_loop3A_562 : vector<16xf32>
        %parallel_loop3A_564 = arith.mulf %parallel_loop3A_563, %parallel_loop3A_548 : vector<16xf32>
        %parallel_loop3A_565 = arith.constant 0 : i32
        %parallel_loop3A_566 = arith.index_cast %parallel_loop3A_565 : i32 to index
        %parallel_loop3A_567 = arith.index_cast %parallel_loop3A_423 : i32 to index
        %parallel_loop3A_568 = arith.constant 64 : index
        %parallel_loop3A_569 = tpu.vector_load %arg9[%parallel_loop3A_566, %parallel_loop3A_567, %parallel_loop3A_568] {strides = array<i32>} : memref<2x40x144xf32, #tpu.memory_space<vmem>>, vector<16xf32>,
        tpu.vector_store %arg9[%parallel_loop3A_566, %parallel_loop3A_567, %parallel_loop3A_568], %parallel_loop3A_564 {strides = array<i32>} : memref<2x40x144xf32, #tpu.memory_space<vmem>>, vector<16xf32>,
        %parallel_loop3A_570 = arith.constant 4 : i32
        %parallel_loop3A_571 = vector.broadcast %parallel_loop3A_570 : i32 to vector<16xi32>
        %parallel_loop3A_572 = arith.cmpi eq, %iota3A, %parallel_loop3A_571 : vector<16xi32>
        %parallel_loop3A_573 = arith.select %parallel_loop3A_572, %parallel_loop3A_563, %parallel_loop3A_543 : vector<16xi1>, vector<16xf32>
        %parallel_loop3A_574 = arith.constant 0 : i32
        %parallel_loop3A_575 = arith.index_cast %parallel_loop3A_574 : i32 to index
        %parallel_loop3A_576 = arith.index_cast %parallel_loop3A_423 : i32 to index
        %parallel_loop3A_577 = arith.constant 80 : index
        %parallel_loop3A_578 = tpu.vector_load %arg7[%parallel_loop3A_575, %parallel_loop3A_576, %parallel_loop3A_577] {strides = array<i32>} : memref<2x40x128xf32, #tpu.memory_space<vmem>>, vector<16xf32>,
        %parallel_loop3A_579 = arith.constant 0 : i32
        %parallel_loop3A_580 = arith.index_cast %parallel_loop3A_579 : i32 to index
        %parallel_loop3A_581 = arith.index_cast %parallel_loop3A_423 : i32 to index
        %parallel_loop3A_582 = arith.constant 80 : index
        %parallel_loop3A_583 = tpu.vector_load %arg8[%parallel_loop3A_580, %parallel_loop3A_581, %parallel_loop3A_582] {strides = array<i32>} : memref<2x40x128xf32, #tpu.memory_space<vmem>>, vector<16xf32>,
        %parallel_loop3A_584 = arith.mulf %parallel_loop3A_578, %parallel_loop3A_583 : vector<16xf32>
        %parallel_loop3A_585 = arith.constant true
        %parallel_loop3A_586 = vector.broadcast %parallel_loop3A_585 : i1 to vector<16xi1>
        %parallel_loop3A_587 = tpu.scan <sum>, %parallel_loop3A_584 masked %parallel_loop3A_586 : vector<16xf32>, vector<16xi1> -> vector<16xf32>
        %parallel_loop3A_588 = vector.shape_cast %broadcast_in_dim3A_131 : vector<16x1xi32> to vector<16xi32>
        %parallel_loop3A_589 = tpu.dynamic_gather %parallel_loop3A_587[%parallel_loop3A_588] in [0] : vector<16xf32>, vector<16xi32> -> vector<16xf32>
        %parallel_loop3A_590 = arith.constant 2.500000e-01 : f32
        %parallel_loop3A_591 = vector.broadcast %parallel_loop3A_590 : f32 to vector<16xf32>
        %parallel_loop3A_592 = arith.mulf %parallel_loop3A_589, %parallel_loop3A_591 : vector<16xf32>
        %parallel_loop3A_593 = math.exp %parallel_loop3A_592 : vector<16xf32>
        %parallel_loop3A_594 = arith.mulf %parallel_loop3A_593, %parallel_loop3A_578 : vector<16xf32>
        %parallel_loop3A_595 = arith.constant 0 : i32
        %parallel_loop3A_596 = arith.index_cast %parallel_loop3A_595 : i32 to index
        %parallel_loop3A_597 = arith.index_cast %parallel_loop3A_423 : i32 to index
        %parallel_loop3A_598 = arith.constant 80 : index
        %parallel_loop3A_599 = tpu.vector_load %arg9[%parallel_loop3A_596, %parallel_loop3A_597, %parallel_loop3A_598] {strides = array<i32>} : memref<2x40x144xf32, #tpu.memory_space<vmem>>, vector<16xf32>,
        tpu.vector_store %arg9[%parallel_loop3A_596, %parallel_loop3A_597, %parallel_loop3A_598], %parallel_loop3A_594 {strides = array<i32>} : memref<2x40x144xf32, #tpu.memory_space<vmem>>, vector<16xf32>,
        %parallel_loop3A_600 = arith.constant 5 : i32
        %parallel_loop3A_601 = vector.broadcast %parallel_loop3A_600 : i32 to vector<16xi32>
        %parallel_loop3A_602 = arith.cmpi eq, %iota3A, %parallel_loop3A_601 : vector<16xi32>
        %parallel_loop3A_603 = arith.select %parallel_loop3A_602, %parallel_loop3A_593, %parallel_loop3A_573 : vector<16xi1>, vector<16xf32>
        %parallel_loop3A_604 = arith.constant 0 : i32
        %parallel_loop3A_605 = arith.index_cast %parallel_loop3A_604 : i32 to index
        %parallel_loop3A_606 = arith.index_cast %parallel_loop3A_423 : i32 to index
        %parallel_loop3A_607 = arith.constant 96 : index
        %parallel_loop3A_608 = tpu.vector_load %arg7[%parallel_loop3A_605, %parallel_loop3A_606, %parallel_loop3A_607] {strides = array<i32>} : memref<2x40x128xf32, #tpu.memory_space<vmem>>, vector<16xf32>,
        %parallel_loop3A_609 = arith.constant 0 : i32
        %parallel_loop3A_610 = arith.index_cast %parallel_loop3A_609 : i32 to index
        %parallel_loop3A_611 = arith.index_cast %parallel_loop3A_423 : i32 to index
        %parallel_loop3A_612 = arith.constant 96 : index
        %parallel_loop3A_613 = tpu.vector_load %arg8[%parallel_loop3A_610, %parallel_loop3A_611, %parallel_loop3A_612] {strides = array<i32>} : memref<2x40x128xf32, #tpu.memory_space<vmem>>, vector<16xf32>,
        %parallel_loop3A_614 = arith.mulf %parallel_loop3A_608, %parallel_loop3A_613 : vector<16xf32>
        %parallel_loop3A_615 = arith.constant true
        %parallel_loop3A_616 = vector.broadcast %parallel_loop3A_615 : i1 to vector<16xi1>
        %parallel_loop3A_617 = tpu.scan <sum>, %parallel_loop3A_614 masked %parallel_loop3A_616 : vector<16xf32>, vector<16xi1> -> vector<16xf32>
        %parallel_loop3A_618 = vector.shape_cast %broadcast_in_dim3A_131 : vector<16x1xi32> to vector<16xi32>
        %parallel_loop3A_619 = tpu.dynamic_gather %parallel_loop3A_617[%parallel_loop3A_618] in [0] : vector<16xf32>, vector<16xi32> -> vector<16xf32>
        %parallel_loop3A_620 = arith.constant 2.500000e-01 : f32
        %parallel_loop3A_621 = vector.broadcast %parallel_loop3A_620 : f32 to vector<16xf32>
        %parallel_loop3A_622 = arith.mulf %parallel_loop3A_619, %parallel_loop3A_621 : vector<16xf32>
        %parallel_loop3A_623 = math.exp %parallel_loop3A_622 : vector<16xf32>
        %parallel_loop3A_624 = arith.mulf %parallel_loop3A_623, %parallel_loop3A_608 : vector<16xf32>
        %parallel_loop3A_625 = arith.constant 0 : i32
        %parallel_loop3A_626 = arith.index_cast %parallel_loop3A_625 : i32 to index
        %parallel_loop3A_627 = arith.index_cast %parallel_loop3A_423 : i32 to index
        %parallel_loop3A_628 = arith.constant 96 : index
        %parallel_loop3A_629 = tpu.vector_load %arg9[%parallel_loop3A_626, %parallel_loop3A_627, %parallel_loop3A_628] {strides = array<i32>} : memref<2x40x144xf32, #tpu.memory_space<vmem>>, vector<16xf32>,
        tpu.vector_store %arg9[%parallel_loop3A_626, %parallel_loop3A_627, %parallel_loop3A_628], %parallel_loop3A_624 {strides = array<i32>} : memref<2x40x144xf32, #tpu.memory_space<vmem>>, vector<16xf32>,
        %parallel_loop3A_630 = arith.constant 6 : i32
        %parallel_loop3A_631 = vector.broadcast %parallel_loop3A_630 : i32 to vector<16xi32>
        %parallel_loop3A_632 = arith.cmpi eq, %iota3A, %parallel_loop3A_631 : vector<16xi32>
        %parallel_loop3A_633 = arith.select %parallel_loop3A_632, %parallel_loop3A_623, %parallel_loop3A_603 : vector<16xi1>, vector<16xf32>
        %parallel_loop3A_634 = arith.constant 0 : i32
        %parallel_loop3A_635 = arith.index_cast %parallel_loop3A_634 : i32 to index
        %parallel_loop3A_636 = arith.index_cast %parallel_loop3A_423 : i32 to index
        %parallel_loop3A_637 = arith.constant 112 : index
        %parallel_loop3A_638 = tpu.vector_load %arg7[%parallel_loop3A_635, %parallel_loop3A_636, %parallel_loop3A_637] {strides = array<i32>} : memref<2x40x128xf32, #tpu.memory_space<vmem>>, vector<16xf32>,
        %parallel_loop3A_639 = arith.constant 0 : i32
        %parallel_loop3A_640 = arith.index_cast %parallel_loop3A_639 : i32 to index
        %parallel_loop3A_641 = arith.index_cast %parallel_loop3A_423 : i32 to index
        %parallel_loop3A_642 = arith.constant 112 : index
        %parallel_loop3A_643 = tpu.vector_load %arg8[%parallel_loop3A_640, %parallel_loop3A_641, %parallel_loop3A_642] {strides = array<i32>} : memref<2x40x128xf32, #tpu.memory_space<vmem>>, vector<16xf32>,
        %parallel_loop3A_644 = arith.mulf %parallel_loop3A_638, %parallel_loop3A_643 : vector<16xf32>
        %parallel_loop3A_645 = arith.constant true
        %parallel_loop3A_646 = vector.broadcast %parallel_loop3A_645 : i1 to vector<16xi1>
        %parallel_loop3A_647 = tpu.scan <sum>, %parallel_loop3A_644 masked %parallel_loop3A_646 : vector<16xf32>, vector<16xi1> -> vector<16xf32>
        %parallel_loop3A_648 = vector.shape_cast %broadcast_in_dim3A_131 : vector<16x1xi32> to vector<16xi32>
        %parallel_loop3A_649 = tpu.dynamic_gather %parallel_loop3A_647[%parallel_loop3A_648] in [0] : vector<16xf32>, vector<16xi32> -> vector<16xf32>
        %parallel_loop3A_650 = arith.constant 2.500000e-01 : f32
        %parallel_loop3A_651 = vector.broadcast %parallel_loop3A_650 : f32 to vector<16xf32>
        %parallel_loop3A_652 = arith.mulf %parallel_loop3A_649, %parallel_loop3A_651 : vector<16xf32>
        %parallel_loop3A_653 = math.exp %parallel_loop3A_652 : vector<16xf32>
        %parallel_loop3A_654 = arith.mulf %parallel_loop3A_653, %parallel_loop3A_638 : vector<16xf32>
        %parallel_loop3A_655 = arith.constant 0 : i32
        %parallel_loop3A_656 = arith.index_cast %parallel_loop3A_655 : i32 to index
        %parallel_loop3A_657 = arith.index_cast %parallel_loop3A_423 : i32 to index
        %parallel_loop3A_658 = arith.constant 112 : index
        %parallel_loop3A_659 = tpu.vector_load %arg9[%parallel_loop3A_656, %parallel_loop3A_657, %parallel_loop3A_658] {strides = array<i32>} : memref<2x40x144xf32, #tpu.memory_space<vmem>>, vector<16xf32>,
        tpu.vector_store %arg9[%parallel_loop3A_656, %parallel_loop3A_657, %parallel_loop3A_658], %parallel_loop3A_654 {strides = array<i32>} : memref<2x40x144xf32, #tpu.memory_space<vmem>>, vector<16xf32>,
        %parallel_loop3A_660 = arith.constant 7 : i32
        %parallel_loop3A_661 = vector.broadcast %parallel_loop3A_660 : i32 to vector<16xi32>
        %parallel_loop3A_662 = arith.cmpi eq, %iota3A, %parallel_loop3A_661 : vector<16xi32>
        %parallel_loop3A_663 = arith.select %parallel_loop3A_662, %parallel_loop3A_653, %parallel_loop3A_633 : vector<16xi1>, vector<16xf32>
        %parallel_loop3A_664 = arith.constant 0 : i32
        %parallel_loop3A_665 = arith.index_cast %parallel_loop3A_664 : i32 to index
        %parallel_loop3A_666 = arith.index_cast %parallel_loop3A_423 : i32 to index
        %parallel_loop3A_667 = arith.constant 128 : index
        %parallel_loop3A_668 = tpu.vector_load %arg9[%parallel_loop3A_665, %parallel_loop3A_666, %parallel_loop3A_667] {strides = array<i32>} : memref<2x40x144xf32, #tpu.memory_space<vmem>>, vector<16xf32>,
        tpu.vector_store %arg9[%parallel_loop3A_665, %parallel_loop3A_666, %parallel_loop3A_667], %parallel_loop3A_663 {strides = array<i32>} : memref<2x40x144xf32, #tpu.memory_space<vmem>>, vector<16xf32>,
      } {sc.loop_unroll_factor = 5 : i64, sc.parallel_access}
      %add3A_245 = arith.constant 0 : i32
      %add3A_246 = arith.addi %mul3A_220, %add3A_245 : i32
      %get3A = arith.index_cast %select_n3A_202 : i32 to index
      %get3A_247 = arith.index_cast %add3A_246 : i32 to index
      %get3A_248 = tpu.vector_load %arg6[%get3A, %get3A_247] {strides = array<i32>} : memref<2x1000xi32, #tpu.memory_space<vmem>>, vector<16xi32>,
      %swap3A = arith.constant 0 : i32
      %swap3A_249 = arith.index_cast %swap3A : i32 to index
      %swap3A_250 = arith.constant 0 : index
      %swap3A_251 = tpu.vector_load %arg10[%swap3A_249, %swap3A_250] {strides = array<i32>} : memref<2x40xi32, #tpu.memory_space<vmem>>, vector<16xi32>,
      tpu.vector_store %arg10[%swap3A_249, %swap3A_250], %get3A_248 {strides = array<i32>} : memref<2x40xi32, #tpu.memory_space<vmem>>, vector<16xi32>,
      %add3A_252 = arith.constant 16 : i32
      %add3A_253 = arith.addi %mul3A_220, %add3A_252 : i32
      %get3A_254 = arith.index_cast %select_n3A_202 : i32 to index
      %get3A_255 = arith.index_cast %add3A_253 : i32 to index
      %get3A_256 = tpu.vector_load %arg6[%get3A_254, %get3A_255] {strides = array<i32>} : memref<2x1000xi32, #tpu.memory_space<vmem>>, vector<16xi32>,
      %swap3A_257 = arith.constant 0 : i32
      %swap3A_258 = arith.index_cast %swap3A_257 : i32 to index
      %swap3A_259 = arith.constant 16 : index
      %swap3A_260 = tpu.vector_load %arg10[%swap3A_258, %swap3A_259] {strides = array<i32>} : memref<2x40xi32, #tpu.memory_space<vmem>>, vector<16xi32>,
      tpu.vector_store %arg10[%swap3A_258, %swap3A_259], %get3A_256 {strides = array<i32>} : memref<2x40xi32, #tpu.memory_space<vmem>>, vector<16xi32>,
      %add3A_261 = arith.constant 24 : i32
      %add3A_262 = arith.addi %mul3A_220, %add3A_261 : i32
      %get3A_263 = arith.index_cast %select_n3A_202 : i32 to index
      %get3A_264 = arith.index_cast %add3A_262 : i32 to index
      %get3A_265 = tpu.vector_load %arg6[%get3A_263, %get3A_264] {strides = array<i32>} : memref<2x1000xi32, #tpu.memory_space<vmem>>, vector<16xi32>,
      %swap3A_266 = arith.constant 0 : i32
      %swap3A_267 = arith.index_cast %swap3A_266 : i32 to index
      %swap3A_268 = arith.constant 24 : index
      %swap3A_269 = tpu.vector_load %arg10[%swap3A_267, %swap3A_268] {strides = array<i32>} : memref<2x40xi32, #tpu.memory_space<vmem>>, vector<16xi32>,
      tpu.vector_store %arg10[%swap3A_267, %swap3A_268], %get3A_265 {strides = array<i32>} : memref<2x40xi32, #tpu.memory_space<vmem>>, vector<16xi32>,
      %dma_start3A_270 = arith.constant 0 : i32
      %dma_start3A_271 = arith.constant 0 : i32
      %dma_start3A_272 = arith.constant 0 : i32
      %dma_start3A_273 = arith.constant 0 : i32
      %dma_start3A_274 = tpu.memref_slice %arg9[%dma_start3A_270, %dma_start3A_272, %dma_start3A_273] : memref<2x40x144xf32, #tpu.memory_space<vmem>> -> memref<1x40x144xf32, #tpu.memory_space<vmem>>
      %dma_start3A_275 = tpu.memref_squeeze %dma_start3A_274 : memref<1x40x144xf32, #tpu.memory_space<vmem>> -> memref<40x144xf32, #tpu.memory_space<vmem>>
      %dma_start3A_276 = arith.constant 0 : i32
      %dma_start3A_277 = tpu.memref_slice %arg10[%dma_start3A_271, %dma_start3A_276] : memref<2x40xi32, #tpu.memory_space<vmem>> -> memref<1x40xi32, #tpu.memory_space<vmem>>
      %dma_start3A_278 = tpu.memref_squeeze %dma_start3A_277 : memref<1x40xi32, #tpu.memory_space<vmem>> -> memref<40xi32, #tpu.memory_space<vmem>>
      %dma_start3A_279 = arith.constant 0 : i32
      %dma_start3A_280 = arith.constant 0 : i32
      %dma_start3A_281 = tpu.memref_slice %arg12[%dma_start3A_279, %dma_start3A_280] : memref<10000x144xf32, #tpu.memory_space<vmem_shared>> -> memref<10000x144xf32, #tpu.memory_space<vmem_shared>>
      tpu.enqueue_indirect_dma source(%dma_start3A_275 : memref<40x144xf32, #tpu.memory_space<vmem>>) target(%dma_start3A_281 : memref<10000x144xf32, #tpu.memory_space<vmem_shared>>) offsets(%dma_start3A_278 : memref<40xi32, #tpu.memory_space<vmem>>) semaphore(%arg15 : memref<!tpu.dma_semaphore, #tpu.memory_space<semaphore_mem>>) {add = true}
      %add3A_282 = arith.constant 2 : i32
      %add3A_283 = arith.addi %add3A_172, %add3A_282 : i32
      %lt3A_284 = arith.constant 250 : i32
      %lt3A_285 = arith.cmpi slt, %add3A_283, %lt3A_284 : i32
      %convert_element_type3A_286 = arith.extui %lt3A_285 : i1 to i32
      %cond3A_287 = arith.constant 0 : i32
      %cond3A_288 = arith.cmpi ne, %convert_element_type3A_286, %cond3A_287 : i32
      scf.if %cond3A_288 {
        %jit3A_423 = arith.constant 25 : i32
        %div3A_424 = arith.divsi %add3A_283, %jit3A_423 : i32
        %sign3A_425 = arith.constant 0 : i32
        %sign3A_426 = arith.cmpi sgt, %add3A_283, %sign3A_425 : i32
        %sign3A_427 = arith.extui %sign3A_426 : i1 to i32
        %sign3A_428 = arith.constant 0 : i32
        %sign3A_429 = arith.cmpi slt, %add3A_283, %sign3A_428 : i32
        %sign3A_430 = arith.extui %sign3A_429 : i1 to i32
        %sign3A_431 = arith.subi %sign3A_427, %sign3A_430 : i32
        %sign3A_432 = arith.constant 0 : i32
        %sign3A_433 = arith.cmpi sgt, %jit3A_423, %sign3A_432 : i32
        %sign3A_434 = arith.extui %sign3A_433 : i1 to i32
        %sign3A_435 = arith.constant 0 : i32
        %sign3A_436 = arith.cmpi slt, %jit3A_423, %sign3A_435 : i32
        %sign3A_437 = arith.extui %sign3A_436 : i1 to i32
        %sign3A_438 = arith.subi %sign3A_434, %sign3A_437 : i32
        %ne3A_439 = arith.cmpi ne, %sign3A_431, %sign3A_438 : i32
        %rem3A_440 = arith.remsi %add3A_283, %jit3A_423 : i32
        %ne3A_441 = arith.constant 0 : i32
        %ne3A_442 = arith.cmpi ne, %rem3A_440, %ne3A_441 : i32
        %and3A_443 = arith.andi %ne3A_439, %ne3A_442 : i1
        %sub3A_444 = arith.constant 1 : i32
        %sub3A_445 = arith.subi %div3A_424, %sub3A_444 : i32
        %select_n3A_446 = arith.select %and3A_443, %sub3A_445, %div3A_424 : i32
        %jit3A_447 = arith.constant 25 : i32
        %eq3A_448 = arith.constant 0 : i32
        %eq3A_449 = arith.cmpi eq, %jit3A_447, %eq3A_448 : i32
        %jit3A_450 = arith.constant 1 : i32
        %select_n3A_451 = arith.select %eq3A_449, %jit3A_450, %jit3A_447 : i32
        %rem3A_452 = arith.remsi %add3A_283, %select_n3A_451 : i32
        %ne3A_453 = arith.constant 0 : i32
        %ne3A_454 = arith.cmpi ne, %rem3A_452, %ne3A_453 : i32
        %lt3A_455 = arith.constant 0 : i32
        %lt3A_456 = arith.cmpi slt, %rem3A_452, %lt3A_455 : i32
        %lt3A_457 = arith.constant 0 : i32
        %lt3A_458 = arith.cmpi slt, %select_n3A_451, %lt3A_457 : i32
        %ne3A_459 = arith.xori %lt3A_456, %lt3A_458 : i1
        %and3A_460 = arith.andi %ne3A_459, %ne3A_454 : i1
        %add3A_461 = arith.addi %rem3A_452, %select_n3A_451 : i32
        %select_n3A_462 = arith.select %and3A_460, %add3A_461, %rem3A_452 : i32
        %eq3A_463 = arith.constant 0 : i32
        %eq3A_464 = arith.cmpi eq, %select_n3A_462, %eq3A_463 : i32
        %convert_element_type3A_465 = arith.extui %eq3A_464 : i1 to i32
        %cond3A_466 = arith.constant 0 : i32
        %cond3A_467 = arith.cmpi ne, %convert_element_type3A_465, %cond3A_466 : i32
        scf.if %cond3A_467 {
          %jit3A_572 = arith.constant 2 : i32
          %eq3A_573 = arith.constant 0 : i32
          %eq3A_574 = arith.cmpi eq, %jit3A_572, %eq3A_573 : i32
          %jit3A_575 = arith.constant 1 : i32
          %select_n3A_576 = arith.select %eq3A_574, %jit3A_575, %jit3A_572 : i32
          %rem3A_577 = arith.remsi %select_n3A_446, %select_n3A_576 : i32
          %ne3A_578 = arith.constant 0 : i32
          %ne3A_579 = arith.cmpi ne, %rem3A_577, %ne3A_578 : i32
          %lt3A_580 = arith.constant 0 : i32
          %lt3A_581 = arith.cmpi slt, %rem3A_577, %lt3A_580 : i32
          %lt3A_582 = arith.constant 0 : i32
          %lt3A_583 = arith.cmpi slt, %select_n3A_576, %lt3A_582 : i32
          %ne3A_584 = arith.xori %lt3A_581, %lt3A_583 : i1
          %and3A_585 = arith.andi %ne3A_584, %ne3A_579 : i1
          %add3A_586 = arith.addi %rem3A_577, %select_n3A_576 : i32
          %select_n3A_587 = arith.select %and3A_585, %add3A_586, %rem3A_577 : i32
          %mul3A_588 = arith.constant 1000 : i32
          %mul3A_589 = arith.muli %select_n3A_446, %mul3A_588 : i32
          %add3A_590 = arith.addi %mul3A_2, %mul3A_589 : i32
          %dma_wait3A_591 = arith.constant 0 : i32
          %dma_wait3A_592 = tpu.memref_slice %arg5[%select_n3A_587, %dma_wait3A_591] : memref<2x1000xi32, #tpu.memory_space<vmem>> -> memref<1x1000xi32, #tpu.memory_space<vmem>>
          %dma_wait3A_593 = tpu.memref_squeeze %dma_wait3A_592 : memref<1x1000xi32, #tpu.memory_space<vmem>> -> memref<1000xi32, #tpu.memory_space<vmem>>
          %dma_wait3A_594 = tpu.memref_slice %arg3[%add3A_590] : memref<640000xi32, #tpu.memory_space<hbm>> -> memref<1000xi32, #tpu.memory_space<hbm>>
          %dma_wait3A_595 = arith.constant 0 : i32
          %dma_wait3A_596 = tpu.memref_slice %arg5[%select_n3A_587, %dma_wait3A_595] : memref<2x1000xi32, #tpu.memory_space<vmem>> -> memref<1x1000xi32, #tpu.memory_space<vmem>>
          %dma_wait3A_597 = tpu.memref_squeeze %dma_wait3A_596 : memref<1x1000xi32, #tpu.memory_space<vmem>> -> memref<1000xi32, #tpu.memory_space<vmem>>
          %dma_wait3A_598 = tpu.memref_slice %arg3[%add3A_590] : memref<640000xi32, #tpu.memory_space<hbm>> -> memref<1000xi32, #tpu.memory_space<hbm>>
          tpu.wait_dma2 semaphore(%arg17 : memref<!tpu.dma_semaphore, #tpu.memory_space<semaphore_mem>>) src(%dma_wait3A_598 : memref<1000xi32, #tpu.memory_space<hbm>>) dst(%dma_wait3A_597 : memref<1000xi32, #tpu.memory_space<vmem>>)
          %add3A_599 = arith.constant 320000 : i32
          %add3A_600 = arith.addi %add3A_599, %add3A_590 : i32
          %dma_wait3A_601 = arith.constant 0 : i32
          %dma_wait3A_602 = tpu.memref_slice %arg6[%select_n3A_587, %dma_wait3A_601] : memref<2x1000xi32, #tpu.memory_space<vmem>> -> memref<1x1000xi32, #tpu.memory_space<vmem>>
          %dma_wait3A_603 = tpu.memref_squeeze %dma_wait3A_602 : memref<1x1000xi32, #tpu.memory_space<vmem>> -> memref<1000xi32, #tpu.memory_space<vmem>>
          %dma_wait3A_604 = tpu.memref_slice %arg3[%add3A_600] : memref<640000xi32, #tpu.memory_space<hbm>> -> memref<1000xi32, #tpu.memory_space<hbm>>
          %dma_wait3A_605 = arith.constant 0 : i32
          %dma_wait3A_606 = tpu.memref_slice %arg6[%select_n3A_587, %dma_wait3A_605] : memref<2x1000xi32, #tpu.memory_space<vmem>> -> memref<1x1000xi32, #tpu.memory_space<vmem>>
          %dma_wait3A_607 = tpu.memref_squeeze %dma_wait3A_606 : memref<1x1000xi32, #tpu.memory_space<vmem>> -> memref<1000xi32, #tpu.memory_space<vmem>>
          %dma_wait3A_608 = tpu.memref_slice %arg3[%add3A_600] : memref<640000xi32, #tpu.memory_space<hbm>> -> memref<1000xi32, #tpu.memory_space<hbm>>
          tpu.wait_dma2 semaphore(%arg17 : memref<!tpu.dma_semaphore, #tpu.memory_space<semaphore_mem>>) src(%dma_wait3A_608 : memref<1000xi32, #tpu.memory_space<hbm>>) dst(%dma_wait3A_607 : memref<1000xi32, #tpu.memory_space<vmem>>)
        } else {
        }
        %jit3A_468 = arith.constant 25 : i32
        %div3A_469 = arith.divsi %add3A_283, %jit3A_468 : i32
        %sign3A_470 = arith.constant 0 : i32
        %sign3A_471 = arith.cmpi sgt, %add3A_283, %sign3A_470 : i32
        %sign3A_472 = arith.extui %sign3A_471 : i1 to i32
        %sign3A_473 = arith.constant 0 : i32
        %sign3A_474 = arith.cmpi slt, %add3A_283, %sign3A_473 : i32
        %sign3A_475 = arith.extui %sign3A_474 : i1 to i32
        %sign3A_476 = arith.subi %sign3A_472, %sign3A_475 : i32
        %sign3A_477 = arith.constant 0 : i32
        %sign3A_478 = arith.cmpi sgt, %jit3A_468, %sign3A_477 : i32
        %sign3A_479 = arith.extui %sign3A_478 : i1 to i32
        %sign3A_480 = arith.constant 0 : i32
        %sign3A_481 = arith.cmpi slt, %jit3A_468, %sign3A_480 : i32
        %sign3A_482 = arith.extui %sign3A_481 : i1 to i32
        %sign3A_483 = arith.subi %sign3A_479, %sign3A_482 : i32
        %ne3A_484 = arith.cmpi ne, %sign3A_476, %sign3A_483 : i32
        %rem3A_485 = arith.remsi %add3A_283, %jit3A_468 : i32
        %ne3A_486 = arith.constant 0 : i32
        %ne3A_487 = arith.cmpi ne, %rem3A_485, %ne3A_486 : i32
        %and3A_488 = arith.andi %ne3A_484, %ne3A_487 : i1
        %sub3A_489 = arith.constant 1 : i32
        %sub3A_490 = arith.subi %div3A_469, %sub3A_489 : i32
        %select_n3A_491 = arith.select %and3A_488, %sub3A_490, %div3A_469 : i32
        %jit3A_492 = arith.constant 2 : i32
        %eq3A_493 = arith.constant 0 : i32
        %eq3A_494 = arith.cmpi eq, %jit3A_492, %eq3A_493 : i32
        %jit3A_495 = arith.constant 1 : i32
        %select_n3A_496 = arith.select %eq3A_494, %jit3A_495, %jit3A_492 : i32
        %rem3A_497 = arith.remsi %select_n3A_491, %select_n3A_496 : i32
        %ne3A_498 = arith.constant 0 : i32
        %ne3A_499 = arith.cmpi ne, %rem3A_497, %ne3A_498 : i32
        %lt3A_500 = arith.constant 0 : i32
        %lt3A_501 = arith.cmpi slt, %rem3A_497, %lt3A_500 : i32
        %lt3A_502 = arith.constant 0 : i32
        %lt3A_503 = arith.cmpi slt, %select_n3A_496, %lt3A_502 : i32
        %ne3A_504 = arith.xori %lt3A_501, %lt3A_503 : i1
        %and3A_505 = arith.andi %ne3A_504, %ne3A_499 : i1
        %add3A_506 = arith.addi %rem3A_497, %select_n3A_496 : i32
        %select_n3A_507 = arith.select %and3A_505, %add3A_506, %rem3A_497 : i32
        %jit3A_508 = arith.constant 25 : i32
        %eq3A_509 = arith.constant 0 : i32
        %eq3A_510 = arith.cmpi eq, %jit3A_508, %eq3A_509 : i32
        %jit3A_511 = arith.constant 1 : i32
        %select_n3A_512 = arith.select %eq3A_510, %jit3A_511, %jit3A_508 : i32
        %rem3A_513 = arith.remsi %add3A_283, %select_n3A_512 : i32
        %ne3A_514 = arith.constant 0 : i32
        %ne3A_515 = arith.cmpi ne, %rem3A_513, %ne3A_514 : i32
        %lt3A_516 = arith.constant 0 : i32
        %lt3A_517 = arith.cmpi slt, %rem3A_513, %lt3A_516 : i32
        %lt3A_518 = arith.constant 0 : i32
        %lt3A_519 = arith.cmpi slt, %select_n3A_512, %lt3A_518 : i32
        %ne3A_520 = arith.xori %lt3A_517, %lt3A_519 : i1
        %and3A_521 = arith.andi %ne3A_520, %ne3A_515 : i1
        %add3A_522 = arith.addi %rem3A_513, %select_n3A_512 : i32
        %select_n3A_523 = arith.select %and3A_521, %add3A_522, %rem3A_513 : i32
        %mul3A_524 = arith.constant 40 : i32
        %mul3A_525 = arith.muli %select_n3A_523, %mul3A_524 : i32
        %dma_start3A_526 = arith.constant 0 : i32
        %dma_start3A_527 = arith.constant 0 : i32
        %dma_start3A_528 = arith.constant 0 : i32
        %dma_start3A_529 = tpu.memref_slice %arg7[%dma_start3A_526, %dma_start3A_527, %dma_start3A_528] : memref<2x40x128xf32, #tpu.memory_space<vmem>> -> memref<1x40x128xf32, #tpu.memory_space<vmem>>
        %dma_start3A_530 = tpu.memref_squeeze %dma_start3A_529 : memref<1x40x128xf32, #tpu.memory_space<vmem>> -> memref<40x128xf32, #tpu.memory_space<vmem>>
        %dma_start3A_531 = tpu.memref_slice %arg5[%select_n3A_507, %mul3A_525] : memref<2x1000xi32, #tpu.memory_space<vmem>> -> memref<1x40xi32, #tpu.memory_space<vmem>>
        %dma_start3A_532 = tpu.memref_squeeze %dma_start3A_531 : memref<1x40xi32, #tpu.memory_space<vmem>> -> memref<40xi32, #tpu.memory_space<vmem>>
        %dma_start3A_533 = arith.constant 0 : i32
        %dma_start3A_534 = arith.constant 0 : i32
        %dma_start3A_535 = tpu.memref_slice %arg2[%dma_start3A_533, %dma_start3A_534] : memref<10000x128xf32, #tpu.memory_space<hbm>> -> memref<10000x128xf32, #tpu.memory_space<hbm>>
        tpu.enqueue_indirect_dma source(%dma_start3A_535 : memref<10000x128xf32, #tpu.memory_space<hbm>>) target(%dma_start3A_530 : memref<40x128xf32, #tpu.memory_space<vmem>>) offsets(%dma_start3A_532 : memref<40xi32, #tpu.memory_space<vmem>>) semaphore(%arg13 : memref<!tpu.dma_semaphore, #tpu.memory_space<semaphore_mem>>)
        %dma_start3A_536 = arith.constant 0 : i32
        %dma_start3A_537 = arith.constant 0 : i32
        %dma_start3A_538 = arith.constant 0 : i32
        %dma_start3A_539 = tpu.memref_slice %arg8[%dma_start3A_536, %dma_start3A_537, %dma_start3A_538] : memref<2x40x128xf32, #tpu.memory_space<vmem>> -> memref<1x40x128xf32, #tpu.memory_space<vmem>>
        %dma_start3A_540 = tpu.memref_squeeze %dma_start3A_539 : memref<1x40x128xf32, #tpu.memory_space<vmem>> -> memref<40x128xf32, #tpu.memory_space<vmem>>
        %dma_start3A_541 = tpu.memref_slice %arg6[%select_n3A_507, %mul3A_525] : memref<2x1000xi32, #tpu.memory_space<vmem>> -> memref<1x40xi32, #tpu.memory_space<vmem>>
        %dma_start3A_542 = tpu.memref_squeeze %dma_start3A_541 : memref<1x40xi32, #tpu.memory_space<vmem>> -> memref<40xi32, #tpu.memory_space<vmem>>
        %dma_start3A_543 = arith.constant 0 : i32
        %dma_start3A_544 = arith.constant 0 : i32
        %dma_start3A_545 = tpu.memref_slice %arg2[%dma_start3A_543, %dma_start3A_544] : memref<10000x128xf32, #tpu.memory_space<hbm>> -> memref<10000x128xf32, #tpu.memory_space<hbm>>
        tpu.enqueue_indirect_dma source(%dma_start3A_545 : memref<10000x128xf32, #tpu.memory_space<hbm>>) target(%dma_start3A_540 : memref<40x128xf32, #tpu.memory_space<vmem>>) offsets(%dma_start3A_542 : memref<40xi32, #tpu.memory_space<vmem>>) semaphore(%arg13 : memref<!tpu.dma_semaphore, #tpu.memory_space<semaphore_mem>>)
        %jit3A_546 = arith.constant 25 : i32
        %eq3A_547 = arith.constant 0 : i32
        %eq3A_548 = arith.cmpi eq, %jit3A_546, %eq3A_547 : i32
        %jit3A_549 = arith.constant 1 : i32
        %select_n3A_550 = arith.select %eq3A_548, %jit3A_549, %jit3A_546 : i32
        %rem3A_551 = arith.remsi %add3A_283, %select_n3A_550 : i32
        %ne3A_552 = arith.constant 0 : i32
        %ne3A_553 = arith.cmpi ne, %rem3A_551, %ne3A_552 : i32
        %lt3A_554 = arith.constant 0 : i32
        %lt3A_555 = arith.cmpi slt, %rem3A_551, %lt3A_554 : i32
        %lt3A_556 = arith.constant 0 : i32
        %lt3A_557 = arith.cmpi slt, %select_n3A_550, %lt3A_556 : i32
        %ne3A_558 = arith.xori %lt3A_555, %lt3A_557 : i1
        %and3A_559 = arith.andi %ne3A_558, %ne3A_553 : i1
        %add3A_560 = arith.addi %rem3A_551, %select_n3A_550 : i32
        %select_n3A_561 = arith.select %and3A_559, %add3A_560, %rem3A_551 : i32
        %eq3A_562 = arith.constant 1 : i32
        %eq3A_563 = arith.cmpi eq, %select_n3A_561, %eq3A_562 : i32
        %add3A_564 = arith.constant 1 : i32
        %add3A_565 = arith.addi %select_n3A_446, %add3A_564 : i32
        %lt3A_566 = arith.constant 10 : i32
        %lt3A_567 = arith.cmpi slt, %add3A_565, %lt3A_566 : i32
        %and3A_568 = arith.andi %eq3A_563, %lt3A_567 : i1
        %convert_element_type3A_569 = arith.extui %and3A_568 : i1 to i32
        %cond3A_570 = arith.constant 0 : i32
        %cond3A_571 = arith.cmpi ne, %convert_element_type3A_569, %cond3A_570 : i32
        scf.if %cond3A_571 {
          %add3A_572 = arith.constant 1 : i32
          %add3A_573 = arith.addi %select_n3A_446, %add3A_572 : i32
          %jit3A_574 = arith.constant 2 : i32
          %eq3A_575 = arith.constant 0 : i32
          %eq3A_576 = arith.cmpi eq, %jit3A_574, %eq3A_575 : i32
          %jit3A_577 = arith.constant 1 : i32
          %select_n3A_578 = arith.select %eq3A_576, %jit3A_577, %jit3A_574 : i32
          %rem3A_579 = arith.remsi %add3A_573, %select_n3A_578 : i32
          %ne3A_580 = arith.constant 0 : i32
          %ne3A_581 = arith.cmpi ne, %rem3A_579, %ne3A_580 : i32
          %lt3A_582 = arith.constant 0 : i32
          %lt3A_583 = arith.cmpi slt, %rem3A_579, %lt3A_582 : i32
          %lt3A_584 = arith.constant 0 : i32
          %lt3A_585 = arith.cmpi slt, %select_n3A_578, %lt3A_584 : i32
          %ne3A_586 = arith.xori %lt3A_583, %lt3A_585 : i1
          %and3A_587 = arith.andi %ne3A_586, %ne3A_581 : i1
          %add3A_588 = arith.addi %rem3A_579, %select_n3A_578 : i32
          %select_n3A_589 = arith.select %and3A_587, %add3A_588, %rem3A_579 : i32
          %mul3A_590 = arith.constant 1000 : i32
          %mul3A_591 = arith.muli %add3A_573, %mul3A_590 : i32
          %add3A_592 = arith.addi %mul3A_2, %mul3A_591 : i32
          %dma_start3A_593 = arith.constant 0 : i32
          %dma_start3A_594 = tpu.memref_slice %arg5[%select_n3A_589, %dma_start3A_593] : memref<2x1000xi32, #tpu.memory_space<vmem>> -> memref<1x1000xi32, #tpu.memory_space<vmem>>
          %dma_start3A_595 = tpu.memref_squeeze %dma_start3A_594 : memref<1x1000xi32, #tpu.memory_space<vmem>> -> memref<1000xi32, #tpu.memory_space<vmem>>
          %dma_start3A_596 = tpu.memref_slice %arg3[%add3A_592] : memref<640000xi32, #tpu.memory_space<hbm>> -> memref<1000xi32, #tpu.memory_space<hbm>>
          %dma_start3A_597 = arith.constant 0 : i32
          %dma_start3A_598 = tpu.memref_slice %arg5[%select_n3A_589, %dma_start3A_597] : memref<2x1000xi32, #tpu.memory_space<vmem>> -> memref<1x1000xi32, #tpu.memory_space<vmem>>
          %dma_start3A_599 = tpu.memref_squeeze %dma_start3A_598 : memref<1x1000xi32, #tpu.memory_space<vmem>> -> memref<1000xi32, #tpu.memory_space<vmem>>
          %dma_start3A_600 = tpu.memref_slice %arg3[%add3A_592] : memref<640000xi32, #tpu.memory_space<hbm>> -> memref<1000xi32, #tpu.memory_space<hbm>>
          tpu.enqueue_dma source(%dma_start3A_600 : memref<1000xi32, #tpu.memory_space<hbm>>) target(%dma_start3A_599 : memref<1000xi32, #tpu.memory_space<vmem>>) target_semaphore(%arg17 : memref<!tpu.dma_semaphore, #tpu.memory_space<semaphore_mem>>)
          %add3A_601 = arith.constant 320000 : i32
          %add3A_602 = arith.addi %add3A_601, %add3A_592 : i32
          %dma_start3A_603 = arith.constant 0 : i32
          %dma_start3A_604 = tpu.memref_slice %arg6[%select_n3A_589, %dma_start3A_603] : memref<2x1000xi32, #tpu.memory_space<vmem>> -> memref<1x1000xi32, #tpu.memory_space<vmem>>
          %dma_start3A_605 = tpu.memref_squeeze %dma_start3A_604 : memref<1x1000xi32, #tpu.memory_space<vmem>> -> memref<1000xi32, #tpu.memory_space<vmem>>
          %dma_start3A_606 = tpu.memref_slice %arg3[%add3A_602] : memref<640000xi32, #tpu.memory_space<hbm>> -> memref<1000xi32, #tpu.memory_space<hbm>>
          %dma_start3A_607 = arith.constant 0 : i32
          %dma_start3A_608 = tpu.memref_slice %arg6[%select_n3A_589, %dma_start3A_607] : memref<2x1000xi32, #tpu.memory_space<vmem>> -> memref<1x1000xi32, #tpu.memory_space<vmem>>
          %dma_start3A_609 = tpu.memref_squeeze %dma_start3A_608 : memref<1x1000xi32, #tpu.memory_space<vmem>> -> memref<1000xi32, #tpu.memory_space<vmem>>
          %dma_start3A_610 = tpu.memref_slice %arg3[%add3A_602] : memref<640000xi32, #tpu.memory_space<hbm>> -> memref<1000xi32, #tpu.memory_space<hbm>>
          tpu.enqueue_dma source(%dma_start3A_610 : memref<1000xi32, #tpu.memory_space<hbm>>) target(%dma_start3A_609 : memref<1000xi32, #tpu.memory_space<vmem>>) target_semaphore(%arg17 : memref<!tpu.dma_semaphore, #tpu.memory_space<semaphore_mem>>)
        } else {
        }
      } else {
      }
      %add3A_289 = arith.constant 1 : i32
      %add3A_290 = arith.addi %add3A_170, %add3A_289 : i32
      %jit3A_291 = arith.constant 25 : i32
      %div3A_292 = arith.divsi %add3A_290, %jit3A_291 : i32
      %sign3A_293 = arith.constant 0 : i32
      %sign3A_294 = arith.cmpi sgt, %add3A_290, %sign3A_293 : i32
      %sign3A_295 = arith.extui %sign3A_294 : i1 to i32
      %sign3A_296 = arith.constant 0 : i32
      %sign3A_297 = arith.cmpi slt, %add3A_290, %sign3A_296 : i32
      %sign3A_298 = arith.extui %sign3A_297 : i1 to i32
      %sign3A_299 = arith.subi %sign3A_295, %sign3A_298 : i32
      %sign3A_300 = arith.constant 0 : i32
      %sign3A_301 = arith.cmpi sgt, %jit3A_291, %sign3A_300 : i32
      %sign3A_302 = arith.extui %sign3A_301 : i1 to i32
      %sign3A_303 = arith.constant 0 : i32
      %sign3A_304 = arith.cmpi slt, %jit3A_291, %sign3A_303 : i32
      %sign3A_305 = arith.extui %sign3A_304 : i1 to i32
      %sign3A_306 = arith.subi %sign3A_302, %sign3A_305 : i32
      %ne3A_307 = arith.cmpi ne, %sign3A_299, %sign3A_306 : i32
      %rem3A_308 = arith.remsi %add3A_290, %jit3A_291 : i32
      %ne3A_309 = arith.constant 0 : i32
      %ne3A_310 = arith.cmpi ne, %rem3A_308, %ne3A_309 : i32
      %and3A_311 = arith.andi %ne3A_307, %ne3A_310 : i1
      %sub3A_312 = arith.constant 1 : i32
      %sub3A_313 = arith.subi %div3A_292, %sub3A_312 : i32
      %select_n3A_314 = arith.select %and3A_311, %sub3A_313, %div3A_292 : i32
      %jit3A_315 = arith.constant 2 : i32
      %eq3A_316 = arith.constant 0 : i32
      %eq3A_317 = arith.cmpi eq, %jit3A_315, %eq3A_316 : i32
      %jit3A_318 = arith.constant 1 : i32
      %select_n3A_319 = arith.select %eq3A_317, %jit3A_318, %jit3A_315 : i32
      %rem3A_320 = arith.remsi %select_n3A_314, %select_n3A_319 : i32
      %ne3A_321 = arith.constant 0 : i32
      %ne3A_322 = arith.cmpi ne, %rem3A_320, %ne3A_321 : i32
      %lt3A_323 = arith.constant 0 : i32
      %lt3A_324 = arith.cmpi slt, %rem3A_320, %lt3A_323 : i32
      %lt3A_325 = arith.constant 0 : i32
      %lt3A_326 = arith.cmpi slt, %select_n3A_319, %lt3A_325 : i32
      %ne3A_327 = arith.xori %lt3A_324, %lt3A_326 : i1
      %and3A_328 = arith.andi %ne3A_327, %ne3A_322 : i1
      %add3A_329 = arith.addi %rem3A_320, %select_n3A_319 : i32
      %select_n3A_330 = arith.select %and3A_328, %add3A_329, %rem3A_320 : i32
      %jit3A_331 = arith.constant 25 : i32
      %eq3A_332 = arith.constant 0 : i32
      %eq3A_333 = arith.cmpi eq, %jit3A_331, %eq3A_332 : i32
      %jit3A_334 = arith.constant 1 : i32
      %select_n3A_335 = arith.select %eq3A_333, %jit3A_334, %jit3A_331 : i32
      %rem3A_336 = arith.remsi %add3A_290, %select_n3A_335 : i32
      %ne3A_337 = arith.constant 0 : i32
      %ne3A_338 = arith.cmpi ne, %rem3A_336, %ne3A_337 : i32
      %lt3A_339 = arith.constant 0 : i32
      %lt3A_340 = arith.cmpi slt, %rem3A_336, %lt3A_339 : i32
      %lt3A_341 = arith.constant 0 : i32
      %lt3A_342 = arith.cmpi slt, %select_n3A_335, %lt3A_341 : i32
      %ne3A_343 = arith.xori %lt3A_340, %lt3A_342 : i1
      %and3A_344 = arith.andi %ne3A_343, %ne3A_338 : i1
      %add3A_345 = arith.addi %rem3A_336, %select_n3A_335 : i32
      %select_n3A_346 = arith.select %and3A_344, %add3A_345, %rem3A_336 : i32
      %mul3A_347 = arith.constant 40 : i32
      %mul3A_348 = arith.muli %select_n3A_346, %mul3A_347 : i32
      %dma_wait3A_349 = arith.constant 1 : i32
      %dma_wait3A_350 = arith.constant 0 : i32
      %dma_wait3A_351 = arith.constant 0 : i32
      %dma_wait3A_352 = tpu.memref_slice %arg7[%dma_wait3A_349, %dma_wait3A_350, %dma_wait3A_351] : memref<2x40x128xf32, #tpu.memory_space<vmem>> -> memref<1x40x128xf32, #tpu.memory_space<vmem>>
      %dma_wait3A_353 = tpu.memref_squeeze %dma_wait3A_352 : memref<1x40x128xf32, #tpu.memory_space<vmem>> -> memref<40x128xf32, #tpu.memory_space<vmem>>
      %dma_wait3A_354 = tpu.memref_slice %arg5[%select_n3A_330, %mul3A_348] : memref<2x1000xi32, #tpu.memory_space<vmem>> -> memref<1x40xi32, #tpu.memory_space<vmem>>
      %dma_wait3A_355 = tpu.memref_squeeze %dma_wait3A_354 : memref<1x40xi32, #tpu.memory_space<vmem>> -> memref<40xi32, #tpu.memory_space<vmem>>
      %dma_wait3A_356 = arith.constant 0 : i32
      %dma_wait3A_357 = arith.constant 0 : i32
      %dma_wait3A_358 = tpu.memref_slice %arg2[%dma_wait3A_356, %dma_wait3A_357] : memref<10000x128xf32, #tpu.memory_space<hbm>> -> memref<10000x128xf32, #tpu.memory_space<hbm>>
      tpu.wait_indirect_dma semaphore(%arg14 : memref<!tpu.dma_semaphore, #tpu.memory_space<semaphore_mem>>) src(%dma_wait3A_358 : memref<10000x128xf32, #tpu.memory_space<hbm>>) dst(%dma_wait3A_353 : memref<40x128xf32, #tpu.memory_space<vmem>>)
      %dma_wait3A_359 = arith.constant 1 : i32
      %dma_wait3A_360 = arith.constant 0 : i32
      %dma_wait3A_361 = arith.constant 0 : i32
      %dma_wait3A_362 = tpu.memref_slice %arg8[%dma_wait3A_359, %dma_wait3A_360, %dma_wait3A_361] : memref<2x40x128xf32, #tpu.memory_space<vmem>> -> memref<1x40x128xf32, #tpu.memory_space<vmem>>
      %dma_wait3A_363 = tpu.memref_squeeze %dma_wait3A_362 : memref<1x40x128xf32, #tpu.memory_space<vmem>> -> memref<40x128xf32, #tpu.memory_space<vmem>>
      %dma_wait3A_364 = tpu.memref_slice %arg6[%select_n3A_330, %mul3A_348] : memref<2x1000xi32, #tpu.memory_space<vmem>> -> memref<1x40xi32, #tpu.memory_space<vmem>>
      %dma_wait3A_365 = tpu.memref_squeeze %dma_wait3A_364 : memref<1x40xi32, #tpu.memory_space<vmem>> -> memref<40xi32, #tpu.memory_space<vmem>>
      %dma_wait3A_366 = arith.constant 0 : i32
      %dma_wait3A_367 = arith.constant 0 : i32
      %dma_wait3A_368 = tpu.memref_slice %arg2[%dma_wait3A_366, %dma_wait3A_367] : memref<10000x128xf32, #tpu.memory_space<hbm>> -> memref<10000x128xf32, #tpu.memory_space<hbm>>
      tpu.wait_indirect_dma semaphore(%arg14 : memref<!tpu.dma_semaphore, #tpu.memory_space<semaphore_mem>>) src(%dma_wait3A_368 : memref<10000x128xf32, #tpu.memory_space<hbm>>) dst(%dma_wait3A_363 : memref<40x128xf32, #tpu.memory_space<vmem>>)
      %ge3A_369 = arith.constant 2 : i32
      %ge3A_370 = arith.cmpi sge, %add3A_290, %ge3A_369 : i32
      %convert_element_type3A_371 = arith.extui %ge3A_370 : i1 to i32
      %cond3A_372 = arith.constant 0 : i32
      %cond3A_373 = arith.cmpi ne, %convert_element_type3A_371, %cond3A_372 : i32
      scf.if %cond3A_373 {
        %dma_wait3A_423 = arith.constant 1 : i32
        %dma_wait3A_424 = arith.constant 1 : i32
        %dma_wait3A_425 = arith.constant 0 : i32
        %dma_wait3A_426 = arith.constant 0 : i32
        %dma_wait3A_427 = tpu.memref_slice %arg9[%dma_wait3A_423, %dma_wait3A_425, %dma_wait3A_426] : memref<2x40x144xf32, #tpu.memory_space<vmem>> -> memref<1x40x144xf32, #tpu.memory_space<vmem>>
        %dma_wait3A_428 = tpu.memref_squeeze %dma_wait3A_427 : memref<1x40x144xf32, #tpu.memory_space<vmem>> -> memref<40x144xf32, #tpu.memory_space<vmem>>
        %dma_wait3A_429 = arith.constant 0 : i32
        %dma_wait3A_430 = tpu.memref_slice %arg10[%dma_wait3A_424, %dma_wait3A_429] : memref<2x40xi32, #tpu.memory_space<vmem>> -> memref<1x40xi32, #tpu.memory_space<vmem>>
        %dma_wait3A_431 = tpu.memref_squeeze %dma_wait3A_430 : memref<1x40xi32, #tpu.memory_space<vmem>> -> memref<40xi32, #tpu.memory_space<vmem>>
        %dma_wait3A_432 = arith.constant 0 : i32
        %dma_wait3A_433 = arith.constant 0 : i32
        %dma_wait3A_434 = tpu.memref_slice %arg12[%dma_wait3A_432, %dma_wait3A_433] : memref<10000x144xf32, #tpu.memory_space<vmem_shared>> -> memref<10000x144xf32, #tpu.memory_space<vmem_shared>>
        tpu.wait_indirect_dma semaphore(%arg16 : memref<!tpu.dma_semaphore, #tpu.memory_space<semaphore_mem>>) src(%dma_wait3A_428 : memref<40x144xf32, #tpu.memory_space<vmem>>) dst(%dma_wait3A_434 : memref<10000x144xf32, #tpu.memory_space<vmem_shared>>)
      } else {
      }
      %parallel_loop3A_374 = arith.constant 0 : i32
      %parallel_loop3A_375 = arith.constant 40 : i32
      %parallel_loop3A_376 = arith.constant 1 : i32
      scf.for %parallel_loop3A_423 = %parallel_loop3A_374 to %parallel_loop3A_375 step %parallel_loop3A_376  : i32 {
        %parallel_loop3A_424 = arith.constant 1 : i32
        %parallel_loop3A_425 = arith.index_cast %parallel_loop3A_424 : i32 to index
        %parallel_loop3A_426 = arith.index_cast %parallel_loop3A_423 : i32 to index
        %parallel_loop3A_427 = arith.constant 0 : index
        %parallel_loop3A_428 = tpu.vector_load %arg7[%parallel_loop3A_425, %parallel_loop3A_426, %parallel_loop3A_427] {strides = array<i32>} : memref<2x40x128xf32, #tpu.memory_space<vmem>>, vector<16xf32>,
        %parallel_loop3A_429 = arith.constant 1 : i32
        %parallel_loop3A_430 = arith.index_cast %parallel_loop3A_429 : i32 to index
        %parallel_loop3A_431 = arith.index_cast %parallel_loop3A_423 : i32 to index
        %parallel_loop3A_432 = arith.constant 0 : index
        %parallel_loop3A_433 = tpu.vector_load %arg8[%parallel_loop3A_430, %parallel_loop3A_431, %parallel_loop3A_432] {strides = array<i32>} : memref<2x40x128xf32, #tpu.memory_space<vmem>>, vector<16xf32>,
        %parallel_loop3A_434 = arith.mulf %parallel_loop3A_428, %parallel_loop3A_433 : vector<16xf32>
        %parallel_loop3A_435 = arith.constant true
        %parallel_loop3A_436 = vector.broadcast %parallel_loop3A_435 : i1 to vector<16xi1>
        %parallel_loop3A_437 = tpu.scan <sum>, %parallel_loop3A_434 masked %parallel_loop3A_436 : vector<16xf32>, vector<16xi1> -> vector<16xf32>
        %parallel_loop3A_438 = vector.shape_cast %broadcast_in_dim3A_131 : vector<16x1xi32> to vector<16xi32>
        %parallel_loop3A_439 = tpu.dynamic_gather %parallel_loop3A_437[%parallel_loop3A_438] in [0] : vector<16xf32>, vector<16xi32> -> vector<16xf32>
        %parallel_loop3A_440 = arith.constant 2.500000e-01 : f32
        %parallel_loop3A_441 = vector.broadcast %parallel_loop3A_440 : f32 to vector<16xf32>
        %parallel_loop3A_442 = arith.mulf %parallel_loop3A_439, %parallel_loop3A_441 : vector<16xf32>
        %parallel_loop3A_443 = math.exp %parallel_loop3A_442 : vector<16xf32>
        %parallel_loop3A_444 = arith.mulf %parallel_loop3A_443, %parallel_loop3A_428 : vector<16xf32>
        %parallel_loop3A_445 = arith.constant 1 : i32
        %parallel_loop3A_446 = arith.index_cast %parallel_loop3A_445 : i32 to index
        %parallel_loop3A_447 = arith.index_cast %parallel_loop3A_423 : i32 to index
        %parallel_loop3A_448 = arith.constant 0 : index
        %parallel_loop3A_449 = tpu.vector_load %arg9[%parallel_loop3A_446, %parallel_loop3A_447, %parallel_loop3A_448] {strides = array<i32>} : memref<2x40x144xf32, #tpu.memory_space<vmem>>, vector<16xf32>,
        tpu.vector_store %arg9[%parallel_loop3A_446, %parallel_loop3A_447, %parallel_loop3A_448], %parallel_loop3A_444 {strides = array<i32>} : memref<2x40x144xf32, #tpu.memory_space<vmem>>, vector<16xf32>,
        %parallel_loop3A_450 = arith.constant 0 : i32
        %parallel_loop3A_451 = vector.broadcast %parallel_loop3A_450 : i32 to vector<16xi32>
        %parallel_loop3A_452 = arith.cmpi eq, %iota3A, %parallel_loop3A_451 : vector<16xi32>
        %parallel_loop3A_453 = arith.select %parallel_loop3A_452, %parallel_loop3A_443, %broadcast_in_dim3A_115 : vector<16xi1>, vector<16xf32>
        %parallel_loop3A_454 = arith.constant 1 : i32
        %parallel_loop3A_455 = arith.index_cast %parallel_loop3A_454 : i32 to index
        %parallel_loop3A_456 = arith.index_cast %parallel_loop3A_423 : i32 to index
        %parallel_loop3A_457 = arith.constant 16 : index
        %parallel_loop3A_458 = tpu.vector_load %arg7[%parallel_loop3A_455, %parallel_loop3A_456, %parallel_loop3A_457] {strides = array<i32>} : memref<2x40x128xf32, #tpu.memory_space<vmem>>, vector<16xf32>,
        %parallel_loop3A_459 = arith.constant 1 : i32
        %parallel_loop3A_460 = arith.index_cast %parallel_loop3A_459 : i32 to index
        %parallel_loop3A_461 = arith.index_cast %parallel_loop3A_423 : i32 to index
        %parallel_loop3A_462 = arith.constant 16 : index
        %parallel_loop3A_463 = tpu.vector_load %arg8[%parallel_loop3A_460, %parallel_loop3A_461, %parallel_loop3A_462] {strides = array<i32>} : memref<2x40x128xf32, #tpu.memory_space<vmem>>, vector<16xf32>,
        %parallel_loop3A_464 = arith.mulf %parallel_loop3A_458, %parallel_loop3A_463 : vector<16xf32>
        %parallel_loop3A_465 = arith.constant true
        %parallel_loop3A_466 = vector.broadcast %parallel_loop3A_465 : i1 to vector<16xi1>
        %parallel_loop3A_467 = tpu.scan <sum>, %parallel_loop3A_464 masked %parallel_loop3A_466 : vector<16xf32>, vector<16xi1> -> vector<16xf32>
        %parallel_loop3A_468 = vector.shape_cast %broadcast_in_dim3A_131 : vector<16x1xi32> to vector<16xi32>
        %parallel_loop3A_469 = tpu.dynamic_gather %parallel_loop3A_467[%parallel_loop3A_468] in [0] : vector<16xf32>, vector<16xi32> -> vector<16xf32>
        %parallel_loop3A_470 = arith.constant 2.500000e-01 : f32
        %parallel_loop3A_471 = vector.broadcast %parallel_loop3A_470 : f32 to vector<16xf32>
        %parallel_loop3A_472 = arith.mulf %parallel_loop3A_469, %parallel_loop3A_471 : vector<16xf32>
        %parallel_loop3A_473 = math.exp %parallel_loop3A_472 : vector<16xf32>
        %parallel_loop3A_474 = arith.mulf %parallel_loop3A_473, %parallel_loop3A_458 : vector<16xf32>
        %parallel_loop3A_475 = arith.constant 1 : i32
        %parallel_loop3A_476 = arith.index_cast %parallel_loop3A_475 : i32 to index
        %parallel_loop3A_477 = arith.index_cast %parallel_loop3A_423 : i32 to index
        %parallel_loop3A_478 = arith.constant 16 : index
        %parallel_loop3A_479 = tpu.vector_load %arg9[%parallel_loop3A_476, %parallel_loop3A_477, %parallel_loop3A_478] {strides = array<i32>} : memref<2x40x144xf32, #tpu.memory_space<vmem>>, vector<16xf32>,
        tpu.vector_store %arg9[%parallel_loop3A_476, %parallel_loop3A_477, %parallel_loop3A_478], %parallel_loop3A_474 {strides = array<i32>} : memref<2x40x144xf32, #tpu.memory_space<vmem>>, vector<16xf32>,
        %parallel_loop3A_480 = arith.constant 1 : i32
        %parallel_loop3A_481 = vector.broadcast %parallel_loop3A_480 : i32 to vector<16xi32>
        %parallel_loop3A_482 = arith.cmpi eq, %iota3A, %parallel_loop3A_481 : vector<16xi32>
        %parallel_loop3A_483 = arith.select %parallel_loop3A_482, %parallel_loop3A_473, %parallel_loop3A_453 : vector<16xi1>, vector<16xf32>
        %parallel_loop3A_484 = arith.constant 1 : i32
        %parallel_loop3A_485 = arith.index_cast %parallel_loop3A_484 : i32 to index
        %parallel_loop3A_486 = arith.index_cast %parallel_loop3A_423 : i32 to index
        %parallel_loop3A_487 = arith.constant 32 : index
        %parallel_loop3A_488 = tpu.vector_load %arg7[%parallel_loop3A_485, %parallel_loop3A_486, %parallel_loop3A_487] {strides = array<i32>} : memref<2x40x128xf32, #tpu.memory_space<vmem>>, vector<16xf32>,
        %parallel_loop3A_489 = arith.constant 1 : i32
        %parallel_loop3A_490 = arith.index_cast %parallel_loop3A_489 : i32 to index
        %parallel_loop3A_491 = arith.index_cast %parallel_loop3A_423 : i32 to index
        %parallel_loop3A_492 = arith.constant 32 : index
        %parallel_loop3A_493 = tpu.vector_load %arg8[%parallel_loop3A_490, %parallel_loop3A_491, %parallel_loop3A_492] {strides = array<i32>} : memref<2x40x128xf32, #tpu.memory_space<vmem>>, vector<16xf32>,
        %parallel_loop3A_494 = arith.mulf %parallel_loop3A_488, %parallel_loop3A_493 : vector<16xf32>
        %parallel_loop3A_495 = arith.constant true
        %parallel_loop3A_496 = vector.broadcast %parallel_loop3A_495 : i1 to vector<16xi1>
        %parallel_loop3A_497 = tpu.scan <sum>, %parallel_loop3A_494 masked %parallel_loop3A_496 : vector<16xf32>, vector<16xi1> -> vector<16xf32>
        %parallel_loop3A_498 = vector.shape_cast %broadcast_in_dim3A_131 : vector<16x1xi32> to vector<16xi32>
        %parallel_loop3A_499 = tpu.dynamic_gather %parallel_loop3A_497[%parallel_loop3A_498] in [0] : vector<16xf32>, vector<16xi32> -> vector<16xf32>
        %parallel_loop3A_500 = arith.constant 2.500000e-01 : f32
        %parallel_loop3A_501 = vector.broadcast %parallel_loop3A_500 : f32 to vector<16xf32>
        %parallel_loop3A_502 = arith.mulf %parallel_loop3A_499, %parallel_loop3A_501 : vector<16xf32>
        %parallel_loop3A_503 = math.exp %parallel_loop3A_502 : vector<16xf32>
        %parallel_loop3A_504 = arith.mulf %parallel_loop3A_503, %parallel_loop3A_488 : vector<16xf32>
        %parallel_loop3A_505 = arith.constant 1 : i32
        %parallel_loop3A_506 = arith.index_cast %parallel_loop3A_505 : i32 to index
        %parallel_loop3A_507 = arith.index_cast %parallel_loop3A_423 : i32 to index
        %parallel_loop3A_508 = arith.constant 32 : index
        %parallel_loop3A_509 = tpu.vector_load %arg9[%parallel_loop3A_506, %parallel_loop3A_507, %parallel_loop3A_508] {strides = array<i32>} : memref<2x40x144xf32, #tpu.memory_space<vmem>>, vector<16xf32>,
        tpu.vector_store %arg9[%parallel_loop3A_506, %parallel_loop3A_507, %parallel_loop3A_508], %parallel_loop3A_504 {strides = array<i32>} : memref<2x40x144xf32, #tpu.memory_space<vmem>>, vector<16xf32>,
        %parallel_loop3A_510 = arith.constant 2 : i32
        %parallel_loop3A_511 = vector.broadcast %parallel_loop3A_510 : i32 to vector<16xi32>
        %parallel_loop3A_512 = arith.cmpi eq, %iota3A, %parallel_loop3A_511 : vector<16xi32>
        %parallel_loop3A_513 = arith.select %parallel_loop3A_512, %parallel_loop3A_503, %parallel_loop3A_483 : vector<16xi1>, vector<16xf32>
        %parallel_loop3A_514 = arith.constant 1 : i32
        %parallel_loop3A_515 = arith.index_cast %parallel_loop3A_514 : i32 to index
        %parallel_loop3A_516 = arith.index_cast %parallel_loop3A_423 : i32 to index
        %parallel_loop3A_517 = arith.constant 48 : index
        %parallel_loop3A_518 = tpu.vector_load %arg7[%parallel_loop3A_515, %parallel_loop3A_516, %parallel_loop3A_517] {strides = array<i32>} : memref<2x40x128xf32, #tpu.memory_space<vmem>>, vector<16xf32>,
        %parallel_loop3A_519 = arith.constant 1 : i32
        %parallel_loop3A_520 = arith.index_cast %parallel_loop3A_519 : i32 to index
        %parallel_loop3A_521 = arith.index_cast %parallel_loop3A_423 : i32 to index
        %parallel_loop3A_522 = arith.constant 48 : index
        %parallel_loop3A_523 = tpu.vector_load %arg8[%parallel_loop3A_520, %parallel_loop3A_521, %parallel_loop3A_522] {strides = array<i32>} : memref<2x40x128xf32, #tpu.memory_space<vmem>>, vector<16xf32>,
        %parallel_loop3A_524 = arith.mulf %parallel_loop3A_518, %parallel_loop3A_523 : vector<16xf32>
        %parallel_loop3A_525 = arith.constant true
        %parallel_loop3A_526 = vector.broadcast %parallel_loop3A_525 : i1 to vector<16xi1>
        %parallel_loop3A_527 = tpu.scan <sum>, %parallel_loop3A_524 masked %parallel_loop3A_526 : vector<16xf32>, vector<16xi1> -> vector<16xf32>
        %parallel_loop3A_528 = vector.shape_cast %broadcast_in_dim3A_131 : vector<16x1xi32> to vector<16xi32>
        %parallel_loop3A_529 = tpu.dynamic_gather %parallel_loop3A_527[%parallel_loop3A_528] in [0] : vector<16xf32>, vector<16xi32> -> vector<16xf32>
        %parallel_loop3A_530 = arith.constant 2.500000e-01 : f32
        %parallel_loop3A_531 = vector.broadcast %parallel_loop3A_530 : f32 to vector<16xf32>
        %parallel_loop3A_532 = arith.mulf %parallel_loop3A_529, %parallel_loop3A_531 : vector<16xf32>
        %parallel_loop3A_533 = math.exp %parallel_loop3A_532 : vector<16xf32>
        %parallel_loop3A_534 = arith.mulf %parallel_loop3A_533, %parallel_loop3A_518 : vector<16xf32>
        %parallel_loop3A_535 = arith.constant 1 : i32
        %parallel_loop3A_536 = arith.index_cast %parallel_loop3A_535 : i32 to index
        %parallel_loop3A_537 = arith.index_cast %parallel_loop3A_423 : i32 to index
        %parallel_loop3A_538 = arith.constant 48 : index
        %parallel_loop3A_539 = tpu.vector_load %arg9[%parallel_loop3A_536, %parallel_loop3A_537, %parallel_loop3A_538] {strides = array<i32>} : memref<2x40x144xf32, #tpu.memory_space<vmem>>, vector<16xf32>,
        tpu.vector_store %arg9[%parallel_loop3A_536, %parallel_loop3A_537, %parallel_loop3A_538], %parallel_loop3A_534 {strides = array<i32>} : memref<2x40x144xf32, #tpu.memory_space<vmem>>, vector<16xf32>,
        %parallel_loop3A_540 = arith.constant 3 : i32
        %parallel_loop3A_541 = vector.broadcast %parallel_loop3A_540 : i32 to vector<16xi32>
        %parallel_loop3A_542 = arith.cmpi eq, %iota3A, %parallel_loop3A_541 : vector<16xi32>
        %parallel_loop3A_543 = arith.select %parallel_loop3A_542, %parallel_loop3A_533, %parallel_loop3A_513 : vector<16xi1>, vector<16xf32>
        %parallel_loop3A_544 = arith.constant 1 : i32
        %parallel_loop3A_545 = arith.index_cast %parallel_loop3A_544 : i32 to index
        %parallel_loop3A_546 = arith.index_cast %parallel_loop3A_423 : i32 to index
        %parallel_loop3A_547 = arith.constant 64 : index
        %parallel_loop3A_548 = tpu.vector_load %arg7[%parallel_loop3A_545, %parallel_loop3A_546, %parallel_loop3A_547] {strides = array<i32>} : memref<2x40x128xf32, #tpu.memory_space<vmem>>, vector<16xf32>,
        %parallel_loop3A_549 = arith.constant 1 : i32
        %parallel_loop3A_550 = arith.index_cast %parallel_loop3A_549 : i32 to index
        %parallel_loop3A_551 = arith.index_cast %parallel_loop3A_423 : i32 to index
        %parallel_loop3A_552 = arith.constant 64 : index
        %parallel_loop3A_553 = tpu.vector_load %arg8[%parallel_loop3A_550, %parallel_loop3A_551, %parallel_loop3A_552] {strides = array<i32>} : memref<2x40x128xf32, #tpu.memory_space<vmem>>, vector<16xf32>,
        %parallel_loop3A_554 = arith.mulf %parallel_loop3A_548, %parallel_loop3A_553 : vector<16xf32>
        %parallel_loop3A_555 = arith.constant true
        %parallel_loop3A_556 = vector.broadcast %parallel_loop3A_555 : i1 to vector<16xi1>
        %parallel_loop3A_557 = tpu.scan <sum>, %parallel_loop3A_554 masked %parallel_loop3A_556 : vector<16xf32>, vector<16xi1> -> vector<16xf32>
        %parallel_loop3A_558 = vector.shape_cast %broadcast_in_dim3A_131 : vector<16x1xi32> to vector<16xi32>
        %parallel_loop3A_559 = tpu.dynamic_gather %parallel_loop3A_557[%parallel_loop3A_558] in [0] : vector<16xf32>, vector<16xi32> -> vector<16xf32>
        %parallel_loop3A_560 = arith.constant 2.500000e-01 : f32
        %parallel_loop3A_561 = vector.broadcast %parallel_loop3A_560 : f32 to vector<16xf32>
        %parallel_loop3A_562 = arith.mulf %parallel_loop3A_559, %parallel_loop3A_561 : vector<16xf32>
        %parallel_loop3A_563 = math.exp %parallel_loop3A_562 : vector<16xf32>
        %parallel_loop3A_564 = arith.mulf %parallel_loop3A_563, %parallel_loop3A_548 : vector<16xf32>
        %parallel_loop3A_565 = arith.constant 1 : i32
        %parallel_loop3A_566 = arith.index_cast %parallel_loop3A_565 : i32 to index
        %parallel_loop3A_567 = arith.index_cast %parallel_loop3A_423 : i32 to index
        %parallel_loop3A_568 = arith.constant 64 : index
        %parallel_loop3A_569 = tpu.vector_load %arg9[%parallel_loop3A_566, %parallel_loop3A_567, %parallel_loop3A_568] {strides = array<i32>} : memref<2x40x144xf32, #tpu.memory_space<vmem>>, vector<16xf32>,
        tpu.vector_store %arg9[%parallel_loop3A_566, %parallel_loop3A_567, %parallel_loop3A_568], %parallel_loop3A_564 {strides = array<i32>} : memref<2x40x144xf32, #tpu.memory_space<vmem>>, vector<16xf32>,
        %parallel_loop3A_570 = arith.constant 4 : i32
        %parallel_loop3A_571 = vector.broadcast %parallel_loop3A_570 : i32 to vector<16xi32>
        %parallel_loop3A_572 = arith.cmpi eq, %iota3A, %parallel_loop3A_571 : vector<16xi32>
        %parallel_loop3A_573 = arith.select %parallel_loop3A_572, %parallel_loop3A_563, %parallel_loop3A_543 : vector<16xi1>, vector<16xf32>
        %parallel_loop3A_574 = arith.constant 1 : i32
        %parallel_loop3A_575 = arith.index_cast %parallel_loop3A_574 : i32 to index
        %parallel_loop3A_576 = arith.index_cast %parallel_loop3A_423 : i32 to index
        %parallel_loop3A_577 = arith.constant 80 : index
        %parallel_loop3A_578 = tpu.vector_load %arg7[%parallel_loop3A_575, %parallel_loop3A_576, %parallel_loop3A_577] {strides = array<i32>} : memref<2x40x128xf32, #tpu.memory_space<vmem>>, vector<16xf32>,
        %parallel_loop3A_579 = arith.constant 1 : i32
        %parallel_loop3A_580 = arith.index_cast %parallel_loop3A_579 : i32 to index
        %parallel_loop3A_581 = arith.index_cast %parallel_loop3A_423 : i32 to index
        %parallel_loop3A_582 = arith.constant 80 : index
        %parallel_loop3A_583 = tpu.vector_load %arg8[%parallel_loop3A_580, %parallel_loop3A_581, %parallel_loop3A_582] {strides = array<i32>} : memref<2x40x128xf32, #tpu.memory_space<vmem>>, vector<16xf32>,
        %parallel_loop3A_584 = arith.mulf %parallel_loop3A_578, %parallel_loop3A_583 : vector<16xf32>
        %parallel_loop3A_585 = arith.constant true
        %parallel_loop3A_586 = vector.broadcast %parallel_loop3A_585 : i1 to vector<16xi1>
        %parallel_loop3A_587 = tpu.scan <sum>, %parallel_loop3A_584 masked %parallel_loop3A_586 : vector<16xf32>, vector<16xi1> -> vector<16xf32>
        %parallel_loop3A_588 = vector.shape_cast %broadcast_in_dim3A_131 : vector<16x1xi32> to vector<16xi32>
        %parallel_loop3A_589 = tpu.dynamic_gather %parallel_loop3A_587[%parallel_loop3A_588] in [0] : vector<16xf32>, vector<16xi32> -> vector<16xf32>
        %parallel_loop3A_590 = arith.constant 2.500000e-01 : f32
        %parallel_loop3A_591 = vector.broadcast %parallel_loop3A_590 : f32 to vector<16xf32>
        %parallel_loop3A_592 = arith.mulf %parallel_loop3A_589, %parallel_loop3A_591 : vector<16xf32>
        %parallel_loop3A_593 = math.exp %parallel_loop3A_592 : vector<16xf32>
        %parallel_loop3A_594 = arith.mulf %parallel_loop3A_593, %parallel_loop3A_578 : vector<16xf32>
        %parallel_loop3A_595 = arith.constant 1 : i32
        %parallel_loop3A_596 = arith.index_cast %parallel_loop3A_595 : i32 to index
        %parallel_loop3A_597 = arith.index_cast %parallel_loop3A_423 : i32 to index
        %parallel_loop3A_598 = arith.constant 80 : index
        %parallel_loop3A_599 = tpu.vector_load %arg9[%parallel_loop3A_596, %parallel_loop3A_597, %parallel_loop3A_598] {strides = array<i32>} : memref<2x40x144xf32, #tpu.memory_space<vmem>>, vector<16xf32>,
        tpu.vector_store %arg9[%parallel_loop3A_596, %parallel_loop3A_597, %parallel_loop3A_598], %parallel_loop3A_594 {strides = array<i32>} : memref<2x40x144xf32, #tpu.memory_space<vmem>>, vector<16xf32>,
        %parallel_loop3A_600 = arith.constant 5 : i32
        %parallel_loop3A_601 = vector.broadcast %parallel_loop3A_600 : i32 to vector<16xi32>
        %parallel_loop3A_602 = arith.cmpi eq, %iota3A, %parallel_loop3A_601 : vector<16xi32>
        %parallel_loop3A_603 = arith.select %parallel_loop3A_602, %parallel_loop3A_593, %parallel_loop3A_573 : vector<16xi1>, vector<16xf32>
        %parallel_loop3A_604 = arith.constant 1 : i32
        %parallel_loop3A_605 = arith.index_cast %parallel_loop3A_604 : i32 to index
        %parallel_loop3A_606 = arith.index_cast %parallel_loop3A_423 : i32 to index
        %parallel_loop3A_607 = arith.constant 96 : index
        %parallel_loop3A_608 = tpu.vector_load %arg7[%parallel_loop3A_605, %parallel_loop3A_606, %parallel_loop3A_607] {strides = array<i32>} : memref<2x40x128xf32, #tpu.memory_space<vmem>>, vector<16xf32>,
        %parallel_loop3A_609 = arith.constant 1 : i32
        %parallel_loop3A_610 = arith.index_cast %parallel_loop3A_609 : i32 to index
        %parallel_loop3A_611 = arith.index_cast %parallel_loop3A_423 : i32 to index
        %parallel_loop3A_612 = arith.constant 96 : index
        %parallel_loop3A_613 = tpu.vector_load %arg8[%parallel_loop3A_610, %parallel_loop3A_611, %parallel_loop3A_612] {strides = array<i32>} : memref<2x40x128xf32, #tpu.memory_space<vmem>>, vector<16xf32>,
        %parallel_loop3A_614 = arith.mulf %parallel_loop3A_608, %parallel_loop3A_613 : vector<16xf32>
        %parallel_loop3A_615 = arith.constant true
        %parallel_loop3A_616 = vector.broadcast %parallel_loop3A_615 : i1 to vector<16xi1>
        %parallel_loop3A_617 = tpu.scan <sum>, %parallel_loop3A_614 masked %parallel_loop3A_616 : vector<16xf32>, vector<16xi1> -> vector<16xf32>
        %parallel_loop3A_618 = vector.shape_cast %broadcast_in_dim3A_131 : vector<16x1xi32> to vector<16xi32>
        %parallel_loop3A_619 = tpu.dynamic_gather %parallel_loop3A_617[%parallel_loop3A_618] in [0] : vector<16xf32>, vector<16xi32> -> vector<16xf32>
        %parallel_loop3A_620 = arith.constant 2.500000e-01 : f32
        %parallel_loop3A_621 = vector.broadcast %parallel_loop3A_620 : f32 to vector<16xf32>
        %parallel_loop3A_622 = arith.mulf %parallel_loop3A_619, %parallel_loop3A_621 : vector<16xf32>
        %parallel_loop3A_623 = math.exp %parallel_loop3A_622 : vector<16xf32>
        %parallel_loop3A_624 = arith.mulf %parallel_loop3A_623, %parallel_loop3A_608 : vector<16xf32>
        %parallel_loop3A_625 = arith.constant 1 : i32
        %parallel_loop3A_626 = arith.index_cast %parallel_loop3A_625 : i32 to index
        %parallel_loop3A_627 = arith.index_cast %parallel_loop3A_423 : i32 to index
        %parallel_loop3A_628 = arith.constant 96 : index
        %parallel_loop3A_629 = tpu.vector_load %arg9[%parallel_loop3A_626, %parallel_loop3A_627, %parallel_loop3A_628] {strides = array<i32>} : memref<2x40x144xf32, #tpu.memory_space<vmem>>, vector<16xf32>,
        tpu.vector_store %arg9[%parallel_loop3A_626, %parallel_loop3A_627, %parallel_loop3A_628], %parallel_loop3A_624 {strides = array<i32>} : memref<2x40x144xf32, #tpu.memory_space<vmem>>, vector<16xf32>,
        %parallel_loop3A_630 = arith.constant 6 : i32
        %parallel_loop3A_631 = vector.broadcast %parallel_loop3A_630 : i32 to vector<16xi32>
        %parallel_loop3A_632 = arith.cmpi eq, %iota3A, %parallel_loop3A_631 : vector<16xi32>
        %parallel_loop3A_633 = arith.select %parallel_loop3A_632, %parallel_loop3A_623, %parallel_loop3A_603 : vector<16xi1>, vector<16xf32>
        %parallel_loop3A_634 = arith.constant 1 : i32
        %parallel_loop3A_635 = arith.index_cast %parallel_loop3A_634 : i32 to index
        %parallel_loop3A_636 = arith.index_cast %parallel_loop3A_423 : i32 to index
        %parallel_loop3A_637 = arith.constant 112 : index
        %parallel_loop3A_638 = tpu.vector_load %arg7[%parallel_loop3A_635, %parallel_loop3A_636, %parallel_loop3A_637] {strides = array<i32>} : memref<2x40x128xf32, #tpu.memory_space<vmem>>, vector<16xf32>,
        %parallel_loop3A_639 = arith.constant 1 : i32
        %parallel_loop3A_640 = arith.index_cast %parallel_loop3A_639 : i32 to index
        %parallel_loop3A_641 = arith.index_cast %parallel_loop3A_423 : i32 to index
        %parallel_loop3A_642 = arith.constant 112 : index
        %parallel_loop3A_643 = tpu.vector_load %arg8[%parallel_loop3A_640, %parallel_loop3A_641, %parallel_loop3A_642] {strides = array<i32>} : memref<2x40x128xf32, #tpu.memory_space<vmem>>, vector<16xf32>,
        %parallel_loop3A_644 = arith.mulf %parallel_loop3A_638, %parallel_loop3A_643 : vector<16xf32>
        %parallel_loop3A_645 = arith.constant true
        %parallel_loop3A_646 = vector.broadcast %parallel_loop3A_645 : i1 to vector<16xi1>
        %parallel_loop3A_647 = tpu.scan <sum>, %parallel_loop3A_644 masked %parallel_loop3A_646 : vector<16xf32>, vector<16xi1> -> vector<16xf32>
        %parallel_loop3A_648 = vector.shape_cast %broadcast_in_dim3A_131 : vector<16x1xi32> to vector<16xi32>
        %parallel_loop3A_649 = tpu.dynamic_gather %parallel_loop3A_647[%parallel_loop3A_648] in [0] : vector<16xf32>, vector<16xi32> -> vector<16xf32>
        %parallel_loop3A_650 = arith.constant 2.500000e-01 : f32
        %parallel_loop3A_651 = vector.broadcast %parallel_loop3A_650 : f32 to vector<16xf32>
        %parallel_loop3A_652 = arith.mulf %parallel_loop3A_649, %parallel_loop3A_651 : vector<16xf32>
        %parallel_loop3A_653 = math.exp %parallel_loop3A_652 : vector<16xf32>
        %parallel_loop3A_654 = arith.mulf %parallel_loop3A_653, %parallel_loop3A_638 : vector<16xf32>
        %parallel_loop3A_655 = arith.constant 1 : i32
        %parallel_loop3A_656 = arith.index_cast %parallel_loop3A_655 : i32 to index
        %parallel_loop3A_657 = arith.index_cast %parallel_loop3A_423 : i32 to index
        %parallel_loop3A_658 = arith.constant 112 : index
        %parallel_loop3A_659 = tpu.vector_load %arg9[%parallel_loop3A_656, %parallel_loop3A_657, %parallel_loop3A_658] {strides = array<i32>} : memref<2x40x144xf32, #tpu.memory_space<vmem>>, vector<16xf32>,
        tpu.vector_store %arg9[%parallel_loop3A_656, %parallel_loop3A_657, %parallel_loop3A_658], %parallel_loop3A_654 {strides = array<i32>} : memref<2x40x144xf32, #tpu.memory_space<vmem>>, vector<16xf32>,
        %parallel_loop3A_660 = arith.constant 7 : i32
        %parallel_loop3A_661 = vector.broadcast %parallel_loop3A_660 : i32 to vector<16xi32>
        %parallel_loop3A_662 = arith.cmpi eq, %iota3A, %parallel_loop3A_661 : vector<16xi32>
        %parallel_loop3A_663 = arith.select %parallel_loop3A_662, %parallel_loop3A_653, %parallel_loop3A_633 : vector<16xi1>, vector<16xf32>
        %parallel_loop3A_664 = arith.constant 1 : i32
        %parallel_loop3A_665 = arith.index_cast %parallel_loop3A_664 : i32 to index
        %parallel_loop3A_666 = arith.index_cast %parallel_loop3A_423 : i32 to index
        %parallel_loop3A_667 = arith.constant 128 : index
        %parallel_loop3A_668 = tpu.vector_load %arg9[%parallel_loop3A_665, %parallel_loop3A_666, %parallel_loop3A_667] {strides = array<i32>} : memref<2x40x144xf32, #tpu.memory_space<vmem>>, vector<16xf32>,
        tpu.vector_store %arg9[%parallel_loop3A_665, %parallel_loop3A_666, %parallel_loop3A_667], %parallel_loop3A_663 {strides = array<i32>} : memref<2x40x144xf32, #tpu.memory_space<vmem>>, vector<16xf32>,
      } {sc.loop_unroll_factor = 5 : i64, sc.parallel_access}
      %add3A_377 = arith.constant 0 : i32
      %add3A_378 = arith.addi %mul3A_348, %add3A_377 : i32
      %get3A_379 = arith.index_cast %select_n3A_330 : i32 to index
      %get3A_380 = arith.index_cast %add3A_378 : i32 to index
      %get3A_381 = tpu.vector_load %arg6[%get3A_379, %get3A_380] {strides = array<i32>} : memref<2x1000xi32, #tpu.memory_space<vmem>>, vector<16xi32>,
      %swap3A_382 = arith.constant 1 : i32
      %swap3A_383 = arith.index_cast %swap3A_382 : i32 to index
      %swap3A_384 = arith.constant 0 : index
      %swap3A_385 = tpu.vector_load %arg10[%swap3A_383, %swap3A_384] {strides = array<i32>} : memref<2x40xi32, #tpu.memory_space<vmem>>, vector<16xi32>,
      tpu.vector_store %arg10[%swap3A_383, %swap3A_384], %get3A_381 {strides = array<i32>} : memref<2x40xi32, #tpu.memory_space<vmem>>, vector<16xi32>,
      %add3A_386 = arith.constant 16 : i32
      %add3A_387 = arith.addi %mul3A_348, %add3A_386 : i32
      %get3A_388 = arith.index_cast %select_n3A_330 : i32 to index
      %get3A_389 = arith.index_cast %add3A_387 : i32 to index
      %get3A_390 = tpu.vector_load %arg6[%get3A_388, %get3A_389] {strides = array<i32>} : memref<2x1000xi32, #tpu.memory_space<vmem>>, vector<16xi32>,
      %swap3A_391 = arith.constant 1 : i32
      %swap3A_392 = arith.index_cast %swap3A_391 : i32 to index
      %swap3A_393 = arith.constant 16 : index
      %swap3A_394 = tpu.vector_load %arg10[%swap3A_392, %swap3A_393] {strides = array<i32>} : memref<2x40xi32, #tpu.memory_space<vmem>>, vector<16xi32>,
      tpu.vector_store %arg10[%swap3A_392, %swap3A_393], %get3A_390 {strides = array<i32>} : memref<2x40xi32, #tpu.memory_space<vmem>>, vector<16xi32>,
      %add3A_395 = arith.constant 24 : i32
      %add3A_396 = arith.addi %mul3A_348, %add3A_395 : i32
      %get3A_397 = arith.index_cast %select_n3A_330 : i32 to index
      %get3A_398 = arith.index_cast %add3A_396 : i32 to index
      %get3A_399 = tpu.vector_load %arg6[%get3A_397, %get3A_398] {strides = array<i32>} : memref<2x1000xi32, #tpu.memory_space<vmem>>, vector<16xi32>,
      %swap3A_400 = arith.constant 1 : i32
      %swap3A_401 = arith.index_cast %swap3A_400 : i32 to index
      %swap3A_402 = arith.constant 24 : index
      %swap3A_403 = tpu.vector_load %arg10[%swap3A_401, %swap3A_402] {strides = array<i32>} : memref<2x40xi32, #tpu.memory_space<vmem>>, vector<16xi32>,
      tpu.vector_store %arg10[%swap3A_401, %swap3A_402], %get3A_399 {strides = array<i32>} : memref<2x40xi32, #tpu.memory_space<vmem>>, vector<16xi32>,
      %dma_start3A_404 = arith.constant 1 : i32
      %dma_start3A_405 = arith.constant 1 : i32
      %dma_start3A_406 = arith.constant 0 : i32
      %dma_start3A_407 = arith.constant 0 : i32
      %dma_start3A_408 = tpu.memref_slice %arg9[%dma_start3A_404, %dma_start3A_406, %dma_start3A_407] : memref<2x40x144xf32, #tpu.memory_space<vmem>> -> memref<1x40x144xf32, #tpu.memory_space<vmem>>
      %dma_start3A_409 = tpu.memref_squeeze %dma_start3A_408 : memref<1x40x144xf32, #tpu.memory_space<vmem>> -> memref<40x144xf32, #tpu.memory_space<vmem>>
      %dma_start3A_410 = arith.constant 0 : i32
      %dma_start3A_411 = tpu.memref_slice %arg10[%dma_start3A_405, %dma_start3A_410] : memref<2x40xi32, #tpu.memory_space<vmem>> -> memref<1x40xi32, #tpu.memory_space<vmem>>
      %dma_start3A_412 = tpu.memref_squeeze %dma_start3A_411 : memref<1x40xi32, #tpu.memory_space<vmem>> -> memref<40xi32, #tpu.memory_space<vmem>>
      %dma_start3A_413 = arith.constant 0 : i32
      %dma_start3A_414 = arith.constant 0 : i32
      %dma_start3A_415 = tpu.memref_slice %arg12[%dma_start3A_413, %dma_start3A_414] : memref<10000x144xf32, #tpu.memory_space<vmem_shared>> -> memref<10000x144xf32, #tpu.memory_space<vmem_shared>>
      tpu.enqueue_indirect_dma source(%dma_start3A_409 : memref<40x144xf32, #tpu.memory_space<vmem>>) target(%dma_start3A_415 : memref<10000x144xf32, #tpu.memory_space<vmem_shared>>) offsets(%dma_start3A_412 : memref<40xi32, #tpu.memory_space<vmem>>) semaphore(%arg16 : memref<!tpu.dma_semaphore, #tpu.memory_space<semaphore_mem>>) {add = true}
      %add3A_416 = arith.constant 2 : i32
      %add3A_417 = arith.addi %add3A_290, %add3A_416 : i32
      %lt3A_418 = arith.constant 250 : i32
      %lt3A_419 = arith.cmpi slt, %add3A_417, %lt3A_418 : i32
      %convert_element_type3A_420 = arith.extui %lt3A_419 : i1 to i32
      %cond3A_421 = arith.constant 0 : i32
      %cond3A_422 = arith.cmpi ne, %convert_element_type3A_420, %cond3A_421 : i32
      scf.if %cond3A_422 {
        %jit3A_423 = arith.constant 25 : i32
        %div3A_424 = arith.divsi %add3A_417, %jit3A_423 : i32
        %sign3A_425 = arith.constant 0 : i32
        %sign3A_426 = arith.cmpi sgt, %add3A_417, %sign3A_425 : i32
        %sign3A_427 = arith.extui %sign3A_426 : i1 to i32
        %sign3A_428 = arith.constant 0 : i32
        %sign3A_429 = arith.cmpi slt, %add3A_417, %sign3A_428 : i32
        %sign3A_430 = arith.extui %sign3A_429 : i1 to i32
        %sign3A_431 = arith.subi %sign3A_427, %sign3A_430 : i32
        %sign3A_432 = arith.constant 0 : i32
        %sign3A_433 = arith.cmpi sgt, %jit3A_423, %sign3A_432 : i32
        %sign3A_434 = arith.extui %sign3A_433 : i1 to i32
        %sign3A_435 = arith.constant 0 : i32
        %sign3A_436 = arith.cmpi slt, %jit3A_423, %sign3A_435 : i32
        %sign3A_437 = arith.extui %sign3A_436 : i1 to i32
        %sign3A_438 = arith.subi %sign3A_434, %sign3A_437 : i32
        %ne3A_439 = arith.cmpi ne, %sign3A_431, %sign3A_438 : i32
        %rem3A_440 = arith.remsi %add3A_417, %jit3A_423 : i32
        %ne3A_441 = arith.constant 0 : i32
        %ne3A_442 = arith.cmpi ne, %rem3A_440, %ne3A_441 : i32
        %and3A_443 = arith.andi %ne3A_439, %ne3A_442 : i1
        %sub3A_444 = arith.constant 1 : i32
        %sub3A_445 = arith.subi %div3A_424, %sub3A_444 : i32
        %select_n3A_446 = arith.select %and3A_443, %sub3A_445, %div3A_424 : i32
        %jit3A_447 = arith.constant 25 : i32
        %eq3A_448 = arith.constant 0 : i32
        %eq3A_449 = arith.cmpi eq, %jit3A_447, %eq3A_448 : i32
        %jit3A_450 = arith.constant 1 : i32
        %select_n3A_451 = arith.select %eq3A_449, %jit3A_450, %jit3A_447 : i32
        %rem3A_452 = arith.remsi %add3A_417, %select_n3A_451 : i32
        %ne3A_453 = arith.constant 0 : i32
        %ne3A_454 = arith.cmpi ne, %rem3A_452, %ne3A_453 : i32
        %lt3A_455 = arith.constant 0 : i32
        %lt3A_456 = arith.cmpi slt, %rem3A_452, %lt3A_455 : i32
        %lt3A_457 = arith.constant 0 : i32
        %lt3A_458 = arith.cmpi slt, %select_n3A_451, %lt3A_457 : i32
        %ne3A_459 = arith.xori %lt3A_456, %lt3A_458 : i1
        %and3A_460 = arith.andi %ne3A_459, %ne3A_454 : i1
        %add3A_461 = arith.addi %rem3A_452, %select_n3A_451 : i32
        %select_n3A_462 = arith.select %and3A_460, %add3A_461, %rem3A_452 : i32
        %eq3A_463 = arith.constant 0 : i32
        %eq3A_464 = arith.cmpi eq, %select_n3A_462, %eq3A_463 : i32
        %convert_element_type3A_465 = arith.extui %eq3A_464 : i1 to i32
        %cond3A_466 = arith.constant 0 : i32
        %cond3A_467 = arith.cmpi ne, %convert_element_type3A_465, %cond3A_466 : i32
        scf.if %cond3A_467 {
          %jit3A_572 = arith.constant 2 : i32
          %eq3A_573 = arith.constant 0 : i32
          %eq3A_574 = arith.cmpi eq, %jit3A_572, %eq3A_573 : i32
          %jit3A_575 = arith.constant 1 : i32
          %select_n3A_576 = arith.select %eq3A_574, %jit3A_575, %jit3A_572 : i32
          %rem3A_577 = arith.remsi %select_n3A_446, %select_n3A_576 : i32
          %ne3A_578 = arith.constant 0 : i32
          %ne3A_579 = arith.cmpi ne, %rem3A_577, %ne3A_578 : i32
          %lt3A_580 = arith.constant 0 : i32
          %lt3A_581 = arith.cmpi slt, %rem3A_577, %lt3A_580 : i32
          %lt3A_582 = arith.constant 0 : i32
          %lt3A_583 = arith.cmpi slt, %select_n3A_576, %lt3A_582 : i32
          %ne3A_584 = arith.xori %lt3A_581, %lt3A_583 : i1
          %and3A_585 = arith.andi %ne3A_584, %ne3A_579 : i1
          %add3A_586 = arith.addi %rem3A_577, %select_n3A_576 : i32
          %select_n3A_587 = arith.select %and3A_585, %add3A_586, %rem3A_577 : i32
          %mul3A_588 = arith.constant 1000 : i32
          %mul3A_589 = arith.muli %select_n3A_446, %mul3A_588 : i32
          %add3A_590 = arith.addi %mul3A_2, %mul3A_589 : i32
          %dma_wait3A_591 = arith.constant 0 : i32
          %dma_wait3A_592 = tpu.memref_slice %arg5[%select_n3A_587, %dma_wait3A_591] : memref<2x1000xi32, #tpu.memory_space<vmem>> -> memref<1x1000xi32, #tpu.memory_space<vmem>>
          %dma_wait3A_593 = tpu.memref_squeeze %dma_wait3A_592 : memref<1x1000xi32, #tpu.memory_space<vmem>> -> memref<1000xi32, #tpu.memory_space<vmem>>
          %dma_wait3A_594 = tpu.memref_slice %arg3[%add3A_590] : memref<640000xi32, #tpu.memory_space<hbm>> -> memref<1000xi32, #tpu.memory_space<hbm>>
          %dma_wait3A_595 = arith.constant 0 : i32
          %dma_wait3A_596 = tpu.memref_slice %arg5[%select_n3A_587, %dma_wait3A_595] : memref<2x1000xi32, #tpu.memory_space<vmem>> -> memref<1x1000xi32, #tpu.memory_space<vmem>>
          %dma_wait3A_597 = tpu.memref_squeeze %dma_wait3A_596 : memref<1x1000xi32, #tpu.memory_space<vmem>> -> memref<1000xi32, #tpu.memory_space<vmem>>
          %dma_wait3A_598 = tpu.memref_slice %arg3[%add3A_590] : memref<640000xi32, #tpu.memory_space<hbm>> -> memref<1000xi32, #tpu.memory_space<hbm>>
          tpu.wait_dma2 semaphore(%arg17 : memref<!tpu.dma_semaphore, #tpu.memory_space<semaphore_mem>>) src(%dma_wait3A_598 : memref<1000xi32, #tpu.memory_space<hbm>>) dst(%dma_wait3A_597 : memref<1000xi32, #tpu.memory_space<vmem>>)
          %add3A_599 = arith.constant 320000 : i32
          %add3A_600 = arith.addi %add3A_599, %add3A_590 : i32
          %dma_wait3A_601 = arith.constant 0 : i32
          %dma_wait3A_602 = tpu.memref_slice %arg6[%select_n3A_587, %dma_wait3A_601] : memref<2x1000xi32, #tpu.memory_space<vmem>> -> memref<1x1000xi32, #tpu.memory_space<vmem>>
          %dma_wait3A_603 = tpu.memref_squeeze %dma_wait3A_602 : memref<1x1000xi32, #tpu.memory_space<vmem>> -> memref<1000xi32, #tpu.memory_space<vmem>>
          %dma_wait3A_604 = tpu.memref_slice %arg3[%add3A_600] : memref<640000xi32, #tpu.memory_space<hbm>> -> memref<1000xi32, #tpu.memory_space<hbm>>
          %dma_wait3A_605 = arith.constant 0 : i32
          %dma_wait3A_606 = tpu.memref_slice %arg6[%select_n3A_587, %dma_wait3A_605] : memref<2x1000xi32, #tpu.memory_space<vmem>> -> memref<1x1000xi32, #tpu.memory_space<vmem>>
          %dma_wait3A_607 = tpu.memref_squeeze %dma_wait3A_606 : memref<1x1000xi32, #tpu.memory_space<vmem>> -> memref<1000xi32, #tpu.memory_space<vmem>>
          %dma_wait3A_608 = tpu.memref_slice %arg3[%add3A_600] : memref<640000xi32, #tpu.memory_space<hbm>> -> memref<1000xi32, #tpu.memory_space<hbm>>
          tpu.wait_dma2 semaphore(%arg17 : memref<!tpu.dma_semaphore, #tpu.memory_space<semaphore_mem>>) src(%dma_wait3A_608 : memref<1000xi32, #tpu.memory_space<hbm>>) dst(%dma_wait3A_607 : memref<1000xi32, #tpu.memory_space<vmem>>)
        } else {
        }
        %jit3A_468 = arith.constant 25 : i32
        %div3A_469 = arith.divsi %add3A_417, %jit3A_468 : i32
        %sign3A_470 = arith.constant 0 : i32
        %sign3A_471 = arith.cmpi sgt, %add3A_417, %sign3A_470 : i32
        %sign3A_472 = arith.extui %sign3A_471 : i1 to i32
        %sign3A_473 = arith.constant 0 : i32
        %sign3A_474 = arith.cmpi slt, %add3A_417, %sign3A_473 : i32
        %sign3A_475 = arith.extui %sign3A_474 : i1 to i32
        %sign3A_476 = arith.subi %sign3A_472, %sign3A_475 : i32
        %sign3A_477 = arith.constant 0 : i32
        %sign3A_478 = arith.cmpi sgt, %jit3A_468, %sign3A_477 : i32
        %sign3A_479 = arith.extui %sign3A_478 : i1 to i32
        %sign3A_480 = arith.constant 0 : i32
        %sign3A_481 = arith.cmpi slt, %jit3A_468, %sign3A_480 : i32
        %sign3A_482 = arith.extui %sign3A_481 : i1 to i32
        %sign3A_483 = arith.subi %sign3A_479, %sign3A_482 : i32
        %ne3A_484 = arith.cmpi ne, %sign3A_476, %sign3A_483 : i32
        %rem3A_485 = arith.remsi %add3A_417, %jit3A_468 : i32
        %ne3A_486 = arith.constant 0 : i32
        %ne3A_487 = arith.cmpi ne, %rem3A_485, %ne3A_486 : i32
        %and3A_488 = arith.andi %ne3A_484, %ne3A_487 : i1
        %sub3A_489 = arith.constant 1 : i32
        %sub3A_490 = arith.subi %div3A_469, %sub3A_489 : i32
        %select_n3A_491 = arith.select %and3A_488, %sub3A_490, %div3A_469 : i32
        %jit3A_492 = arith.constant 2 : i32
        %eq3A_493 = arith.constant 0 : i32
        %eq3A_494 = arith.cmpi eq, %jit3A_492, %eq3A_493 : i32
        %jit3A_495 = arith.constant 1 : i32
        %select_n3A_496 = arith.select %eq3A_494, %jit3A_495, %jit3A_492 : i32
        %rem3A_497 = arith.remsi %select_n3A_491, %select_n3A_496 : i32
        %ne3A_498 = arith.constant 0 : i32
        %ne3A_499 = arith.cmpi ne, %rem3A_497, %ne3A_498 : i32
        %lt3A_500 = arith.constant 0 : i32
        %lt3A_501 = arith.cmpi slt, %rem3A_497, %lt3A_500 : i32
        %lt3A_502 = arith.constant 0 : i32
        %lt3A_503 = arith.cmpi slt, %select_n3A_496, %lt3A_502 : i32
        %ne3A_504 = arith.xori %lt3A_501, %lt3A_503 : i1
        %and3A_505 = arith.andi %ne3A_504, %ne3A_499 : i1
        %add3A_506 = arith.addi %rem3A_497, %select_n3A_496 : i32
        %select_n3A_507 = arith.select %and3A_505, %add3A_506, %rem3A_497 : i32
        %jit3A_508 = arith.constant 25 : i32
        %eq3A_509 = arith.constant 0 : i32
        %eq3A_510 = arith.cmpi eq, %jit3A_508, %eq3A_509 : i32
        %jit3A_511 = arith.constant 1 : i32
        %select_n3A_512 = arith.select %eq3A_510, %jit3A_511, %jit3A_508 : i32
        %rem3A_513 = arith.remsi %add3A_417, %select_n3A_512 : i32
        %ne3A_514 = arith.constant 0 : i32
        %ne3A_515 = arith.cmpi ne, %rem3A_513, %ne3A_514 : i32
        %lt3A_516 = arith.constant 0 : i32
        %lt3A_517 = arith.cmpi slt, %rem3A_513, %lt3A_516 : i32
        %lt3A_518 = arith.constant 0 : i32
        %lt3A_519 = arith.cmpi slt, %select_n3A_512, %lt3A_518 : i32
        %ne3A_520 = arith.xori %lt3A_517, %lt3A_519 : i1
        %and3A_521 = arith.andi %ne3A_520, %ne3A_515 : i1
        %add3A_522 = arith.addi %rem3A_513, %select_n3A_512 : i32
        %select_n3A_523 = arith.select %and3A_521, %add3A_522, %rem3A_513 : i32
        %mul3A_524 = arith.constant 40 : i32
        %mul3A_525 = arith.muli %select_n3A_523, %mul3A_524 : i32
        %dma_start3A_526 = arith.constant 1 : i32
        %dma_start3A_527 = arith.constant 0 : i32
        %dma_start3A_528 = arith.constant 0 : i32
        %dma_start3A_529 = tpu.memref_slice %arg7[%dma_start3A_526, %dma_start3A_527, %dma_start3A_528] : memref<2x40x128xf32, #tpu.memory_space<vmem>> -> memref<1x40x128xf32, #tpu.memory_space<vmem>>
        %dma_start3A_530 = tpu.memref_squeeze %dma_start3A_529 : memref<1x40x128xf32, #tpu.memory_space<vmem>> -> memref<40x128xf32, #tpu.memory_space<vmem>>
        %dma_start3A_531 = tpu.memref_slice %arg5[%select_n3A_507, %mul3A_525] : memref<2x1000xi32, #tpu.memory_space<vmem>> -> memref<1x40xi32, #tpu.memory_space<vmem>>
        %dma_start3A_532 = tpu.memref_squeeze %dma_start3A_531 : memref<1x40xi32, #tpu.memory_space<vmem>> -> memref<40xi32, #tpu.memory_space<vmem>>
        %dma_start3A_533 = arith.constant 0 : i32
        %dma_start3A_534 = arith.constant 0 : i32
        %dma_start3A_535 = tpu.memref_slice %arg2[%dma_start3A_533, %dma_start3A_534] : memref<10000x128xf32, #tpu.memory_space<hbm>> -> memref<10000x128xf32, #tpu.memory_space<hbm>>
        tpu.enqueue_indirect_dma source(%dma_start3A_535 : memref<10000x128xf32, #tpu.memory_space<hbm>>) target(%dma_start3A_530 : memref<40x128xf32, #tpu.memory_space<vmem>>) offsets(%dma_start3A_532 : memref<40xi32, #tpu.memory_space<vmem>>) semaphore(%arg14 : memref<!tpu.dma_semaphore, #tpu.memory_space<semaphore_mem>>)
        %dma_start3A_536 = arith.constant 1 : i32
        %dma_start3A_537 = arith.constant 0 : i32
        %dma_start3A_538 = arith.constant 0 : i32
        %dma_start3A_539 = tpu.memref_slice %arg8[%dma_start3A_536, %dma_start3A_537, %dma_start3A_538] : memref<2x40x128xf32, #tpu.memory_space<vmem>> -> memref<1x40x128xf32, #tpu.memory_space<vmem>>
        %dma_start3A_540 = tpu.memref_squeeze %dma_start3A_539 : memref<1x40x128xf32, #tpu.memory_space<vmem>> -> memref<40x128xf32, #tpu.memory_space<vmem>>
        %dma_start3A_541 = tpu.memref_slice %arg6[%select_n3A_507, %mul3A_525] : memref<2x1000xi32, #tpu.memory_space<vmem>> -> memref<1x40xi32, #tpu.memory_space<vmem>>
        %dma_start3A_542 = tpu.memref_squeeze %dma_start3A_541 : memref<1x40xi32, #tpu.memory_space<vmem>> -> memref<40xi32, #tpu.memory_space<vmem>>
        %dma_start3A_543 = arith.constant 0 : i32
        %dma_start3A_544 = arith.constant 0 : i32
        %dma_start3A_545 = tpu.memref_slice %arg2[%dma_start3A_543, %dma_start3A_544] : memref<10000x128xf32, #tpu.memory_space<hbm>> -> memref<10000x128xf32, #tpu.memory_space<hbm>>
        tpu.enqueue_indirect_dma source(%dma_start3A_545 : memref<10000x128xf32, #tpu.memory_space<hbm>>) target(%dma_start3A_540 : memref<40x128xf32, #tpu.memory_space<vmem>>) offsets(%dma_start3A_542 : memref<40xi32, #tpu.memory_space<vmem>>) semaphore(%arg14 : memref<!tpu.dma_semaphore, #tpu.memory_space<semaphore_mem>>)
        %jit3A_546 = arith.constant 25 : i32
        %eq3A_547 = arith.constant 0 : i32
        %eq3A_548 = arith.cmpi eq, %jit3A_546, %eq3A_547 : i32
        %jit3A_549 = arith.constant 1 : i32
        %select_n3A_550 = arith.select %eq3A_548, %jit3A_549, %jit3A_546 : i32
        %rem3A_551 = arith.remsi %add3A_417, %select_n3A_550 : i32
        %ne3A_552 = arith.constant 0 : i32
        %ne3A_553 = arith.cmpi ne, %rem3A_551, %ne3A_552 : i32
        %lt3A_554 = arith.constant 0 : i32
        %lt3A_555 = arith.cmpi slt, %rem3A_551, %lt3A_554 : i32
        %lt3A_556 = arith.constant 0 : i32
        %lt3A_557 = arith.cmpi slt, %select_n3A_550, %lt3A_556 : i32
        %ne3A_558 = arith.xori %lt3A_555, %lt3A_557 : i1
        %and3A_559 = arith.andi %ne3A_558, %ne3A_553 : i1
        %add3A_560 = arith.addi %rem3A_551, %select_n3A_550 : i32
        %select_n3A_561 = arith.select %and3A_559, %add3A_560, %rem3A_551 : i32
        %eq3A_562 = arith.constant 1 : i32
        %eq3A_563 = arith.cmpi eq, %select_n3A_561, %eq3A_562 : i32
        %add3A_564 = arith.constant 1 : i32
        %add3A_565 = arith.addi %select_n3A_446, %add3A_564 : i32
        %lt3A_566 = arith.constant 10 : i32
        %lt3A_567 = arith.cmpi slt, %add3A_565, %lt3A_566 : i32
        %and3A_568 = arith.andi %eq3A_563, %lt3A_567 : i1
        %convert_element_type3A_569 = arith.extui %and3A_568 : i1 to i32
        %cond3A_570 = arith.constant 0 : i32
        %cond3A_571 = arith.cmpi ne, %convert_element_type3A_569, %cond3A_570 : i32
        scf.if %cond3A_571 {
          %add3A_572 = arith.constant 1 : i32
          %add3A_573 = arith.addi %select_n3A_446, %add3A_572 : i32
          %jit3A_574 = arith.constant 2 : i32
          %eq3A_575 = arith.constant 0 : i32
          %eq3A_576 = arith.cmpi eq, %jit3A_574, %eq3A_575 : i32
          %jit3A_577 = arith.constant 1 : i32
          %select_n3A_578 = arith.select %eq3A_576, %jit3A_577, %jit3A_574 : i32
          %rem3A_579 = arith.remsi %add3A_573, %select_n3A_578 : i32
          %ne3A_580 = arith.constant 0 : i32
          %ne3A_581 = arith.cmpi ne, %rem3A_579, %ne3A_580 : i32
          %lt3A_582 = arith.constant 0 : i32
          %lt3A_583 = arith.cmpi slt, %rem3A_579, %lt3A_582 : i32
          %lt3A_584 = arith.constant 0 : i32
          %lt3A_585 = arith.cmpi slt, %select_n3A_578, %lt3A_584 : i32
          %ne3A_586 = arith.xori %lt3A_583, %lt3A_585 : i1
          %and3A_587 = arith.andi %ne3A_586, %ne3A_581 : i1
          %add3A_588 = arith.addi %rem3A_579, %select_n3A_578 : i32
          %select_n3A_589 = arith.select %and3A_587, %add3A_588, %rem3A_579 : i32
          %mul3A_590 = arith.constant 1000 : i32
          %mul3A_591 = arith.muli %add3A_573, %mul3A_590 : i32
          %add3A_592 = arith.addi %mul3A_2, %mul3A_591 : i32
          %dma_start3A_593 = arith.constant 0 : i32
          %dma_start3A_594 = tpu.memref_slice %arg5[%select_n3A_589, %dma_start3A_593] : memref<2x1000xi32, #tpu.memory_space<vmem>> -> memref<1x1000xi32, #tpu.memory_space<vmem>>
          %dma_start3A_595 = tpu.memref_squeeze %dma_start3A_594 : memref<1x1000xi32, #tpu.memory_space<vmem>> -> memref<1000xi32, #tpu.memory_space<vmem>>
          %dma_start3A_596 = tpu.memref_slice %arg3[%add3A_592] : memref<640000xi32, #tpu.memory_space<hbm>> -> memref<1000xi32, #tpu.memory_space<hbm>>
          %dma_start3A_597 = arith.constant 0 : i32
          %dma_start3A_598 = tpu.memref_slice %arg5[%select_n3A_589, %dma_start3A_597] : memref<2x1000xi32, #tpu.memory_space<vmem>> -> memref<1x1000xi32, #tpu.memory_space<vmem>>
          %dma_start3A_599 = tpu.memref_squeeze %dma_start3A_598 : memref<1x1000xi32, #tpu.memory_space<vmem>> -> memref<1000xi32, #tpu.memory_space<vmem>>
          %dma_start3A_600 = tpu.memref_slice %arg3[%add3A_592] : memref<640000xi32, #tpu.memory_space<hbm>> -> memref<1000xi32, #tpu.memory_space<hbm>>
          tpu.enqueue_dma source(%dma_start3A_600 : memref<1000xi32, #tpu.memory_space<hbm>>) target(%dma_start3A_599 : memref<1000xi32, #tpu.memory_space<vmem>>) target_semaphore(%arg17 : memref<!tpu.dma_semaphore, #tpu.memory_space<semaphore_mem>>)
          %add3A_601 = arith.constant 320000 : i32
          %add3A_602 = arith.addi %add3A_601, %add3A_592 : i32
          %dma_start3A_603 = arith.constant 0 : i32
          %dma_start3A_604 = tpu.memref_slice %arg6[%select_n3A_589, %dma_start3A_603] : memref<2x1000xi32, #tpu.memory_space<vmem>> -> memref<1x1000xi32, #tpu.memory_space<vmem>>
          %dma_start3A_605 = tpu.memref_squeeze %dma_start3A_604 : memref<1x1000xi32, #tpu.memory_space<vmem>> -> memref<1000xi32, #tpu.memory_space<vmem>>
          %dma_start3A_606 = tpu.memref_slice %arg3[%add3A_602] : memref<640000xi32, #tpu.memory_space<hbm>> -> memref<1000xi32, #tpu.memory_space<hbm>>
          %dma_start3A_607 = arith.constant 0 : i32
          %dma_start3A_608 = tpu.memref_slice %arg6[%select_n3A_589, %dma_start3A_607] : memref<2x1000xi32, #tpu.memory_space<vmem>> -> memref<1x1000xi32, #tpu.memory_space<vmem>>
          %dma_start3A_609 = tpu.memref_squeeze %dma_start3A_608 : memref<1x1000xi32, #tpu.memory_space<vmem>> -> memref<1000xi32, #tpu.memory_space<vmem>>
          %dma_start3A_610 = tpu.memref_slice %arg3[%add3A_602] : memref<640000xi32, #tpu.memory_space<hbm>> -> memref<1000xi32, #tpu.memory_space<hbm>>
          tpu.enqueue_dma source(%dma_start3A_610 : memref<1000xi32, #tpu.memory_space<hbm>>) target(%dma_start3A_609 : memref<1000xi32, #tpu.memory_space<vmem>>) target_semaphore(%arg17 : memref<!tpu.dma_semaphore, #tpu.memory_space<semaphore_mem>>)
        } else {
        }
      } else {
      }
    }
    %scan3A_136 = arith.constant 125 : i32
    %dma_wait3A_137 = arith.constant 0 : i32
    %dma_wait3A_138 = arith.constant 0 : i32
    %dma_wait3A_139 = arith.constant 0 : i32
    %dma_wait3A_140 = arith.constant 0 : i32
    %dma_wait3A_141 = tpu.memref_slice %arg9[%dma_wait3A_137, %dma_wait3A_139, %dma_wait3A_140] : memref<2x40x144xf32, #tpu.memory_space<vmem>> -> memref<1x40x144xf32, #tpu.memory_space<vmem>>
    %dma_wait3A_142 = tpu.memref_squeeze %dma_wait3A_141 : memref<1x40x144xf32, #tpu.memory_space<vmem>> -> memref<40x144xf32, #tpu.memory_space<vmem>>
    %dma_wait3A_143 = arith.constant 0 : i32
    %dma_wait3A_144 = tpu.memref_slice %arg10[%dma_wait3A_138, %dma_wait3A_143] : memref<2x40xi32, #tpu.memory_space<vmem>> -> memref<1x40xi32, #tpu.memory_space<vmem>>
    %dma_wait3A_145 = tpu.memref_squeeze %dma_wait3A_144 : memref<1x40xi32, #tpu.memory_space<vmem>> -> memref<40xi32, #tpu.memory_space<vmem>>
    %dma_wait3A_146 = arith.constant 0 : i32
    %dma_wait3A_147 = arith.constant 0 : i32
    %dma_wait3A_148 = tpu.memref_slice %arg12[%dma_wait3A_146, %dma_wait3A_147] : memref<10000x144xf32, #tpu.memory_space<vmem_shared>> -> memref<10000x144xf32, #tpu.memory_space<vmem_shared>>
    tpu.wait_indirect_dma semaphore(%arg15 : memref<!tpu.dma_semaphore, #tpu.memory_space<semaphore_mem>>) src(%dma_wait3A_142 : memref<40x144xf32, #tpu.memory_space<vmem>>) dst(%dma_wait3A_148 : memref<10000x144xf32, #tpu.memory_space<vmem_shared>>)
    %dma_wait3A_149 = arith.constant 1 : i32
    %dma_wait3A_150 = arith.constant 1 : i32
    %dma_wait3A_151 = arith.constant 0 : i32
    %dma_wait3A_152 = arith.constant 0 : i32
    %dma_wait3A_153 = tpu.memref_slice %arg9[%dma_wait3A_149, %dma_wait3A_151, %dma_wait3A_152] : memref<2x40x144xf32, #tpu.memory_space<vmem>> -> memref<1x40x144xf32, #tpu.memory_space<vmem>>
    %dma_wait3A_154 = tpu.memref_squeeze %dma_wait3A_153 : memref<1x40x144xf32, #tpu.memory_space<vmem>> -> memref<40x144xf32, #tpu.memory_space<vmem>>
    %dma_wait3A_155 = arith.constant 0 : i32
    %dma_wait3A_156 = tpu.memref_slice %arg10[%dma_wait3A_150, %dma_wait3A_155] : memref<2x40xi32, #tpu.memory_space<vmem>> -> memref<1x40xi32, #tpu.memory_space<vmem>>
    %dma_wait3A_157 = tpu.memref_squeeze %dma_wait3A_156 : memref<1x40xi32, #tpu.memory_space<vmem>> -> memref<40xi32, #tpu.memory_space<vmem>>
    %dma_wait3A_158 = arith.constant 0 : i32
    %dma_wait3A_159 = arith.constant 0 : i32
    %dma_wait3A_160 = tpu.memref_slice %arg12[%dma_wait3A_158, %dma_wait3A_159] : memref<10000x144xf32, #tpu.memory_space<vmem_shared>> -> memref<10000x144xf32, #tpu.memory_space<vmem_shared>>
    tpu.wait_indirect_dma semaphore(%arg16 : memref<!tpu.dma_semaphore, #tpu.memory_space<semaphore_mem>>) src(%dma_wait3A_154 : memref<40x144xf32, #tpu.memory_space<vmem>>) dst(%dma_wait3A_160 : memref<10000x144xf32, #tpu.memory_space<vmem_shared>>)
    %barrier3A_161 = arith.constant 0 : index
    tpu.barrier barrier_id(%barrier3A_161)
    %mul3A_162 = arith.constant 625 : i32
    %mul3A_163 = arith.muli %arg1, %mul3A_162 : i32
    %mul3A_164 = arith.constant 625 : i32
    %mul3A_165 = arith.muli %arg1, %mul3A_164 : i32
    "tpu.region"() ({
      %run_scoped3A = tpu.sem_alloc : memref<!tpu.dma_semaphore, #tpu.memory_space<semaphore_mem>>
      %dma_start3A_166 = arith.constant 0 : i32
      %dma_start3A_167 = tpu.memref_slice %arg4[%arg0, %mul3A_165, %dma_start3A_166] : memref<2x10000x144xf32, #tpu.memory_space<hbm>> -> memref<1x625x144xf32, #tpu.memory_space<hbm>>
      %dma_start3A_168 = tpu.memref_squeeze %dma_start3A_167 : memref<1x625x144xf32, #tpu.memory_space<hbm>> -> memref<625x144xf32, #tpu.memory_space<hbm>>
      %dma_start3A_169 = arith.constant 0 : i32
      %dma_start3A_170 = tpu.memref_slice %arg12[%mul3A_163, %dma_start3A_169] : memref<10000x144xf32, #tpu.memory_space<vmem_shared>> -> memref<625x144xf32, #tpu.memory_space<vmem_shared>>
      tpu.enqueue_dma source(%dma_start3A_170 : memref<625x144xf32, #tpu.memory_space<vmem_shared>>) target(%dma_start3A_168 : memref<625x144xf32, #tpu.memory_space<hbm>>) target_semaphore(%run_scoped3A : memref<!tpu.dma_semaphore, #tpu.memory_space<semaphore_mem>>)
      %dma_wait3A_171 = arith.constant 0 : i32
      %dma_wait3A_172 = tpu.memref_slice %arg4[%arg0, %mul3A_165, %dma_wait3A_171] : memref<2x10000x144xf32, #tpu.memory_space<hbm>> -> memref<1x625x144xf32, #tpu.memory_space<hbm>>
      %dma_wait3A_173 = tpu.memref_squeeze %dma_wait3A_172 : memref<1x625x144xf32, #tpu.memory_space<hbm>> -> memref<625x144xf32, #tpu.memory_space<hbm>>
      %dma_wait3A_174 = arith.constant 0 : i32
      %dma_wait3A_175 = tpu.memref_slice %arg12[%mul3A_163, %dma_wait3A_174] : memref<10000x144xf32, #tpu.memory_space<vmem_shared>> -> memref<625x144xf32, #tpu.memory_space<vmem_shared>>
      tpu.wait_dma2 semaphore(%run_scoped3A : memref<!tpu.dma_semaphore, #tpu.memory_space<semaphore_mem>>) src(%dma_wait3A_175 : memref<625x144xf32, #tpu.memory_space<vmem_shared>>) dst(%dma_wait3A_173 : memref<625x144xf32, #tpu.memory_space<hbm>>)
      tpu.yield
    }) : () -> ()
    return
  }
}

module attributes {stable_mosaic.version = 14 : i64} {
  func.func @_tc_b_body(%arg0: i32, %arg1: memref<2x400x144xf32, #tpu.memory_space<vmem>>, %arg2: memref<400x128xf32, #tpu.memory_space<vmem>>, %arg3: memref<128x128xf32, #tpu.memory_space<vmem>>, %arg4: memref<1x128xf32, #tpu.memory_space<vmem>>, %arg5: memref<128x128xf32, #tpu.memory_space<vmem>>, %arg6: memref<1x128xf32, #tpu.memory_space<vmem>>, %arg7: memref<1x128xf32, #tpu.memory_space<vmem>>, %arg8: memref<1x128xf32, #tpu.memory_space<vmem>>, %arg9: memref<8x128xf32, #tpu.memory_space<vmem>>, %arg10: memref<400x128xf32, #tpu.memory_space<vmem>>) attributes {dimension_semantics = [#tpu.dimension_semantics<arbitrary>], iteration_bounds = array<i64: 25>, scalar_prefetch = 0 : i64, scratch_operands = 0 : i64, tpu.core_type = #tpu.core_type<tc>, window_params = [{transform_indices = @transform_0, window_bounds = array<i64: 2, 400, 144>}, {transform_indices = @transform_1, window_bounds = array<i64: 400, 128>}, {pipeline_mode = #tpu.pipeline_mode<synchronous>, transform_indices = @transform_2, window_bounds = array<i64: 128, 128>}, {pipeline_mode = #tpu.pipeline_mode<synchronous>, transform_indices = @transform_3, window_bounds = array<i64: 1, 128>}, {pipeline_mode = #tpu.pipeline_mode<synchronous>, transform_indices = @transform_4, window_bounds = array<i64: 128, 128>}, {pipeline_mode = #tpu.pipeline_mode<synchronous>, transform_indices = @transform_5, window_bounds = array<i64: 1, 128>}, {pipeline_mode = #tpu.pipeline_mode<synchronous>, transform_indices = @transform_6, window_bounds = array<i64: 1, 128>}, {pipeline_mode = #tpu.pipeline_mode<synchronous>, transform_indices = @transform_7, window_bounds = array<i64: 1, 128>}, {pipeline_mode = #tpu.pipeline_mode<synchronous>, transform_indices = @transform_8, window_bounds = array<i64: 8, 128>}, {transform_indices = @transform_9, window_bounds = array<i64: 400, 128>}]} {
    %get3A = arith.constant 0 : index
    %get3A_0 = arith.constant 0 : index
    %get3A_1 = arith.constant 0 : index
    %get3A_2 = vector.load %arg1[%get3A, %get3A_0, %get3A_1] : memref<2x400x144xf32, #tpu.memory_space<vmem>>, vector<1x400x144xf32>
    %get3A_3 = vector.shape_cast %get3A_2 : vector<1x400x144xf32> to vector<400x144xf32>
    %get3A_4 = arith.constant 1 : index
    %get3A_5 = arith.constant 0 : index
    %get3A_6 = arith.constant 0 : index
    %get3A_7 = vector.load %arg1[%get3A_4, %get3A_5, %get3A_6] : memref<2x400x144xf32, #tpu.memory_space<vmem>>, vector<1x400x144xf32>
    %get3A_8 = vector.shape_cast %get3A_7 : vector<1x400x144xf32> to vector<400x144xf32>
    %add3A = arith.addf %get3A_3, %get3A_8 : vector<400x144xf32>
    %slice3A = vector.extract_strided_slice %add3A {offsets = [0, 0], sizes = [400, 128], strides = [1, 1]} : vector<400x144xf32> to vector<400x128xf32>
    %slice3A_9 = vector.extract_strided_slice %add3A {offsets = [0, 128], sizes = [400, 8], strides = [1, 1]} : vector<400x144xf32> to vector<400x8xf32>
    %get3A_10 = arith.constant 0 : index
    %get3A_11 = arith.constant 0 : index
    %get3A_12 = vector.load %arg9[%get3A_10, %get3A_11] : memref<8x128xf32, #tpu.memory_space<vmem>>, vector<8x128xf32>
    %dot_general3A = arith.constant dense<0.000000e+00> : vector<400x128xf32>
    %dot_general3A_13 = tpu.matmul %slice3A_9, %get3A_12, %dot_general3A {dimension_numbers = #tpu.dot_dimension_numbers<[1], [0], [0], [1], [0, 0, 1, 1], [], []>, transpose_lhs_hint = false} : vector<400x8xf32>, vector<8x128xf32>, vector<400x128xf32> -> vector<400x128xf32>
    %max3A = arith.constant 1.000000e-30 : f32
    %max3A_14 = vector.broadcast %max3A : f32 to vector<400x128xf32>
    %max3A_15 = arith.maximumf %dot_general3A_13, %max3A_14 : vector<400x128xf32>
    %div3A = arith.divf %slice3A, %max3A_15 : vector<400x128xf32>
    %gt3A = arith.constant 0.000000e+00 : f32
    %gt3A_16 = vector.broadcast %gt3A : f32 to vector<400x128xf32>
    %gt3A_17 = arith.cmpf ogt, %div3A, %gt3A_16 : vector<400x128xf32>
    %exp3A = math.exp %div3A : vector<400x128xf32>
    %sub3A = arith.constant 1.000000e+00 : f32
    %sub3A_18 = vector.broadcast %sub3A : f32 to vector<400x128xf32>
    %sub3A_19 = arith.subf %exp3A, %sub3A_18 : vector<400x128xf32>
    %select_n3A = arith.select %gt3A_17, %div3A, %sub3A_19 : vector<400x128xi1>, vector<400x128xf32>
    %get3A_20 = arith.constant 0 : index
    %get3A_21 = arith.constant 0 : index
    %get3A_22 = vector.load %arg3[%get3A_20, %get3A_21] : memref<128x128xf32, #tpu.memory_space<vmem>>, vector<128x128xf32>
    %dot_general3A_23 = arith.constant dense<0.000000e+00> : vector<400x128xf32>
    %dot_general3A_24 = tpu.matmul %select_n3A, %get3A_22, %dot_general3A_23 {dimension_numbers = #tpu.dot_dimension_numbers<[1], [0], [0], [1], [0, 0, 1, 1], [], []>, transpose_lhs_hint = false} : vector<400x128xf32>, vector<128x128xf32>, vector<400x128xf32> -> vector<400x128xf32>
    %get3A_25 = arith.constant 0 : index
    %get3A_26 = arith.constant 0 : index
    %get3A_27 = vector.load %arg4[%get3A_25, %get3A_26] : memref<1x128xf32, #tpu.memory_space<vmem>>, vector<1x128xf32>
    %add3A_28 = vector.broadcast %get3A_27 : vector<1x128xf32> to vector<400x128xf32>
    %add3A_29 = arith.addf %dot_general3A_24, %add3A_28 : vector<400x128xf32>
    %get3A_30 = arith.constant 0 : index
    %get3A_31 = arith.constant 0 : index
    %get3A_32 = vector.load %arg2[%get3A_30, %get3A_31] : memref<400x128xf32, #tpu.memory_space<vmem>>, vector<400x128xf32>
    %add3A_33 = arith.addf %add3A_29, %get3A_32 : vector<400x128xf32>
    %get3A_34 = arith.constant 0 : index
    %get3A_35 = arith.constant 0 : index
    %get3A_36 = vector.load %arg7[%get3A_34, %get3A_35] : memref<1x128xf32, #tpu.memory_space<vmem>>, vector<1x128xf32>
    %get3A_37 = arith.constant 0 : index
    %get3A_38 = arith.constant 0 : index
    %get3A_39 = vector.load %arg8[%get3A_37, %get3A_38] : memref<1x128xf32, #tpu.memory_space<vmem>>, vector<1x128xf32>
    %reduce_sum3A = arith.constant dense<0.000000e+00> : vector<400xf32>
    %reduce_sum3A_40 = vector.multi_reduction <add>, %add3A_33, %reduce_sum3A [1] : vector<400x128xf32> to vector<400xf32>
    %broadcast_in_dim3A = vector.shape_cast %reduce_sum3A_40 : vector<400xf32> to vector<400x1xf32>
    %div3A_41 = arith.constant 1.280000e+02 : f32
    %div3A_42 = vector.broadcast %div3A_41 : f32 to vector<400x1xf32>
    %div3A_43 = arith.divf %broadcast_in_dim3A, %div3A_42 : vector<400x1xf32>
    %sub3A_44 = vector.broadcast %div3A_43 : vector<400x1xf32> to vector<400x128xf32>
    %sub3A_45 = arith.subf %add3A_33, %sub3A_44 : vector<400x128xf32>
    %mul3A = arith.mulf %sub3A_45, %sub3A_45 : vector<400x128xf32>
    %reduce_sum3A_46 = arith.constant dense<0.000000e+00> : vector<400xf32>
    %reduce_sum3A_47 = vector.multi_reduction <add>, %mul3A, %reduce_sum3A_46 [1] : vector<400x128xf32> to vector<400xf32>
    %broadcast_in_dim3A_48 = vector.shape_cast %reduce_sum3A_47 : vector<400xf32> to vector<400x1xf32>
    %div3A_49 = arith.constant 1.280000e+02 : f32
    %div3A_50 = vector.broadcast %div3A_49 : f32 to vector<400x1xf32>
    %div3A_51 = arith.divf %broadcast_in_dim3A_48, %div3A_50 : vector<400x1xf32>
    %add3A_52 = arith.constant 9.99999974E-6 : f32
    %add3A_53 = vector.broadcast %add3A_52 : f32 to vector<400x1xf32>
    %add3A_54 = arith.addf %div3A_51, %add3A_53 : vector<400x1xf32>
    %rsqrt3A = math.rsqrt %add3A_54 : vector<400x1xf32>
    %mul3A_55 = vector.broadcast %rsqrt3A : vector<400x1xf32> to vector<400x128xf32>
    %mul3A_56 = arith.mulf %sub3A_45, %mul3A_55 : vector<400x128xf32>
    %mul3A_57 = vector.broadcast %get3A_36 : vector<1x128xf32> to vector<400x128xf32>
    %mul3A_58 = arith.mulf %mul3A_56, %mul3A_57 : vector<400x128xf32>
    %add3A_59 = vector.broadcast %get3A_39 : vector<1x128xf32> to vector<400x128xf32>
    %add3A_60 = arith.addf %mul3A_58, %add3A_59 : vector<400x128xf32>
    %get3A_61 = arith.constant 0 : index
    %get3A_62 = arith.constant 0 : index
    %get3A_63 = vector.load %arg5[%get3A_61, %get3A_62] : memref<128x128xf32, #tpu.memory_space<vmem>>, vector<128x128xf32>
    %dot_general3A_64 = arith.constant dense<0.000000e+00> : vector<400x128xf32>
    %dot_general3A_65 = tpu.matmul %add3A_60, %get3A_63, %dot_general3A_64 {dimension_numbers = #tpu.dot_dimension_numbers<[1], [0], [0], [1], [0, 0, 1, 1], [], []>, transpose_lhs_hint = false} : vector<400x128xf32>, vector<128x128xf32>, vector<400x128xf32> -> vector<400x128xf32>
    %get3A_66 = arith.constant 0 : index
    %get3A_67 = arith.constant 0 : index
    %get3A_68 = vector.load %arg6[%get3A_66, %get3A_67] : memref<1x128xf32, #tpu.memory_space<vmem>>, vector<1x128xf32>
    %add3A_69 = vector.broadcast %get3A_68 : vector<1x128xf32> to vector<400x128xf32>
    %add3A_70 = arith.addf %dot_general3A_65, %add3A_69 : vector<400x128xf32>
    %gt3A_71 = arith.constant 0.000000e+00 : f32
    %gt3A_72 = vector.broadcast %gt3A_71 : f32 to vector<400x128xf32>
    %gt3A_73 = arith.cmpf ogt, %add3A_70, %gt3A_72 : vector<400x128xf32>
    %exp3A_74 = math.exp %add3A_70 : vector<400x128xf32>
    %sub3A_75 = arith.constant 1.000000e+00 : f32
    %sub3A_76 = vector.broadcast %sub3A_75 : f32 to vector<400x128xf32>
    %sub3A_77 = arith.subf %exp3A_74, %sub3A_76 : vector<400x128xf32>
    %select_n3A_78 = arith.select %gt3A_73, %add3A_70, %sub3A_77 : vector<400x128xi1>, vector<400x128xf32>
    %add3A_79 = arith.addf %select_n3A_78, %add3A_60 : vector<400x128xf32>
    %swap3A = arith.constant 0 : index
    %swap3A_80 = arith.constant 0 : index
    %swap3A_81 = vector.load %arg10[%swap3A, %swap3A_80] : memref<400x128xf32, #tpu.memory_space<vmem>>, vector<400x128xf32>
    tpu.vector_store %arg10[%swap3A, %swap3A_80], %add3A_79 {strides = array<i32>} : memref<400x128xf32, #tpu.memory_space<vmem>>, vector<400x128xf32>,
    return
  }
  func.func @transform_0(%arg0: i32) -> (i32, i32, i32) {
    %c0_i32 = arith.constant 0 : i32
    %c0_i32_0 = arith.constant 0 : i32
    %c0_i32_1 = arith.constant 0 : i32
    return %c0_i32, %arg0, %c0_i32_0 : i32, i32, i32
  }
  func.func @transform_1(%arg0: i32) -> (i32, i32) {
    %c0_i32 = arith.constant 0 : i32
    %c0_i32_0 = arith.constant 0 : i32
    return %arg0, %c0_i32 : i32, i32
  }
  func.func @transform_2(%arg0: i32) -> (i32, i32) {
    %c0_i32 = arith.constant 0 : i32
    %c0_i32_0 = arith.constant 0 : i32
    %c0_i32_1 = arith.constant 0 : i32
    return %c0_i32, %c0_i32_0 : i32, i32
  }
  func.func @transform_3(%arg0: i32) -> (i32, i32) {
    %c0_i32 = arith.constant 0 : i32
    %c0_i32_0 = arith.constant 0 : i32
    %c0_i32_1 = arith.constant 0 : i32
    return %c0_i32, %c0_i32_0 : i32, i32
  }
  func.func @transform_4(%arg0: i32) -> (i32, i32) {
    %c0_i32 = arith.constant 0 : i32
    %c0_i32_0 = arith.constant 0 : i32
    %c0_i32_1 = arith.constant 0 : i32
    return %c0_i32, %c0_i32_0 : i32, i32
  }
  func.func @transform_5(%arg0: i32) -> (i32, i32) {
    %c0_i32 = arith.constant 0 : i32
    %c0_i32_0 = arith.constant 0 : i32
    %c0_i32_1 = arith.constant 0 : i32
    return %c0_i32, %c0_i32_0 : i32, i32
  }
  func.func @transform_6(%arg0: i32) -> (i32, i32) {
    %c0_i32 = arith.constant 0 : i32
    %c0_i32_0 = arith.constant 0 : i32
    %c0_i32_1 = arith.constant 0 : i32
    return %c0_i32, %c0_i32_0 : i32, i32
  }
  func.func @transform_7(%arg0: i32) -> (i32, i32) {
    %c0_i32 = arith.constant 0 : i32
    %c0_i32_0 = arith.constant 0 : i32
    %c0_i32_1 = arith.constant 0 : i32
    return %c0_i32, %c0_i32_0 : i32, i32
  }
  func.func @transform_8(%arg0: i32) -> (i32, i32) {
    %c0_i32 = arith.constant 0 : i32
    %c0_i32_0 = arith.constant 0 : i32
    %c0_i32_1 = arith.constant 0 : i32
    return %c0_i32, %c0_i32_0 : i32, i32
  }
  func.func @transform_9(%arg0: i32) -> (i32, i32) {
    %c0_i32 = arith.constant 0 : i32
    %c0_i32_0 = arith.constant 0 : i32
    return %arg0, %c0_i32 : i32, i32
  }
}

module attributes {stable_mosaic.version = 14 : i64} {
  func.func @_tc_a_body(%arg0: i32, %arg1: memref<400x128xf32, #tpu.memory_space<vmem>>, %arg2: memref<128x128xf32, #tpu.memory_space<vmem>>, %arg3: memref<1x128xf32, #tpu.memory_space<vmem>>, %arg4: memref<1x128xf32, #tpu.memory_space<vmem>>, %arg5: memref<400x128xf32, #tpu.memory_space<vmem>>, %arg6: memref<400x128xf32, #tpu.memory_space<vmem>>) attributes {dimension_semantics = [#tpu.dimension_semantics<arbitrary>], iteration_bounds = array<i64: 25>, scalar_prefetch = 0 : i64, scratch_operands = 0 : i64, tpu.core_type = #tpu.core_type<tc>, window_params = [{transform_indices = @transform_0, window_bounds = array<i64: 400, 128>}, {pipeline_mode = #tpu.pipeline_mode<synchronous>, transform_indices = @transform_1, window_bounds = array<i64: 128, 128>}, {pipeline_mode = #tpu.pipeline_mode<synchronous>, transform_indices = @transform_2, window_bounds = array<i64: 1, 128>}, {pipeline_mode = #tpu.pipeline_mode<synchronous>, transform_indices = @transform_3, window_bounds = array<i64: 1, 128>}, {transform_indices = @transform_4, window_bounds = array<i64: 400, 128>}, {transform_indices = @transform_5, window_bounds = array<i64: 400, 128>}]} {
    %get3A = arith.constant 0 : index
    %get3A_0 = arith.constant 0 : index
    %get3A_1 = vector.load %arg1[%get3A, %get3A_0] : memref<400x128xf32, #tpu.memory_space<vmem>>, vector<400x128xf32>
    %get3A_2 = arith.constant 0 : index
    %get3A_3 = arith.constant 0 : index
    %get3A_4 = vector.load %arg3[%get3A_2, %get3A_3] : memref<1x128xf32, #tpu.memory_space<vmem>>, vector<1x128xf32>
    %get3A_5 = arith.constant 0 : index
    %get3A_6 = arith.constant 0 : index
    %get3A_7 = vector.load %arg4[%get3A_5, %get3A_6] : memref<1x128xf32, #tpu.memory_space<vmem>>, vector<1x128xf32>
    %reduce_sum3A = arith.constant dense<0.000000e+00> : vector<400xf32>
    %reduce_sum3A_8 = vector.multi_reduction <add>, %get3A_1, %reduce_sum3A [1] : vector<400x128xf32> to vector<400xf32>
    %broadcast_in_dim3A = vector.shape_cast %reduce_sum3A_8 : vector<400xf32> to vector<400x1xf32>
    %div3A = arith.constant 1.280000e+02 : f32
    %div3A_9 = vector.broadcast %div3A : f32 to vector<400x1xf32>
    %div3A_10 = arith.divf %broadcast_in_dim3A, %div3A_9 : vector<400x1xf32>
    %sub3A = vector.broadcast %div3A_10 : vector<400x1xf32> to vector<400x128xf32>
    %sub3A_11 = arith.subf %get3A_1, %sub3A : vector<400x128xf32>
    %mul3A = arith.mulf %sub3A_11, %sub3A_11 : vector<400x128xf32>
    %reduce_sum3A_12 = arith.constant dense<0.000000e+00> : vector<400xf32>
    %reduce_sum3A_13 = vector.multi_reduction <add>, %mul3A, %reduce_sum3A_12 [1] : vector<400x128xf32> to vector<400xf32>
    %broadcast_in_dim3A_14 = vector.shape_cast %reduce_sum3A_13 : vector<400xf32> to vector<400x1xf32>
    %div3A_15 = arith.constant 1.280000e+02 : f32
    %div3A_16 = vector.broadcast %div3A_15 : f32 to vector<400x1xf32>
    %div3A_17 = arith.divf %broadcast_in_dim3A_14, %div3A_16 : vector<400x1xf32>
    %add3A = arith.constant 9.99999974E-6 : f32
    %add3A_18 = vector.broadcast %add3A : f32 to vector<400x1xf32>
    %add3A_19 = arith.addf %div3A_17, %add3A_18 : vector<400x1xf32>
    %rsqrt3A = math.rsqrt %add3A_19 : vector<400x1xf32>
    %mul3A_20 = vector.broadcast %rsqrt3A : vector<400x1xf32> to vector<400x128xf32>
    %mul3A_21 = arith.mulf %sub3A_11, %mul3A_20 : vector<400x128xf32>
    %mul3A_22 = vector.broadcast %get3A_4 : vector<1x128xf32> to vector<400x128xf32>
    %mul3A_23 = arith.mulf %mul3A_21, %mul3A_22 : vector<400x128xf32>
    %add3A_24 = vector.broadcast %get3A_7 : vector<1x128xf32> to vector<400x128xf32>
    %add3A_25 = arith.addf %mul3A_23, %add3A_24 : vector<400x128xf32>
    %swap3A = arith.constant 0 : index
    %swap3A_26 = arith.constant 0 : index
    %swap3A_27 = vector.load %arg5[%swap3A, %swap3A_26] : memref<400x128xf32, #tpu.memory_space<vmem>>, vector<400x128xf32>
    tpu.vector_store %arg5[%swap3A, %swap3A_26], %add3A_25 {strides = array<i32>} : memref<400x128xf32, #tpu.memory_space<vmem>>, vector<400x128xf32>,
    %get3A_28 = arith.constant 0 : index
    %get3A_29 = arith.constant 0 : index
    %get3A_30 = vector.load %arg2[%get3A_28, %get3A_29] : memref<128x128xf32, #tpu.memory_space<vmem>>, vector<128x128xf32>
    %dot_general3A = arith.constant dense<0.000000e+00> : vector<400x128xf32>
    %dot_general3A_31 = tpu.matmul %add3A_25, %get3A_30, %dot_general3A {dimension_numbers = #tpu.dot_dimension_numbers<[1], [0], [0], [1], [0, 0, 1, 1], [], []>, transpose_lhs_hint = false} : vector<400x128xf32>, vector<128x128xf32>, vector<400x128xf32> -> vector<400x128xf32>
    %swap3A_32 = arith.constant 0 : index
    %swap3A_33 = arith.constant 0 : index
    %swap3A_34 = vector.load %arg6[%swap3A_32, %swap3A_33] : memref<400x128xf32, #tpu.memory_space<vmem>>, vector<400x128xf32>
    tpu.vector_store %arg6[%swap3A_32, %swap3A_33], %dot_general3A_31 {strides = array<i32>} : memref<400x128xf32, #tpu.memory_space<vmem>>, vector<400x128xf32>,
    return
  }
  func.func @transform_0(%arg0: i32) -> (i32, i32) {
    %c0_i32 = arith.constant 0 : i32
    %c0_i32_0 = arith.constant 0 : i32
    return %arg0, %c0_i32 : i32, i32
  }
  func.func @transform_1(%arg0: i32) -> (i32, i32) {
    %c0_i32 = arith.constant 0 : i32
    %c0_i32_0 = arith.constant 0 : i32
    %c0_i32_1 = arith.constant 0 : i32
    return %c0_i32, %c0_i32_0 : i32, i32
  }
  func.func @transform_2(%arg0: i32) -> (i32, i32) {
    %c0_i32 = arith.constant 0 : i32
    %c0_i32_0 = arith.constant 0 : i32
    %c0_i32_1 = arith.constant 0 : i32
    return %c0_i32, %c0_i32_0 : i32, i32
  }
  func.func @transform_3(%arg0: i32) -> (i32, i32) {
    %c0_i32 = arith.constant 0 : i32
    %c0_i32_0 = arith.constant 0 : i32
    %c0_i32_1 = arith.constant 0 : i32
    return %c0_i32, %c0_i32_0 : i32, i32
  }
  func.func @transform_4(%arg0: i32) -> (i32, i32) {
    %c0_i32 = arith.constant 0 : i32
    %c0_i32_0 = arith.constant 0 : i32
    return %arg0, %c0_i32 : i32, i32
  }
  func.func @transform_5(%arg0: i32) -> (i32, i32) {
    %c0_i32 = arith.constant 0 : i32
    %c0_i32_0 = arith.constant 0 : i32
    return %arg0, %c0_i32 : i32, i32
  }
}

</mosaic_0001>

<sc_bundles>
// kernel: kernel.5.cloned.1.call-start
scs
__scs_entry_jumppad:
0x0: {  	(pc) =	sbr.rel $0x88, $3  }
0x1: {  	(tag) =	ssettag $0x0;
	lr =	simm.s32 $0x1  }
0x2: {  	[smem:$0x3F96] =	sst lr;
	_ =	strace $0xD0000000  }
0x3: {  	_ = 	snop  }
0x4: {  	_ = 	snop  }
0x5: {  	_ = 	snop  }
0x6: {  	_ = 	snop  }
0x7: {  	_ = 	snop  }
__scs_overlays_trampoline_lowered:
0x8: {  	[smem:$0x3FA5] =	sst s0  }
0x9: {  	[smem:$0x3FA6] =	sst s1  }
0xa: {  	[smem:$0x3FA7] =	sst s2  }
0xb: {  	[smem:$0x3FA8] =	sst s3  }
0xc: {  	[smem:$0x3FA9] =	sst s4  }
0xd: {  	[smem:$0x3FAA] =	sst s5  }
0xe: {  	[smem:$0x3FAB] =	sst s6  }
0xf: {  	[smem:$0x3FAC] =	sst s7  }
0x10: {  	[smem:$0x3FAD] =	sst s8  }
0x11: {  	[smem:$0x3FAE] =	sst s9;
	s0 =	simm.s32 @!p0 $0x0  }
0x12: {  	s1 =	sld [smem:$0x3F94];
	s0 =	simm.s32 @p0 $0x1  }
0x13: {  	[smem:$0x3FAF] =	sst s0;
	s0 =	simm.s32 @!p1 $0x0  }
0x14: {  	s2 =	sld [smem:$0x3F93];
	s0 =	simm.s32 @p1 $0x1  }
0x15: {  	[smem:$0x3FB0] =	sst s0;
	s0 =	simm.s32 @!p2 $0x0  }
0x16: {  	s3 =	sld [smem:$0x3FDB];
	s0 =	simm.s32 @p2 $0x1  }
0x17: {  	s4 =	simm.s32 $0x1BF5;
	[smem:$0x3FB2] =	sst s0  }
0x18: {  	s0 =	sld [smem:$0x3F95];
	_ =	swait.ge [sflag:s4], $0x0  }
0x19: {  	s7 =	sld [smem:$0x3F96]  }
0x1a: {  	s8 =	sadd.s32 $0xFFFFE003, lr  }
0x1b: {  	s9 =	sadd.s32 $0xFFFFFEF7, lr;
	s5 =	simm.s32 $0xFFFFFFFF;
	p2 =	slt.u32 s8, $0xFFFFF086  }
0x1c: {  	p1 =	slt.u32 s9, $0xF7A;
	s5 =	simm.s32 @!p2 $0x0  }
0x1d: {  	s5 =	simm.s32 @p1 $0x1;
	p0 =	seq.s32 s7, s2  }
0x1e: {  	s7 =	smul.u32 @!p0 $0xF7A, s2;
	p2 =	seq.s32 @!p0 s5, $0x0  }
0x1f: {  	s9 =	smul.u32 $0xF7A, s1;
	s8 =	simm.s32 @!p0 $0x1BF5;
	p2 =	por !p2, p0  }
0x20: {  	[sflag:s8] =	ssyncset.s32 @!p0 $0xFFFFF086;
	s6 =	sadd.s32 @!p0 s3, s7;
	s7 =	simm.s32 @!p0 $0x108  }
0x21: {  	s3 =	sadd.s32 s3, s9;
	s6 =	sadd.s32 @!p0 $0x88, s6;
	s7 =	simm.s32 @p2 $0x1082  }
0x22: {  	[simem:s7], [sflag:s8] =	dma.local @!p0 [hbm:s6], $0xF7A  }
0x23: {  	s9 =	sor.u32 $0xD0000000, s2;
	s6 =	simm.s32 $0x108;
	_ =	swait.ge @!p0 [sflag:s8], $0x0  }
0x24: {  	s3 =	sadd.s32 $0x88, s3;
	s6 =	simm.s32 @!p1 $0x1082;
	[sflag:s4] =	ssyncset.s32 $0xFFFFF086  }
0x25: {  	[simem:s6], [sflag:s4] =	dma.local [hbm:s3], $0xF7A  }
0x26: {  	[smem:$0x3F96] =	sst s1;
	(tag) =	ssettag s2;
	_ =	strace s9  }
0x27: {  	s1 =	sld [smem:$0x3FA6]  }
0x28: {  	s2 =	sld [smem:$0x3FA7]  }
0x29: {  	s4 =	sld [smem:$0x3FA9]  }
0x2a: {  	p0 =	seq.s32 s5, $0x0;
	s5 =	sld [smem:$0x3FAA]  }
0x2b: {  	s6 =	sld [smem:$0x3FAB]  }
0x2c: {  	s7 =	sld [smem:$0x3FAC]  }
0x2d: {  	s3 =	simm.s32 $0x108;
	s8 =	sld [smem:$0x3FAD]  }
0x2e: {  	s3 =	simm.s32 @!p0 $0x1082;
	s9 =	sld [smem:$0x3FAE]  }
0x2f: {  	lr =	sadd.s32 s0, s3;
	s0 =	sld [smem:$0x3FA5]  }
0x30: {  	s3 =	sld [smem:$0x3FA8]  }
0x31: {  	[smem:$0x3FB1] =	sst s10  }
0x32: {  	s10 =	sld [smem:$0x3FAF];
	_ =	sdelay $0x3  }
0x33: {  	p0 =	seq.s32 s10, $0x1;
	s10 =	sld [smem:$0x3FB1];
	_ =	sdelay $0x3  }
0x34: {  	[smem:$0x3FB1] =	sst s10  }
0x35: {  	s10 =	sld [smem:$0x3FB0];
	_ =	sdelay $0x3  }
0x36: {  	p1 =	seq.s32 s10, $0x1;
	s10 =	sld [smem:$0x3FB1];
	_ =	sdelay $0x3  }
0x37: {  	[smem:$0x3FB1] =	sst s10  }
0x38: {  	s10 =	sld [smem:$0x3FB2]  }
0x39: {  	_ = 	snop;
	(pc) =	sbr.ind lr, $3  }
0x3a: {  	_ = 	snop  }
0x3b: {  	_ = 	snop  }
0x3c: {  	p2 =	seq.s32 s10, $0x1;
	s10 =	sld [smem:$0x3FB1]  }
0x3d: {  	_ =	shalt  }
0x3e: {  	_ =	shalt  }
0x3f: {  	_ =	shalt  }
0x40: {  	_ =	shalt  }
0x41: {  	_ =	shalt  }
0x42: {  	_ =	shalt  }
0x43: {  	_ =	shalt  }
0x44: {  	_ =	shalt  }
0x45: {  	_ =	shalt  }
0x46: {  	_ =	shalt  }
0x47: {  	_ =	shalt  }
0x48: {  	_ =	shalt  }
0x49: {  	_ =	shalt  }
0x4a: {  	_ =	shalt  }
0x4b: {  	_ =	shalt  }
0x4c: {  	_ =	shalt  }
0x4d: {  	_ =	shalt  }
0x4e: {  	_ =	shalt  }
0x4f: {  	_ =	shalt  }
0x50: {  	_ =	shalt  }
0x51: {  	_ =	shalt  }
0x52: {  	_ =	shalt  }
0x53: {  	_ =	shalt  }
0x54: {  	_ =	shalt  }
0x55: {  	_ =	shalt  }
0x56: {  	_ =	shalt  }
0x57: {  	_ =	shalt  }
0x58: {  	_ =	shalt  }
0x59: {  	_ =	shalt  }
0x5a: {  	_ =	shalt  }
0x5b: {  	_ =	shalt  }
0x5c: {  	_ =	shalt  }
0x5d: {  	_ =	shalt  }
0x5e: {  	_ =	shalt  }
0x5f: {  	_ =	shalt  }
0x60: {  	_ =	shalt  }
0x61: {  	_ =	shalt  }
0x62: {  	_ =	shalt  }
0x63: {  	_ =	shalt  }
0x64: {  	_ =	shalt  }
0x65: {  	_ =	shalt  }
0x66: {  	_ =	shalt  }
0x67: {  	_ =	shalt  }
0x68: {  	_ =	shalt  }
0x69: {  	_ =	shalt  }
0x6a: {  	_ =	shalt  }
0x6b: {  	_ =	shalt  }
0x6c: {  	_ =	shalt  }
0x6d: {  	_ =	shalt  }
0x6e: {  	_ =	shalt  }
0x6f: {  	_ =	shalt  }
0x70: {  	_ =	shalt  }
0x71: {  	_ =	shalt  }
0x72: {  	_ =	shalt  }
0x73: {  	_ =	shalt  }
0x74: {  	_ =	shalt  }
0x75: {  	_ =	shalt  }
0x76: {  	_ =	shalt  }
0x77: {  	_ =	shalt  }
0x78: {  	_ =	shalt  }
0x79: {  	_ =	shalt  }
0x7a: {  	_ =	shalt  }
0x7b: {  	_ =	shalt  }
0x7c: {  	_ =	shalt  }
0x7d: {  	_ =	shalt  }
0x7e: {  	_ =	shalt  }
0x7f: {  	_ =	shalt  }
0x80: {  	_ =	shalt  }
0x81: {  	_ =	shalt  }
0x82: {  	_ =	shalt  }
0x83: {  	_ =	shalt  }
0x84: {  	_ =	shalt  }
0x85: {  	_ =	shalt  }
0x86: {  	_ =	shalt  }
0x87: {  	_ =	shalt  }
.Lfunc_end0:
.L_simem_size_0:
called_computation_lowered:
.L_overlay_start_0:
0x88: {  	s2 =	sld [smem:$0x3FD9]  }
0x89: {  	s3 =	sld [smem:$0x3FFE];
	_ =	sdelay $0x1  }
0x8a: {  	s1 =	srdreg.scid  }
0x8b: {  	s0 =	sand.u32 $0x1, s1  }
0x8c: {  	s17 =	sshll.u32 s0, $0xA;
	s2 =	sadd.s32 s3, s2  }
0x8d: {  	s2 =	sadd.s32 s2, s17  }
0x8e: {  	[smem:$0x3FBD] =	sst s2  }
0x8f: {  	_ = 	snop  }
0x90: {  	s2 =	sld [smem:$0x3FD0];
	(tm) =	ssettm $0x1  }
0x91: {  	s18 =	sld [smem:$0x3FFB];
	_ =	sdelay $0x3  }
0x92: {  	_ =	strace s18  }
0x93: {  	s3 =	sld [smem:$0x3FFC];
	_ =	sdelay $0x3  }
0x94: {  	_ =	strace s3  }
0x95: {  	s3 =	sld [smem:$0x3FFD];
	_ =	sdelay $0x3  }
0x96: {  	_ =	strace s3  }
0x97: {  	_ =	strace $0x8FFFFFFF  }
0x98: {  	s19 =	sld [smem:$0x3FDB];
	_ =	sdelay $0x1  }
0x99: {  	s4 =	simm.s32 $_scs_section_size  }
0x9a: {  	s5 =	simm.s32 $_size__tile_overlayer_lowered;
	s6 =	simm.s32 $_tile_overlayer_lowered  }
0x9b: {  	s22 =	simm.s32 $0x1BFF;
	s21 =	sshll.u32 s6, $0x1;
	s3 =	sadd.s32 s4, s19  }
0x9c: {  	s7 =	simm.s32 $0x0;
	s20 =	sshll.u32 s5, $0x1;
	s5 =	sadd.s32 s21, s3  }
0x9d: {  	[timem:s7], [sflag:s22] =	dma.local [hbm:s5], s20  }
0x9e: {  	_ =	swait.ge [sflag:s22], s20  }
0x9f: {  	s4 =	ssub.s32 $0x0, s20;
	[sflag:s22] =	ssyncset.done $0x0  }
0xa0: {  	[sflag:s22] =	ssyncadd.s32 s4;
	_ =	sdelay $0x1  }
0xa1: {  	s23 =	simm.s32 $0x1B8B  }
0xa2: {  	_ =	swait.ge [sflag:s23], $0x1  }
0xa3: {  	[sflag:s23] =	ssyncset.done $0x0  }
0xa4: {  	s25 =	simm.s32 $0x1B8E;
	s24 =	sld [smem:$0x3FFE];
	[sflag:s23] =	ssyncadd.s32 $0xFFFFFFFF  }
0xa5: {  	s26 =	simm.s32 $execute0_lowered;
	[smem:$0x3FD2] =	sst s25  }
0xa6: {  	s5 =	sshll.u32 s26, $0x1;
	_ =	strace $0x80000046;
	[dreg:$0x1] =	wrdreg $0xFFFFFFFF  }
0xa7: {  	s28 =	simm.s32 $_size_execute0_lowered;
	s3 =	sadd.s32 s3, s5;
	[dreg:$0x0] =	wrdreg $0x0  }
0xa8: {  	s5 =	sshll.u32 s28, $0x1;
	[dreg:$0x2] =	wrdreg s3  }
0xa9: {  	[dreg:$0x3] =	wrdreg s5  }
0xaa: {  	[dreg:$0x4] =	wrdreg $0xC0  }
0xab: {  	_ =	task [dreg:s7], $0x5FFFF  }
0xac: {  	[dreg:$0x1] =	wrdreg $0xFFFFFFFF  }
0xad: {  	[dreg:$0x0] =	wrdreg $0x60  }
0xae: {  	[dreg:$0x2] =	wrdreg s2  }
0xaf: {  	[dreg:$0x3] =	wrdreg s24  }
0xb0: {  	[dreg:$0x4] =	wrdreg $0x9B000  }
0xb1: {  	[dreg:$0x5] =	wrdreg $0x9  }
0xb2: {  	_ =	task.clear_ibuf [dreg:s7], $0x6FFFF;
	_ =	strace $0x90000046  }
0xb3: {  	s29 =	simm.s32 $0x9;
	_ =	strace $0x80000048  }
0xb4: {  	_ =	swait.ge [sflag:s29], $0x1  }
0xb5: {  	[sflag:s29] =	ssyncadd.s32 $0xFFFFFFFF  }
0xb6: {  	_ =	strace $0x90000048  }
0xb7: {  	_ =	sfence  }
0xb8: {  	s30 =	sld [smem:$0x0];
	_ =	sdelay $0x2  }
0xb9: {  	s31 =	sshll.u32 s1, $0xD;
	s1 =	sshrl.u32 s1, $0x2  }
0xba: {  	s3 =	sand.u32 $0x4000, s31;
	s1 =	sadd.s32 s1, s30  }
0xbb: {  	s0 =	sor.u32 s3, s0;
	s1 =	sshll.u32 s1, $0x11  }
0xbc: {  	s0 =	sor.u32 s1, s0  }
0xbd: {  	s0 =	sadd.s32 $0x8F2B, s0  }
0xbe: {  	[sflag:s0] =	ssyncadd.remote.s32 $0x1  }
0xbf: {  	_ =	sfence.sel $0xFFFF  }
0xc0: {  	[dreg:$0x0] =	wrdreg $0xFFFFFFFF;
	(pc) =	sbr.abs _section_cstart, $3  }
0xc1: {  	[dreg:$0x1] =	wrdreg $0xFFFFFFFF  }
0xc2: {  	_ =	task.clear_ibuf [dreg:s7], $0x2FFFF;
	_ =	strace $0x9FFFFFFF  }
0xc3: {  	(tm) =	ssettm $0x7FFFFFFF  }
tec
execute0_lowered:
.L_overlay_start_1:
0x0: {  	(tag) =	ssettag $0x1  }
0x1: {  	s1 =	rddreg [dreg:$0x0]  }
0x2: {  	s0 =	rddreg [dreg:$0x1]  }
0x3: {  	s2 =	rddreg [dreg:$0x2]  }
0x4: {  	s3 =	srdreg.scid;
	s4 =	simm.s32 $0x0;
	s11 =	stileid.u32  }
0x5: {  	s3 =	sand.u32 $0x1, s3;
	[smem:$0x7FF] =	sst s4;
	s8 =	smul.u32 $0x15F90, s11  }
0x6: {  	s6 =	sadd.s32 $0x1E00, s0;
	s7 =	smul.u32 $0x15F900, s3;
	s5 =	sshll.u32 s3, $0x4  }
0x7: {  	s23 =	smul.u32 $0x57E40, s11;
	s3 =	ssub.s32 $0x2, s3;
	s5 =	sor.u32 s11, s5  }
0x8: {  	s9 =	sshrl.u32 s3, $0x1;
	s5 =	smul.u32 $0x2710, s5;
	s7 =	sadd.s32 s8, s7  }
0x9: {  	_ =	strace $0x80000047;
	s3 =	ssub.s32 s3, s9;
	s7 =	sshrl.u32 s7, $0x3  }
0xa: {  	s3 =	smax.u32 s3, $0x1;
	s10 =	sshrl.u32 s5, $0x3;
	s0 =	sadd.s32 s7, s0  }
0xb: {  	s21 =	sadd.s32 $0x3E8, s5;
	[dreg:$0xa] =	wrdreg s3;
	s12 =	sadd.s32 s6, s10  }
0xc: {  	s22 =	sadd.s32 $0x4E5E8, s5;
	s0 =	sadd.s32 $0x15800, s0;
	[dreg:$0x4] =	wrdreg s12  }
0xd: {  	s7 =	sshrl.u32 s21, $0x3;
	s24 =	sadd.s32 $0x9C40, s12;
	[dreg:$0x8] =	wrdreg s0  }
0xe: {  	s9 =	sshrl.u32 s22, $0x3;
	s7 =	sadd.s32 s6, s7;
	[dreg:$0x5] =	wrdreg s24  }
0xf: {  	s28 =	sadd.s32 s8, s2;
	s25 =	sadd.s32 s6, s9;
	[dreg:$0x6] =	wrdreg s7  }
0x10: {  	s26 =	sshrl.u32 s23, $0x2;
	s0 =	sshrl.u32 s28, $0x3;
	[dreg:$0x7] =	wrdreg s25  }
0x11: {  	s7 =	sadd.s32 s26, s2;
	[dreg:$0x16] =	wrdreg s0  }
0x12: {  	s29 =	sadd.s32 $0xE10, s7;
	[dreg:$0x9] =	wrdreg s7  }
0x13: {  	s30 =	sadd.s32 $0x1C20, s7;
	[dreg:$0xb] =	wrdreg s29  }
0x14: {  	s8 =	sadd.s32 $0x2A30, s7;
	[dreg:$0xc] =	wrdreg s30  }
0x15: {  	s9 =	sadd.s32 $0x3840, s7;
	[dreg:$0xd] =	wrdreg s8  }
0x16: {  	s10 =	sadd.s32 $0x4650, s7;
	[dreg:$0xe] =	wrdreg s9  }
0x17: {  	s11 =	sadd.s32 $0x5460, s7;
	[dreg:$0xf] =	wrdreg s10  }
0x18: {  	s12 =	sadd.s32 $0x6270, s7;
	[dreg:$0x10] =	wrdreg s11  }
0x19: {  	s13 =	sadd.s32 $0x7080, s7;
	[dreg:$0x11] =	wrdreg s12  }
0x1a: {  	s14 =	sadd.s32 $0x7E90, s7;
	[dreg:$0x12] =	wrdreg s13  }
0x1b: {  	s15 =	sadd.s32 $0x8CA0, s7;
	[dreg:$0x13] =	wrdreg s14  }
0x1c: {  	s16 =	sadd.s32 $0x9AB0, s7;
	[dreg:$0x14] =	wrdreg s15  }
0x1d: {  	s17 =	sadd.s32 $0xA8C0, s7;
	[dreg:$0x15] =	wrdreg s16  }
0x1e: {  	s18 =	sadd.s32 $0xB6D0, s7;
	[dreg:$0x17] =	wrdreg s17  }
0x1f: {  	s19 =	sadd.s32 $0xC4E0, s7;
	[dreg:$0x18] =	wrdreg s18  }
0x20: {  	s20 =	sadd.s32 $0xD2F0, s7;
	[dreg:$0x19] =	wrdreg s19  }
0x21: {  	s21 =	sadd.s32 $0xE100, s7;
	[dreg:$0x1a] =	wrdreg s20  }
0x22: {  	s22 =	sadd.s32 $0xEF10, s7;
	[dreg:$0x1b] =	wrdreg s21  }
0x23: {  	s23 =	sadd.s32 $0xFD20, s7;
	[dreg:$0x1c] =	wrdreg s22  }
0x24: {  	s24 =	sadd.s32 $0x10B30, s7;
	[dreg:$0x1d] =	wrdreg s23  }
0x25: {  	s25 =	sadd.s32 $0x11940, s7;
	[dreg:$0x1e] =	wrdreg s24  }
0x26: {  	s26 =	sadd.s32 $0x12750, s7;
	[dreg:$0x1f] =	wrdreg s25  }
0x27: {  	s31 =	simm.s32 $0x0;
	s28 =	sadd.s32 $0x13560, s7;
	[smem:$0x7FA] =	sst s26  }
0x28: {  	[smem:$0x7FB] =	sst s28;
	s29 =	sadd.s32 $0x14370, s7;
	s30 =	sadd.s32 $0x15180, s7  }
.Ltmp0:
0x29: {  	s15 =	simm.s32 $0x5;
	s16 =	simm.s32 $0x28;
	(pc) =	sbr.rel .LBB2_1-.Ltmp0, $4  }
0x2a: {  	v0 =	vimm.f32 $0.0e+00;
	s17 =	simm.s32 $0x23A0;
	s18 =	simm.s32 $0x4BA0;
	s19 =	simm.s32 $0x8CF0  }
0x2b: {  	v1 =	vimm.s32 $0xF;
	vm0 =	vmmov $0x1;
	vm1 =	vcmask $0x320;
	s20 =	simm.s32 $0x6;
	s21 =	simm.s32 $0x1;
	s22 =	simm.s32 $0x8CA0  }
0x2c: {  	vm2 =	vcmask $0x720;
	vm3 =	vcmask $0xB20;
	vm4 =	vcmask $0xF20;
	s23 =	simm.s32 $0x5FA0;
	s24 =	simm.s32 $0x2;
	[smem:$0x7FC] =	sst s29  }
0x2d: {  	vm5 =	vcmask $0x1320;
	vm6 =	vcmask $0x1720;
	vm7 =	vcmask $0x1B20;
	s25 =	simm.s32 $0x8CC8;
	s26 =	simm.s32 $0x7620;
	[smem:$0x7FD] =	sst s30  }
.LBB2_10:
0x2e: {  	s0 =	simm.s32 $0x3  }
0x2f: {  	_ =	swait.ge [sflag:s0], $0x1680  }
0x30: {  	[sflag:s0] =	ssyncset.done $0x0  }
0x31: {  	s14 =	simm.s32 $0x4;
	[sflag:s0] =	ssyncadd.s32 $0xFFFFE980  }
0x32: {  	_ =	swait.ge [sflag:s14], $0x1680  }
0x33: {  	[sflag:s14] =	ssyncset.done $0x0  }
0x34: {  	[sflag:s14] =	ssyncadd.s32 $0xFFFFE980  }
0x35: {  	s28 =	stileid.u32;
	[bflag:$0x0] =	sbarrier.arrive $0xFFFF  }
0x36: {  	s0 =	sshll.u32 s28, $0x6;
	s3 =	rddreg [dreg:$0x8]  }
0x37: {  	s29 =	simm.s32 $0x7;
	s0 =	sor.u32 $0x1C07, s0;
	s7 =	rddreg [dreg:$0x16]  }
0x38: {  	[hbm:s3], [sflag:s0] =	dma.local [spmem:s7], $0x2BF2  }
0x39: {  	_ =	swait.ge [sflag:s29], $0x2BF2  }
0x3a: {  	s31 =	sadd.s32 $0x1, s31;
	s30 =	rddreg [dreg:$0xa]  }
0x3b: {  	p0 =	sne.s32 s31, s30  }
.Ltmp1:
0x3c: {  	_ = 	snop;
	(pc) =	sbr.rel @!p0 .LBB2_11-.Ltmp1, $3  }
0x3d: {  	_ =	sdelay $0x1  }
0x3e: {  	[sflag:s29] =	ssyncset.done $0x0  }
0x3f: {  	v0 =	vimm.f32 $0.0e+00;
	[sflag:s29] =	ssyncadd.s32 $0xFFFFD40E  }
.LBB2_1:
0x40: {  	s0 =	rddreg [dreg:$0x4]  }
0x41: {  	[tilespmem:s4], [sflag:$0x5] =	stream.linear.gather [hbm4b:s0+s4], $0x3E8, $0x38;
	[tilespmem:$0x1FA90] =	vst v63  }
0x42: {  	s11 =	rddreg [dreg:$0x5];
	s3 =	simm.s32 $0x7D0  }
0x43: {  	[tilespmem:s3], [sflag:$0x5] =	stream.linear.gather [hbm4b:s11+s4], $0x3E8, $0x38;
	[tilespmem:$0x1FA90] =	vst v63  }
0x44: {  	_ =	swait.ge [sflag:s15], $0x3E8  }
0x45: {  	[sflag:s15] =	ssyncset.done $0x0  }
0x46: {  	[sflag:s15] =	ssyncadd.s32 $0xFFFFFC18  }
0x47: {  	_ =	swait.ge [sflag:s15], $0x3E8  }
0x48: {  	[sflag:s15] =	ssyncset.done $0x0  }
0x49: {  	s7 =	simm.s32 $0x3E8;
	s12 =	rddreg [dreg:$0x6];
	[sflag:s15] =	ssyncadd.s32 $0xFFFFFC18  }
0x4a: {  	[tilespmem:s7], [sflag:$0x5] =	stream.linear.gather [hbm4b:s12+s4], $0x3E8, $0x38;
	[tilespmem:$0x1FA90] =	vst v63  }
0x4b: {  	s14 =	simm.s32 $0xBB8;
	s13 =	rddreg [dreg:$0x7]  }
0x4c: {  	[tilespmem:s14], [sflag:$0x5] =	stream.linear.gather [hbm4b:s13+s4], $0x3E8, $0x38;
	[tilespmem:$0x1FA90] =	vst v63  }
0x4d: {  	s28 =	simm.s32 $0xFA0  }
0x4e: {  	[tilespmem:s28], [sflag:$0x1] =	stream.indirect.gather [hbm4b:s1+s16], $0x80, s4, s16, $0xb8;
	[tilespmem:$0x1FA90] =	vst v63  }
0x4f: {  	s29 =	simm.s32 $0x37A0  }
0x50: {  	[tilespmem:s29], [sflag:$0x1] =	stream.indirect.gather [hbm4b:s1+s16], $0x80, s3, s16, $0xb8;
	[tilespmem:$0x1FA90] =	vst v63  }
0x51: {  	_ = 	snop  }
0x52: {  	[tilespmem:s17], [sflag:$0x2] =	stream.indirect.gather [hbm4b:s1+s16], $0x80, s16, s16, $0xb8;
	[tilespmem:$0x1FA90] =	vst v63  }
0x53: {  	s30 =	simm.s32 $0x7F8;
	s0 =	simm.s32 $0x0;
	s3 =	simm.s32 $0x240  }
0x54: {  	[tilespmem:s18], [sflag:$0x2] =	stream.indirect.gather [hbm4b:s1+s16], $0x80, s30, s16, $0xb8;
	[tilespmem:$0x1FA90] =	vst v63  }
.LBB2_2:
0x55: {  	p0 =	sne.s32 s3, $0x3600;
	[tilespmem:s0+$0x8D70] =	vst v0  }
0x56: {  	[tilespmem:s0+$0x8CF0] =	vst v0  }
0x57: {  	[tilespmem:s0+$0x8D00] =	vst v0  }
0x58: {  	[tilespmem:s0+$0x8D10] =	vst v0  }
.Ltmp2:
0x59: {  	[tilespmem:s0+$0x8D20] =	vst v0;
	(pc) =	sbr.rel @p0 .LBB2_2-.Ltmp2, $4  }
0x5a: {  	[tilespmem:s0+$0x8D30] =	vst v0  }
0x5b: {  	[tilespmem:s0+$0x8D40] =	vst v0  }
0x5c: {  	[tilespmem:s0+$0x8D50] =	vst v0  }
0x5d: {  	[tilespmem:s0+$0x8D60] =	vst v0;
	s0 =	sshra.s32 s3, $0x2;
	s3 =	sadd.s32 $0x240, s3  }
0x5e: {  	[tilespmem:s0+$0x8D70] =	vst v0  }
0x5f: {  	[tilespmem:s0+$0x8CF0] =	vst v0  }
0x60: {  	[tilespmem:s0+$0x8D00] =	vst v0  }
0x61: {  	[tilespmem:s0+$0x8D10] =	vst v0  }
0x62: {  	[tilespmem:s0+$0x8D20] =	vst v0  }
0x63: {  	[tilespmem:s0+$0x8D30] =	vst v0  }
0x64: {  	[tilespmem:s0+$0x8D40] =	vst v0  }
0x65: {  	[tilespmem:s0+$0x8D50] =	vst v0;
	s30 =	rddreg [dreg:$0x9]  }
0x66: {  	[tilespmem:s0+$0x8D60] =	vst v0;
	s3 =	rddreg [dreg:$0xb]  }
0x67: {  	[spmem:s30] =	stream.linear.scatter [tilespmem:s19], [sflag:$0x6], $0xE10, $0x38;
	[tilespmem:$0x1FA90] =	vst v63  }
0x68: {  	s7 =	rddreg [dreg:$0xc]  }
0x69: {  	[spmem:s3] =	stream.linear.scatter [tilespmem:s19], [sflag:$0x6], $0xE10, $0x38;
	[tilespmem:$0x1FA90] =	vst v63  }
0x6a: {  	s8 =	rddreg [dreg:$0xd]  }
0x6b: {  	[spmem:s7] =	stream.linear.scatter [tilespmem:s19], [sflag:$0x6], $0xE10, $0x38;
	[tilespmem:$0x1FA90] =	vst v63  }
0x6c: {  	s9 =	rddreg [dreg:$0xe]  }
0x6d: {  	[spmem:s8] =	stream.linear.scatter [tilespmem:s19], [sflag:$0x6], $0xE10, $0x38;
	[tilespmem:$0x1FA90] =	vst v63  }
0x6e: {  	s10 =	rddreg [dreg:$0xf]  }
0x6f: {  	[spmem:s9] =	stream.linear.scatter [tilespmem:s19], [sflag:$0x6], $0xE10, $0x38;
	[tilespmem:$0x1FA90] =	vst v63  }
0x70: {  	s11 =	rddreg [dreg:$0x10]  }
0x71: {  	[spmem:s10] =	stream.linear.scatter [tilespmem:s19], [sflag:$0x6], $0xE10, $0x38;
	[tilespmem:$0x1FA90] =	vst v63  }
0x72: {  	s12 =	rddreg [dreg:$0x11]  }
0x73: {  	[spmem:s11] =	stream.linear.scatter [tilespmem:s19], [sflag:$0x6], $0xE10, $0x38;
	[tilespmem:$0x1FA90] =	vst v63  }
0x74: {  	s13 =	rddreg [dreg:$0x12]  }
0x75: {  	[spmem:s12] =	stream.linear.scatter [tilespmem:s19], [sflag:$0x6], $0xE10, $0x38;
	[tilespmem:$0x1FA90] =	vst v63  }
0x76: {  	s14 =	rddreg [dreg:$0x13]  }
0x77: {  	[spmem:s13] =	stream.linear.scatter [tilespmem:s19], [sflag:$0x6], $0xE10, $0x38;
	[tilespmem:$0x1FA90] =	vst v63  }
0x78: {  	s28 =	rddreg [dreg:$0x14]  }
0x79: {  	[spmem:s14] =	stream.linear.scatter [tilespmem:s19], [sflag:$0x6], $0xE10, $0x38;
	[tilespmem:$0x1FA90] =	vst v63  }
0x7a: {  	s29 =	rddreg [dreg:$0x15]  }
0x7b: {  	[spmem:s28] =	stream.linear.scatter [tilespmem:s19], [sflag:$0x6], $0xE10, $0x38;
	[tilespmem:$0x1FA90] =	vst v63  }
0x7c: {  	s30 =	rddreg [dreg:$0x17]  }
0x7d: {  	[spmem:s29] =	stream.linear.scatter [tilespmem:s19], [sflag:$0x6], $0xE10, $0x38;
	[tilespmem:$0x1FA90] =	vst v63  }
0x7e: {  	s3 =	rddreg [dreg:$0x18]  }
0x7f: {  	[spmem:s30] =	stream.linear.scatter [tilespmem:s19], [sflag:$0x6], $0xE10, $0x38;
	[tilespmem:$0x1FA90] =	vst v63  }
0x80: {  	s7 =	rddreg [dreg:$0x19]  }
0x81: {  	[spmem:s3] =	stream.linear.scatter [tilespmem:s19], [sflag:$0x6], $0xE10, $0x38;
	[tilespmem:$0x1FA90] =	vst v63  }
0x82: {  	s8 =	rddreg [dreg:$0x1a]  }
0x83: {  	[spmem:s7] =	stream.linear.scatter [tilespmem:s19], [sflag:$0x6], $0xE10, $0x38;
	[tilespmem:$0x1FA90] =	vst v63  }
0x84: {  	s9 =	rddreg [dreg:$0x1b]  }
0x85: {  	[spmem:s8] =	stream.linear.scatter [tilespmem:s19], [sflag:$0x6], $0xE10, $0x38;
	[tilespmem:$0x1FA90] =	vst v63  }
0x86: {  	s10 =	rddreg [dreg:$0x1c]  }
0x87: {  	[spmem:s9] =	stream.linear.scatter [tilespmem:s19], [sflag:$0x6], $0xE10, $0x38;
	[tilespmem:$0x1FA90] =	vst v63  }
0x88: {  	s11 =	rddreg [dreg:$0x1d]  }
0x89: {  	[spmem:s10] =	stream.linear.scatter [tilespmem:s19], [sflag:$0x6], $0xE10, $0x38;
	[tilespmem:$0x1FA90] =	vst v63  }
0x8a: {  	s12 =	rddreg [dreg:$0x1e]  }
0x8b: {  	[spmem:s11] =	stream.linear.scatter [tilespmem:s19], [sflag:$0x6], $0xE10, $0x38;
	[tilespmem:$0x1FA90] =	vst v63  }
0x8c: {  	s13 =	rddreg [dreg:$0x1f]  }
0x8d: {  	[spmem:s12] =	stream.linear.scatter [tilespmem:s19], [sflag:$0x6], $0xE10, $0x38;
	[tilespmem:$0x1FA90] =	vst v63  }
0x8e: {  	s14 =	sld [smem:$0x7FA]  }
0x8f: {  	[spmem:s13] =	stream.linear.scatter [tilespmem:s19], [sflag:$0x6], $0xE10, $0x38;
	[tilespmem:$0x1FA90] =	vst v63  }
0x90: {  	s28 =	sld [smem:$0x7FB]  }
0x91: {  	[spmem:s14] =	stream.linear.scatter [tilespmem:s19], [sflag:$0x6], $0xE10, $0x38;
	[tilespmem:$0x1FA90] =	vst v63  }
0x92: {  	s29 =	sld [smem:$0x7FC]  }
0x93: {  	[spmem:s28] =	stream.linear.scatter [tilespmem:s19], [sflag:$0x6], $0xE10, $0x38;
	[tilespmem:$0x1FA90] =	vst v63  }
0x94: {  	s30 =	sld [smem:$0x7FD]  }
0x95: {  	[spmem:s29] =	stream.linear.scatter [tilespmem:s19], [sflag:$0x6], $0xE10, $0x38;
	[tilespmem:$0x1FA90] =	vst v63  }
0x96: {  	_ = 	snop  }
0x97: {  	[spmem:s30] =	stream.linear.scatter [tilespmem:s19], [sflag:$0x6], $0xE10, $0x38;
	[tilespmem:$0x1FA90] =	vst v63  }
0x98: {  	_ =	swait.ge [sflag:s20], $0xE10  }
0x99: {  	[sflag:s20] =	ssyncset.done $0x0  }
0x9a: {  	[sflag:s20] =	ssyncadd.s32 $0xFFFFF1F0  }
0x9b: {  	_ =	swait.ge [sflag:s20], $0xE10  }
0x9c: {  	[sflag:s20] =	ssyncset.done $0x0  }
0x9d: {  	[sflag:s20] =	ssyncadd.s32 $0xFFFFF1F0  }
0x9e: {  	_ =	swait.ge [sflag:s20], $0xE10  }
0x9f: {  	[sflag:s20] =	ssyncset.done $0x0  }
0xa0: {  	[sflag:s20] =	ssyncadd.s32 $0xFFFFF1F0  }
0xa1: {  	_ =	swait.ge [sflag:s20], $0xE10  }
0xa2: {  	[sflag:s20] =	ssyncset.done $0x0  }
0xa3: {  	[sflag:s20] =	ssyncadd.s32 $0xFFFFF1F0  }
0xa4: {  	_ =	swait.ge [sflag:s20], $0xE10  }
0xa5: {  	[sflag:s20] =	ssyncset.done $0x0  }
0xa6: {  	[sflag:s20] =	ssyncadd.s32 $0xFFFFF1F0  }
0xa7: {  	_ =	swait.ge [sflag:s20], $0xE10  }
0xa8: {  	[sflag:s20] =	ssyncset.done $0x0  }
0xa9: {  	[sflag:s20] =	ssyncadd.s32 $0xFFFFF1F0  }
0xaa: {  	_ =	swait.ge [sflag:s20], $0xE10  }
0xab: {  	[sflag:s20] =	ssyncset.done $0x0  }
0xac: {  	[sflag:s20] =	ssyncadd.s32 $0xFFFFF1F0  }
0xad: {  	_ =	swait.ge [sflag:s20], $0xE10  }
0xae: {  	[sflag:s20] =	ssyncset.done $0x0  }
0xaf: {  	[sflag:s20] =	ssyncadd.s32 $0xFFFFF1F0  }
0xb0: {  	_ =	swait.ge [sflag:s20], $0xE10  }
0xb1: {  	[sflag:s20] =	ssyncset.done $0x0  }
0xb2: {  	[sflag:s20] =	ssyncadd.s32 $0xFFFFF1F0  }
0xb3: {  	_ =	swait.ge [sflag:s20], $0xE10  }
0xb4: {  	[sflag:s20] =	ssyncset.done $0x0  }
0xb5: {  	[sflag:s20] =	ssyncadd.s32 $0xFFFFF1F0  }
0xb6: {  	_ =	swait.ge [sflag:s20], $0xE10  }
0xb7: {  	[sflag:s20] =	ssyncset.done $0x0  }
0xb8: {  	[sflag:s20] =	ssyncadd.s32 $0xFFFFF1F0  }
0xb9: {  	_ =	swait.ge [sflag:s20], $0xE10  }
0xba: {  	[sflag:s20] =	ssyncset.done $0x0  }
0xbb: {  	[sflag:s20] =	ssyncadd.s32 $0xFFFFF1F0  }
0xbc: {  	_ =	swait.ge [sflag:s20], $0xE10  }
0xbd: {  	[sflag:s20] =	ssyncset.done $0x0  }
0xbe: {  	[sflag:s20] =	ssyncadd.s32 $0xFFFFF1F0  }
0xbf: {  	_ =	swait.ge [sflag:s20], $0xE10  }
0xc0: {  	[sflag:s20] =	ssyncset.done $0x0  }
0xc1: {  	[sflag:s20] =	ssyncadd.s32 $0xFFFFF1F0  }
0xc2: {  	_ =	swait.ge [sflag:s20], $0xE10  }
0xc3: {  	[sflag:s20] =	ssyncset.done $0x0  }
0xc4: {  	[sflag:s20] =	ssyncadd.s32 $0xFFFFF1F0  }
0xc5: {  	_ =	swait.ge [sflag:s20], $0xE10  }
0xc6: {  	[sflag:s20] =	ssyncset.done $0x0  }
0xc7: {  	[sflag:s20] =	ssyncadd.s32 $0xFFFFF1F0  }
0xc8: {  	_ =	swait.ge [sflag:s20], $0xE10  }
0xc9: {  	[sflag:s20] =	ssyncset.done $0x0  }
0xca: {  	[sflag:s20] =	ssyncadd.s32 $0xFFFFF1F0  }
0xcb: {  	_ =	swait.ge [sflag:s20], $0xE10  }
0xcc: {  	[sflag:s20] =	ssyncset.done $0x0  }
0xcd: {  	[sflag:s20] =	ssyncadd.s32 $0xFFFFF1F0  }
0xce: {  	_ =	swait.ge [sflag:s20], $0xE10  }
0xcf: {  	[sflag:s20] =	ssyncset.done $0x0  }
0xd0: {  	[sflag:s20] =	ssyncadd.s32 $0xFFFFF1F0  }
0xd1: {  	_ =	swait.ge [sflag:s20], $0xE10  }
0xd2: {  	[sflag:s20] =	ssyncset.done $0x0  }
0xd3: {  	[sflag:s20] =	ssyncadd.s32 $0xFFFFF1F0  }
0xd4: {  	_ =	swait.ge [sflag:s20], $0xE10  }
0xd5: {  	[sflag:s20] =	ssyncset.done $0x0  }
0xd6: {  	[sflag:s20] =	ssyncadd.s32 $0xFFFFF1F0  }
0xd7: {  	_ =	swait.ge [sflag:s20], $0xE10  }
0xd8: {  	[sflag:s20] =	ssyncset.done $0x0  }
0xd9: {  	[sflag:s20] =	ssyncadd.s32 $0xFFFFF1F0  }
0xda: {  	_ =	swait.ge [sflag:s20], $0xE10  }
0xdb: {  	[sflag:s20] =	ssyncset.done $0x0  }
0xdc: {  	[sflag:s20] =	ssyncadd.s32 $0xFFFFF1F0  }
0xdd: {  	_ =	swait.ge [sflag:s20], $0xE10  }
0xde: {  	[sflag:s20] =	ssyncset.done $0x0  }
0xdf: {  	[sflag:s20] =	ssyncadd.s32 $0xFFFFF1F0  }
0xe0: {  	_ =	swait.ge [sflag:s20], $0xE10  }
0xe1: {  	[sflag:s20] =	ssyncset.done $0x0  }
0xe2: {  	[sflag:s20] =	ssyncadd.s32 $0xFFFFF1F0  }
0xe3: {  	s0 =	simm.s32 $0x0;
	[bflag:$0x0] =	sbarrier.arrive $0xFFFF  }
.LBB2_4:
0xe4: {  	_ =	swait.ge [sflag:s21], $0x1400  }
0xe5: {  	[sflag:s21] =	ssyncset.done $0x0  }
0xe6: {  	[sflag:s21] =	ssyncadd.s32 $0xFFFFEC00  }
0xe7: {  	_ =	swait.ge [sflag:s21], $0x1400  }
0xe8: {  	p0 =	seq.s32 s0, $0x0;
	[sflag:s21] =	ssyncset.done $0x0  }
0xe9: {  	s3 =	simm.s32 @!p0 $0x3;
	[sflag:s21] =	ssyncadd.s32 $0xFFFFEC00  }
0xea: {  	_ =	swait.ge @!p0 [sflag:s3], $0x1680  }
0xeb: {  	[sflag:s3] =	ssyncset.done @!p0 $0x0  }
0xec: {  	s28 =	simm.s32 $0x10E0;
	[sflag:s3] =	ssyncadd.s32 @!p0 $0xFFFFE980  }
0xed: {  	s12 =	simm.s32 $0x38E0;
	v2 =	vld [tilespmem:s28+$0xC0]  }
0xee: {  	v3 =	vld [tilespmem:s12+$0xC0];
	_ =	sdelay $0x1  }
0xef: {  	v4 =	vld [tilespmem:s28+$0xFFFFFF40]  }
0xf0: {  	v5 =	vld [tilespmem:s12+$0xFFFFFF40];
	_ =	sdelay $0x1  }
0xf1: {  	v3 =	vmul.f32 v3, v2  }
0xf2: {  	v6 =	vld [tilespmem:s28+$0xFFFFFFC0]  }
0xf3: {  	v7 =	vld [tilespmem:s12+$0xFFFFFFC0];
	(xrf2) =	vadd.scan.msk.f32 $0xffff, v3  }
0xf4: {  	v3 =	vmul.f32 v5, v4;
	_ =	sdelay $0x1  }
0xf5: {  	v5 =	vld [tilespmem:s12+$0xFFFFFEC0];
	(xrf2) =	vadd.scan.msk.f32 $0xffff, v3  }
0xf6: {  	v3 =	vld [tilespmem:s28+$0xFFFFFEC0]  }
0xf7: {  	v8 =	vld [tilespmem:s28+$0x40];
	v7 =	vmul.f32 v7, v6  }
0xf8: {  	v9 =	vld [tilespmem:s12+$0x40]  }
0xf9: {  	(xrf2) =	vadd.scan.msk.f32 $0xffff, v7;
	_ =	sdelay $0x1  }
0xfa: {  	v5 =	vmul.f32 v5, v3  }
0xfb: {  	v7, _, _ =	vpop (xrf2)  }
0xfc: {  	v9 =	vmul.f32 v9, v8;
	(xrf2) =	vadd.scan.msk.f32 $0xffff, v5;
	v5 =	vperm.xlane v7, v1;
	_ =	sdelay $0x1  }
0xfd: {  	(xrf2) =	vadd.scan.msk.f32 $0xffff, v9;
	v7, _, _ =	vpop (xrf2);
	v5 =	vmul.f32 $2.500000000e-01, v5  }
0xfe: {  	v7 =	vperm.xlane v7, v1  }
0xff: {  	v5 =	vmul.f32 $1.442695020e+00, v5  }
0x100: {  	v7 =	vmul.f32 $2.500000000e-01, v7  }
0x101: {  	v9, _, _ =	vpop (xrf2);
	(erf) = vpow2.f32 v5  }
0x102: {  	v9 =	vperm.xlane v9, v1;
	v5 =	vmul.f32 $1.442695020e+00, v7;
	_ =	sdelay $0x1  }
0x103: {  	v7 =	vmul.f32 $2.500000000e-01, v9;
	(erf) = vpow2.f32 v5;
	_ =	sdelay $0x1  }
0x104: {  	v7 =	vmul.f32 $1.442695020e+00, v7;
	v5, _, _ =	vpop (xrf2)  }
0x105: {  	v5 =	vperm.xlane v5, v1;
	v9, _, _ =	vpop (xrf2)  }
0x106: {  	(erf) = vpow2.f32 v7;
	v7 =	vperm.xlane v9, v1  }
0x107: {  	v5 =	vmul.f32 $2.500000000e-01, v5  }
0x108: {  	v7 =	vmul.f32 $2.500000000e-01, v7;
	v51 =	vpop (erf)  }
0x109: {  	v5 =	vmul.f32 $1.442695020e+00, v5;
	v2 =	vmul.f32 v51, v2  }
0x10a: {  	s8 =	simm.s32 $0x6100  }
0x10b: {  	(erf) = vpow2.f32 v5;
	v5 =	vmul.f32 $1.442695020e+00, v7;
	v47 =	vpop (erf);
	[tilespmem:s8+$0xE0] =	vst v2  }
0x10c: {  	v2 =	vmul.f32 v47, v4;
	v4 =	vld [tilespmem:s28+$0xD0]  }
0x10d: {  	(erf) = vpow2.f32 v5;
	v5 =	vld [tilespmem:s12+$0xD0];
	_ =	sdelay $0x2  }
0x10e: {  	[tilespmem:s8+$0xFFFFFF30] =	vst v2  }
0x10f: {  	v2 =	vld [tilespmem:s28+$0xFFFFFF50]  }
0x110: {  	v48 =	vpop (erf);
	v7 =	vld [tilespmem:s12+$0xFFFFFF50];
	v5 =	vmul.f32 v5, v4  }
0x111: {  	v6 =	vmul.f32 v48, v6  }
0x112: {  	v49 =	vpop (erf);
	(xrf2) =	vadd.scan.msk.f32 $0xffff, v5  }
0x113: {  	[tilespmem:s8+$0xFFFFFFC0] =	vst v6;
	v3 =	vmul.f32 v49, v3  }
0x114: {  	v6 =	vld [tilespmem:s28+$0xFFFFFFD0]  }
0x115: {  	v9 =	vld [tilespmem:s12+$0xFFFFFFD0];
	v5 =	vmul.f32 v7, v2;
	v50 =	vpop (erf);
	[tilespmem:s8+$0xFFFFFEA0] =	vst v3  }
0x116: {  	v3 =	vmul.f32 v50, v8;
	v7 =	vld [tilespmem:s28+$0xFFFFFED0]  }
0x117: {  	(xrf2) =	vadd.scan.msk.f32 $0xffff, v5;
	v5 =	vld [tilespmem:s12+$0xFFFFFED0]  }
0x118: {  	[tilespmem:s8+$0x50] =	vst v3  }
0x119: {  	v8 =	vld [tilespmem:s28+$0x50]  }
0x11a: {  	v3 =	vmul.f32 v9, v6;
	v9 =	vld [tilespmem:s12+$0x50];
	_ =	sdelay $0x1  }
0x11b: {  	(xrf2) =	vadd.scan.msk.f32 $0xffff, v3;
	v3 =	vmul.f32 v5, v7;
	v5, _, _ =	vpop (xrf2)  }
0x11c: {  	v5 =	vperm.xlane v5, v1;
	_ =	sdelay $0x1  }
0x11d: {  	(xrf2) =	vadd.scan.msk.f32 $0xffff, v3;
	v3 =	vmul.f32 v9, v8;
	_ =	sdelay $0x1  }
0x11e: {  	(xrf2) =	vadd.scan.msk.f32 $0xffff, v3;
	v3 =	vmul.f32 $2.500000000e-01, v5;
	v5, _, _ =	vpop (xrf2)  }
0x11f: {  	v5 =	vperm.xlane v5, v1;
	_ =	sdelay $0x1  }
0x120: {  	v3 =	vmul.f32 $1.442695020e+00, v3;
	v5 =	vmul.f32 $2.500000000e-01, v5;
	_ =	sdelay $0x1  }
0x121: {  	(erf) = vpow2.f32 v3;
	v3 =	vmul.f32 $1.442695020e+00, v5  }
0x122: {  	v9, _, _ =	vpop (xrf2)  }
0x123: {  	v9 =	vperm.xlane v9, v1  }
0x124: {  	(erf) = vpow2.f32 v3  }
0x125: {  	v5 =	vmul.f32 $2.500000000e-01, v9;
	v3, _, _ =	vpop (xrf2)  }
0x126: {  	v3 =	vperm.xlane v3, v1  }
0x127: {  	v5 =	vmul.f32 $1.442695020e+00, v5  }
0x128: {  	v9, _, _ =	vpop (xrf2);
	v3 =	vmul.f32 $2.500000000e-01, v3  }
0x129: {  	(erf) = vpow2.f32 v5;
	v5 =	vperm.xlane v9, v1  }
0x12a: {  	v12 =	vpop (erf);
	v3 =	vmul.f32 $1.442695020e+00, v3  }
0x12b: {  	v4 =	vmul.f32 v12, v4;
	v5 =	vmul.f32 $2.500000000e-01, v5  }
0x12c: {  	(erf) = vpow2.f32 v3  }
0x12d: {  	[tilespmem:s8+$0xF0] =	vst v4;
	v3 =	vmul.f32 $1.442695020e+00, v5;
	v0 =	vpop (erf)  }
0x12e: {  	[tilespmem:$0x1FE50] =	vst v0  }
0x12f: {  	(erf) = vpow2.f32 v3;
	v3 =	vld [tilespmem:s28+$0xE0]  }
0x130: {  	v2 =	vmul.f32 v0, v2;
	v4 =	vld [tilespmem:s12+$0xE0];
	_ =	sdelay $0x1  }
0x131: {  	v0 =	vpop (erf);
	[tilespmem:s8+$0xFFFFFF40] =	vst v2  }
0x132: {  	v5 =	vmul.f32 v0, v6;
	[tilespmem:$0x1FE60] =	vst v0  }
0x133: {  	v2 =	vld [tilespmem:s28+$0xFFFFFF60]  }
0x134: {  	v6 =	vld [tilespmem:s12+$0xFFFFFF60];
	[tilespmem:s8+$0xFFFFFFD0] =	vst v5;
	v4 =	vmul.f32 v4, v3;
	v0 =	vpop (erf)  }
0x135: {  	v5 =	vld [tilespmem:s28+$0xFFFFFFE0];
	[tilespmem:$0x1FE70] =	vst v0  }
0x136: {  	(xrf2) =	vadd.scan.msk.f32 $0xffff, v4;
	v9 =	vld [tilespmem:s12+$0xFFFFFFE0]  }
0x137: {  	v7 =	vmul.f32 v0, v7;
	v0 =	vpop (erf)  }
0x138: {  	[tilespmem:$0x1FE80] =	vst v0  }
0x139: {  	v4 =	vmul.f32 v6, v2;
	v6 =	vmul.f32 v0, v8;
	[tilespmem:s8+$0xFFFFFEB0] =	vst v7  }
0x13a: {  	v7 =	vld [tilespmem:s28+$0xFFFFFEE0]  }
0x13b: {  	(xrf2) =	vadd.scan.msk.f32 $0xffff, v4;
	v4 =	vld [tilespmem:s12+$0xFFFFFEE0];
	[tilespmem:s8+$0x60] =	vst v6;
	v6 =	vmul.f32 v9, v5;
	_ =	sdelay $0x1  }
0x13c: {  	v8 =	vld [tilespmem:s28+$0x60];
	(xrf2) =	vadd.scan.msk.f32 $0xffff, v6  }
0x13d: {  	v9 =	vld [tilespmem:s12+$0x60];
	_ =	sdelay $0x1  }
0x13e: {  	v4 =	vmul.f32 v4, v7;
	v6, _, _ =	vpop (xrf2)  }
0x13f: {  	v6 =	vperm.xlane v6, v1  }
0x140: {  	(xrf2) =	vadd.scan.msk.f32 $0xffff, v4  }
0x141: {  	v4 =	vmul.f32 v9, v8;
	_ =	sdelay $0x1  }
0x142: {  	(xrf2) =	vadd.scan.msk.f32 $0xffff, v4;
	v4 =	vmul.f32 $2.500000000e-01, v6;
	v6, _, _ =	vpop (xrf2)  }
0x143: {  	v6 =	vperm.xlane v6, v1  }
0x144: {  	v4 =	vmul.f32 $1.442695020e+00, v4;
	v9, _, _ =	vpop (xrf2)  }
0x145: {  	v6 =	vmul.f32 $2.500000000e-01, v6;
	v9 =	vperm.xlane v9, v1;
	_ =	sdelay $0x1  }
0x146: {  	(erf) = vpow2.f32 v4;
	v4 =	vmul.f32 $1.442695020e+00, v6  }
0x147: {  	v6 =	vmul.f32 $2.500000000e-01, v9  }
0x148: {  	(erf) = vpow2.f32 v4;
	v9, _, _ =	vpop (xrf2)  }
0x149: {  	v4 =	vmul.f32 $1.442695020e+00, v6;
	v6 =	vperm.xlane v9, v1;
	_ =	sdelay $0x1  }
0x14a: {  	(erf) = vpow2.f32 v4;
	v4 =	vmul.f32 $2.500000000e-01, v6  }
0x14b: {  	v9, _, _ =	vpop (xrf2)  }
0x14c: {  	v6 =	vperm.xlane v9, v1;
	v4 =	vmul.f32 $1.442695020e+00, v4;
	_ =	sdelay $0x1  }
0x14d: {  	v0 =	vpop (erf);
	v6 =	vmul.f32 $2.500000000e-01, v6;
	(erf) = vpow2.f32 v4  }
0x14e: {  	v3 =	vmul.f32 v0, v3  }
0x14f: {  	[tilespmem:$0x1FE90] =	vst v0;
	v4 =	vmul.f32 $1.442695020e+00, v6  }
0x150: {  	[tilespmem:s8+$0x100] =	vst v3;
	v0 =	vpop (erf)  }
0x151: {  	[tilespmem:$0x1FEA0] =	vst v0;
	(erf) = vpow2.f32 v4  }
0x152: {  	v2 =	vmul.f32 v0, v2;
	v3 =	vld [tilespmem:s28+$0xF0];
	v0 =	vpop (erf)  }
0x153: {  	v4 =	vld [tilespmem:s12+$0xF0];
	[tilespmem:$0x1FEB0] =	vst v0  }
0x154: {  	[tilespmem:s8+$0xFFFFFF50] =	vst v2;
	v2 =	vmul.f32 v0, v5  }
0x155: {  	v5 =	vld [tilespmem:s28+$0xFFFFFF70]  }
0x156: {  	v6 =	vld [tilespmem:s12+$0xFFFFFF70];
	[tilespmem:s8+$0xFFFFFFE0] =	vst v2;
	v0 =	vpop (erf)  }
0x157: {  	v2 =	vld [tilespmem:s28+$0xFFFFFFF0];
	[tilespmem:$0x1FEC0] =	vst v0  }
0x158: {  	v4 =	vmul.f32 v4, v3;
	v9 =	vld [tilespmem:s12+$0xFFFFFFF0];
	_ =	sdelay $0x1  }
0x159: {  	v7 =	vmul.f32 v0, v7;
	(xrf2) =	vadd.scan.msk.f32 $0xffff, v4;
	v0 =	vpop (erf)  }
0x15a: {  	[tilespmem:$0x1FED0] =	vst v0;
	v4 =	vmul.f32 v0, v8  }
0x15b: {  	v6 =	vmul.f32 v6, v5;
	[tilespmem:s8+$0xFFFFFEC0] =	vst v7  }
0x15c: {  	v7 =	vld [tilespmem:s28+$0xFFFFFEF0];
	[tilespmem:s8+$0x70] =	vst v4;
	v4 =	vmul.f32 v9, v2  }
0x15d: {  	v8 =	vld [tilespmem:s12+$0xFFFFFEF0];
	(xrf2) =	vadd.scan.msk.f32 $0xffff, v6  }
0x15e: {  	v6 =	vld [tilespmem:s28+$0x70];
	(xrf2) =	vadd.scan.msk.f32 $0xffff, v4  }
0x15f: {  	v9 =	vld [tilespmem:s12+$0x70];
	_ =	sdelay $0x2  }
0x160: {  	v4 =	vmul.f32 v8, v7  }
0x161: {  	v8, _, _ =	vpop (xrf2)  }
0x162: {  	(xrf2) =	vadd.scan.msk.f32 $0xffff, v4;
	v4 =	vmul.f32 v9, v6;
	v8 =	vperm.xlane v8, v1  }
0x163: {  	s11 =	simm.s32 $0x3B60  }
0x164: {  	s10 =	simm.s32 $0x1360;
	v9 =	vld [tilespmem:s11+$0xC0];
	(xrf2) =	vadd.scan.msk.f32 $0xffff, v4;
	v4 =	vmul.f32 $2.500000000e-01, v8  }
0x165: {  	v8 =	vld [tilespmem:s10+$0xC0];
	v10, _, _ =	vpop (xrf2)  }
0x166: {  	v4 =	vmul.f32 $1.442695020e+00, v4;
	v10 =	vperm.xlane v10, v1;
	v13, _, _ =	vpop (xrf2)  }
0x167: {  	v13 =	vperm.xlane v13, v1  }
0x168: {  	(erf) = vpow2.f32 v4;
	v4 =	vmul.f32 $2.500000000e-01, v10  }
0x169: {  	v15 =	vld [tilespmem:s11+$0xFFFFFF40];
	v13 =	vmul.f32 $2.500000000e-01, v13  }
0x16a: {  	v10 =	vld [tilespmem:s10+$0xFFFFFF40];
	v9 =	vmul.f32 v9, v8;
	v4 =	vmul.f32 $1.442695020e+00, v4  }
0x16b: {  	v14 =	vld [tilespmem:s11+$0xFFFFFEC0];
	v13 =	vmul.f32 $1.442695020e+00, v13  }
0x16c: {  	v17 =	vld [tilespmem:s10+$0xFFFFFFC0];
	(xrf2) =	vadd.scan.msk.f32 $0xffff, v9;
	(erf) = vpow2.f32 v4  }
0x16d: {  	v16, _, _ =	vpop (xrf2);
	(erf) = vpow2.f32 v13;
	v13 =	vld [tilespmem:s10+$0xFFFFFEC0]  }
0x16e: {  	v18 =	vld [tilespmem:s11+$0xFFFFFFC0];
	v9 =	vperm.xlane v16, v1  }
0x16f: {  	v15 =	vmul.f32 v15, v10  }
0x170: {  	v16, _, _ =	vpop (xrf2);
	v9 =	vmul.f32 $2.500000000e-01, v9  }
0x171: {  	v16 =	vperm.xlane v16, v1;
	(xrf2) =	vadd.scan.msk.f32 $0xffff, v15  }
0x172: {  	v9 =	vmul.f32 $1.442695020e+00, v9;
	v14 =	vmul.f32 v14, v13  }
0x173: {  	v15 =	vmul.f32 v18, v17  }
0x174: {  	(erf) = vpow2.f32 v9;
	v9 =	vmul.f32 $2.500000000e-01, v16  }
0x175: {  	v19 =	vld [tilespmem:s11+$0x40];
	v0 =	vpop (erf);
	(xrf2) =	vadd.scan.msk.f32 $0xffff, v15  }
0x176: {  	v4 =	vld [tilespmem:s10+$0x40];
	v3 =	vmul.f32 v0, v3;
	v9 =	vmul.f32 $1.442695020e+00, v9;
	(xrf2) =	vadd.scan.msk.f32 $0xffff, v14;
	v14, _, _ =	vpop (xrf2)  }
0x177: {  	[tilespmem:$0x1FEE0] =	vst v0;
	v14 =	vperm.xlane v14, v1  }
0x178: {  	[tilespmem:s8+$0x110] =	vst v3;
	(erf) = vpow2.f32 v9  }
0x179: {  	v3 =	vld [tilespmem:s28+$0x100]  }
0x17a: {  	v15 =	vld [tilespmem:s12+$0x100];
	v0 =	vpop (erf);
	v9 =	vmul.f32 $2.500000000e-01, v14  }
0x17b: {  	v18 =	vmul.f32 v19, v4;
	v5 =	vmul.f32 v0, v5;
	v14, _, _ =	vpop (xrf2)  }
0x17c: {  	[tilespmem:$0x1FEF0] =	vst v0;
	v0 =	vpop (erf);
	v9 =	vmul.f32 $1.442695020e+00, v9;
	v14 =	vperm.xlane v14, v1  }
0x17d: {  	(xrf2) =	vadd.scan.msk.f32 $0xffff, v18;
	[tilespmem:$0x1FF00] =	vst v0;
	v11 =	vpop (erf)  }
0x17e: {  	[tilespmem:$0x1FF10] =	vst v11;
	(erf) = vpow2.f32 v9;
	v9 =	vmul.f32 $2.500000000e-01, v14  }
0x17f: {  	v18 =	vmul.f32 v15, v3;
	[tilespmem:s8+$0xFFFFFF60] =	vst v5  }
0x180: {  	v5 =	vmul.f32 v11, v7;
	v7 =	vld [tilespmem:s28+$0xFFFFFF80];
	v14, _, _ =	vpop (xrf2)  }
0x181: {  	v2 =	vmul.f32 v0, v2;
	(xrf2) =	vadd.scan.msk.f32 $0xffff, v18;
	v18 =	vld [tilespmem:s12+$0xFFFFFF80];
	v0 =	vpop (erf);
	v14 =	vperm.xlane v14, v1  }
0x182: {  	[tilespmem:s8+$0xFFFFFED0] =	vst v5;
	v5 =	vmul.f32 $1.442695020e+00, v9;
	v9, _, _ =	vpop (xrf2)  }
0x183: {  	v19 =	vld [tilespmem:s28+$0xFFFFFF00];
	[tilespmem:$0x1FF20] =	vst v0;
	v14 =	vmul.f32 $2.500000000e-01, v14;
	v9 =	vperm.xlane v9, v1  }
0x184: {  	[tilespmem:s8+$0xFFFFFFF0] =	vst v2;
	v2 =	vmul.f32 v0, v6;
	(erf) = vpow2.f32 v5  }
0x185: {  	v20 =	vld [tilespmem:s12+$0xFFFFFF00];
	v6 =	vmul.f32 $1.442695020e+00, v14;
	v9 =	vmul.f32 $2.500000000e-01, v9  }
0x186: {  	v18 =	vmul.f32 v18, v7  }
0x187: {  	v14, _, _ =	vpop (xrf2);
	(erf) = vpow2.f32 v6;
	v6 =	vmul.f32 $1.442695020e+00, v9  }
0x188: {  	v21 =	vld [tilespmem:s12+$0x0];
	v14 =	vperm.xlane v14, v1  }
0x189: {  	v5 =	vld [tilespmem:s28+$0x0];
	v0 =	vpop (erf);
	(erf) = vpow2.f32 v6  }
0x18a: {  	[tilespmem:$0x1FF30] =	vst v0;
	v9 =	vmul.f32 $2.500000000e-01, v14;
	v14 =	vmul.f32 v20, v19  }
0x18b: {  	(xrf2) =	vadd.scan.msk.f32 $0xffff, v18;
	[tilespmem:s8+$0x80] =	vst v2;
	v18, _, _ =	vpop (xrf2)  }
0x18c: {  	v2 =	vld [tilespmem:s28+$0x80];
	v9 =	vmul.f32 $1.442695020e+00, v9;
	(xrf2) =	vadd.scan.msk.f32 $0xffff, v14  }
0x18d: {  	v6 =	vmul.f32 v0, v8;
	v8 =	vperm.xlane v18, v1;
	v18 =	vld [tilespmem:s12+$0x80]  }
0x18e: {  	s9 =	simm.s32 $0x63D0;
	v14 =	vmul.f32 v21, v5;
	v0 =	vpop (erf);
	(erf) = vpow2.f32 v9  }
0x18f: {  	[tilespmem:s9+$0xE0] =	vst v6;
	v6 =	vmul.f32 $2.500000000e-01, v8;
	v10 =	vmul.f32 v0, v10  }
0x190: {  	v8 =	vld [tilespmem:s10+$0xD0];
	[tilespmem:$0x1FF40] =	vst v0  }
0x191: {  	v6 =	vmul.f32 $1.442695020e+00, v6;
	(xrf2) =	vadd.scan.msk.f32 $0xffff, v14;
	v9 =	vld [tilespmem:s11+$0xD0];
	[tilespmem:s9+$0xFFFFFF30] =	vst v10;
	v0 =	vpop (erf)  }
0x192: {  	[tilespmem:$0x1FF50] =	vst v0;
	v14 =	vmul.f32 v18, v2  }
0x193: {  	(erf) = vpow2.f32 v6;
	v10 =	vmul.f32 v0, v17;
	v6 =	vld [tilespmem:s10+$0xFFFFFF50];
	v0 =	vpop (erf)  }
0x194: {  	(xrf2) =	vadd.scan.msk.f32 $0xffff, v14;
	v14 =	vld [tilespmem:s11+$0xFFFFFF50];
	[tilespmem:$0x1FF70] =	vst v0  }
0x195: {  	[tilespmem:s9+$0xFFFFFFC0] =	vst v10;
	v10 =	vmul.f32 v0, v13  }
0x196: {  	v17, _, _ =	vpop (xrf2);
	v9 =	vmul.f32 v9, v8  }
0x197: {  	v13 =	vld [tilespmem:s10+$0xFFFFFFD0];
	[tilespmem:s9+$0xFFFFFEA0] =	vst v10;
	v0 =	vpop (erf)  }
0x198: {  	v18, _, _ =	vpop (xrf2);
	(xrf2) =	vadd.scan.msk.f32 $0xffff, v9;
	v9 =	vperm.xlane v17, v1;
	v17 =	vld [tilespmem:s11+$0xFFFFFFD0];
	[tilespmem:$0x1FF90] =	vst v0  }
0x199: {  	v10 =	vperm.xlane v18, v1;
	v4 =	vmul.f32 v0, v4;
	v18 =	vld [tilespmem:s10+$0xFFFFFED0]  }
0x19a: {  	v9 =	vmul.f32 $2.500000000e-01, v9;
	v14 =	vmul.f32 v14, v6;
	v20 =	vld [tilespmem:s11+$0xFFFFFED0]  }
0x19b: {  	v21, _, _ =	vpop (xrf2);
	[tilespmem:s9+$0x50] =	vst v4  }
0x19c: {  	v10 =	vmul.f32 $2.500000000e-01, v10;
	v27 =	vpop (erf);
	v4 =	vmul.f32 $1.442695020e+00, v9;
	(xrf2) =	vadd.scan.msk.f32 $0xffff, v14;
	v14 =	vld [tilespmem:s10+$0x50]  }
0x19d: {  	v9 =	vperm.xlane v21, v1;
	v3 =	vmul.f32 v27, v3;
	v21 =	vld [tilespmem:s11+$0x50]  }
0x19e: {  	v17 =	vmul.f32 v17, v13;
	v10 =	vmul.f32 $1.442695020e+00, v10  }
0x19f: {  	[tilespmem:s8+$0x120] =	vst v3;
	(erf) = vpow2.f32 v4;
	v3 =	vmul.f32 v20, v18  }
0x1a0: {  	v9 =	vmul.f32 $2.500000000e-01, v9;
	v23, _, _ =	vpop (xrf2)  }
0x1a1: {  	(xrf2) =	vadd.scan.msk.f32 $0xffff, v17;
	(erf) = vpow2.f32 v10;
	v4 =	vperm.xlane v23, v1  }
0x1a2: {  	v17 =	vld [tilespmem:s28+$0x110];
	v9 =	vmul.f32 $1.442695020e+00, v9;
	v10 =	vmul.f32 v21, v14  }
0x1a3: {  	v20 =	vld [tilespmem:s12+$0x110];
	(xrf2) =	vadd.scan.msk.f32 $0xffff, v3;
	v4 =	vmul.f32 $2.500000000e-01, v4;
	v3, _, _ =	vpop (xrf2)  }
0x1a4: {  	(xrf2) =	vadd.scan.msk.f32 $0xffff, v10;
	v3 =	vperm.xlane v3, v1  }
0x1a5: {  	v4 =	vmul.f32 $1.442695020e+00, v4  }
0x1a6: {  	(erf) = vpow2.f32 v9;
	v3 =	vmul.f32 $2.500000000e-01, v3;
	v9, _, _ =	vpop (xrf2)  }
0x1a7: {  	(erf) = vpow2.f32 v4;
	v4 =	vperm.xlane v9, v1  }
0x1a8: {  	v10 =	vmul.f32 v20, v17;
	v52 =	vpop (erf);
	v3 =	vmul.f32 $1.442695020e+00, v3  }
0x1a9: {  	v7 =	vmul.f32 v52, v7  }
0x1aa: {  	(xrf2) =	vadd.scan.msk.f32 $0xffff, v10;
	(erf) = vpow2.f32 v3  }
0x1ab: {  	v3 =	vmul.f32 $2.500000000e-01, v4;
	v4, _, _ =	vpop (xrf2)  }
0x1ac: {  	v29 =	vpop (erf);
	v4 =	vperm.xlane v4, v1  }
0x1ad: {  	v9 =	vmul.f32 v29, v19;
	[tilespmem:s8+$0xFFFFFF70] =	vst v7;
	v3 =	vmul.f32 $1.442695020e+00, v3;
	v7, _, _ =	vpop (xrf2)  }
0x1ae: {  	v7 =	vperm.xlane v7, v1;
	v19, _, _ =	vpop (xrf2);
	v4 =	vmul.f32 $2.500000000e-01, v4  }
0x1af: {  	(erf) = vpow2.f32 v3;
	v19 =	vperm.xlane v19, v1  }
0x1b0: {  	v10 =	vld [tilespmem:s28+$0xFFFFFF90];
	v7 =	vmul.f32 $2.500000000e-01, v7;
	v4 =	vmul.f32 $1.442695020e+00, v4  }
0x1b1: {  	v26 =	vpop (erf);
	[tilespmem:s8+$0xFFFFFEE0] =	vst v9;
	v3 =	vld [tilespmem:s12+$0xFFFFFF90]  }
0x1b2: {  	v9 =	vld [tilespmem:s28+$0xFFFFFF10];
	v22 =	vpop (erf);
	(erf) = vpow2.f32 v4;
	v4 =	vmul.f32 $1.442695020e+00, v7  }
0x1b3: {  	v5 =	vmul.f32 v26, v5;
	v20 =	vld [tilespmem:s12+$0xFFFFFF10];
	v7 =	vmul.f32 $2.500000000e-01, v19;
	v31 =	vpop (erf)  }
0x1b4: {  	v19, _, _ =	vpop (xrf2);
	(erf) = vpow2.f32 v4;
	v4 =	vmul.f32 v31, v8  }
0x1b5: {  	[tilespmem:s8+$0x0] =	vst v5;
	v8 =	vperm.xlane v19, v1;
	v7 =	vmul.f32 $1.442695020e+00, v7  }
0x1b6: {  	v5 =	vld [tilespmem:s28+$0x10];
	v3 =	vmul.f32 v3, v10  }
0x1b7: {  	v19 =	vld [tilespmem:s12+$0x10];
	[tilespmem:s9+$0xF0] =	vst v4;
	v4 =	vmul.f32 $2.500000000e-01, v8;
	(erf) = vpow2.f32 v7  }
0x1b8: {  	v20 =	vmul.f32 v20, v9;
	v28 =	vpop (erf)  }
0x1b9: {  	(xrf2) =	vadd.scan.msk.f32 $0xffff, v3;
	v7 =	vld [tilespmem:s10+$0xE0];
	v6 =	vmul.f32 v28, v6;
	v4 =	vmul.f32 $1.442695020e+00, v4  }
0x1ba: {  	v3 =	vld [tilespmem:s11+$0xE0]  }
0x1bb: {  	(xrf2) =	vadd.scan.msk.f32 $0xffff, v20;
	[tilespmem:s9+$0xFFFFFF40] =	vst v6;
	v0 =	vpop (erf);
	(erf) = vpow2.f32 v4  }
0x1bc: {  	v4 =	vmul.f32 v19, v5;
	[tilespmem:$0x1FF60] =	vst v0  }
0x1bd: {  	v8 =	vmul.f32 v0, v13;
	v6 =	vld [tilespmem:s10+$0xFFFFFF60];
	v0 =	vpop (erf)  }
0x1be: {  	v13 =	vld [tilespmem:s11+$0xFFFFFF60];
	(xrf2) =	vadd.scan.msk.f32 $0xffff, v4;
	[tilespmem:$0x1FF80] =	vst v0;
	v4 =	vmul.f32 v0, v18  }
0x1bf: {  	v3 =	vmul.f32 v3, v7;
	[tilespmem:s9+$0xFFFFFFD0] =	vst v8  }
0x1c0: {  	v0 =	vpop (erf);
	v8 =	vld [tilespmem:s10+$0xFFFFFFE0];
	[tilespmem:s9+$0xFFFFFEB0] =	vst v4  }
0x1c1: {  	(xrf2) =	vadd.scan.msk.f32 $0xffff, v3;
	v3 =	vld [tilespmem:s11+$0xFFFFFFE0];
	[tilespmem:$0x1FFA0] =	vst v0  }
0x1c2: {  	v14 =	vmul.f32 v0, v14;
	v4 =	vld [tilespmem:s10+$0xFFFFFEE0]  }
0x1c3: {  	v18, _, _ =	vpop (xrf2);
	v13 =	vmul.f32 v13, v6;
	v19 =	vld [tilespmem:s11+$0xFFFFFEE0]  }
0x1c4: {  	[tilespmem:s9+$0x60] =	vst v14;
	v14 =	vperm.xlane v18, v1;
	v0 =	vpop (erf)  }
0x1c5: {  	v20, _, _ =	vpop (xrf2);
	(xrf2) =	vadd.scan.msk.f32 $0xffff, v13;
	v17 =	vmul.f32 v0, v17  }
0x1c6: {  	v14 =	vmul.f32 $2.500000000e-01, v14;
	v3 =	vmul.f32 v3, v8  }
0x1c7: {  	v13 =	vperm.xlane v20, v1;
	[tilespmem:$0x1FFB0] =	vst v0  }
0x1c8: {  	v18 =	vld [tilespmem:s10+$0x60];
	v14 =	vmul.f32 $1.442695020e+00, v14;
	(xrf2) =	vadd.scan.msk.f32 $0xffff, v3;
	v3 =	vmul.f32 v19, v4  }
0x1c9: {  	v20 =	vld [tilespmem:s11+$0x60];
	v13 =	vmul.f32 $2.500000000e-01, v13;
	[tilespmem:s8+$0x130] =	vst v17;
	v17, _, _ =	vpop (xrf2)  }
0x1ca: {  	(erf) = vpow2.f32 v14;
	v17 =	vperm.xlane v17, v1  }
0x1cb: {  	v19 =	vld [tilespmem:s28+$0x120];
	v13 =	vmul.f32 $1.442695020e+00, v13;
	(xrf2) =	vadd.scan.msk.f32 $0xffff, v3  }
0x1cc: {  	v23 =	vld [tilespmem:s12+$0x120];
	v3, _, _ =	vpop (xrf2);
	v17 =	vmul.f32 $2.500000000e-01, v17  }
0x1cd: {  	(erf) = vpow2.f32 v13;
	v3 =	vperm.xlane v3, v1  }
0x1ce: {  	v20 =	vmul.f32 v20, v18;
	v13 =	vmul.f32 $1.442695020e+00, v17  }
0x1cf: {  	v3 =	vmul.f32 $2.500000000e-01, v3;
	v14, _, _ =	vpop (xrf2)  }
0x1d0: {  	(xrf2) =	vadd.scan.msk.f32 $0xffff, v20;
	(erf) = vpow2.f32 v13;
	v13 =	vperm.xlane v14, v1  }
0x1d1: {  	v17 =	vmul.f32 v23, v19;
	v3 =	vmul.f32 $1.442695020e+00, v3;
	_ =	sdelay $0x1  }
0x1d2: {  	(xrf2) =	vadd.scan.msk.f32 $0xffff, v17;
	v0 =	vpop (erf);
	(erf) = vpow2.f32 v3  }
0x1d3: {  	v3 =	vmul.f32 $2.500000000e-01, v13;
	v13, _, _ =	vpop (xrf2)  }
0x1d4: {  	v2 =	vmul.f32 v22, v2;
	v13 =	vperm.xlane v13, v1;
	v14, _, _ =	vpop (xrf2)  }
0x1d5: {  	[tilespmem:$0x1FFC0] =	vst v0;
	v3 =	vmul.f32 $1.442695020e+00, v3;
	v14 =	vperm.xlane v14, v1  }
0x1d6: {  	v10 =	vmul.f32 v0, v10;
	[tilespmem:s8+$0x90] =	vst v2;
	v0 =	vpop (erf);
	v13 =	vmul.f32 $2.500000000e-01, v13  }
0x1d7: {  	[tilespmem:$0x1FFD0] =	vst v0;
	(erf) = vpow2.f32 v3  }
0x1d8: {  	v2 =	vld [tilespmem:s28+$0x90];
	v3 =	vmul.f32 $1.442695020e+00, v13;
	v13 =	vmul.f32 $2.500000000e-01, v14  }
0x1d9: {  	v9 =	vmul.f32 v0, v9;
	v17 =	vld [tilespmem:s12+$0x90];
	v14, _, _ =	vpop (xrf2)  }
0x1da: {  	[tilespmem:s8+$0xFFFFFF80] =	vst v10;
	v56 =	vpop (erf);
	v14 =	vperm.xlane v14, v1;
	(erf) = vpow2.f32 v3  }
0x1db: {  	[tilespmem:s8+$0xFFFFFEF0] =	vst v9;
	v10 =	vmul.f32 $1.442695020e+00, v13;
	v11 =	vpop (erf)  }
0x1dc: {  	v63 =	vld [tilespmem:s28+$0xFFFFFFA0];
	[tilespmem:$0x1FFE0] =	vst v11;
	v7 =	vmul.f32 v11, v7;
	v9 =	vmul.f32 $2.500000000e-01, v14;
	v13, _, _ =	vpop (xrf2)  }
0x1dd: {  	v3 =	vld [tilespmem:s28+$0xFFFFFF20];
	(erf) = vpow2.f32 v10;
	v13 =	vperm.xlane v13, v1  }
0x1de: {  	v10 =	vld [tilespmem:s12+$0xFFFFFF20];
	v14 =	vmul.f32 v17, v2  }
0x1df: {  	v17 =	vld [tilespmem:s12+$0xFFFFFFA0];
	[tilespmem:s9+$0x100] =	vst v7;
	v9 =	vmul.f32 $1.442695020e+00, v9;
	v7 =	vmul.f32 $2.500000000e-01, v13  }
0x1e0: {  	v13 =	vld [tilespmem:s11+$0xF0]  }
0x1e1: {  	v11 =	vpop (erf);
	(erf) = vpow2.f32 v9;
	v9 =	vld [tilespmem:s10+$0xF0];
	v7 =	vmul.f32 $1.442695020e+00, v7  }
0x1e2: {  	v6 =	vmul.f32 v11, v6  }
0x1e3: {  	[tilespmem:$0x1FFF0] =	vst v11;
	v10 =	vmul.f32 v10, v3;
	v43 =	vpop (erf);
	(erf) = vpow2.f32 v7  }
0x1e4: {  	(xrf2) =	vadd.scan.msk.f32 $0xffff, v14;
	[tilespmem:s9+$0xFFFFFF50] =	vst v6;
	v7 =	vmul.f32 v17, v63;
	v8 =	vmul.f32 v43, v8  }
0x1e5: {  	v6 =	vld [tilespmem:s10+$0xFFFFFF70];
	(xrf2) =	vadd.scan.msk.f32 $0xffff, v10  }
0x1e6: {  	v10 =	vmul.f32 v13, v9;
	(xrf2) =	vadd.scan.msk.f32 $0xffff, v7;
	v7 =	vld [tilespmem:s11+$0xFFFFFF70];
	v42 =	vpop (erf);
	[tilespmem:s9+$0xFFFFFFE0] =	vst v8  }
0x1e7: {  	v8 =	vmul.f32 v42, v4;
	v4 =	vld [tilespmem:s10+$0xFFFFFFF0]  }
0x1e8: {  	(xrf2) =	vadd.scan.msk.f32 $0xffff, v10;
	v10 =	vld [tilespmem:s11+$0xFFFFFFF0];
	_ =	sdelay $0x2  }
0x1e9: {  	v41 =	vpop (erf);
	v7 =	vmul.f32 v7, v6  }
0x1ea: {  	[tilespmem:s9+$0xFFFFFEC0] =	vst v8;
	v8 =	vmul.f32 v41, v18;
	v40 =	vpop (erf)  }
0x1eb: {  	v13 =	vld [tilespmem:s10+$0xFFFFFEF0];
	(xrf2) =	vadd.scan.msk.f32 $0xffff, v7;
	v7 =	vmul.f32 v10, v4;
	v10 =	vmul.f32 v40, v19  }
0x1ec: {  	v14, _, _ =	vpop (xrf2);
	v17 =	vld [tilespmem:s11+$0xFFFFFEF0];
	[tilespmem:s9+$0x70] =	vst v8  }
0x1ed: {  	v14 =	vperm.xlane v14, v1;
	v8 =	vmul.f32 v56, v5;
	v5 =	vld [tilespmem:s10+$0x70]  }
0x1ee: {  	v18 =	vld [tilespmem:s11+$0x70];
	v19, _, _ =	vpop (xrf2)  }
0x1ef: {  	v14 =	vmul.f32 $2.500000000e-01, v14;
	[tilespmem:s8+$0x140] =	vst v10;
	v10, _, _ =	vpop (xrf2)  }
0x1f0: {  	[tilespmem:s8+$0x10] =	vst v8;
	v19 =	vperm.xlane v19, v1;
	v10 =	vperm.xlane v10, v1  }
0x1f1: {  	(xrf2) =	vadd.scan.msk.f32 $0xffff, v7;
	v7 =	vmul.f32 $1.442695020e+00, v14;
	v14 =	vmul.f32 v17, v13;
	v8 =	vld [tilespmem:s28+$0x20]  }
0x1f2: {  	v44 =	vld [tilespmem:s28+$0x130];
	v17 =	vmul.f32 $2.500000000e-01, v19;
	v20, _, _ =	vpop (xrf2);
	v10 =	vmul.f32 $2.500000000e-01, v10  }
0x1f3: {  	v19 =	vld [tilespmem:s12+$0x130];
	(xrf2) =	vadd.scan.msk.f32 $0xffff, v14;
	v14 =	vmul.f32 v18, v5;
	v18 =	vperm.xlane v20, v1  }
0x1f4: {  	v23 =	vld [tilespmem:s12+$0x20];
	v17 =	vmul.f32 $1.442695020e+00, v17;
	v10 =	vmul.f32 $1.442695020e+00, v10  }
0x1f5: {  	s13 =	simm.s32 $0x15E0;
	(erf) = vpow2.f32 v7;
	v7 =	vmul.f32 $2.500000000e-01, v18  }
0x1f6: {  	s7 =	simm.s32 $0x3DE0;
	(erf) = vpow2.f32 v17;
	v17 =	vld [tilespmem:s13+$0xC0]  }
0x1f7: {  	(xrf2) =	vadd.scan.msk.f32 $0xffff, v14;
	v18 =	vld [tilespmem:s7+$0xC0];
	v7 =	vmul.f32 $1.442695020e+00, v7  }
0x1f8: {  	v20 =	vld [tilespmem:s13+$0xFFFFFF40];
	v14 =	vmul.f32 v19, v44;
	(erf) = vpow2.f32 v10;
	v10, _, _ =	vpop (xrf2)  }
0x1f9: {  	v19 =	vmul.f32 v23, v8;
	v23 =	vld [tilespmem:s7+$0xFFFFFFC0];
	v10 =	vperm.xlane v10, v1  }
0x1fa: {  	(erf) = vpow2.f32 v7;
	(xrf2) =	vadd.scan.msk.f32 $0xffff, v14;
	v14 =	vld [tilespmem:s7+$0xFFFFFF40]  }
0x1fb: {  	v7, _, _ =	vpop (xrf2);
	(xrf2) =	vadd.scan.msk.f32 $0xffff, v19;
	v19 =	vld [tilespmem:s13+$0xFFFFFFC0];
	v10 =	vmul.f32 $2.500000000e-01, v10  }
0x1fc: {  	v18 =	vmul.f32 v18, v17  }
0x1fd: {  	v7 =	vperm.xlane v7, v1;
	v10 =	vmul.f32 $1.442695020e+00, v10  }
0x1fe: {  	v24, _, _ =	vpop (xrf2);
	(xrf2) =	vadd.scan.msk.f32 $0xffff, v18  }
0x1ff: {  	v39 =	vpop (erf);
	v18 =	vperm.xlane v24, v1;
	v7 =	vmul.f32 $2.500000000e-01, v7  }
0x200: {  	v38 =	vpop (erf);
	v24 =	vmul.f32 v14, v20;
	v23 =	vmul.f32 v23, v19  }
0x201: {  	v25 =	vld [tilespmem:s7+$0xFFFFFEC0];
	v7 =	vmul.f32 $1.442695020e+00, v7;
	(erf) = vpow2.f32 v10;
	v10, _, _ =	vpop (xrf2)  }
0x202: {  	v37 =	vpop (erf);
	(xrf2) =	vadd.scan.msk.f32 $0xffff, v24;
	v24 =	vld [tilespmem:s13+$0xFFFFFEC0];
	v10 =	vperm.xlane v10, v1  }
0x203: {  	v18 =	vmul.f32 $2.500000000e-01, v18;
	(erf) = vpow2.f32 v7;
	v36 =	vpop (erf)  }
0x204: {  	v14 =	vld [tilespmem:s13+$0x40];
	(xrf2) =	vadd.scan.msk.f32 $0xffff, v23;
	v9 =	vmul.f32 v36, v9;
	v23, _, _ =	vpop (xrf2);
	v7 =	vmul.f32 $2.500000000e-01, v10  }
0x205: {  	v23 =	vperm.xlane v23, v1;
	v30, _, _ =	vpop (xrf2);
	v10 =	vmul.f32 $1.442695020e+00, v18;
	v18 =	vld [tilespmem:s7+$0x40]  }
0x206: {  	[tilespmem:s9+$0x110] =	vst v9;
	v9 =	vperm.xlane v30, v1;
	v7 =	vmul.f32 $1.442695020e+00, v7  }
0x207: {  	(erf) = vpow2.f32 v10;
	v10 =	vmul.f32 v25, v24  }
0x208: {  	v30, _, _ =	vpop (xrf2);
	(erf) = vpow2.f32 v7;
	v7 =	vmul.f32 $2.500000000e-01, v23  }
0x209: {  	v9 =	vmul.f32 $2.500000000e-01, v9;
	v25 =	vld [tilespmem:s11+$0x100];
	(xrf2) =	vadd.scan.msk.f32 $0xffff, v10;
	v10 =	vperm.xlane v30, v1  }
0x20a: {  	v23 =	vld [tilespmem:s10+$0x100];
	v18 =	vmul.f32 v18, v14;
	v7 =	vmul.f32 $1.442695020e+00, v7  }
0x20b: {  	v2 =	vmul.f32 v39, v2;
	v9 =	vmul.f32 $1.442695020e+00, v9  }
0x20c: {  	v34 =	vpop (erf);
	(erf) = vpow2.f32 v7;
	v7 =	vmul.f32 $2.500000000e-01, v10  }
0x20d: {  	[tilespmem:s8+$0xA0] =	vst v2;
	v2 =	vmul.f32 v34, v6;
	(xrf2) =	vadd.scan.msk.f32 $0xffff, v18;
	v10, _, _ =	vpop (xrf2);
	(erf) = vpow2.f32 v9  }
0x20e: {  	v10 =	vperm.xlane v10, v1;
	v18, _, _ =	vpop (xrf2);
	v7 =	vmul.f32 $1.442695020e+00, v7  }
0x20f: {  	v54 =	vpop (erf);
	v9 =	vmul.f32 v25, v23;
	v6 =	vperm.xlane v18, v1  }
0x210: {  	v21 =	vld [tilespmem:s28+$0xA0];
	v55 =	vpop (erf);
	(erf) = vpow2.f32 v7;
	v7 =	vmul.f32 $2.500000000e-01, v10  }
0x211: {  	[tilespmem:s9+$0xFFFFFF60] =	vst v2;
	v2 =	vmul.f32 v55, v13;
	v6 =	vmul.f32 $2.500000000e-01, v6;
	v10 =	vld [tilespmem:s12+$0xA0]  }
0x212: {  	(xrf2) =	vadd.scan.msk.f32 $0xffff, v9;
	v13 =	vld [tilespmem:s10+$0xFFFFFF80];
	v7 =	vmul.f32 $1.442695020e+00, v7  }
0x213: {  	[tilespmem:s9+$0xFFFFFED0] =	vst v2;
	v2 =	vmul.f32 $1.442695020e+00, v6;
	v6 =	vld [tilespmem:s11+$0xFFFFFF80]  }
0x214: {  	v9 =	vld [tilespmem:s10+$0xFFFFFF00]  }
0x215: {  	v58 =	vpop (erf);
	v25 =	vld [tilespmem:s11+$0xFFFFFF00];
	(erf) = vpow2.f32 v7  }
0x216: {  	v4 =	vmul.f32 v54, v4;
	(erf) = vpow2.f32 v2;
	v7, _, _ =	vpop (xrf2)  }
0x217: {  	v2 =	vperm.xlane v7, v1;
	v7 =	vmul.f32 v10, v21;
	v10, _, _ =	vpop (xrf2)  }
0x218: {  	[tilespmem:s9+$0xFFFFFFF0] =	vst v4;
	v4 =	vmul.f32 v58, v5;
	v10 =	vperm.xlane v10, v1  }
0x219: {  	v60 =	vpop (erf);
	v5 =	vmul.f32 v6, v13;
	v2 =	vmul.f32 $2.500000000e-01, v2  }
0x21a: {  	[tilespmem:s9+$0x80] =	vst v4;
	v53 =	vpop (erf);
	v4 =	vmul.f32 v25, v9;
	(xrf2) =	vadd.scan.msk.f32 $0xffff, v7;
	v6 =	vmul.f32 $2.500000000e-01, v10  }
0x21b: {  	v35 =	vpop (erf);
	(xrf2) =	vadd.scan.msk.f32 $0xffff, v5;
	v2 =	vmul.f32 $1.442695020e+00, v2  }
0x21c: {  	v25 =	vld [tilespmem:s11+$0x0];
	v10 =	vmul.f32 v35, v17;
	v17, _, _ =	vpop (xrf2);
	(xrf2) =	vadd.scan.msk.f32 $0xffff, v4;
	v4 =	vmul.f32 $1.442695020e+00, v6  }
0x21d: {  	v7 =	vld [tilespmem:s10+$0x0];
	(erf) = vpow2.f32 v2;
	v2 =	vperm.xlane v17, v1  }
0x21e: {  	s14 =	simm.s32 $0x66A0;
	v18 =	vld [tilespmem:s10+$0x80]  }
0x21f: {  	v5 =	vld [tilespmem:s11+$0x80];
	[tilespmem:s14+$0xE0] =	vst v10;
	v57 =	vpop (erf);
	(erf) = vpow2.f32 v4;
	v2 =	vmul.f32 $2.500000000e-01, v2  }
0x220: {  	v10 =	vld [tilespmem:s13+$0xD0];
	v6 =	vmul.f32 v57, v20  }
0x221: {  	v4 =	vld [tilespmem:s7+$0xD0];
	v2 =	vmul.f32 $1.442695020e+00, v2  }
0x222: {  	v20 =	vmul.f32 v25, v7;
	[tilespmem:s14+$0xFFFFFF30] =	vst v6  }
0x223: {  	v62 =	vpop (erf);
	v6 =	vld [tilespmem:s13+$0xFFFFFF50];
	(erf) = vpow2.f32 v2  }
0x224: {  	(xrf2) =	vadd.scan.msk.f32 $0xffff, v20;
	v20 =	vld [tilespmem:s7+$0xFFFFFF50];
	v2 =	vmul.f32 v5, v18;
	v5 =	vmul.f32 v62, v19;
	v19, _, _ =	vpop (xrf2)  }
0x225: {  	v19 =	vperm.xlane v19, v1  }
0x226: {  	v4 =	vmul.f32 v4, v10;
	(xrf2) =	vadd.scan.msk.f32 $0xffff, v2;
	[tilespmem:s14+$0xFFFFFFC0] =	vst v5  }
0x227: {  	v59 =	vpop (erf);
	v11 =	vld [tilespmem:s13+$0xFFFFFFD0]  }
0x228: {  	(xrf2) =	vadd.scan.msk.f32 $0xffff, v4;
	v4 =	vmul.f32 $2.500000000e-01, v19;
	v5 =	vmul.f32 v59, v24;
	v24 =	vld [tilespmem:s7+$0xFFFFFFD0];
	v61 =	vpop (erf)  }
0x229: {  	v20 =	vmul.f32 v20, v6;
	v19, _, _ =	vpop (xrf2)  }
0x22a: {  	v4 =	vmul.f32 $1.442695020e+00, v4;
	v19 =	vperm.xlane v19, v1;
	v25, _, _ =	vpop (xrf2);
	[tilespmem:s14+$0xFFFFFEA0] =	vst v5  }
0x22b: {  	v14 =	vmul.f32 v61, v14;
	v25 =	vperm.xlane v25, v1;
	v15 =	vld [tilespmem:s13+$0xFFFFFED0]  }
0x22c: {  	v30 =	vld [tilespmem:s7+$0xFFFFFED0];
	(erf) = vpow2.f32 v4;
	v19 =	vmul.f32 $2.500000000e-01, v19  }
0x22d: {  	[tilespmem:s14+$0x50] =	vst v14;
	v25 =	vmul.f32 $2.500000000e-01, v25;
	v14 =	vmul.f32 v24, v11;
	v32 =	vpop (erf)  }
0x22e: {  	(xrf2) =	vadd.scan.msk.f32 $0xffff, v20;
	v4 =	vmul.f32 $1.442695020e+00, v19;
	v20 =	vmul.f32 v32, v23;
	v23, _, _ =	vpop (xrf2)  }
0x22f: {  	v19 =	vmul.f32 $1.442695020e+00, v25;
	(xrf2) =	vadd.scan.msk.f32 $0xffff, v14;
	v14 =	vperm.xlane v23, v1  }
0x230: {  	(erf) = vpow2.f32 v4;
	[tilespmem:s9+$0x120] =	vst v20;
	v20 =	vmul.f32 v38, v3;
	v3, _, _ =	vpop (xrf2)  }
0x231: {  	v4 =	vld [tilespmem:s13+$0x50];
	v23 =	vmul.f32 v30, v15;
	v25 =	vperm.xlane v3, v1  }
0x232: {  	(erf) = vpow2.f32 v19;
	v19 =	vld [tilespmem:s7+$0x50];
	v30, _, _ =	vpop (xrf2);
	[tilespmem:s8+$0xFFFFFF00] =	vst v20;
	v20 =	vmul.f32 v37, v63  }
0x233: {  	v5 =	vld [tilespmem:s10+$0x110];
	(xrf2) =	vadd.scan.msk.f32 $0xffff, v23;
	v23 =	vperm.xlane v30, v1;
	v46 =	vmul.f32 $2.500000000e-01, v25  }
0x234: {  	v14 =	vmul.f32 $2.500000000e-01, v14;
	v30 =	vld [tilespmem:s11+$0x110]  }
0x235: {  	[tilespmem:s8+$0xFFFFFF90] =	vst v20;
	v20 =	vmul.f32 $2.500000000e-01, v23;
	v23 =	vmul.f32 $1.442695020e+00, v46  }
0x236: {  	v14 =	vmul.f32 $1.442695020e+00, v14  }
0x237: {  	v8 =	vmul.f32 v53, v8;
	v33 =	vld [tilespmem:s28+$0xFFFFFF30];
	v19 =	vmul.f32 v19, v4  }
0x238: {  	v0 =	vld [tilespmem:s12+$0xFFFFFF30];
	(erf) = vpow2.f32 v14;
	v25 =	vpop (erf);
	v14 =	vmul.f32 $1.442695020e+00, v20  }
0x239: {  	(erf) = vpow2.f32 v23;
	(xrf2) =	vadd.scan.msk.f32 $0xffff, v19;
	v19 =	vmul.f32 v30, v5;
	v23, _, _ =	vpop (xrf2)  }
0x23a: {  	v63 =	vld [tilespmem:s28+$0xFFFFFFB0];
	(erf) = vpow2.f32 v14;
	v14 =	vperm.xlane v23, v1;
	v23 =	vpop (erf)  }
0x23b: {  	v20 =	vld [tilespmem:s12+$0xFFFFFFB0];
	v13 =	vmul.f32 v23, v13;
	v24 =	vpop (erf)  }
0x23c: {  	[tilespmem:s8+$0x20] =	vst v8;
	v9 =	vmul.f32 v24, v9  }
0x23d: {  	v0 =	vmul.f32 v0, v33;
	[tilespmem:s9+$0xFFFFFF70] =	vst v13  }
0x23e: {  	(xrf2) =	vadd.scan.msk.f32 $0xffff, v19;
	v19, _, _ =	vpop (xrf2);
	[tilespmem:s9+$0xFFFFFEE0] =	vst v9  }
0x23f: {  	v14 =	vmul.f32 $2.500000000e-01, v14;
	v46, _, _ =	vpop (xrf2);
	(xrf2) =	vadd.scan.msk.f32 $0xffff, v0;
	v0 =	vld [tilespmem:$0x1FE50]  }
0x240: {  	v8 =	vmul.f32 v20, v63;
	v3 =	vld [tilespmem:$0x1FE70]  }
0x241: {  	v30 =	vperm.xlane v19, v1;
	v14 =	vmul.f32 $1.442695020e+00, v14;
	v19 =	vpop (erf)  }
0x242: {  	v46 =	vperm.xlane v46, v1;
	v7 =	vmul.f32 v19, v7  }
0x243: {  	v49 =	vnsel vm0, $0x0, v49;
	(xrf2) =	vadd.scan.msk.f32 $0xffff, v8;
	v8 =	vnsel vm0, $0x0, v47  }
0x244: {  	v45 =	vmul.f32 $2.500000000e-01, v30;
	v9 =	vmul.f32 $2.500000000e-01, v46;
	v46 =	vsel vm1, v8, v0;
	v0 =	vld [tilespmem:$0x1FE60];
	[tilespmem:s9+$0x0] =	vst v7  }
0x245: {  	v13 =	vnsel vm0, $0x0, v51;
	v49 =	vsel vm1, v49, v3;
	v3 =	vld [tilespmem:$0x1FE80]  }
0x246: {  	v12 =	vsel vm1, v13, v12;
	(erf) = vpow2.f32 v14;
	v13 =	vmul.f32 $1.442695020e+00, v45;
	v14, _, _ =	vpop (xrf2)  }
0x247: {  	v2 =	vld [tilespmem:s12+$0x30];
	v9 =	vmul.f32 $1.442695020e+00, v9;
	v47 =	vperm.xlane v14, v1  }
0x248: {  	v17 =	vld [tilespmem:s10+$0xFFFFFF90];
	(erf) = vpow2.f32 v13  }
0x249: {  	v30 =	vld [tilespmem:s28+$0x30];
	(erf) = vpow2.f32 v9;
	v9 =	vmul.f32 $2.500000000e-01, v47;
	v47 =	vnsel vm0, $0x0, v50  }
0x24a: {  	v47 =	vsel vm1, v47, v3;
	v3 =	vld [tilespmem:$0x1FE90]  }
0x24b: {  	v45 =	vld [tilespmem:s11+$0xFFFFFF90];
	_ =	sdelay $0x2  }
0x24c: {  	v2 =	vmul.f32 v2, v30  }
0x24d: {  	v20 =	vpop (erf);
	v12 =	vsel vm2, v12, v3;
	v3 =	vld [tilespmem:$0x1FEA0]  }
0x24e: {  	(xrf2) =	vadd.scan.msk.f32 $0xffff, v2;
	v2 =	vmul.f32 v45, v17;
	v45 =	vpop (erf)  }
0x24f: {  	v10 =	vmul.f32 v45, v10;
	_ =	sdelay $0x1  }
0x250: {  	v16 =	vld [tilespmem:s10+$0xFFFFFF10];
	[tilespmem:s14+$0xF0] =	vst v10  }
0x251: {  	v46 =	vsel vm2, v46, v3;
	v3 =	vld [tilespmem:$0x1FEB0]  }
0x252: {  	v13 =	vnsel vm0, $0x0, v48;
	v48 =	vld [tilespmem:s11+$0xFFFFFF10];
	_ =	sdelay $0x2  }
0x253: {  	v51, _, _ =	vpop (xrf2);
	v0 =	vsel vm1, v13, v0  }
0x254: {  	v7 =	vperm.xlane v51, v1;
	v0 =	vsel vm2, v0, v3;
	v3 =	vld [tilespmem:$0x1FEC0]  }
0x255: {  	(xrf2) =	vadd.scan.msk.f32 $0xffff, v2;
	v2 =	vmul.f32 v48, v16  }
0x256: {  	v7 =	vmul.f32 $2.500000000e-01, v7;
	v13 =	vpop (erf)  }
0x257: {  	v50 =	vmul.f32 $1.442695020e+00, v9;
	(xrf2) =	vadd.scan.msk.f32 $0xffff, v2;
	v2 =	vmul.f32 v13, v6  }
0x258: {  	v6 =	vmul.f32 $1.442695020e+00, v7;
	v7 =	vld [tilespmem:$0x1FEE0]  }
0x259: {  	(erf) = vpow2.f32 v50;
	v49 =	vsel vm2, v49, v3;
	v3 =	vld [tilespmem:$0x1FED0];
	[tilespmem:s14+$0xFFFFFF40] =	vst v2  }
0x25a: {  	(erf) = vpow2.f32 v6;
	v6 =	vld [tilespmem:$0x1FEF0];
	_ =	sdelay $0x4  }
0x25b: {  	v46 =	vsel vm3, v46, v6;
	v6 =	vld [tilespmem:$0x1FF00];
	_ =	sdelay $0x1  }
0x25c: {  	v14 =	vld [tilespmem:s10+$0x10]  }
0x25d: {  	v48 =	vld [tilespmem:s11+$0x10];
	v50, _, _ =	vpop (xrf2)  }
0x25e: {  	v51, _, _ =	vpop (xrf2);
	v8 =	vld [tilespmem:s13+$0xE0]  }
0x25f: {  	v2 =	vperm.xlane v51, v1;
	v51 =	vsel vm3, v0, v6;
	v0 =	vld [tilespmem:$0x1FF10]  }
0x260: {  	v50 =	vperm.xlane v50, v1;
	v47 =	vsel vm2, v47, v3;
	v3 =	vld [tilespmem:s7+$0xE0];
	_ =	sdelay $0x1  }
0x261: {  	v48 =	vmul.f32 v48, v14;
	v50 =	vmul.f32 $2.500000000e-01, v50;
	v12 =	vsel vm3, v12, v7;
	v7 =	vld [tilespmem:s13+$0xFFFFFF60]  }
0x262: {  	v2 =	vmul.f32 $2.500000000e-01, v2;
	v6 =	vld [tilespmem:$0x1FF20]  }
0x263: {  	(xrf2) =	vadd.scan.msk.f32 $0xffff, v48;
	v48 =	vmul.f32 $1.442695020e+00, v50;
	v49 =	vsel vm3, v49, v0;
	v0 =	vld [tilespmem:s7+$0xFFFFFF60]  }
0x264: {  	v10 =	vpop (erf);
	v2 =	vmul.f32 $1.442695020e+00, v2;
	v3 =	vmul.f32 v3, v8  }
0x265: {  	v11 =	vmul.f32 v10, v11;
	v9 =	vpop (erf);
	(erf) = vpow2.f32 v48  }
0x266: {  	v12 =	vsel vm4, v12, v27;
	v27, _, _ =	vpop (xrf2);
	(erf) = vpow2.f32 v2  }
0x267: {  	v2 =	vmul.f32 v9, v15;
	[tilespmem:s14+$0xFFFFFFD0] =	vst v11;
	v11 =	vsel vm4, v51, v26;
	v26 =	vpop (erf);
	v47 =	vsel vm3, v47, v6  }
0x268: {  	(xrf2) =	vadd.scan.msk.f32 $0xffff, v3;
	v3, _, _ =	vpop (xrf2);
	v15 =	vsel vm4, v47, v22;
	v22 =	vperm.xlane v27, v1;
	v0 =	vmul.f32 v0, v7  }
0x269: {  	v4 =	vmul.f32 v26, v4;
	v27, _, _ =	vpop (xrf2)  }
0x26a: {  	(xrf2) =	vadd.scan.msk.f32 $0xffff, v0;
	v0 =	vmul.f32 $2.500000000e-01, v22;
	v22 =	vperm.xlane v27, v1;
	v27 =	vpop (erf)  }
0x26b: {  	[tilespmem:s14+$0xFFFFFEB0] =	vst v2;
	v5 =	vmul.f32 v27, v5  }
0x26c: {  	v2 =	vld [tilespmem:$0x1FF30];
	[tilespmem:s14+$0x60] =	vst v4  }
0x26d: {  	v3 =	vperm.xlane v3, v1;
	v4 =	vld [tilespmem:$0x1FF40];
	[tilespmem:s9+$0x130] =	vst v5  }
0x26e: {  	v5 =	vld [tilespmem:$0x1FF50]  }
0x26f: {  	v3 =	vmul.f32 $2.500000000e-01, v3;
	v6 =	vld [tilespmem:$0x1FF60]  }
0x270: {  	v0 =	vmul.f32 $1.442695020e+00, v0  }
0x271: {  	v3 =	vmul.f32 $1.442695020e+00, v3  }
0x272: {  	(erf) = vpow2.f32 v0  }
0x273: {  	(erf) = vpow2.f32 v3;
	v3 =	vld [tilespmem:$0x1FF70];
	v5 =	vnsel vm0, $0x0, v5  }
0x274: {  	v5 =	vsel vm1, v5, v6;
	v6 =	vld [tilespmem:$0x1FF80];
	_ =	sdelay $0x2  }
0x275: {  	v48 =	vld [tilespmem:s7+$0xFFFFFEE0];
	v2 =	vnsel vm0, $0x0, v2  }
0x276: {  	v2 =	vsel vm1, v2, v31;
	v31 =	vld [tilespmem:s13+$0xFFFFFEE0];
	v3 =	vnsel vm0, $0x0, v3  }
0x277: {  	v3 =	vsel vm1, v3, v6;
	v6 =	vld [tilespmem:$0x1FF90]  }
0x278: {  	v22 =	vmul.f32 $2.500000000e-01, v22;
	_ =	sdelay $0x1  }
0x279: {  	v0 =	vmul.f32 $1.442695020e+00, v22;
	_ =	sdelay $0x1  }
0x27a: {  	(erf) = vpow2.f32 v0;
	v0 =	vmul.f32 v48, v31;
	v48 =	vnsel vm0, $0x0, v6;
	v6 =	vld [tilespmem:$0x1FFA0]  }
0x27b: {  	v46 =	vsel vm4, v46, v52;
	v52 =	vld [tilespmem:s7+$0xFFFFFFE0]  }
0x27c: {  	v49 =	vsel vm4, v49, v29;
	v29 =	vld [tilespmem:s13+$0xFFFFFFE0];
	_ =	sdelay $0x2  }
0x27d: {  	v48 =	vsel vm1, v48, v6;
	v6 =	vld [tilespmem:$0x1FFB0]  }
0x27e: {  	v50 =	vld [tilespmem:s7+$0x60];
	v4 =	vnsel vm0, $0x0, v4  }
0x27f: {  	v18 =	vmul.f32 v20, v18;
	v4 =	vsel vm1, v4, v28;
	v28 =	vld [tilespmem:s13+$0x60];
	v47 =	vmul.f32 v52, v29  }
0x280: {  	v51, _, _ =	vpop (xrf2);
	v22 =	vld [tilespmem:s10+$0x120]  }
0x281: {  	(xrf2) =	vadd.scan.msk.f32 $0xffff, v47;
	v47 =	vperm.xlane v51, v1;
	v51 =	vld [tilespmem:s11+$0x120];
	[tilespmem:s9+$0x90] =	vst v18  }
0x282: {  	v12 =	vsel vm5, v12, v6;
	v6 =	vld [tilespmem:$0x1FFC0];
	_ =	sdelay $0x2  }
0x283: {  	v52, _, _ =	vpop (xrf2);
	v18 =	vmul.f32 v25, v21  }
0x284: {  	v52 =	vperm.xlane v52, v1;
	(xrf2) =	vadd.scan.msk.f32 $0xffff, v0;
	v0 =	vmul.f32 v50, v28  }
0x285: {  	v47 =	vmul.f32 $2.500000000e-01, v47;
	v51 =	vmul.f32 v51, v22;
	v50, _, _ =	vpop (xrf2);
	v46 =	vsel vm5, v46, v6;
	v6 =	vld [tilespmem:$0x1FFD0];
	[tilespmem:s8+$0xB0] =	vst v18  }
0x286: {  	(xrf2) =	vadd.scan.msk.f32 $0xffff, v0;
	v0 =	vmul.f32 $2.500000000e-01, v52;
	v50 =	vperm.xlane v50, v1;
	v18 =	vld [tilespmem:$0x1FFE0]  }
0x287: {  	v47 =	vmul.f32 $1.442695020e+00, v47  }
0x288: {  	v0 =	vmul.f32 $1.442695020e+00, v0;
	v50 =	vmul.f32 $2.500000000e-01, v50  }
0x289: {  	v11 =	vsel vm5, v11, v56;
	(xrf2) =	vadd.scan.msk.f32 $0xffff, v51;
	v51, _, _ =	vpop (xrf2);
	v21 =	vld [tilespmem:s10+$0x90]  }
0x28a: {  	v5 =	vsel vm2, v5, v43;
	v43 =	vmul.f32 $1.442695020e+00, v50;
	v56 =	vld [tilespmem:s11+$0x90];
	v49 =	vsel vm5, v49, v6;
	v6 =	vpop (erf)  }
0x28b: {  	(erf) = vpow2.f32 v47;
	v18 =	vsel vm2, v2, v18;
	v2 =	vld [tilespmem:$0x1FFF0];
	v47 =	vpop (erf)  }
0x28c: {  	(erf) = vpow2.f32 v0;
	v0 =	vpop (erf)  }
0x28d: {  	v11 =	vsel vm6, v11, v53;
	v41 =	vsel vm2, v48, v41;
	v48 =	vpop (erf)  }
0x28e: {  	v12 =	vsel vm6, v12, v40;
	v40 =	vperm.xlane v51, v1;
	(erf) = vpow2.f32 v43;
	v43 =	vpop (erf)  }
0x28f: {  	v3 =	vsel vm2, v3, v42;
	v56 =	vmul.f32 v56, v21;
	v42 =	vld [tilespmem:s12+$0xB0];
	v16 =	vmul.f32 v43, v16  }
0x290: {  	v51, _, _ =	vpop (xrf2);
	v36 =	vsel vm3, v18, v36;
	v18 =	vmul.f32 $2.500000000e-01, v40;
	v4 =	vsel vm2, v4, v2;
	v2 =	vld [tilespmem:s28+$0xB0]  }
0x291: {  	v15 =	vsel vm5, v15, v39;
	v5 =	vsel vm3, v5, v54;
	v39 =	vperm.xlane v51, v1;
	(xrf2) =	vadd.scan.msk.f32 $0xffff, v56  }
0x292: {  	v5 =	vsel vm4, v5, v19;
	v54 =	vsel vm3, v3, v55;
	v40 =	vmul.f32 $1.442695020e+00, v18  }
0x293: {  	v55 =	vsel vm3, v41, v58;
	v41 =	vmul.f32 v60, v44;
	v3 =	vmul.f32 $2.500000000e-01, v39;
	[tilespmem:s9+$0xFFFFFEF0] =	vst v16;
	v16, _, _ =	vpop (xrf2)  }
0x294: {  	v37 =	vsel vm6, v46, v37;
	v17 =	vmul.f32 v48, v17;
	v18 =	vld [tilespmem:s10+$0xFFFFFF20];
	v46 =	vpop (erf);
	(erf) = vpow2.f32 v40  }
0x295: {  	v12 =	vsel vm7, v12, v60;
	v56 =	vld [tilespmem:s11+$0xFFFFFF20];
	v16 =	vperm.xlane v16, v1;
	v52 =	vmul.f32 v42, v2  }
0x296: {  	v60 =	vmul.f32 $1.442695020e+00, v3;
	v3 =	vsel vm6, v15, v25;
	v38 =	vsel vm6, v49, v38;
	v58, _, _ =	vpop (xrf2)  }
0x297: {  	[tilespmem:s9+$0xFFFFFF80] =	vst v17;
	v49 =	vpop (erf);
	v44 =	vperm.xlane v58, v1;
	v16 =	vmul.f32 $2.500000000e-01, v16;
	(xrf2) =	vadd.scan.msk.f32 $0xffff, v52  }
0x298: {  	v4 =	vsel vm3, v4, v34;
	v17 =	vld [tilespmem:s10+$0xFFFFFFA0];
	(erf) = vpow2.f32 v60;
	v8 =	vmul.f32 v49, v8  }
0x299: {  	v4 =	vsel vm4, v4, v23;
	v23 =	vpop (erf);
	v52 =	vld [tilespmem:s11+$0xFFFFFFA0];
	v15 =	vmul.f32 $1.442695020e+00, v16;
	v16 =	vmul.f32 $2.500000000e-01, v44  }
0x29a: {  	v53 =	vsel vm4, v54, v24;
	v7 =	vmul.f32 v23, v7;
	[tilespmem:s14+$0x100] =	vst v8;
	v8 =	vmul.f32 v56, v18  }
0x29b: {  	v54 =	vsel vm4, v55, v20;
	v19, _, _ =	vpop (xrf2);
	v24 =	vld [tilespmem:s13+$0xF0];
	(erf) = vpow2.f32 v15;
	v15 =	vmul.f32 $1.442695020e+00, v16  }
0x29c: {  	[tilespmem:s14+$0xFFFFFF50] =	vst v7;
	v7 =	vperm.xlane v19, v1;
	(xrf2) =	vadd.scan.msk.f32 $0xffff, v8;
	v8 =	vnsel vm0, $0x0, v35;
	v16 =	vld [tilespmem:s7+$0xF0]  }
0x29d: {  	(erf) = vpow2.f32 v15;
	v15 =	vsel vm1, v8, v45;
	v8 =	vmul.f32 v46, v14  }
0x29e: {  	v25 =	vnsel vm0, $0x0, v57;
	v7 =	vmul.f32 $2.500000000e-01, v7;
	v19 =	vmul.f32 v52, v17;
	v55 =	vpop (erf)  }
0x29f: {  	v13 =	vsel vm1, v25, v13;
	v20 =	vld [tilespmem:s13+$0xFFFFFF70];
	v25 =	vmul.f32 v55, v29;
	v29 =	vnsel vm0, $0x0, v59  }
0x2a0: {  	v14 =	vld [tilespmem:s7+$0xFFFFFF70];
	v7 =	vmul.f32 $1.442695020e+00, v7;
	(xrf2) =	vadd.scan.msk.f32 $0xffff, v19  }
0x2a1: {  	v19 =	vnsel vm0, $0x0, v62;
	[tilespmem:s9+$0x10] =	vst v8;
	v9 =	vsel vm1, v29, v9;
	v56 =	vmul.f32 v16, v24;
	v8, _, _ =	vpop (xrf2)  }
0x2a2: {  	(erf) = vpow2.f32 v7;
	v7 =	vnsel vm0, $0x0, v61;
	v16 =	vld [tilespmem:s10+$0x20];
	v29 =	vpop (erf);
	v8 =	vperm.xlane v8, v1  }
0x2a3: {  	v19 =	vsel vm1, v19, v10;
	[tilespmem:s14+$0xFFFFFFE0] =	vst v25;
	v10 =	vld [tilespmem:s11+$0x20];
	(xrf2) =	vadd.scan.msk.f32 $0xffff, v56;
	v25 =	vmul.f32 v29, v31  }
0x2a4: {  	v31 =	vsel vm1, v7, v26;
	v26 =	vld [tilespmem:s13+$0xFFFFFFF0];
	v7 =	vmul.f32 $2.500000000e-01, v8  }
0x2a5: {  	[tilespmem:s14+$0xFFFFFEC0] =	vst v25;
	v8 =	vmul.f32 v14, v20;
	v14 =	vld [tilespmem:s7+$0xFFFFFFF0]  }
0x2a6: {  	v57 =	vpop (erf);
	v25 =	vld [tilespmem:s13+$0xFFFFFEF0];
	v7 =	vmul.f32 $1.442695020e+00, v7  }
0x2a7: {  	[tilespmem:s8+$0x160] =	vst v12;
	v12 =	vsel vm7, v38, v6;
	v6 =	vmul.f32 v6, v33;
	v28 =	vmul.f32 v57, v28;
	v61 =	vld [tilespmem:s7+$0xFFFFFEF0];
	v62 =	vpop (erf)  }
0x2a8: {  	v60 =	vmul.f32 v0, v30;
	v0 =	vsel vm7, v11, v0;
	(xrf2) =	vadd.scan.msk.f32 $0xffff, v8;
	v22 =	vmul.f32 v62, v22  }
0x2a9: {  	v59 =	vmul.f32 v47, v63;
	v11 =	vsel vm2, v15, v49;
	v30 =	vmul.f32 v10, v16;
	[tilespmem:s14+$0x70] =	vst v28  }
0x2aa: {  	[tilespmem:s8+$0xFFFFFF10] =	vst v6;
	v10 =	vsel vm2, v13, v23;
	v28 =	vld [tilespmem:s13+$0x70];
	(erf) = vpow2.f32 v7;
	v13 =	vmul.f32 v14, v26;
	v7, _, _ =	vpop (xrf2)  }
0x2ab: {  	v8 =	vsel vm5, v4, v48;
	v4 =	vsel vm5, v5, v46;
	v15 =	vld [tilespmem:s7+$0x70];
	[tilespmem:s9+$0x140] =	vst v22;
	v5 =	vperm.xlane v7, v1;
	v6, _, _ =	vpop (xrf2)  }
0x2ac: {  	v22 =	vpop (erf);
	v7 =	vsel vm2, v19, v55;
	v19 =	vmul.f32 v61, v25;
	(xrf2) =	vadd.scan.msk.f32 $0xffff, v13;
	v6 =	vperm.xlane v6, v1  }
0x2ad: {  	s12 =	smul.u32 $0x52, s0;
	[tilespmem:s8+$0x40] =	vst v0;
	v14 =	vld [tilespmem:s10+$0x130];
	v0 =	vmul.f32 v22, v21;
	v21, _, _ =	vpop (xrf2);
	v5 =	vmul.f32 $2.500000000e-01, v5  }
0x2ae: {  	v63 =	vld [tilespmem:s11+$0x130];
	v21 =	vperm.xlane v21, v1;
	v23 =	vmul.f32 $2.500000000e-01, v6  }
0x2af: {  	s12 =	sshrl.u32 s12, $0xA;
	v32 =	vsel vm4, v36, v32;
	[tilespmem:s9+$0xA0] =	vst v0;
	(xrf2) =	vadd.scan.msk.f32 $0xffff, v19;
	v5 =	vmul.f32 $1.442695020e+00, v5  }
0x2b0: {  	s3 =	sand.u32 $0x3F, s12;
	[tilespmem:s8+$0x150] =	vst v41;
	v27 =	vsel vm5, v32, v27;
	v0 =	vmul.f32 v15, v28;
	v15 =	vld [tilespmem:s10+$0xA0];
	v23 =	vmul.f32 $1.442695020e+00, v23  }
0x2b1: {  	[tilespmem:s8+$0xFFFFFF20] =	vst v12;
	s28 =	smul.u32 $0x19, s3;
	v58 =	vsel vm7, v37, v47;
	v6 =	vsel vm2, v31, v57;
	v31 =	vld [tilespmem:s11+$0xA0];
	(erf) = vpow2.f32 v5  }
0x2b2: {  	s30 =	simm.s32 $0xA;
	s3 =	sshll.u32 s0, $0x1;
	[tilespmem:s8+$0xFFFFFFB0] =	vst v58;
	v19 =	vmul.f32 $2.500000000e-01, v21;
	v21, _, _ =	vpop (xrf2);
	(xrf2) =	vadd.scan.msk.f32 $0xffff, v0;
	(erf) = vpow2.f32 v23  }
0x2b3: {  	s29 =	simm.s32 $0x3DE0;
	s12 =	sand.u32 $0x1, s12;
	v12 =	vsel vm5, v53, v43;
	s28 =	ssub.s32 s3, s28;
	[tilespmem:s8+$0x30] =	vst v60;
	v9 =	vsel vm2, v9, v29;
	v32 =	vmul.f32 v63, v14  }
0x2b4: {  	p1 =	seq.s32 s12, $0x1;
	s12 =	simm.s32 $0x1860;
	s28 =	sand.u32 $0xFF, s28;
	[tilespmem:s8+$0xFFFFFFA0] =	vst v59;
	v13 =	vsel vm6, v27, v62;
	v5 =	vsel vm5, v54, v22;
	v29 =	vperm.xlane v21, v1;
	v21 =	vpop (erf)  }
.LBB2_5:
0x2b5: {  	v27 =	vld [tilespmem:s12+$0xC0];
	v0 =	vmul.f32 $1.442695020e+00, v19;
	s7 =	sadd.s32 $0x280, s7;
	(xrf2) =	vadd.scan.msk.f32 $0xffff, v32;
	v2 =	vmul.f32 v21, v2;
	v3 =	vsel vm7, v3, v21  }
0x2b6: {  	v19 =	vld [tilespmem:s7+$0xC0];
	v21 =	vmul.f32 $2.500000000e-01, v29;
	v22, _, _ =	vpop (xrf2);
	v31 =	vmul.f32 v31, v15;
	[tilespmem:s8+$0xD0] =	vst v3  }
0x2b7: {  	v32 =	vld [tilespmem:s7+$0xFFFFFEC0];
	v22 =	vperm.xlane v22, v1;
	(erf) = vpow2.f32 v0;
	[tilespmem:s8+$0xC0] =	vst v2;
	s8 =	smov.u32 s9;
	s9 =	smov.u32 s14  }
0x2b8: {  	v29 =	vld [tilespmem:s12+$0xFFFFFF40];
	v34 =	vmul.f32 $1.442695020e+00, v21;
	(xrf2) =	vadd.scan.msk.f32 $0xffff, v30  }
0x2b9: {  	v21 =	vld [tilespmem:s7+$0xFFFFFF40];
	v2 =	vmul.f32 $2.500000000e-01, v22;
	v3, _, _ =	vpop (xrf2)  }
0x2ba: {  	v23 =	vld [tilespmem:s12+$0xFFFFFFC0];
	v3 =	vperm.xlane v3, v1;
	(erf) = vpow2.f32 v34;
	v0 =	vpop (erf)  }
0x2bb: {  	v22 =	vld [tilespmem:s7+$0xFFFFFFC0];
	v19 =	vmul.f32 v19, v27;
	v30 =	vmul.f32 $1.442695020e+00, v2;
	v12 =	vsel vm6, v12, v0;
	v33 =	vpop (erf)  }
0x2bc: {  	v0 =	vmul.f32 v0, v18;
	v2 =	vld [tilespmem:s12+$0x40];
	v36 =	vmul.f32 $2.500000000e-01, v3;
	v34, _, _ =	vpop (xrf2);
	v8 =	vsel vm6, v8, v33  }
0x2bd: {  	s30 =	sadd.s32 $0x5, s30;
	v35 =	vld [tilespmem:s7+$0x40];
	(xrf2) =	vadd.scan.msk.f32 $0xffff, v19;
	v18 =	vperm.xlane v34, v1;
	(erf) = vpow2.f32 v30  }
0x2be: {  	p2 =	slt.u32 s30, $0x23;
	v30 =	vld [tilespmem:s12+$0xFFFFFEC0];
	v34 =	vmul.f32 v21, v29;
	v21 =	vmul.f32 $1.442695020e+00, v36;
	[tilespmem:s8+$0xFFFFFF00] =	vst v0  }
0x2bf: {  	v17 =	vmul.f32 v33, v17;
	v0 =	vmul.f32 $2.500000000e-01, v18;
	v18 =	vld [tilespmem:s10+$0xFFFFFF30];
	v3, _, _ =	vpop (xrf2)  }
0x2c0: {  	v22 =	vmul.f32 v22, v23;
	(xrf2) =	vadd.scan.msk.f32 $0xffff, v34;
	v19 =	vpop (erf);
	v33 =	vld [tilespmem:s11+$0xFFFFFF30];
	v34 =	vperm.xlane v3, v1  }
0x2c1: {  	v0 =	vmul.f32 $1.442695020e+00, v0;
	v24 =	vmul.f32 v19, v24;
	v3 =	vsel vm3, v11, v19;
	[tilespmem:s8+$0xFFFFFF90] =	vst v17  }
0x2c2: {  	v35 =	vmul.f32 v35, v2;
	v11 =	vld [tilespmem:s10+$0xFFFFFFB0];
	v19 =	vmul.f32 $2.500000000e-01, v34;
	v36, _, _ =	vpop (xrf2)  }
0x2c3: {  	v32 =	vmul.f32 v32, v30;
	(xrf2) =	vadd.scan.msk.f32 $0xffff, v22;
	[tilespmem:s14+$0x110] =	vst v24;
	(erf) = vpow2.f32 v21;
	v17 =	vpop (erf);
	v22 =	vld [tilespmem:s11+$0xFFFFFFB0]  }
0x2c4: {  	v21 =	vmul.f32 v17, v20;
	v17 =	vsel vm3, v10, v17;
	v34 =	vld [tilespmem:s13+$0x100];
	v10 =	vmul.f32 $1.442695020e+00, v19  }
0x2c5: {  	v24 =	vld [tilespmem:s29+$0x100];
	(erf) = vpow2.f32 v0;
	v0 =	vperm.xlane v36, v1  }
0x2c6: {  	v19 =	vmul.f32 v33, v18;
	(xrf2) =	vadd.scan.msk.f32 $0xffff, v32;
	[tilespmem:s14+$0xFFFFFF60] =	vst v21;
	v20 =	vpop (erf);
	(erf) = vpow2.f32 v10  }
0x2c7: {  	v32, _, _ =	vpop (xrf2);
	v21 =	vld [tilespmem:s13+$0xFFFFFF80];
	v33 =	vmul.f32 v20, v26;
	v10 =	vsel vm3, v7, v20;
	v0 =	vmul.f32 $2.500000000e-01, v0  }
0x2c8: {  	v20 =	vperm.xlane v32, v1;
	v32 =	vld [tilespmem:s29+$0xFFFFFF80];
	v7 =	vmul.f32 v22, v11  }
0x2c9: {  	(xrf2) =	vadd.scan.msk.f32 $0xffff, v35;
	[tilespmem:s14+$0xFFFFFFF0] =	vst v33;
	v0 =	vmul.f32 $1.442695020e+00, v0  }
0x2ca: {  	v35 =	vmul.f32 $2.500000000e-01, v20;
	v26, _, _ =	vpop (xrf2);
	v20 =	vld [tilespmem:s13+$0x0];
	v24 =	vmul.f32 v24, v34  }
0x2cb: {  	v36 =	vperm.xlane v26, v1;
	v33 =	vld [tilespmem:s29+$0x0];
	(erf) = vpow2.f32 v0  }
0x2cc: {  	v35 =	vmul.f32 $1.442695020e+00, v35;
	v22 =	vpop (erf);
	(xrf2) =	vadd.scan.msk.f32 $0xffff, v24  }
0x2cd: {  	v24 =	vmul.f32 $2.500000000e-01, v36;
	v26, _, _ =	vpop (xrf2);
	v25 =	vmul.f32 v22, v25;
	v22 =	vsel vm3, v9, v22  }
0x2ce: {  	v9 =	vperm.xlane v26, v1;
	(erf) = vpow2.f32 v35;
	v0 =	vpop (erf)  }
0x2cf: {  	v24 =	vmul.f32 $1.442695020e+00, v24;
	[tilespmem:s14+$0xFFFFFED0] =	vst v25;
	v25 =	vmul.f32 v0, v28;
	(xrf2) =	vadd.scan.msk.f32 $0xffff, v31;
	v26 =	vpop (erf)  }
0x2d0: {  	v31 =	vmul.f32 $2.500000000e-01, v9;
	v35, _, _ =	vpop (xrf2);
	v28 =	vld [tilespmem:s13+$0xFFFFFF00];
	v9 =	vsel vm3, v6, v0;
	v0 =	vmul.f32 v26, v14  }
0x2d1: {  	v13 =	vsel vm7, v13, v26;
	v35 =	vperm.xlane v35, v1;
	(erf) = vpow2.f32 v24;
	v24 =	vld [tilespmem:s29+$0xFFFFFF00];
	[tilespmem:s14+$0x80] =	vst v25  }
0x2d2: {  	v26 =	vmul.f32 v32, v21;
	v25 =	vmul.f32 $1.442695020e+00, v31;
	v14 =	vld [tilespmem:s13+$0x80];
	[tilespmem:s8+$0x150] =	vst v0  }
0x2d3: {  	v31 =	vmul.f32 v33, v20;
	v0 =	vmul.f32 $2.500000000e-01, v35;
	v6, _, _ =	vpop (xrf2);
	v32 =	vld [tilespmem:s29+$0x80];
	[tilespmem:s8+$0x160] =	vst v13  }
0x2d4: {  	v6 =	vperm.xlane v6, v1;
	(erf) = vpow2.f32 v25;
	(xrf2) =	vadd.scan.msk.f32 $0xffff, v26;
	v13 =	vpop (erf)  }
0x2d5: {  	v25 =	vmul.f32 $1.442695020e+00, v0;
	v16 =	vmul.f32 v13, v16;
	v4 =	vsel vm6, v4, v13  }
0x2d6: {  	v6 =	vmul.f32 $2.500000000e-01, v6;
	v13 =	vmul.f32 v24, v28;
	v24, _, _ =	vpop (xrf2)  }
0x2d7: {  	(erf) = vpow2.f32 v25;
	v0 =	vpop (erf);
	v24 =	vperm.xlane v24, v1;
	[tilespmem:s8+$0x20] =	vst v16  }
0x2d8: {  	v16 =	vmul.f32 $1.442695020e+00, v6;
	v33 =	vmul.f32 v0, v27;
	v26 =	vnsel vm0, $0x0, v0;
	(xrf2) =	vadd.scan.msk.f32 $0xffff, v13;
	v6 =	vld [tilespmem:s10+$0x30]  }
0x2d9: {  	s14 =	sadd.s32 $0x2D0, s14;
	v0 =	vmul.f32 v32, v14;
	v13 =	vmul.f32 $2.500000000e-01, v24;
	v24 =	vld [tilespmem:s11+$0x30];
	v27, _, _ =	vpop (xrf2)  }
0x2da: {  	[tilespmem:s14+$0xE0] =	vst v33;
	v25 =	vpop (erf);
	(erf) = vpow2.f32 v16;
	v16 =	vperm.xlane v27, v1  }
0x2db: {  	v29 =	vmul.f32 v25, v29;
	v27 =	vnsel vm0, $0x0, v25;
	v35 =	vld [tilespmem:s12+$0xD0];
	v13 =	vmul.f32 $1.442695020e+00, v13;
	(xrf2) =	vadd.scan.msk.f32 $0xffff, v31  }
0x2dc: {  	v31 =	vld [tilespmem:s7+$0xD0];
	v16 =	vmul.f32 $2.500000000e-01, v16  }
0x2dd: {  	[tilespmem:s14+$0xFFFFFF30] =	vst v29;
	v25 =	vpop (erf);
	(erf) = vpow2.f32 v13  }
0x2de: {  	v32 =	vld [tilespmem:s12+$0xFFFFFF50];
	v29 =	vmul.f32 v25, v23;
	v25 =	vnsel vm0, $0x0, v25;
	v23, _, _ =	vpop (xrf2);
	(xrf2) =	vadd.scan.msk.f32 $0xffff, v0;
	v0 =	vmul.f32 $1.442695020e+00, v16  }
0x2df: {  	v36 =	vmul.f32 v24, v6;
	v16 =	vld [tilespmem:s7+$0xFFFFFF50];
	v37 =	vperm.xlane v23, v1  }
0x2e0: {  	[tilespmem:s14+$0xFFFFFFC0] =	vst v29;
	v13 =	vpop (erf);
	(erf) = vpow2.f32 v0  }
0x2e1: {  	v38 =	vmul.f32 v13, v30;
	v24 =	vnsel vm0, $0x0, v13;
	v33 =	vld [tilespmem:s12+$0xFFFFFFD0];
	v13 =	vmul.f32 v31, v35  }
0x2e2: {  	v30 =	vmul.f32 $2.500000000e-01, v37;
	v29 =	vld [tilespmem:s7+$0xFFFFFFD0];
	v23, _, _ =	vpop (xrf2)  }
0x2e3: {  	[tilespmem:s14+$0xFFFFFEA0] =	vst v38;
	v0 =	vpop (erf);
	(xrf2) =	vadd.scan.msk.f32 $0xffff, v13;
	v13 =	vperm.xlane v23, v1  }
0x2e4: {  	v31 =	vld [tilespmem:s12+$0xFFFFFED0];
	v38 =	vmul.f32 v16, v32;
	v2 =	vmul.f32 v0, v2;
	v23 =	vnsel vm0, $0x0, v0  }
0x2e5: {  	v30 =	vmul.f32 $1.442695020e+00, v30;
	v0 =	vld [tilespmem:s7+$0xFFFFFED0];
	v13 =	vmul.f32 $2.500000000e-01, v13;
	v37, _, _ =	vpop (xrf2)  }
0x2e6: {  	[tilespmem:s14+$0x50] =	vst v2;
	(xrf2) =	vadd.scan.msk.f32 $0xffff, v38;
	v2 =	vperm.xlane v37, v1;
	v16 =	vpop (erf)  }
0x2e7: {  	v37 =	vmul.f32 v29, v33;
	v29 =	vld [tilespmem:s12+$0x50];
	v39 =	vmul.f32 v16, v34;
	v16 =	vsel vm4, v3, v16  }
0x2e8: {  	v13 =	vmul.f32 $1.442695020e+00, v13;
	v38 =	vld [tilespmem:s7+$0x50];
	v2 =	vmul.f32 $2.500000000e-01, v2;
	v3, _, _ =	vpop (xrf2)  }
0x2e9: {  	(xrf2) =	vadd.scan.msk.f32 $0xffff, v37;
	v37 =	vperm.xlane v3, v1;
	[tilespmem:s9+$0x120] =	vst v39;
	(erf) = vpow2.f32 v30;
	v34 =	vpop (erf)  }
0x2ea: {  	v0 =	vmul.f32 v0, v31;
	v2 =	vmul.f32 $1.442695020e+00, v2;
	v30 =	vld [tilespmem:s13+$0x110];
	v3 =	vsel vm6, v5, v34  }
0x2eb: {  	v5 =	vmul.f32 $2.500000000e-01, v37;
	v37 =	vld [tilespmem:s29+$0x110];
	(erf) = vpow2.f32 v13  }
0x2ec: {  	(xrf2) =	vadd.scan.msk.f32 $0xffff, v0;
	(erf) = vpow2.f32 v2;
	v0 =	vmul.f32 v34, v15  }
0x2ed: {  	v2 =	vmul.f32 v38, v29;
	v13, _, _ =	vpop (xrf2);
	v15 =	vmul.f32 $1.442695020e+00, v5  }
0x2ee: {  	v13 =	vperm.xlane v13, v1;
	[tilespmem:s8+$0xB0] =	vst v0  }
0x2ef: {  	(xrf2) =	vadd.scan.msk.f32 $0xffff, v2;
	(erf) = vpow2.f32 v15;
	v2 =	vld [tilespmem:s10+$0xB0];
	s10 =	smov.u32 s13;
	s13 =	smov.u32 s12  }
0x2f0: {  	v0 =	vmul.f32 $2.500000000e-01, v13;
	v5, _, _ =	vpop (xrf2);
	v13 =	vmul.f32 v37, v30;
	v34 =	vld [tilespmem:s11+$0xB0];
	s11 =	smov.u32 s29;
	s29 =	smov.u32 s7  }
0x2f1: {  	v5 =	vperm.xlane v5, v1  }
0x2f2: {  	v38 =	vmul.f32 $1.442695020e+00, v0;
	v15 =	vpop (erf);
	(xrf2) =	vadd.scan.msk.f32 $0xffff, v13  }
0x2f3: {  	v5 =	vmul.f32 $2.500000000e-01, v5;
	v37, _, _ =	vpop (xrf2);
	v39 =	vmul.f32 v15, v21;
	v13 =	vsel vm4, v17, v15  }
0x2f4: {  	v15 =	vperm.xlane v37, v1;
	(erf) = vpow2.f32 v38;
	v0 =	vpop (erf)  }
0x2f5: {  	v5 =	vmul.f32 $1.442695020e+00, v5;
	v28 =	vmul.f32 v0, v28;
	[tilespmem:s9+$0xFFFFFF70] =	vst v39;
	v21 =	vpop (erf);
	(xrf2) =	vadd.scan.msk.f32 $0xffff, v19  }
0x2f6: {  	v19 =	vmul.f32 $2.500000000e-01, v15;
	v37, _, _ =	vpop (xrf2);
	v15 =	vsel vm4, v22, v0;
	v17 =	vld [tilespmem:s10+$0xFFFFFF90];
	v38 =	vmul.f32 v21, v20  }
0x2f7: {  	v10 =	vsel vm4, v10, v21;
	v37 =	vperm.xlane v37, v1;
	(erf) = vpow2.f32 v5;
	[tilespmem:s9+$0xFFFFFEE0] =	vst v28;
	v22 =	vld [tilespmem:s11+$0xFFFFFF90]  }
0x2f8: {  	v21 =	vmul.f32 $1.442695020e+00, v19;
	v28 =	vld [tilespmem:s10+$0xFFFFFF10];
	[tilespmem:s9+$0x0] =	vst v38;
	v0 =	vpop (erf);
	v19 =	vmul.f32 v34, v2;
	(xrf2) =	vadd.scan.msk.f32 $0xffff, v7  }
0x2f9: {  	v7 =	vmul.f32 $2.500000000e-01, v37;
	v20, _, _ =	vpop (xrf2);
	v34 =	vld [tilespmem:s11+$0xFFFFFF10];
	v14 =	vmul.f32 v0, v14;
	v5 =	vsel vm4, v9, v0  }
0x2fa: {  	v0 =	vperm.xlane v20, v1;
	(erf) = vpow2.f32 v21;
	v20 =	vld [tilespmem:s10+$0x10]  }
0x2fb: {  	v37 =	vmul.f32 $1.442695020e+00, v7;
	v9 =	vld [tilespmem:s11+$0x10];
	[tilespmem:s9+$0x90] =	vst v14;
	(xrf2) =	vadd.scan.msk.f32 $0xffff, v36  }
0x2fc: {  	v0 =	vmul.f32 $2.500000000e-01, v0;
	v21 =	vmul.f32 v22, v17;
	v14 =	vld [tilespmem:s10+$0x90];
	v22, _, _ =	vpop (xrf2)  }
0x2fd: {  	(erf) = vpow2.f32 v37;
	v7 =	vpop (erf);
	v36 =	vld [tilespmem:s11+$0x90];
	v22 =	vperm.xlane v22, v1  }
0x2fe: {  	v0 =	vmul.f32 $1.442695020e+00, v0;
	v35 =	vmul.f32 v7, v35;
	v7 =	vsel vm1, v26, v7;
	(xrf2) =	vadd.scan.msk.f32 $0xffff, v21  }
0x2ff: {  	v37 =	vmul.f32 v34, v28;
	v22 =	vmul.f32 $2.500000000e-01, v22;
	v34, _, _ =	vpop (xrf2)  }
0x300: {  	[tilespmem:s14+$0xF0] =	vst v35;
	v26 =	vpop (erf);
	(erf) = vpow2.f32 v0;
	v0 =	vmul.f32 v9, v20  }
0x301: {  	v32 =	vmul.f32 v26, v32;
	v9 =	vsel vm1, v27, v26;
	v26 =	vld [tilespmem:s12+$0xE0];
	v22 =	vmul.f32 $1.442695020e+00, v22;
	(xrf2) =	vadd.scan.msk.f32 $0xffff, v37  }
0x302: {  	v34 =	vperm.xlane v34, v1;
	v27 =	vld [tilespmem:s7+$0xE0];
	v35 =	vmul.f32 v36, v14;
	v21, _, _ =	vpop (xrf2)  }
0x303: {  	[tilespmem:s14+$0xFFFFFF40] =	vst v32;
	v36 =	vpop (erf);
	(erf) = vpow2.f32 v22;
	v37 =	vperm.xlane v21, v1  }
0x304: {  	v32 =	vld [tilespmem:s12+$0xFFFFFF60];
	v33 =	vmul.f32 v36, v33;
	v21 =	vsel vm1, v25, v36;
	(xrf2) =	vadd.scan.msk.f32 $0xffff, v0;
	v0 =	vmul.f32 $2.500000000e-01, v34  }
0x305: {  	v34 =	vld [tilespmem:s7+$0xFFFFFF60];
	v36 =	vmul.f32 $2.500000000e-01, v37;
	v22, _, _ =	vpop (xrf2)  }
0x306: {  	[tilespmem:s14+$0xFFFFFFD0] =	vst v33;
	v25 =	vpop (erf);
	v0 =	vmul.f32 $1.442695020e+00, v0;
	v33 =	vperm.xlane v22, v1  }
0x307: {  	v31 =	vmul.f32 v25, v31;
	v22 =	vsel vm1, v24, v25;
	v25 =	vld [tilespmem:s12+$0xFFFFFFE0];
	v24 =	vmul.f32 v27, v26  }
0x308: {  	v36 =	vmul.f32 $1.442695020e+00, v36;
	v27 =	vld [tilespmem:s7+$0xFFFFFFE0];
	v37, _, _ =	vpop (xrf2);
	v33 =	vmul.f32 $2.500000000e-01, v33  }
0x309: {  	[tilespmem:s14+$0xFFFFFEB0] =	vst v31;
	v38 =	vpop (erf);
	(xrf2) =	vadd.scan.msk.f32 $0xffff, v24;
	v24 =	vperm.xlane v37, v1;
	(erf) = vpow2.f32 v0  }
0x30a: {  	v31 =	vld [tilespmem:s12+$0xFFFFFEE0];
	v0 =	vmul.f32 v34, v32;
	v29 =	vmul.f32 v38, v29;
	v23 =	vsel vm1, v23, v38  }
0x30b: {  	v33 =	vmul.f32 $1.442695020e+00, v33;
	v34 =	vld [tilespmem:s7+$0xFFFFFEE0];
	v24 =	vmul.f32 $2.500000000e-01, v24;
	v37, _, _ =	vpop (xrf2)  }
0x30c: {  	[tilespmem:s14+$0x60] =	vst v29;
	(xrf2) =	vadd.scan.msk.f32 $0xffff, v0;
	v0 =	vperm.xlane v37, v1;
	v37 =	vpop (erf);
	(erf) = vpow2.f32 v36  }
0x30d: {  	v36 =	vmul.f32 v27, v25;
	v29 =	vld [tilespmem:s12+$0x60];
	v30 =	vmul.f32 v37, v30;
	v27 =	vsel vm5, v16, v37  }
0x30e: {  	v24 =	vmul.f32 $1.442695020e+00, v24;
	v16 =	vld [tilespmem:s7+$0x60];
	v0 =	vmul.f32 $2.500000000e-01, v0;
	v37, _, _ =	vpop (xrf2)  }
0x30f: {  	(xrf2) =	vadd.scan.msk.f32 $0xffff, v36;
	v36 =	vperm.xlane v37, v1;
	[tilespmem:s9+$0x130] =	vst v30;
	(erf) = vpow2.f32 v33  }
0x310: {  	v30 =	vmul.f32 v34, v31;
	v37 =	vmul.f32 $1.442695020e+00, v0;
	v33 =	vld [tilespmem:s10+$0x120]  }
0x311: {  	v34 =	vmul.f32 $2.500000000e-01, v36;
	v36 =	vld [tilespmem:s11+$0x120];
	(erf) = vpow2.f32 v24  }
0x312: {  	(xrf2) =	vadd.scan.msk.f32 $0xffff, v30;
	(erf) = vpow2.f32 v37;
	v0 =	vpop (erf)  }
0x313: {  	v16 =	vmul.f32 v16, v29;
	v24, _, _ =	vpop (xrf2);
	v30 =	vmul.f32 $1.442695020e+00, v34;
	v34 =	vsel vm7, v12, v0  }
0x314: {  	v0 =	vmul.f32 v0, v18;
	v24 =	vperm.xlane v24, v1;
	[tilespmem:s8+$0xFFFFFF20] =	vst v34  }
0x315: {  	(xrf2) =	vadd.scan.msk.f32 $0xffff, v16;
	(erf) = vpow2.f32 v30;
	v12 =	vpop (erf)  }
0x316: {  	v30 =	vmul.f32 $2.500000000e-01, v24;
	v18, _, _ =	vpop (xrf2);
	v24 =	vmul.f32 v36, v33;
	[tilespmem:s8+$0xFFFFFF10] =	vst v0;
	v0 =	vsel vm7, v8, v12  }
0x317: {  	v11 =	vmul.f32 v12, v11;
	v8 =	vperm.xlane v18, v1;
	[tilespmem:s8+$0xFFFFFFB0] =	vst v0  }
0x318: {  	v18 =	vmul.f32 $1.442695020e+00, v30;
	(xrf2) =	vadd.scan.msk.f32 $0xffff, v24;
	v12 =	vpop (erf)  }
0x319: {  	v8 =	vmul.f32 $2.500000000e-01, v8;
	v16, _, _ =	vpop (xrf2);
	[tilespmem:s8+$0xFFFFFFA0] =	vst v11;
	v6 =	vmul.f32 v12, v6;
	v4 =	vsel vm7, v4, v12  }
0x31a: {  	v11 =	vperm.xlane v16, v1;
	(erf) = vpow2.f32 v18;
	v0 =	vpop (erf);
	[tilespmem:s8+$0x40] =	vst v4  }
0x31b: {  	v18 =	vmul.f32 $1.442695020e+00, v8;
	v16 =	vmul.f32 v0, v17;
	v8 =	vsel vm5, v13, v0;
	v0 =	vpop (erf);
	(xrf2) =	vadd.scan.msk.f32 $0xffff, v35  }
0x31c: {  	v24 =	vmul.f32 $2.500000000e-01, v11;
	v13, _, _ =	vpop (xrf2);
	v17 =	vmul.f32 v0, v28;
	v12 =	vsel vm5, v15, v0;
	[tilespmem:s8+$0x30] =	vst v6  }
0x31d: {  	v0 =	vperm.xlane v13, v1;
	(erf) = vpow2.f32 v18;
	[tilespmem:s9+$0xFFFFFF80] =	vst v16  }
0x31e: {  	v6 =	vmul.f32 $1.442695020e+00, v24;
	[tilespmem:s9+$0xFFFFFEF0] =	vst v17;
	v17 =	vld [tilespmem:s10+$0xFFFFFFA0];
	v4 =	vpop (erf);
	(xrf2) =	vadd.scan.msk.f32 $0xffff, v19  }
0x31f: {  	v0 =	vmul.f32 $2.500000000e-01, v0;
	v11, _, _ =	vpop (xrf2);
	v18 =	vld [tilespmem:s10+$0xFFFFFF20];
	v13 =	vmul.f32 v4, v20;
	v4 =	vsel vm5, v10, v4  }
0x320: {  	v10 =	vperm.xlane v11, v1;
	(erf) = vpow2.f32 v6;
	v6 =	vld [tilespmem:s11+$0xFFFFFF20]  }
0x321: {  	v19 =	vmul.f32 $1.442695020e+00, v0;
	v15 =	vld [tilespmem:s11+$0xFFFFFFA0];
	[tilespmem:s9+$0x10] =	vst v13  }
0x322: {  	v10 =	vmul.f32 $2.500000000e-01, v10;
	v16 =	vld [tilespmem:s10+$0x20];
	v11, _, _ =	vpop (xrf2)  }
0x323: {  	(erf) = vpow2.f32 v19;
	v0 =	vpop (erf);
	v13 =	vld [tilespmem:s11+$0x20];
	v24 =	vperm.xlane v11, v1  }
0x324: {  	v10 =	vmul.f32 $1.442695020e+00, v10;
	v20 =	vmul.f32 v0, v26;
	v11 =	vsel vm2, v7, v0  }
0x325: {  	v0 =	vmul.f32 v6, v18;
	v6 =	vmul.f32 $2.500000000e-01, v24;
	v7, _, _ =	vpop (xrf2)  }
0x326: {  	[tilespmem:s14+$0x100] =	vst v20;
	v19 =	vpop (erf);
	(erf) = vpow2.f32 v10;
	v26 =	vperm.xlane v7, v1  }
0x327: {  	v20 =	vmul.f32 v19, v32;
	v10 =	vsel vm2, v9, v19;
	v24 =	vld [tilespmem:s12+$0xF0];
	v6 =	vmul.f32 $1.442695020e+00, v6;
	(xrf2) =	vadd.scan.msk.f32 $0xffff, v0  }
0x328: {  	v9 =	vmul.f32 v15, v17;
	v0 =	vld [tilespmem:s7+$0xF0];
	v15 =	vmul.f32 $2.500000000e-01, v26;
	v19, _, _ =	vpop (xrf2)  }
0x329: {  	v30 =	vmul.f32 v13, v16;
	[tilespmem:s14+$0xFFFFFF50] =	vst v20;
	v7 =	vpop (erf);
	(erf) = vpow2.f32 v6  }
0x32a: {  	v20 =	vld [tilespmem:s12+$0xFFFFFF70];
	v25 =	vmul.f32 v7, v25;
	v7 =	vsel vm2, v21, v7;
	v13 =	vmul.f32 $1.442695020e+00, v15;
	(xrf2) =	vadd.scan.msk.f32 $0xffff, v9  }
0x32b: {  	v19 =	vperm.xlane v19, v1;
	v15 =	vld [tilespmem:s7+$0xFFFFFF70]  }
0x32c: {  	[tilespmem:s14+$0xFFFFFFE0] =	vst v25;
	v6 =	vpop (erf);
	(erf) = vpow2.f32 v13  }
0x32d: {  	v13 =	vmul.f32 v6, v31;
	v9 =	vsel vm2, v22, v6;
	v26 =	vld [tilespmem:s12+$0xFFFFFFF0];
	v0 =	vmul.f32 v0, v24  }
0x32e: {  	v19 =	vmul.f32 $2.500000000e-01, v19;
	v21 =	vld [tilespmem:s7+$0xFFFFFFF0]  }
0x32f: {  	[tilespmem:s14+$0xFFFFFEC0] =	vst v13;
	v6 =	vpop (erf);
	(xrf2) =	vadd.scan.msk.f32 $0xffff, v0  }
0x330: {  	v25 =	vld [tilespmem:s12+$0xFFFFFEF0];
	v0 =	vmul.f32 v15, v20;
	v28 =	vmul.f32 v6, v29;
	v6 =	vsel vm2, v23, v6  }
0x331: {  	v19 =	vmul.f32 $1.442695020e+00, v19;
	v15 =	vld [tilespmem:s7+$0xFFFFFEF0];
	v22, _, _ =	vpop (xrf2)  }
0x332: {  	[tilespmem:s14+$0x70] =	vst v28;
	(xrf2) =	vadd.scan.msk.f32 $0xffff, v0;
	v0 =	vperm.xlane v22, v1;
	v13 =	vpop (erf)  }
0x333: {  	v29 =	vmul.f32 v21, v26;
	v28 =	vld [tilespmem:s12+$0x70];
	v22 =	vmul.f32 v13, v33;
	v13 =	vsel vm6, v27, v13  }
0x334: {  	v23 =	vld [tilespmem:s7+$0x70];
	v0 =	vmul.f32 $2.500000000e-01, v0;
	v27, _, _ =	vpop (xrf2);
	(erf) = vpow2.f32 v19  }
0x335: {  	(xrf2) =	vadd.scan.msk.f32 $0xffff, v29;
	v19 =	vperm.xlane v27, v1;
	[tilespmem:s9+$0x140] =	vst v22;
	v21 =	vpop (erf)  }
0x336: {  	v15 =	vmul.f32 v15, v25;
	v22 =	vmul.f32 v21, v14;
	v5 =	vsel vm5, v5, v21;
	v14 =	vld [tilespmem:s10+$0x130]  }
0x337: {  	v0 =	vmul.f32 $1.442695020e+00, v0;
	v19 =	vmul.f32 $2.500000000e-01, v19;
	v21 =	vld [tilespmem:s11+$0x130]  }
0x338: {  	(xrf2) =	vadd.scan.msk.f32 $0xffff, v15;
	[tilespmem:s9+$0xA0] =	vst v22  }
.Ltmp3:
0x339: {  	v22 =	vmul.f32 v23, v28;
	v23, _, _ =	vpop (xrf2);
	v19 =	vmul.f32 $1.442695020e+00, v19;
	v15 =	vld [tilespmem:s10+$0xA0];
	(pc) =	sbr.rel @p2 .LBB2_5-.Ltmp3, $4  }
0x33a: {  	v23 =	vperm.xlane v23, v1;
	v31 =	vld [tilespmem:s11+$0xA0];
	(erf) = vpow2.f32 v0  }
0x33b: {  	(xrf2) =	vadd.scan.msk.f32 $0xffff, v22;
	(erf) = vpow2.f32 v19  }
0x33c: {  	v19 =	vmul.f32 $2.500000000e-01, v23;
	v0, _, _ =	vpop (xrf2);
	v32 =	vmul.f32 v21, v14  }
0x33d: {  	s12 =	sadd.s32 $0x280, s12;
	v29 =	vperm.xlane v0, v1;
	v21 =	vpop (erf)  }
0x33e: {  	v0 =	vmul.f32 $1.442695020e+00, v19;
	_ =	sdelay $0x1  }
0x33f: {  	(erf) = vpow2.f32 v0;
	_ =	sdelay $0x6  }
0x340: {  	v23 =	vpop (erf)  }
0x341: {  	v22 =	vpop (erf)  }
0x342: {  	v19 =	vpop (erf)  }
0x343: {  	v0 =	vmul.f32 v19, v24;
	_ =	sdelay $0x1  }
0x344: {  	[tilespmem:s14+$0x110] =	vst v0  }
0x345: {  	v0 =	vld [tilespmem:s13+$0x100]  }
0x346: {  	v24 =	vld [tilespmem:s29+$0x100];
	_ =	sdelay $0x4  }
0x347: {  	(xrf2) =	vadd.scan.msk.f32 $0xffff, v32;
	v24 =	vmul.f32 v24, v0  }
0x348: {  	(xrf2) =	vadd.scan.msk.f32 $0xffff, v30;
	v27 =	vmul.f32 $2.500000000e-01, v29  }
0x349: {  	(xrf2) =	vadd.scan.msk.f32 $0xffff, v24  }
0x34a: {  	v27 =	vmul.f32 $1.442695020e+00, v27  }
0x34b: {  	v24, _, _ =	vpop (xrf2)  }
0x34c: {  	v24 =	vperm.xlane v24, v1;
	v29, _, _ =	vpop (xrf2)  }
0x34d: {  	v29 =	vperm.xlane v29, v1  }
0x34e: {  	(erf) = vpow2.f32 v27;
	v27, _, _ =	vpop (xrf2);
	v24 =	vmul.f32 $2.500000000e-01, v24  }
0x34f: {  	v27 =	vperm.xlane v27, v1;
	v29 =	vmul.f32 $2.500000000e-01, v29  }
0x350: {  	v24 =	vmul.f32 $1.442695020e+00, v24  }
0x351: {  	v30, _, _ =	vpop (xrf2);
	v27 =	vmul.f32 $2.500000000e-01, v27;
	v29 =	vmul.f32 $1.442695020e+00, v29  }
0x352: {  	(erf) = vpow2.f32 v24;
	v24 =	vperm.xlane v30, v1;
	v30, _, _ =	vpop (xrf2)  }
0x353: {  	v30 =	vperm.xlane v30, v1;
	v45, _, _ =	vpop (xrf2);
	(erf) = vpow2.f32 v29  }
0x354: {  	v24 =	vmul.f32 $2.500000000e-01, v24;
	v29 =	vperm.xlane v45, v1  }
0x355: {  	v27 =	vmul.f32 $1.442695020e+00, v27;
	v30 =	vmul.f32 $2.500000000e-01, v30  }
0x356: {  	v24 =	vmul.f32 $1.442695020e+00, v24;
	v29 =	vmul.f32 $2.500000000e-01, v29  }
0x357: {  	(erf) = vpow2.f32 v27;
	v27 =	vmul.f32 $1.442695020e+00, v30  }
0x358: {  	(erf) = vpow2.f32 v24;
	v24 =	vmul.f32 $1.442695020e+00, v29  }
0x359: {  	(erf) = vpow2.f32 v27  }
0x35a: {  	(erf) = vpow2.f32 v24;
	v29 =	vpop (erf)  }
0x35b: {  	v20 =	vmul.f32 v29, v20  }
0x35c: {  	v24 =	vpop (erf)  }
0x35d: {  	v27 =	vpop (erf);
	[tilespmem:s14+$0xFFFFFF60] =	vst v20;
	v26 =	vmul.f32 v24, v26  }
0x35e: {  	v25 =	vmul.f32 v27, v25;
	v46 =	vld [tilespmem:s13+$0xFFFFFF80]  }
0x35f: {  	v33 =	vld [tilespmem:s29+$0xFFFFFF80];
	[tilespmem:s14+$0xFFFFFFF0] =	vst v26  }
0x360: {  	v20 =	vpop (erf);
	[tilespmem:s14+$0xFFFFFED0] =	vst v25;
	v37 =	vld [tilespmem:s13+$0x0]  }
0x361: {  	v28 =	vmul.f32 v20, v28;
	v30 =	vpop (erf);
	v36 =	vld [tilespmem:s13+$0xFFFFFF00]  }
0x362: {  	v34 =	vld [tilespmem:s29+$0xFFFFFF00];
	v26 =	vpop (erf)  }
0x363: {  	v31 =	vmul.f32 v31, v15;
	v35 =	vld [tilespmem:s29+$0x0];
	[tilespmem:s14+$0x80] =	vst v28;
	v25 =	vpop (erf)  }
0x364: {  	v38 =	vld [tilespmem:s13+$0x80];
	v0 =	vmul.f32 v25, v0  }
0x365: {  	(xrf2) =	vadd.scan.msk.f32 $0xffff, v31;
	v31 =	vld [tilespmem:s29+$0x80]  }
0x366: {  	v28 =	vmul.f32 v33, v46;
	[tilespmem:s14+$0x120] =	vst v0  }
0x367: {  	v0 =	vmul.f32 v34, v36;
	v39 =	vld [tilespmem:s13+$0x110]  }
0x368: {  	(xrf2) =	vadd.scan.msk.f32 $0xffff, v28;
	v28 =	vld [tilespmem:s29+$0x110]  }
0x369: {  	(xrf2) =	vadd.scan.msk.f32 $0xffff, v0;
	v0 =	vmul.f32 v35, v37  }
0x36a: {  	v31 =	vmul.f32 v31, v38  }
0x36b: {  	(xrf2) =	vadd.scan.msk.f32 $0xffff, v0  }
0x36c: {  	(xrf2) =	vadd.scan.msk.f32 $0xffff, v31  }
0x36d: {  	v0 =	vmul.f32 v28, v39;
	_ =	sdelay $0x1  }
0x36e: {  	(xrf2) =	vadd.scan.msk.f32 $0xffff, v0;
	_ =	sdelay $0x1  }
0x36f: {  	v0, _, _ =	vpop (xrf2)  }
0x370: {  	v0 =	vperm.xlane v0, v1;
	v28, _, _ =	vpop (xrf2)  }
0x371: {  	v31, _, _ =	vpop (xrf2);
	v28 =	vperm.xlane v28, v1  }
0x372: {  	v0 =	vmul.f32 $2.500000000e-01, v0;
	v31 =	vperm.xlane v31, v1  }
0x373: {  	v28 =	vmul.f32 $2.500000000e-01, v28;
	v47, _, _ =	vpop (xrf2)  }
0x374: {  	v0 =	vmul.f32 $1.442695020e+00, v0;
	v31 =	vmul.f32 $2.500000000e-01, v31;
	v48, _, _ =	vpop (xrf2)  }
0x375: {  	v28 =	vmul.f32 $1.442695020e+00, v28;
	v33 =	vperm.xlane v48, v1  }
0x376: {  	(erf) = vpow2.f32 v0;
	v0 =	vperm.xlane v47, v1  }
0x377: {  	v31 =	vmul.f32 $1.442695020e+00, v31;
	v49, _, _ =	vpop (xrf2);
	(erf) = vpow2.f32 v28  }
0x378: {  	v0 =	vmul.f32 $2.500000000e-01, v0;
	v28 =	vperm.xlane v49, v1  }
0x379: {  	v33 =	vmul.f32 $2.500000000e-01, v33;
	(erf) = vpow2.f32 v31  }
0x37a: {  	v0 =	vmul.f32 $1.442695020e+00, v0;
	v28 =	vmul.f32 $2.500000000e-01, v28  }
0x37b: {  	v17 =	vmul.f32 v22, v17;
	v31 =	vmul.f32 $1.442695020e+00, v33  }
0x37c: {  	(erf) = vpow2.f32 v0;
	v0 =	vmul.f32 $1.442695020e+00, v28  }
0x37d: {  	v18 =	vmul.f32 v23, v18;
	(erf) = vpow2.f32 v31  }
0x37e: {  	[tilespmem:s9+$0xFFFFFF90] =	vst v17;
	(erf) = vpow2.f32 v0  }
0x37f: {  	[tilespmem:s9+$0xFFFFFF00] =	vst v18;
	v50 =	vld [tilespmem:s11+$0xFFFFFFB0]  }
0x380: {  	v16 =	vmul.f32 v26, v16;
	v35 =	vld [tilespmem:s10+$0xFFFFFF30];
	v28 =	vpop (erf)  }
0x381: {  	v0 =	vld [tilespmem:s11+$0xFFFFFF30];
	v18 =	vpop (erf)  }
0x382: {  	[tilespmem:s9+$0x20] =	vst v16;
	v34 =	vld [tilespmem:s10+$0xFFFFFFB0];
	v16 =	vmul.f32 v18, v46  }
0x383: {  	v32 =	vld [tilespmem:s10+$0x30];
	v31 =	vpop (erf)  }
0x384: {  	v40 =	vld [tilespmem:s11+$0x30];
	v36 =	vmul.f32 v31, v36;
	[tilespmem:s14+$0xFFFFFF70] =	vst v16  }
0x385: {  	v43 =	vld [tilespmem:s13+$0xFFFFFF90];
	v17 =	vpop (erf)  }
0x386: {  	v0 =	vmul.f32 v0, v35;
	[tilespmem:s14+$0xFFFFFEE0] =	vst v36;
	v51 =	vld [tilespmem:s29+$0xFFFFFF90];
	v37 =	vmul.f32 v17, v37;
	v16 =	vpop (erf)  }
0x387: {  	v41 =	vmul.f32 v50, v34;
	v45 =	vld [tilespmem:s13+$0xFFFFFF10];
	v33 =	vpop (erf)  }
0x388: {  	(xrf2) =	vadd.scan.msk.f32 $0xffff, v0;
	v0 =	vld [tilespmem:s29+$0xFFFFFF10];
	[tilespmem:s14+$0x0] =	vst v37;
	v52 =	vmul.f32 v33, v39  }
0x389: {  	v53 =	vmul.f32 v40, v32;
	(xrf2) =	vadd.scan.msk.f32 $0xffff, v41;
	v46 =	vld [tilespmem:s13+$0x10]  }
0x38a: {  	v54 =	vld [tilespmem:s29+$0x10];
	[tilespmem:s14+$0x130] =	vst v52  }
0x38b: {  	(xrf2) =	vadd.scan.msk.f32 $0xffff, v53;
	v37 =	vld [tilespmem:s13+$0x120]  }
0x38c: {  	v38 =	vmul.f32 v16, v38;
	v36 =	vmul.f32 v51, v43;
	v55 =	vld [tilespmem:s29+$0x120]  }
0x38d: {  	v0 =	vmul.f32 v0, v45  }
0x38e: {  	[tilespmem:s14+$0x90] =	vst v38;
	(xrf2) =	vadd.scan.msk.f32 $0xffff, v36  }
0x38f: {  	v47 =	vld [tilespmem:s13+$0x90];
	(xrf2) =	vadd.scan.msk.f32 $0xffff, v0  }
0x390: {  	v0 =	vld [tilespmem:s29+$0x90];
	v56 =	vmul.f32 v54, v46  }
0x391: {  	v57 =	vmul.f32 v55, v37  }
0x392: {  	v58, _, _ =	vpop (xrf2);
	(xrf2) =	vadd.scan.msk.f32 $0xffff, v56  }
0x393: {  	v59 =	vperm.xlane v58, v1;
	v60, _, _ =	vpop (xrf2);
	(xrf2) =	vadd.scan.msk.f32 $0xffff, v57  }
0x394: {  	v61 =	vperm.xlane v60, v1  }
0x395: {  	v0 =	vmul.f32 v0, v47;
	v62, _, _ =	vpop (xrf2);
	v36 =	vmul.f32 $2.500000000e-01, v59  }
0x396: {  	v39 =	vperm.xlane v62, v1;
	v38 =	vmul.f32 $2.500000000e-01, v61  }
0x397: {  	v36 =	vmul.f32 $1.442695020e+00, v36  }
0x398: {  	v39 =	vmul.f32 $2.500000000e-01, v39;
	v63, _, _ =	vpop (xrf2);
	(xrf2) =	vadd.scan.msk.f32 $0xffff, v0;
	v0 =	vmul.f32 $1.442695020e+00, v38  }
0x399: {  	v42 =	vperm.xlane v63, v1;
	(erf) = vpow2.f32 v36;
	v44, _, _ =	vpop (xrf2)  }
0x39a: {  	v39 =	vmul.f32 $1.442695020e+00, v39;
	v36 =	vperm.xlane v44, v1  }
0x39b: {  	(erf) = vpow2.f32 v0;
	v38 =	vmul.f32 $2.500000000e-01, v42  }
0x39c: {  	(erf) = vpow2.f32 v39;
	v0 =	vmul.f32 $2.500000000e-01, v36;
	v49, _, _ =	vpop (xrf2)  }
0x39d: {  	v48 =	vmul.f32 $1.442695020e+00, v38;
	v38 =	vperm.xlane v49, v1;
	v50, _, _ =	vpop (xrf2)  }
0x39e: {  	v0 =	vmul.f32 $1.442695020e+00, v0;
	v39 =	vperm.xlane v50, v1  }
0x39f: {  	(erf) = vpow2.f32 v48;
	v38 =	vmul.f32 $2.500000000e-01, v38  }
0x3a0: {  	(erf) = vpow2.f32 v0;
	v0 =	vmul.f32 $2.500000000e-01, v39  }
0x3a1: {  	v51 =	vmul.f32 $1.442695020e+00, v38  }
0x3a2: {  	v52, _, _ =	vpop (xrf2);
	v0 =	vmul.f32 $1.442695020e+00, v0  }
0x3a3: {  	v38 =	vperm.xlane v52, v1;
	(erf) = vpow2.f32 v51  }
0x3a4: {  	(erf) = vpow2.f32 v0  }
0x3a5: {  	v53 =	vmul.f32 $2.500000000e-01, v38;
	_ =	sdelay $0x1  }
0x3a6: {  	v44 =	vpop (erf);
	v0 =	vmul.f32 $1.442695020e+00, v53  }
0x3a7: {  	v42 =	vpop (erf)  }
0x3a8: {  	v54 =	vmul.f32 v28, v15;
	v41 =	vpop (erf);
	(erf) = vpow2.f32 v0  }
0x3a9: {  	v15 =	vpop (erf)  }
0x3aa: {  	[tilespmem:s9+$0xB0] =	vst v54;
	v0 =	vmul.f32 v15, v43;
	v38 =	vpop (erf)  }
0x3ab: {  	v56 =	vld [tilespmem:s11+$0xB0];
	v55 =	vmul.f32 v38, v45;
	v36 =	vpop (erf)  }
0x3ac: {  	v39 =	vld [tilespmem:s10+$0xB0];
	[tilespmem:s14+$0xFFFFFF80] =	vst v0;
	v40 =	vpop (erf)  }
0x3ad: {  	[tilespmem:s14+$0xFFFFFEF0] =	vst v55;
	v0 =	vld [tilespmem:s13+$0xFFFFFFA0];
	v37 =	vmul.f32 v40, v37  }
0x3ae: {  	v45 =	vld [tilespmem:s13+$0xFFFFFF20];
	v46 =	vmul.f32 v36, v46  }
0x3af: {  	v48 =	vld [tilespmem:s29+$0xFFFFFF20]  }
0x3b0: {  	v49 =	vld [tilespmem:s29+$0xFFFFFFA0];
	[tilespmem:s14+$0x10] =	vst v46  }
0x3b1: {  	v57 =	vmul.f32 v56, v39;
	v50 =	vld [tilespmem:s13+$0x20];
	[tilespmem:s14+$0x140] =	vst v37;
	v37 =	vpop (erf)  }
0x3b2: {  	v43 =	vld [tilespmem:s13+$0x130];
	v58 =	vmul.f32 v37, v47  }
0x3b3: {  	(xrf2) =	vadd.scan.msk.f32 $0xffff, v57;
	v59 =	vld [tilespmem:s29+$0x130]  }
0x3b4: {  	v51 =	vld [tilespmem:s29+$0x20];
	v48 =	vmul.f32 v48, v45;
	[tilespmem:s14+$0xA0] =	vst v58  }
0x3b5: {  	v60 =	vmul.f32 v49, v0;
	v49 =	vld [tilespmem:s13+$0xA0]  }
0x3b6: {  	(xrf2) =	vadd.scan.msk.f32 $0xffff, v48;
	v61 =	vld [tilespmem:s29+$0xA0];
	_ =	sdelay $0x1  }
0x3b7: {  	v62 =	vmul.f32 v59, v43  }
0x3b8: {  	(xrf2) =	vadd.scan.msk.f32 $0xffff, v60;
	v63 =	vmul.f32 v51, v50  }
0x3b9: {  	(xrf2) =	vadd.scan.msk.f32 $0xffff, v62  }
0x3ba: {  	(xrf2) =	vadd.scan.msk.f32 $0xffff, v63;
	v48 =	vmul.f32 v61, v49;
	_ =	sdelay $0x1  }
0x3bb: {  	v51, _, _ =	vpop (xrf2);
	(xrf2) =	vadd.scan.msk.f32 $0xffff, v48  }
0x3bc: {  	v47 =	vperm.xlane v51, v1;
	_ =	sdelay $0x1  }
0x3bd: {  	v52 =	vmul.f32 $2.500000000e-01, v47;
	v53, _, _ =	vpop (xrf2)  }
0x3be: {  	v47 =	vperm.xlane v53, v1  }
0x3bf: {  	v46 =	vmul.f32 $1.442695020e+00, v52  }
0x3c0: {  	v54, _, _ =	vpop (xrf2);
	v47 =	vmul.f32 $2.500000000e-01, v47  }
0x3c1: {  	(erf) = vpow2.f32 v46;
	v48 =	vperm.xlane v54, v1;
	v55, _, _ =	vpop (xrf2)  }
0x3c2: {  	v47 =	vmul.f32 $1.442695020e+00, v47;
	v46 =	vperm.xlane v55, v1;
	v56, _, _ =	vpop (xrf2)  }
0x3c3: {  	v48 =	vmul.f32 $2.500000000e-01, v48;
	v51 =	vperm.xlane v56, v1  }
0x3c4: {  	(erf) = vpow2.f32 v47;
	v46 =	vmul.f32 $2.500000000e-01, v46;
	v58, _, _ =	vpop (xrf2)  }
0x3c5: {  	v57 =	vmul.f32 $2.500000000e-01, v51;
	v51 =	vperm.xlane v58, v1  }
0x3c6: {  	v48 =	vmul.f32 $1.442695020e+00, v48  }
0x3c7: {  	v46 =	vmul.f32 $1.442695020e+00, v46;
	v59 =	vmul.f32 $2.500000000e-01, v51  }
0x3c8: {  	(erf) = vpow2.f32 v48;
	v47 =	vmul.f32 $1.442695020e+00, v57  }
0x3c9: {  	(erf) = vpow2.f32 v46;
	v46 =	vmul.f32 $1.442695020e+00, v59;
	_ =	sdelay $0x1  }
0x3ca: {  	(erf) = vpow2.f32 v47;
	_ =	sdelay $0x1  }
0x3cb: {  	(erf) = vpow2.f32 v46;
	v46 =	vpop (erf)  }
0x3cc: {  	v47 =	vpop (erf)  }
0x3cd: {  	v45 =	vmul.f32 v47, v45;
	_ =	sdelay $0x2  }
0x3ce: {  	v48 =	vpop (erf)  }
0x3cf: {  	v0 =	vmul.f32 v48, v0;
	[tilespmem:s14+$0xFFFFFF00] =	vst v45;
	v45 =	vpop (erf)  }
0x3d0: {  	v52 =	vpop (erf)  }
0x3d1: {  	[tilespmem:s14+$0xFFFFFF90] =	vst v0;
	v0 =	vmul.f32 v52, v50  }
0x3d2: {  	v51 =	vld [tilespmem:s13+$0xFFFFFF30]  }
0x3d3: {  	v54 =	vld [tilespmem:s29+$0xFFFFFF30];
	_ =	sdelay $0x1  }
0x3d4: {  	v60 =	vld [tilespmem:s13+$0xFFFFFFB0];
	[tilespmem:s14+$0x20] =	vst v0;
	v0 =	vpop (erf)  }
0x3d5: {  	v55 =	vld [tilespmem:s29+$0xFFFFFFB0];
	v49 =	vmul.f32 v0, v49  }
0x3d6: {  	v53 =	vld [tilespmem:s13+$0x30]  }
0x3d7: {  	v61 =	vmul.f32 v54, v51;
	v57 =	vld [tilespmem:s29+$0x30];
	[tilespmem:s14+$0xB0] =	vst v49  }
0x3d8: {  	v62 =	vld [tilespmem:s13+$0xB0]  }
0x3d9: {  	(xrf2) =	vadd.scan.msk.f32 $0xffff, v61;
	v58 =	vld [tilespmem:s29+$0xB0]  }
0x3da: {  	v55 =	vmul.f32 v55, v60;
	_ =	sdelay $0x1  }
0x3db: {  	(xrf2) =	vadd.scan.msk.f32 $0xffff, v55  }
0x3dc: {  	v63 =	vmul.f32 v57, v53  }
0x3dd: {  	v56 =	vmul.f32 v58, v62  }
0x3de: {  	(xrf2) =	vadd.scan.msk.f32 $0xffff, v63  }
0x3df: {  	(xrf2) =	vadd.scan.msk.f32 $0xffff, v56;
	_ =	sdelay $0x2  }
0x3e0: {  	v57, _, _ =	vpop (xrf2)  }
0x3e1: {  	v49 =	vperm.xlane v57, v1;
	_ =	sdelay $0x1  }
0x3e2: {  	v2 =	vmul.f32 v21, v2;
	v3 =	vsel vm7, v3, v21;
	v55, _, _ =	vpop (xrf2);
	v21 =	vmul.f32 $2.500000000e-01, v49  }
0x3e3: {  	[tilespmem:s8+$0xD0] =	vst v3;
	v3 =	vsel vm6, v12, v23;
	v55 =	vperm.xlane v55, v1  }
0x3e4: {  	[tilespmem:s8+$0xC0] =	vst v2;
	v14 =	vmul.f32 v30, v14;
	v13 =	vsel vm7, v13, v30;
	v21 =	vmul.f32 $1.442695020e+00, v21  }
0x3e5: {  	v2 =	vsel vm6, v8, v22;
	[tilespmem:s9+$0x160] =	vst v13;
	v8 =	vmul.f32 v44, v35;
	v12 =	vmul.f32 $2.500000000e-01, v55;
	v58, _, _ =	vpop (xrf2)  }
0x3e6: {  	[tilespmem:s9+$0x150] =	vst v14;
	v3 =	vsel vm7, v3, v44;
	v23 =	vperm.xlane v58, v1;
	(erf) = vpow2.f32 v21;
	v22, _, _ =	vpop (xrf2)  }
0x3e7: {  	[tilespmem:s9+$0xFFFFFF20] =	vst v3;
	v3 =	vmul.f32 v42, v34;
	v13 =	vperm.xlane v22, v1  }
0x3e8: {  	v4 =	vsel vm6, v4, v26;
	[tilespmem:s9+$0xFFFFFF10] =	vst v8;
	v12 =	vmul.f32 $1.442695020e+00, v12;
	v14 =	vmul.f32 $2.500000000e-01, v23  }
0x3e9: {  	v5 =	vsel vm6, v5, v28;
	[tilespmem:s9+$0xFFFFFFA0] =	vst v3;
	v3 =	vsel vm7, v4, v41;
	v8 =	vmul.f32 $2.500000000e-01, v13  }
0x3ea: {  	[tilespmem:s9+$0x40] =	vst v3;
	v3 =	vsel vm7, v5, v46;
	(erf) = vpow2.f32 v12;
	v14 =	vmul.f32 $1.442695020e+00, v14  }
0x3eb: {  	v2 =	vsel vm7, v2, v42;
	[tilespmem:s9+$0xD0] =	vst v3;
	v3 =	vmul.f32 v45, v43;
	v4 =	vmul.f32 $1.442695020e+00, v8  }
0x3ec: {  	[tilespmem:s9+$0xFFFFFFB0] =	vst v2;
	v2 =	vmul.f32 v41, v32;
	(erf) = vpow2.f32 v14;
	v8 =	vsel vm3, v9, v27  }
0x3ed: {  	(erf) = vpow2.f32 v4;
	v4 =	vsel vm4, v8, v31  }
0x3ee: {  	[tilespmem:s9+$0x30] =	vst v2;
	v4 =	vsel vm5, v4, v38  }
0x3ef: {  	v2 =	vmul.f32 v46, v39;
	[tilespmem:s14+$0x150] =	vst v3;
	v3 =	vpop (erf);
	v4 =	vsel vm6, v4, v47  }
0x3f0: {  	v11 =	vsel vm3, v11, v19;
	v10 =	vsel vm3, v10, v29;
	v4 =	vsel vm7, v4, v3  }
0x3f1: {  	[tilespmem:s9+$0xC0] =	vst v2;
	v2 =	vsel vm4, v10, v18;
	v9 =	vsel vm4, v11, v25  }
0x3f2: {  	v2 =	vsel vm5, v2, v15;
	v5 =	vsel vm5, v9, v33  }
0x3f3: {  	v7 =	vsel vm3, v7, v24;
	v2 =	vsel vm6, v2, v48;
	v5 =	vsel vm6, v5, v40;
	[tilespmem:s14+$0xFFFFFF20] =	vst v4;
	v4 =	vpop (erf)  }
0x3f4: {  	v5 =	vsel vm7, v5, v45;
	v3 =	vmul.f32 v3, v51;
	v2 =	vsel vm7, v2, v4  }
0x3f5: {  	[tilespmem:s14+$0x160] =	vst v5;
	v5 =	vsel vm3, v6, v20;
	v6 =	vsel vm4, v7, v17  }
0x3f6: {  	v6 =	vsel vm5, v6, v36;
	[tilespmem:s14+$0xFFFFFF10] =	vst v3;
	v3 =	vmul.f32 v4, v60  }
0x3f7: {  	v4 =	vsel vm4, v5, v16;
	v5 =	vsel vm6, v6, v52;
	[tilespmem:s14+$0xFFFFFFB0] =	vst v2;
	v2 =	vpop (erf)  }
0x3f8: {  	[tilespmem:s14+$0xFFFFFFA0] =	vst v3;
	v3 =	vmul.f32 v2, v53;
	v2 =	vsel vm7, v5, v2;
	_ =	sdelay $0x1  }
0x3f9: {  	v4 =	vsel vm5, v4, v37  }
0x3fa: {  	s7 =	smul.u32 $0xA0, s28;
	v0 =	vsel vm6, v4, v0;
	[tilespmem:s14+$0x40] =	vst v2;
	v2 =	vpop (erf)  }
0x3fb: {  	s8 =	simm.s32 $0x3E8;
	[tilespmem:s14+$0x30] =	vst v3;
	v3 =	vmul.f32 v2, v62;
	v0 =	vsel vm7, v0, v2  }
0x3fc: {  	s7 =	sshrl.u32 s7, $0x2;
	s8 =	simm.s32 @!p1 $0x0;
	[tilespmem:s14+$0xD0] =	vst v0  }
0x3fd: {  	s7 =	sadd.s32 s7, s8;
	[tilespmem:s14+$0xC0] =	vst v3  }
0x3fe: {  	v0 =	vld [tilespmem:s7+$0x7D0];
	_ =	sdelay $0x4  }
0x3ff: {  	[tilespmem:$0x8CA0] =	vst v0  }
0x400: {  	v0 =	vld [tilespmem:s7+$0x7E0];
	_ =	sdelay $0x4  }
0x401: {  	[tilespmem:$0x8CB0] =	vst v0  }
0x402: {  	p1 =	seq.s32 s0, $0x7C;
	v0 =	vld [tilespmem:s7+$0x7E8]  }
0x403: {  	s7 =	sadd.s32 @!p1 $0x2, s3  }
0x404: {  	s8 =	smulhi.u32 @!p1 $0x51EB851F, s7;
	_ =	sdelay $0x1  }
0x405: {  	s8 =	sshrl.u32 @!p1 s8, $0x3  }
0x406: {  	s9 =	smul.u32 @!p1 $0x19, s8;
	[tilespmem:$0x8CB8] =	vst v0  }
0x407: {  	[spmem:s2] =	stream.indirect.scatter.add.f32 [tilespmem:s23], [sflag:$0x3], $0x90, s22, s16, $0xb8;
	[tilespmem:$0x1FA90] =	vst v63  }
0x408: {  	s7 =	ssub.s32 @!p1 s7, s9  }
0x409: {  	p2 =	sne.s32 @!p1 s7, $0x0  }
0x40a: {  	p2 =	por p2, p1  }
0x40b: {  	s9 =	simm.s32 @!p2 $0x5  }
0x40c: {  	s10 =	sand.u32 @!p1 $0x1, s8;
	_ =	swait.ge @!p2 [sflag:s9], $0x3E8  }
0x40d: {  	s11 =	simm.s32 @!p1 $0x3E8;
	p3 =	seq.s32 @!p1 s10, $0x1;
	[sflag:s9] =	ssyncset.done @!p2 $0x0  }
0x40e: {  	p3 =	por !p3, p1;
	s10 =	smul.u32 @!p1 $0x28, s7;
	[sflag:s9] =	ssyncadd.s32 @!p2 $0xFFFFFC18  }
0x40f: {  	s11 =	simm.s32 @p3 $0x0;
	p3 =	sgt.u32 @!p1 s0, $0x6F;
	_ =	swait.ge @!p2 [sflag:s9], $0x3E8  }
0x410: {  	p4 =	por p3, p1;
	[sflag:s9] =	ssyncset.done @!p2 $0x0  }
0x411: {  	p5 =	sne.s32 @!p4 s7, $0x1;
	[sflag:s9] =	ssyncadd.s32 @!p2 $0xFFFFFC18;
	s9 =	sadd.s32 @!p1 s10, s11  }
0x412: {  	s10 =	simm.s32 @!p1 $0x28;
	s11 =	simm.s32 @!p1 $0xFA0;
	p2 =	por @!p1 p5, p3  }
0x413: {  	[tilespmem:s11], [sflag:$0x1] =	stream.indirect.gather @!p1 [hbm4b:s1+s10], $0x80, s9, s10, $0xb8;
	[tilespmem:$0x1FA90] =	vst v63  }
0x414: {  	p2 =	por p2, p1  }
0x415: {  	s9 =	sadd.s32 @!p1 $0x7D0, s9;
	s11 =	simm.s32 @!p1 $0x37A0;
	s7 =	sadd.s32 @!p2 $0x1, s8  }
0x416: {  	[tilespmem:s11], [sflag:$0x1] =	stream.indirect.gather @!p1 [hbm4b:s1+s10], $0x80, s9, s10, $0xb8;
	[tilespmem:$0x1FA90] =	vst v63  }
0x417: {  	s8 =	sand.u32 @!p2 $0x1, s7  }
0x418: {  	s7 =	smul.u32 @!p2 $0x3E8, s7;
	p6 =	seq.s32 @!p2 s8, $0x1  }
0x419: {  	p4 =	por @!p4 !p6, p5  }
0x41a: {  	s7 =	sadd.s32 @!p2 s5, s7;
	p3 =	por @!p1 !p4, p3  }
0x41b: {  	s8 =	simm.s32 @!p2 $0x3E8;
	s7 =	sshrl.u32 @!p2 s7, $0x3;
	p3 =	por !p3, p1  }
0x41c: {  	s9 =	simm.s32 @!p2 $0x0;
	s7 =	sadd.s32 @!p2 s6, s7;
	s8 =	simm.s32 @p3 $0x0  }
0x41d: {  	[tilespmem:s8], [sflag:$0x5] =	stream.linear.gather @!p2 [hbm4b:s7+s9], $0x3E8, $0x38;
	[tilespmem:$0x1FA90] =	vst v63  }
0x41e: {  	s8 =	sadd.s32 @!p2 $0x7D0, s8;
	s7 =	sadd.s32 @!p2 $0x9C40, s7  }
0x41f: {  	[tilespmem:s8], [sflag:$0x5] =	stream.linear.gather @!p2 [hbm4b:s7+s9], $0x3E8, $0x38;
	[tilespmem:$0x1FA90] =	vst v63  }
0x420: {  	_ =	swait.ge [sflag:s24], $0x1400  }
0x421: {  	[sflag:s24] =	ssyncset.done $0x0  }
0x422: {  	[sflag:s24] =	ssyncadd.s32 $0xFFFFEC00  }
0x423: {  	_ =	swait.ge [sflag:s24], $0x1400  }
0x424: {  	[sflag:s24] =	ssyncset.done $0x0  }
0x425: {  	s7 =	simm.s32 @!p0 $0x4;
	[sflag:s24] =	ssyncadd.s32 $0xFFFFEC00  }
0x426: {  	_ =	swait.ge @!p0 [sflag:s7], $0x1680  }
0x427: {  	[sflag:s7] =	ssyncset.done @!p0 $0x0  }
0x428: {  	s29 =	simm.s32 $0x2610;
	[sflag:s7] =	ssyncadd.s32 @!p0 $0xFFFFE980  }
0x429: {  	s28 =	simm.s32 $0x4E10;
	v0 =	vld [tilespmem:s29+$0xFFFFFF90]  }
0x42a: {  	v2 =	vld [tilespmem:s28+$0xFFFFFF90];
	_ =	sdelay $0x1  }
0x42b: {  	v3 =	vld [tilespmem:s29+$0xFFFFFE10]  }
0x42c: {  	v4 =	vld [tilespmem:s28+$0xFFFFFE10];
	_ =	sdelay $0x1  }
0x42d: {  	v2 =	vmul.f32 v2, v0  }
0x42e: {  	v5 =	vld [tilespmem:s29+$0xFFFFFE90]  }
0x42f: {  	v6 =	vld [tilespmem:s28+$0xFFFFFE90];
	(xrf2) =	vadd.scan.msk.f32 $0xffff, v2  }
0x430: {  	v2 =	vmul.f32 v4, v3;
	_ =	sdelay $0x1  }
0x431: {  	v4 =	vld [tilespmem:s28+$0xFFFFFD90];
	(xrf2) =	vadd.scan.msk.f32 $0xffff, v2  }
0x432: {  	v2 =	vld [tilespmem:s29+$0xFFFFFD90]  }
0x433: {  	v7 =	vld [tilespmem:s29+$0xFFFFFF10];
	v6 =	vmul.f32 v6, v5  }
0x434: {  	v8 =	vld [tilespmem:s28+$0xFFFFFF10]  }
0x435: {  	(xrf2) =	vadd.scan.msk.f32 $0xffff, v6;
	_ =	sdelay $0x1  }
0x436: {  	v4 =	vmul.f32 v4, v2  }
0x437: {  	v6, _, _ =	vpop (xrf2)  }
0x438: {  	v8 =	vmul.f32 v8, v7;
	(xrf2) =	vadd.scan.msk.f32 $0xffff, v4;
	v4 =	vperm.xlane v6, v1;
	_ =	sdelay $0x1  }
0x439: {  	(xrf2) =	vadd.scan.msk.f32 $0xffff, v8;
	v6, _, _ =	vpop (xrf2);
	v4 =	vmul.f32 $2.500000000e-01, v4  }
0x43a: {  	v6 =	vperm.xlane v6, v1  }
0x43b: {  	v4 =	vmul.f32 $1.442695020e+00, v4  }
0x43c: {  	v6 =	vmul.f32 $2.500000000e-01, v6  }
0x43d: {  	v8, _, _ =	vpop (xrf2);
	(erf) = vpow2.f32 v4  }
0x43e: {  	v8 =	vperm.xlane v8, v1;
	v4 =	vmul.f32 $1.442695020e+00, v6;
	_ =	sdelay $0x1  }
0x43f: {  	v6 =	vmul.f32 $2.500000000e-01, v8;
	(erf) = vpow2.f32 v4;
	_ =	sdelay $0x1  }
0x440: {  	v6 =	vmul.f32 $1.442695020e+00, v6;
	v4, _, _ =	vpop (xrf2)  }
0x441: {  	v4 =	vperm.xlane v4, v1;
	v8, _, _ =	vpop (xrf2)  }
0x442: {  	(erf) = vpow2.f32 v6;
	v6 =	vperm.xlane v8, v1  }
0x443: {  	v4 =	vmul.f32 $2.500000000e-01, v4  }
0x444: {  	v6 =	vmul.f32 $2.500000000e-01, v6;
	v8 =	vpop (erf)  }
0x445: {  	v4 =	vmul.f32 $1.442695020e+00, v4;
	v0 =	vmul.f32 v8, v0  }
0x446: {  	s8 =	simm.s32 $0x78E0;
	[tilespmem:$0x1FC90] =	vst v8  }
0x447: {  	(erf) = vpow2.f32 v4;
	v4 =	vmul.f32 $1.442695020e+00, v6;
	v60 =	vpop (erf);
	[tilespmem:s8+$0xFFFFFF80] =	vst v0  }
0x448: {  	v0 =	vmul.f32 v60, v3;
	v3 =	vld [tilespmem:s29+$0xFFFFFFA0]  }
0x449: {  	(erf) = vpow2.f32 v4;
	v4 =	vld [tilespmem:s28+$0xFFFFFFA0];
	_ =	sdelay $0x2  }
0x44a: {  	[tilespmem:s8+$0xFFFFFDD0] =	vst v0  }
0x44b: {  	v61 =	vpop (erf);
	v0 =	vld [tilespmem:s29+$0xFFFFFE20]  }
0x44c: {  	v5 =	vmul.f32 v61, v5;
	v6 =	vld [tilespmem:s28+$0xFFFFFE20];
	v4 =	vmul.f32 v4, v3;
	_ =	sdelay $0x1  }
0x44d: {  	[tilespmem:s8+$0xFFFFFE60] =	vst v5;
	v62 =	vpop (erf);
	(xrf2) =	vadd.scan.msk.f32 $0xffff, v4  }
0x44e: {  	v5 =	vld [tilespmem:s29+$0xFFFFFEA0];
	v2 =	vmul.f32 v62, v2  }
0x44f: {  	v8 =	vld [tilespmem:s28+$0xFFFFFEA0];
	v56 =	vpop (erf)  }
0x450: {  	v4 =	vmul.f32 v6, v0;
	[tilespmem:s8+$0xFFFFFD40] =	vst v2;
	v2 =	vmul.f32 v56, v7  }
0x451: {  	v6 =	vld [tilespmem:s29+$0xFFFFFDA0]  }
0x452: {  	(xrf2) =	vadd.scan.msk.f32 $0xffff, v4;
	v4 =	vld [tilespmem:s28+$0xFFFFFDA0];
	[tilespmem:s8+$0xFFFFFEF0] =	vst v2  }
0x453: {  	v7 =	vld [tilespmem:s29+$0xFFFFFF20]  }
0x454: {  	v2 =	vmul.f32 v8, v5;
	v8 =	vld [tilespmem:s28+$0xFFFFFF20];
	_ =	sdelay $0x2  }
0x455: {  	(xrf2) =	vadd.scan.msk.f32 $0xffff, v2;
	v2 =	vmul.f32 v4, v6;
	v4, _, _ =	vpop (xrf2)  }
0x456: {  	v4 =	vperm.xlane v4, v1  }
0x457: {  	(xrf2) =	vadd.scan.msk.f32 $0xffff, v2;
	v2 =	vmul.f32 v8, v7;
	_ =	sdelay $0x1  }
0x458: {  	(xrf2) =	vadd.scan.msk.f32 $0xffff, v2;
	v2 =	vmul.f32 $2.500000000e-01, v4  }
0x459: {  	v4, _, _ =	vpop (xrf2)  }
0x45a: {  	v2 =	vmul.f32 $1.442695020e+00, v2;
	v4 =	vperm.xlane v4, v1;
	_ =	sdelay $0x1  }
0x45b: {  	(erf) = vpow2.f32 v2;
	v4 =	vmul.f32 $2.500000000e-01, v4;
	_ =	sdelay $0x1  }
0x45c: {  	v8, _, _ =	vpop (xrf2);
	v2 =	vmul.f32 $1.442695020e+00, v4  }
0x45d: {  	v8 =	vperm.xlane v8, v1;
	_ =	sdelay $0x1  }
0x45e: {  	v4 =	vmul.f32 $2.500000000e-01, v8;
	(erf) = vpow2.f32 v2  }
0x45f: {  	v2, _, _ =	vpop (xrf2)  }
0x460: {  	v4 =	vmul.f32 $1.442695020e+00, v4;
	v2 =	vperm.xlane v2, v1  }
0x461: {  	v8, _, _ =	vpop (xrf2)  }
0x462: {  	(erf) = vpow2.f32 v4;
	v12 =	vpop (erf);
	v2 =	vmul.f32 $2.500000000e-01, v2  }
0x463: {  	v4 =	vperm.xlane v8, v1;
	v3 =	vmul.f32 v12, v3  }
0x464: {  	v2 =	vmul.f32 $1.442695020e+00, v2  }
0x465: {  	v4 =	vmul.f32 $2.500000000e-01, v4  }
0x466: {  	(erf) = vpow2.f32 v2  }
0x467: {  	[tilespmem:s8+$0xFFFFFF90] =	vst v3;
	v2 =	vmul.f32 $1.442695020e+00, v4;
	v3 =	vpop (erf)  }
0x468: {  	[tilespmem:$0x1FCA0] =	vst v3  }
0x469: {  	(erf) = vpow2.f32 v2;
	v2 =	vld [tilespmem:s29+$0xFFFFFFB0]  }
0x46a: {  	v0 =	vmul.f32 v3, v0;
	v3 =	vld [tilespmem:s28+$0xFFFFFFB0];
	_ =	sdelay $0x1  }
0x46b: {  	v4 =	vpop (erf);
	[tilespmem:s8+$0xFFFFFDE0] =	vst v0  }
0x46c: {  	[tilespmem:$0x1FCB0] =	vst v4;
	v4 =	vmul.f32 v4, v5  }
0x46d: {  	v0 =	vld [tilespmem:s29+$0xFFFFFE30]  }
0x46e: {  	v5 =	vld [tilespmem:s28+$0xFFFFFE30];
	[tilespmem:s8+$0xFFFFFE70] =	vst v4;
	v3 =	vmul.f32 v3, v2;
	v9 =	vpop (erf)  }
0x46f: {  	v4 =	vld [tilespmem:s29+$0xFFFFFEB0];
	[tilespmem:$0x1FCC0] =	vst v9  }
0x470: {  	(xrf2) =	vadd.scan.msk.f32 $0xffff, v3;
	v8 =	vld [tilespmem:s28+$0xFFFFFEB0]  }
0x471: {  	v6 =	vmul.f32 v9, v6;
	v9 =	vpop (erf)  }
0x472: {  	[tilespmem:$0x1FCD0] =	vst v9  }
0x473: {  	v3 =	vmul.f32 v5, v0;
	v5 =	vmul.f32 v9, v7;
	[tilespmem:s8+$0xFFFFFD50] =	vst v6  }
0x474: {  	v6 =	vld [tilespmem:s29+$0xFFFFFDB0]  }
0x475: {  	(xrf2) =	vadd.scan.msk.f32 $0xffff, v3;
	v3 =	vld [tilespmem:s28+$0xFFFFFDB0];
	[tilespmem:s8+$0xFFFFFF00] =	vst v5;
	v5 =	vmul.f32 v8, v4  }
0x476: {  	v7 =	vld [tilespmem:s29+$0xFFFFFF30]  }
0x477: {  	v8 =	vld [tilespmem:s28+$0xFFFFFF30];
	(xrf2) =	vadd.scan.msk.f32 $0xffff, v5;
	_ =	sdelay $0x2  }
0x478: {  	v3 =	vmul.f32 v3, v6;
	v5, _, _ =	vpop (xrf2)  }
0x479: {  	v5 =	vperm.xlane v5, v1  }
0x47a: {  	(xrf2) =	vadd.scan.msk.f32 $0xffff, v3;
	v3 =	vmul.f32 v8, v7;
	_ =	sdelay $0x1  }
0x47b: {  	(xrf2) =	vadd.scan.msk.f32 $0xffff, v3  }
0x47c: {  	v3 =	vmul.f32 $2.500000000e-01, v5;
	v5, _, _ =	vpop (xrf2)  }
0x47d: {  	v5 =	vperm.xlane v5, v1  }
0x47e: {  	v3 =	vmul.f32 $1.442695020e+00, v3;
	v8, _, _ =	vpop (xrf2)  }
0x47f: {  	v5 =	vmul.f32 $2.500000000e-01, v5;
	v8 =	vperm.xlane v8, v1  }
0x480: {  	(erf) = vpow2.f32 v3  }
0x481: {  	v3 =	vmul.f32 $1.442695020e+00, v5;
	v5 =	vmul.f32 $2.500000000e-01, v8;
	_ =	sdelay $0x1  }
0x482: {  	(erf) = vpow2.f32 v3;
	v8, _, _ =	vpop (xrf2);
	v3 =	vmul.f32 $1.442695020e+00, v5  }
0x483: {  	v5 =	vperm.xlane v8, v1  }
0x484: {  	v8, _, _ =	vpop (xrf2);
	(erf) = vpow2.f32 v3  }
0x485: {  	v3 =	vmul.f32 $2.500000000e-01, v5;
	v5 =	vperm.xlane v8, v1;
	_ =	sdelay $0x1  }
0x486: {  	v5 =	vmul.f32 $2.500000000e-01, v5  }
0x487: {  	v8 =	vpop (erf);
	v3 =	vmul.f32 $1.442695020e+00, v3  }
0x488: {  	v2 =	vmul.f32 v8, v2  }
0x489: {  	[tilespmem:$0x1FCE0] =	vst v8;
	(erf) = vpow2.f32 v3  }
0x48a: {  	[tilespmem:s8+$0xFFFFFFA0] =	vst v2;
	v3 =	vmul.f32 $1.442695020e+00, v5;
	v5 =	vpop (erf)  }
0x48b: {  	[tilespmem:$0x1FCF0] =	vst v5  }
0x48c: {  	v2 =	vld [tilespmem:s29+$0xFFFFFFC0]  }
0x48d: {  	(erf) = vpow2.f32 v3;
	v3 =	vld [tilespmem:s28+$0xFFFFFFC0]  }
0x48e: {  	v0 =	vmul.f32 v5, v0;
	v5 =	vpop (erf)  }
0x48f: {  	[tilespmem:$0x1FD00] =	vst v5  }
0x490: {  	[tilespmem:s8+$0xFFFFFDF0] =	vst v0;
	v0 =	vmul.f32 v5, v4  }
0x491: {  	v4 =	vld [tilespmem:s29+$0xFFFFFE40]  }
0x492: {  	v5 =	vld [tilespmem:s28+$0xFFFFFE40];
	[tilespmem:s8+$0xFFFFFE80] =	vst v0;
	v3 =	vmul.f32 v3, v2;
	v9 =	vpop (erf)  }
0x493: {  	v0 =	vld [tilespmem:s29+$0xFFFFFEC0];
	[tilespmem:$0x1FD10] =	vst v9  }
0x494: {  	v8 =	vld [tilespmem:s28+$0xFFFFFEC0];
	_ =	sdelay $0x1  }
0x495: {  	v6 =	vmul.f32 v9, v6;
	(xrf2) =	vadd.scan.msk.f32 $0xffff, v3;
	v3 =	vpop (erf)  }
0x496: {  	[tilespmem:$0x1FD20] =	vst v3;
	v3 =	vmul.f32 v3, v7  }
0x497: {  	v5 =	vmul.f32 v5, v4;
	[tilespmem:s8+$0xFFFFFD60] =	vst v6  }
0x498: {  	v6 =	vld [tilespmem:s29+$0xFFFFFDC0];
	[tilespmem:s8+$0xFFFFFF10] =	vst v3;
	v3 =	vmul.f32 v8, v0  }
0x499: {  	(xrf2) =	vadd.scan.msk.f32 $0xffff, v5;
	v7 =	vld [tilespmem:s28+$0xFFFFFDC0]  }
0x49a: {  	v5 =	vld [tilespmem:s29+$0xFFFFFF40];
	(xrf2) =	vadd.scan.msk.f32 $0xffff, v3  }
0x49b: {  	v8 =	vld [tilespmem:s28+$0xFFFFFF40];
	_ =	sdelay $0x2  }
0x49c: {  	v3 =	vmul.f32 v7, v6  }
0x49d: {  	v7, _, _ =	vpop (xrf2)  }
0x49e: {  	v7 =	vperm.xlane v7, v1;
	(xrf2) =	vadd.scan.msk.f32 $0xffff, v3;
	v3 =	vmul.f32 v8, v5  }
0x49f: {  	s11 =	simm.s32 $0x5090  }
0x4a0: {  	s10 =	simm.s32 $0x2890;
	v8 =	vld [tilespmem:s11+$0xFFFFFF90];
	(xrf2) =	vadd.scan.msk.f32 $0xffff, v3;
	v3 =	vmul.f32 $2.500000000e-01, v7  }
0x4a1: {  	v9, _, _ =	vpop (xrf2);
	v7 =	vld [tilespmem:s10+$0xFFFFFF90]  }
0x4a2: {  	v9 =	vperm.xlane v9, v1;
	v3 =	vmul.f32 $1.442695020e+00, v3;
	v10, _, _ =	vpop (xrf2)  }
0x4a3: {  	v10 =	vperm.xlane v10, v1  }
0x4a4: {  	(erf) = vpow2.f32 v3;
	v3 =	vmul.f32 $2.500000000e-01, v9  }
0x4a5: {  	v14 =	vld [tilespmem:s11+$0xFFFFFE10];
	v10 =	vmul.f32 $2.500000000e-01, v10  }
0x4a6: {  	v9 =	vld [tilespmem:s10+$0xFFFFFE10];
	v8 =	vmul.f32 v8, v7;
	v3 =	vmul.f32 $1.442695020e+00, v3  }
0x4a7: {  	v13 =	vld [tilespmem:s11+$0xFFFFFD90];
	v10 =	vmul.f32 $1.442695020e+00, v10  }
0x4a8: {  	v17 =	vld [tilespmem:s10+$0xFFFFFE90];
	(xrf2) =	vadd.scan.msk.f32 $0xffff, v8;
	v15, _, _ =	vpop (xrf2);
	(erf) = vpow2.f32 v3  }
0x4a9: {  	v8 =	vperm.xlane v15, v1;
	(erf) = vpow2.f32 v10;
	v10 =	vld [tilespmem:s10+$0xFFFFFD90]  }
0x4aa: {  	v16 =	vld [tilespmem:s11+$0xFFFFFE90]  }
0x4ab: {  	v14 =	vmul.f32 v14, v9;
	v8 =	vmul.f32 $2.500000000e-01, v8  }
0x4ac: {  	v15, _, _ =	vpop (xrf2)  }
0x4ad: {  	v15 =	vperm.xlane v15, v1;
	(xrf2) =	vadd.scan.msk.f32 $0xffff, v14;
	v8 =	vmul.f32 $1.442695020e+00, v8;
	v11 =	vpop (erf)  }
0x4ae: {  	v18 =	vld [tilespmem:s11+$0xFFFFFF10];
	v2 =	vmul.f32 v11, v2;
	v13 =	vmul.f32 v13, v10  }
0x4af: {  	v3 =	vld [tilespmem:s10+$0xFFFFFF10];
	v14 =	vmul.f32 v16, v17;
	[tilespmem:$0x1FD30] =	vst v11;
	(erf) = vpow2.f32 v8  }
0x4b0: {  	v8 =	vmul.f32 $2.500000000e-01, v15;
	[tilespmem:s8+$0xFFFFFFB0] =	vst v2  }
0x4b1: {  	(xrf2) =	vadd.scan.msk.f32 $0xffff, v14;
	v14 =	vld [tilespmem:s29+$0xFFFFFFD0]  }
0x4b2: {  	v2 =	vmul.f32 $1.442695020e+00, v8;
	v8 =	vld [tilespmem:s28+$0xFFFFFFD0];
	(xrf2) =	vadd.scan.msk.f32 $0xffff, v13;
	v13, _, _ =	vpop (xrf2)  }
0x4b3: {  	v13 =	vperm.xlane v13, v1  }
0x4b4: {  	v15 =	vmul.f32 v18, v3  }
0x4b5: {  	v11 =	vpop (erf);
	(erf) = vpow2.f32 v2  }
0x4b6: {  	[tilespmem:$0x1FD40] =	vst v11;
	v4 =	vmul.f32 v11, v4;
	v11 =	vpop (erf)  }
0x4b7: {  	v2 =	vmul.f32 $2.500000000e-01, v13;
	v8 =	vmul.f32 v8, v14;
	v13, _, _ =	vpop (xrf2)  }
0x4b8: {  	(xrf2) =	vadd.scan.msk.f32 $0xffff, v15;
	[tilespmem:$0x1FD50] =	vst v11;
	v15 =	vpop (erf)  }
0x4b9: {  	v2 =	vmul.f32 $1.442695020e+00, v2;
	v13 =	vperm.xlane v13, v1;
	[tilespmem:$0x1FD60] =	vst v15  }
0x4ba: {  	[tilespmem:s8+$0xFFFFFE00] =	vst v4;
	v4 =	vmul.f32 v15, v6  }
0x4bb: {  	(xrf2) =	vadd.scan.msk.f32 $0xffff, v8;
	(erf) = vpow2.f32 v2;
	v8, _, _ =	vpop (xrf2);
	v2 =	vmul.f32 $2.500000000e-01, v13  }
0x4bc: {  	v8 =	vperm.xlane v8, v1  }
0x4bd: {  	v6 =	vld [tilespmem:s29+$0xFFFFFE50];
	v2 =	vmul.f32 $1.442695020e+00, v2  }
0x4be: {  	v0 =	vmul.f32 v11, v0;
	v13 =	vld [tilespmem:s28+$0xFFFFFE50];
	[tilespmem:s8+$0xFFFFFD70] =	vst v4;
	v11 =	vpop (erf);
	v8 =	vmul.f32 $2.500000000e-01, v8  }
0x4bf: {  	v18 =	vld [tilespmem:s29+$0xFFFFFDD0];
	[tilespmem:$0x1FD70] =	vst v11;
	v4, _, _ =	vpop (xrf2);
	(erf) = vpow2.f32 v2  }
0x4c0: {  	v19 =	vld [tilespmem:s28+$0xFFFFFDD0];
	v4 =	vperm.xlane v4, v1  }
0x4c1: {  	[tilespmem:s8+$0xFFFFFE90] =	vst v0;
	v0 =	vmul.f32 v11, v5  }
0x4c2: {  	v2 =	vmul.f32 $1.442695020e+00, v8;
	v4 =	vmul.f32 $2.500000000e-01, v4;
	v8, _, _ =	vpop (xrf2)  }
0x4c3: {  	v13 =	vmul.f32 v13, v6;
	v8 =	vperm.xlane v8, v1  }
0x4c4: {  	v5 =	vld [tilespmem:s29+$0xFFFFFED0];
	(erf) = vpow2.f32 v2;
	v2 =	vmul.f32 $1.442695020e+00, v4;
	v11 =	vpop (erf)  }
0x4c5: {  	v20 =	vld [tilespmem:s28+$0xFFFFFED0];
	v4 =	vmul.f32 $2.500000000e-01, v8;
	v8 =	vmul.f32 v19, v18;
	[tilespmem:$0x1FD90] =	vst v11  }
0x4c6: {  	(xrf2) =	vadd.scan.msk.f32 $0xffff, v13;
	[tilespmem:s8+$0xFFFFFF20] =	vst v0;
	v0, _, _ =	vpop (xrf2)  }
0x4c7: {  	(erf) = vpow2.f32 v2;
	v2 =	vld [tilespmem:s29+$0xFFFFFF50];
	v0 =	vperm.xlane v0, v1;
	(xrf2) =	vadd.scan.msk.f32 $0xffff, v8  }
0x4c8: {  	v7 =	vmul.f32 v11, v7;
	v4 =	vmul.f32 $1.442695020e+00, v4;
	v13 =	vld [tilespmem:s28+$0xFFFFFF50];
	v11 =	vpop (erf)  }
0x4c9: {  	v0 =	vmul.f32 $2.500000000e-01, v0;
	v9 =	vmul.f32 v11, v9  }
0x4ca: {  	s9 =	simm.s32 $0x7BB0;
	(erf) = vpow2.f32 v4  }
0x4cb: {  	[tilespmem:s9+$0xFFFFFF80] =	vst v7;
	v0 =	vmul.f32 $1.442695020e+00, v0  }
0x4cc: {  	v8 =	vmul.f32 v20, v5;
	v4 =	vld [tilespmem:s10+$0xFFFFFFA0];
	[tilespmem:$0x1FDA0] =	vst v11  }
0x4cd: {  	v7 =	vld [tilespmem:s11+$0xFFFFFFA0];
	[tilespmem:s9+$0xFFFFFDD0] =	vst v9;
	v9 =	vpop (erf);
	(erf) = vpow2.f32 v0  }
0x4ce: {  	(xrf2) =	vadd.scan.msk.f32 $0xffff, v8  }
0x4cf: {  	v8 =	vmul.f32 v13, v2;
	[tilespmem:$0x1FDB0] =	vst v9  }
0x4d0: {  	v9 =	vmul.f32 v9, v17;
	v11 =	vpop (erf);
	v0 =	vld [tilespmem:s10+$0xFFFFFE20]  }
0x4d1: {  	(xrf2) =	vadd.scan.msk.f32 $0xffff, v8;
	v8 =	vld [tilespmem:s11+$0xFFFFFE20];
	[tilespmem:$0x1FDC0] =	vst v11  }
0x4d2: {  	v13, _, _ =	vpop (xrf2);
	v7 =	vmul.f32 v7, v4;
	[tilespmem:s9+$0xFFFFFE60] =	vst v9;
	v9 =	vmul.f32 v11, v10  }
0x4d3: {  	v10 =	vld [tilespmem:s10+$0xFFFFFEA0];
	v11 =	vpop (erf)  }
0x4d4: {  	v17, _, _ =	vpop (xrf2);
	(xrf2) =	vadd.scan.msk.f32 $0xffff, v7;
	v7 =	vperm.xlane v13, v1;
	v13 =	vld [tilespmem:s11+$0xFFFFFEA0];
	[tilespmem:s9+$0xFFFFFD40] =	vst v9;
	v3 =	vmul.f32 v11, v3  }
0x4d5: {  	v9 =	vperm.xlane v17, v1;
	[tilespmem:$0x1FDE0] =	vst v11  }
0x4d6: {  	v7 =	vmul.f32 $2.500000000e-01, v7;
	v17 =	vld [tilespmem:s10+$0xFFFFFDA0];
	v8 =	vmul.f32 v8, v0;
	[tilespmem:s9+$0xFFFFFEF0] =	vst v3;
	v11 =	vpop (erf)  }
0x4d7: {  	v19 =	vld [tilespmem:s11+$0xFFFFFDA0];
	[tilespmem:$0x1FD80] =	vst v11  }
0x4d8: {  	v20, _, _ =	vpop (xrf2);
	v9 =	vmul.f32 $2.500000000e-01, v9;
	v3 =	vmul.f32 $1.442695020e+00, v7;
	(xrf2) =	vadd.scan.msk.f32 $0xffff, v8;
	v8 =	vld [tilespmem:s10+$0xFFFFFF20]  }
0x4d9: {  	v7 =	vperm.xlane v20, v1;
	v13 =	vmul.f32 v13, v10;
	v20 =	vld [tilespmem:s11+$0xFFFFFF20]  }
0x4da: {  	v9 =	vmul.f32 $1.442695020e+00, v9;
	(erf) = vpow2.f32 v3  }
0x4db: {  	v14 =	vmul.f32 v11, v14;
	v7 =	vmul.f32 $2.500000000e-01, v7;
	v21, _, _ =	vpop (xrf2)  }
0x4dc: {  	(xrf2) =	vadd.scan.msk.f32 $0xffff, v13;
	v3 =	vmul.f32 v19, v17;
	v13 =	vperm.xlane v21, v1  }
0x4dd: {  	(erf) = vpow2.f32 v9;
	v7 =	vmul.f32 $1.442695020e+00, v7  }
0x4de: {  	[tilespmem:s8+$0xFFFFFFC0] =	vst v14;
	(xrf2) =	vadd.scan.msk.f32 $0xffff, v3;
	v13 =	vmul.f32 $2.500000000e-01, v13;
	v9 =	vmul.f32 v20, v8  }
0x4df: {  	v14 =	vld [tilespmem:s29+$0xFFFFFFE0]  }
0x4e0: {  	v19 =	vld [tilespmem:s28+$0xFFFFFFE0];
	(erf) = vpow2.f32 v7;
	v3, _, _ =	vpop (xrf2);
	v7 =	vmul.f32 $1.442695020e+00, v13  }
0x4e1: {  	v3 =	vperm.xlane v3, v1  }
0x4e2: {  	(xrf2) =	vadd.scan.msk.f32 $0xffff, v9;
	(erf) = vpow2.f32 v7;
	v9, _, _ =	vpop (xrf2)  }
0x4e3: {  	v3 =	vmul.f32 $2.500000000e-01, v3;
	v27 =	vpop (erf);
	v7 =	vperm.xlane v9, v1  }
0x4e4: {  	v6 =	vmul.f32 v27, v6  }
0x4e5: {  	v13 =	vmul.f32 v19, v14;
	v3 =	vmul.f32 $1.442695020e+00, v3;
	_ =	sdelay $0x1  }
0x4e6: {  	(xrf2) =	vadd.scan.msk.f32 $0xffff, v13;
	(erf) = vpow2.f32 v3;
	v3 =	vmul.f32 $2.500000000e-01, v7;
	v7, _, _ =	vpop (xrf2)  }
0x4e7: {  	[tilespmem:s8+$0xFFFFFE10] =	vst v6;
	v7 =	vperm.xlane v7, v1;
	v6, _, _ =	vpop (xrf2)  }
0x4e8: {  	v29 =	vpop (erf);
	v3 =	vmul.f32 $1.442695020e+00, v3;
	v6 =	vperm.xlane v6, v1  }
0x4e9: {  	v9 =	vmul.f32 v29, v18;
	v7 =	vmul.f32 $2.500000000e-01, v7  }
0x4ea: {  	(erf) = vpow2.f32 v3;
	v6 =	vmul.f32 $2.500000000e-01, v6  }
0x4eb: {  	v18, _, _ =	vpop (xrf2);
	v7 =	vmul.f32 $1.442695020e+00, v7  }
0x4ec: {  	v13 =	vld [tilespmem:s29+$0xFFFFFE60];
	v26 =	vpop (erf);
	[tilespmem:s8+$0xFFFFFD80] =	vst v9;
	v18 =	vperm.xlane v18, v1;
	v6 =	vmul.f32 $1.442695020e+00, v6  }
0x4ed: {  	v9 =	vld [tilespmem:s29+$0xFFFFFDE0];
	v5 =	vmul.f32 v26, v5;
	v22 =	vpop (erf);
	(erf) = vpow2.f32 v7  }
0x4ee: {  	v3 =	vld [tilespmem:s28+$0xFFFFFE60];
	(erf) = vpow2.f32 v6  }
0x4ef: {  	v19 =	vld [tilespmem:s28+$0xFFFFFDE0];
	[tilespmem:s8+$0xFFFFFEA0] =	vst v5;
	v7 =	vmul.f32 $2.500000000e-01, v18  }
0x4f0: {  	v5 =	vld [tilespmem:s29+$0xFFFFFEE0];
	v18, _, _ =	vpop (xrf2)  }
0x4f1: {  	v31 =	vpop (erf);
	v6 =	vperm.xlane v18, v1;
	v7 =	vmul.f32 $1.442695020e+00, v7;
	v18 =	vld [tilespmem:s28+$0xFFFFFEE0]  }
0x4f2: {  	v4 =	vmul.f32 v31, v4  }
0x4f3: {  	v3 =	vmul.f32 v3, v13;
	(erf) = vpow2.f32 v7;
	v28 =	vpop (erf)  }
0x4f4: {  	[tilespmem:s9+$0xFFFFFF90] =	vst v4;
	v4 =	vmul.f32 $2.500000000e-01, v6;
	v0 =	vmul.f32 v28, v0  }
0x4f5: {  	v19 =	vmul.f32 v19, v9;
	v6 =	vld [tilespmem:s10+$0xFFFFFFB0]  }
0x4f6: {  	(xrf2) =	vadd.scan.msk.f32 $0xffff, v3;
	v3 =	vld [tilespmem:s11+$0xFFFFFFB0];
	v4 =	vmul.f32 $1.442695020e+00, v4;
	[tilespmem:s9+$0xFFFFFDE0] =	vst v0;
	v0 =	vmul.f32 v18, v5;
	v41 =	vpop (erf)  }
0x4f7: {  	(xrf2) =	vadd.scan.msk.f32 $0xffff, v19;
	v11 =	vpop (erf)  }
0x4f8: {  	(erf) = vpow2.f32 v4;
	(xrf2) =	vadd.scan.msk.f32 $0xffff, v0;
	v0 =	vmul.f32 v11, v17  }
0x4f9: {  	v4 =	vld [tilespmem:s10+$0xFFFFFE30];
	v7 =	vmul.f32 v41, v10  }
0x4fa: {  	v10 =	vld [tilespmem:s11+$0xFFFFFE30];
	[tilespmem:$0x1FDD0] =	vst v11  }
0x4fb: {  	v3 =	vmul.f32 v3, v6;
	[tilespmem:s9+$0xFFFFFE70] =	vst v7  }
0x4fc: {  	v7 =	vld [tilespmem:s10+$0xFFFFFEB0];
	[tilespmem:s9+$0xFFFFFD50] =	vst v0;
	v0 =	vpop (erf)  }
0x4fd: {  	(xrf2) =	vadd.scan.msk.f32 $0xffff, v3;
	v3 =	vld [tilespmem:s11+$0xFFFFFEB0];
	[tilespmem:$0x1FDF0] =	vst v0  }
0x4fe: {  	v17 =	vld [tilespmem:s10+$0xFFFFFDB0]  }
0x4ff: {  	v0 =	vmul.f32 v0, v8;
	v18 =	vld [tilespmem:s11+$0xFFFFFDB0]  }
0x500: {  	v10 =	vmul.f32 v10, v4;
	v8, _, _ =	vpop (xrf2)  }
0x501: {  	[tilespmem:s9+$0xFFFFFF00] =	vst v0;
	v0 =	vperm.xlane v8, v1;
	v11 =	vpop (erf)  }
0x502: {  	v19, _, _ =	vpop (xrf2);
	(xrf2) =	vadd.scan.msk.f32 $0xffff, v10;
	v3 =	vmul.f32 v3, v7;
	v14 =	vmul.f32 v11, v14  }
0x503: {  	[tilespmem:$0x1FE00] =	vst v11;
	v0 =	vmul.f32 $2.500000000e-01, v0  }
0x504: {  	v8 =	vperm.xlane v19, v1;
	v10 =	vld [tilespmem:s10+$0xFFFFFF30];
	(xrf2) =	vadd.scan.msk.f32 $0xffff, v3;
	v3 =	vmul.f32 v18, v17  }
0x505: {  	v19 =	vld [tilespmem:s11+$0xFFFFFF30];
	v0 =	vmul.f32 $1.442695020e+00, v0  }
0x506: {  	v8 =	vmul.f32 $2.500000000e-01, v8;
	[tilespmem:s8+$0xFFFFFFD0] =	vst v14;
	v14, _, _ =	vpop (xrf2)  }
0x507: {  	v14 =	vperm.xlane v14, v1;
	(erf) = vpow2.f32 v0  }
0x508: {  	v8 =	vmul.f32 $1.442695020e+00, v8;
	(xrf2) =	vadd.scan.msk.f32 $0xffff, v3;
	v3, _, _ =	vpop (xrf2)  }
0x509: {  	v14 =	vmul.f32 $2.500000000e-01, v14;
	v3 =	vperm.xlane v3, v1  }
0x50a: {  	v18 =	vld [tilespmem:s29+$0xFFFFFFF0];
	v19 =	vmul.f32 v19, v10;
	(erf) = vpow2.f32 v8  }
0x50b: {  	v20 =	vld [tilespmem:s28+$0xFFFFFFF0];
	v0 =	vmul.f32 $2.500000000e-01, v3;
	v3 =	vmul.f32 $1.442695020e+00, v14  }
0x50c: {  	v8, _, _ =	vpop (xrf2)  }
0x50d: {  	(xrf2) =	vadd.scan.msk.f32 $0xffff, v19;
	(erf) = vpow2.f32 v3;
	v3 =	vperm.xlane v8, v1;
	_ =	sdelay $0x1  }
0x50e: {  	v0 =	vmul.f32 $1.442695020e+00, v0  }
0x50f: {  	v14 =	vmul.f32 v20, v18;
	v11 =	vpop (erf)  }
0x510: {  	(erf) = vpow2.f32 v0;
	v0 =	vmul.f32 $2.500000000e-01, v3;
	v3, _, _ =	vpop (xrf2)  }
0x511: {  	v2 =	vmul.f32 v22, v2;
	(xrf2) =	vadd.scan.msk.f32 $0xffff, v14;
	v8, _, _ =	vpop (xrf2)  }
0x512: {  	[tilespmem:$0x1FE10] =	vst v11;
	v3 =	vperm.xlane v3, v1;
	v8 =	vperm.xlane v8, v1  }
0x513: {  	v13 =	vmul.f32 v11, v13;
	v11 =	vpop (erf);
	v0 =	vmul.f32 $1.442695020e+00, v0;
	[tilespmem:s8+$0xFFFFFF30] =	vst v2  }
0x514: {  	[tilespmem:$0x1FE20] =	vst v11;
	v3 =	vmul.f32 $2.500000000e-01, v3  }
0x515: {  	(erf) = vpow2.f32 v0;
	v2 =	vld [tilespmem:s29+$0xFFFFFF60]  }
0x516: {  	v14 =	vld [tilespmem:s28+$0xFFFFFF60];
	v0 =	vmul.f32 $1.442695020e+00, v3;
	v3 =	vmul.f32 $2.500000000e-01, v8;
	v8, _, _ =	vpop (xrf2)  }
0x517: {  	v9 =	vmul.f32 v11, v9;
	v8 =	vperm.xlane v8, v1  }
0x518: {  	[tilespmem:s8+$0xFFFFFE20] =	vst v13;
	v15 =	vpop (erf)  }
0x519: {  	[tilespmem:$0x1FE30] =	vst v15;
	v8 =	vmul.f32 $2.500000000e-01, v8  }
0x51a: {  	(erf) = vpow2.f32 v0;
	v0 =	vmul.f32 $1.442695020e+00, v3;
	[tilespmem:s8+$0xFFFFFD90] =	vst v9;
	v11 =	vpop (erf)  }
0x51b: {  	v63 =	vld [tilespmem:s29+$0xFFFFFE70];
	v9, _, _ =	vpop (xrf2);
	v13 =	vmul.f32 v14, v2;
	[tilespmem:$0x1FE40] =	vst v11;
	v8 =	vmul.f32 $1.442695020e+00, v8  }
0x51c: {  	v9 =	vperm.xlane v9, v1;
	v3 =	vld [tilespmem:s29+$0xFFFFFDF0];
	(erf) = vpow2.f32 v0  }
0x51d: {  	v0 =	vmul.f32 v11, v6;
	v6 =	vld [tilespmem:s28+$0xFFFFFDF0];
	(erf) = vpow2.f32 v8  }
0x51e: {  	v14 =	vld [tilespmem:s28+$0xFFFFFE70];
	(xrf2) =	vadd.scan.msk.f32 $0xffff, v13  }
0x51f: {  	[tilespmem:s9+$0xFFFFFFA0] =	vst v0;
	v0 =	vmul.f32 $2.500000000e-01, v9  }
0x520: {  	v9 =	vld [tilespmem:s10+$0xFFFFFFC0]  }
0x521: {  	v42 =	vpop (erf);
	v8 =	vld [tilespmem:s11+$0xFFFFFFC0];
	v0 =	vmul.f32 $1.442695020e+00, v0  }
0x522: {  	v4 =	vmul.f32 v42, v4;
	v6 =	vmul.f32 v6, v3  }
0x523: {  	(erf) = vpow2.f32 v0;
	v0 =	vmul.f32 v14, v63;
	v43 =	vpop (erf)  }
0x524: {  	[tilespmem:s9+$0xFFFFFDF0] =	vst v4;
	(xrf2) =	vadd.scan.msk.f32 $0xffff, v6;
	v4 =	vmul.f32 v43, v7  }
0x525: {  	v6 =	vld [tilespmem:s10+$0xFFFFFE40];
	(xrf2) =	vadd.scan.msk.f32 $0xffff, v0;
	v40 =	vpop (erf)  }
0x526: {  	v7 =	vmul.f32 v8, v9;
	v8 =	vld [tilespmem:s11+$0xFFFFFE40];
	[tilespmem:s9+$0xFFFFFE80] =	vst v4;
	v45 =	vpop (erf)  }
0x527: {  	v4 =	vld [tilespmem:s10+$0xFFFFFEC0];
	v10 =	vmul.f32 v45, v10  }
0x528: {  	v13 =	vmul.f32 v40, v17;
	v14, _, _ =	vpop (xrf2);
	(xrf2) =	vadd.scan.msk.f32 $0xffff, v7;
	v7 =	vld [tilespmem:s11+$0xFFFFFEC0]  }
0x529: {  	v14 =	vperm.xlane v14, v1;
	[tilespmem:s9+$0xFFFFFF10] =	vst v10;
	v10 =	vmul.f32 v15, v5  }
0x52a: {  	[tilespmem:s9+$0xFFFFFD60] =	vst v13  }
0x52b: {  	v13 =	vld [tilespmem:s10+$0xFFFFFDC0];
	[tilespmem:s8+$0xFFFFFEB0] =	vst v10;
	v10 =	vmul.f32 $2.500000000e-01, v14  }
0x52c: {  	v17 =	vld [tilespmem:s11+$0xFFFFFDC0];
	v8 =	vmul.f32 v8, v6  }
0x52d: {  	v46 =	vpop (erf);
	v7 =	vmul.f32 v7, v4;
	v5 =	vld [tilespmem:s10+$0xFFFFFF40]  }
0x52e: {  	(xrf2) =	vadd.scan.msk.f32 $0xffff, v8;
	v18 =	vmul.f32 v46, v18;
	v19 =	vld [tilespmem:s11+$0xFFFFFF40];
	v14, _, _ =	vpop (xrf2)  }
0x52f: {  	(xrf2) =	vadd.scan.msk.f32 $0xffff, v7;
	v7 =	vmul.f32 $1.442695020e+00, v10;
	v10, _, _ =	vpop (xrf2)  }
0x530: {  	[tilespmem:s8+$0xFFFFFFE0] =	vst v18;
	v14 =	vperm.xlane v14, v1;
	v10 =	vperm.xlane v10, v1  }
0x531: {  	v17 =	vmul.f32 v17, v13;
	v44 =	vld [tilespmem:s29+$0x0]  }
0x532: {  	v18 =	vld [tilespmem:s28+$0x0];
	v14 =	vmul.f32 $2.500000000e-01, v14;
	v20, _, _ =	vpop (xrf2);
	v10 =	vmul.f32 $2.500000000e-01, v10  }
0x533: {  	v8 =	vld [tilespmem:s29+$0xFFFFFEF0];
	(xrf2) =	vadd.scan.msk.f32 $0xffff, v17;
	v17 =	vmul.f32 v19, v5;
	v19 =	vperm.xlane v20, v1  }
0x534: {  	v23 =	vld [tilespmem:s28+$0xFFFFFEF0];
	v14 =	vmul.f32 $1.442695020e+00, v14;
	v10 =	vmul.f32 $1.442695020e+00, v10  }
0x535: {  	s13 =	simm.s32 $0x2B10;
	(erf) = vpow2.f32 v7;
	v7 =	vmul.f32 $2.500000000e-01, v19  }
0x536: {  	s7 =	simm.s32 $0x5310;
	(xrf2) =	vadd.scan.msk.f32 $0xffff, v17;
	v17 =	vld [tilespmem:s13+$0xFFFFFF90];
	(erf) = vpow2.f32 v14  }
0x537: {  	v14 =	vmul.f32 v18, v44;
	v18 =	vld [tilespmem:s7+$0xFFFFFF90];
	v7 =	vmul.f32 $1.442695020e+00, v7  }
0x538: {  	v20 =	vld [tilespmem:s13+$0xFFFFFE10];
	(erf) = vpow2.f32 v10;
	v10, _, _ =	vpop (xrf2)  }
0x539: {  	v19 =	vmul.f32 v23, v8;
	v23 =	vld [tilespmem:s7+$0xFFFFFE90];
	v10 =	vperm.xlane v10, v1  }
0x53a: {  	(erf) = vpow2.f32 v7;
	(xrf2) =	vadd.scan.msk.f32 $0xffff, v14;
	v14 =	vld [tilespmem:s7+$0xFFFFFE10]  }
0x53b: {  	v7, _, _ =	vpop (xrf2);
	(xrf2) =	vadd.scan.msk.f32 $0xffff, v19;
	v19 =	vld [tilespmem:s13+$0xFFFFFE90];
	v10 =	vmul.f32 $2.500000000e-01, v10  }
0x53c: {  	v18 =	vmul.f32 v18, v17  }
0x53d: {  	v7 =	vperm.xlane v7, v1;
	v10 =	vmul.f32 $1.442695020e+00, v10  }
0x53e: {  	v24, _, _ =	vpop (xrf2);
	(xrf2) =	vadd.scan.msk.f32 $0xffff, v18  }
0x53f: {  	v47 =	vpop (erf);
	v18 =	vperm.xlane v24, v1;
	v7 =	vmul.f32 $2.500000000e-01, v7  }
0x540: {  	v48 =	vpop (erf);
	v24 =	vmul.f32 v14, v20;
	v23 =	vmul.f32 v23, v19  }
0x541: {  	v25 =	vld [tilespmem:s7+$0xFFFFFD90];
	v7 =	vmul.f32 $1.442695020e+00, v7;
	(erf) = vpow2.f32 v10;
	v10, _, _ =	vpop (xrf2)  }
0x542: {  	v49 =	vpop (erf);
	(xrf2) =	vadd.scan.msk.f32 $0xffff, v24;
	v24 =	vld [tilespmem:s13+$0xFFFFFD90];
	v10 =	vperm.xlane v10, v1  }
0x543: {  	v18 =	vmul.f32 $2.500000000e-01, v18;
	(erf) = vpow2.f32 v7;
	v50 =	vpop (erf)  }
0x544: {  	v14 =	vld [tilespmem:s13+$0xFFFFFF10];
	(xrf2) =	vadd.scan.msk.f32 $0xffff, v23;
	v9 =	vmul.f32 v50, v9;
	v23, _, _ =	vpop (xrf2);
	v7 =	vmul.f32 $2.500000000e-01, v10  }
0x545: {  	v23 =	vperm.xlane v23, v1;
	v30, _, _ =	vpop (xrf2);
	v10 =	vmul.f32 $1.442695020e+00, v18;
	v18 =	vld [tilespmem:s7+$0xFFFFFF10]  }
0x546: {  	[tilespmem:s9+$0xFFFFFFB0] =	vst v9;
	v9 =	vperm.xlane v30, v1;
	v7 =	vmul.f32 $1.442695020e+00, v7  }
0x547: {  	(erf) = vpow2.f32 v10;
	v10 =	vmul.f32 v25, v24  }
0x548: {  	v30, _, _ =	vpop (xrf2);
	(erf) = vpow2.f32 v7;
	v7 =	vmul.f32 $2.500000000e-01, v23  }
0x549: {  	v9 =	vmul.f32 $2.500000000e-01, v9;
	v25 =	vld [tilespmem:s11+$0xFFFFFFD0];
	(xrf2) =	vadd.scan.msk.f32 $0xffff, v10;
	v10 =	vperm.xlane v30, v1  }
0x54a: {  	v23 =	vld [tilespmem:s10+$0xFFFFFFD0];
	v18 =	vmul.f32 v18, v14;
	v7 =	vmul.f32 $1.442695020e+00, v7  }
0x54b: {  	v2 =	vmul.f32 v47, v2;
	v9 =	vmul.f32 $1.442695020e+00, v9  }
0x54c: {  	v52 =	vpop (erf);
	(erf) = vpow2.f32 v7;
	v7 =	vmul.f32 $2.500000000e-01, v10  }
0x54d: {  	[tilespmem:s8+$0xFFFFFF40] =	vst v2;
	v2 =	vmul.f32 v52, v6;
	(xrf2) =	vadd.scan.msk.f32 $0xffff, v18;
	v10, _, _ =	vpop (xrf2);
	(erf) = vpow2.f32 v9  }
0x54e: {  	v10 =	vperm.xlane v10, v1;
	v18, _, _ =	vpop (xrf2);
	v7 =	vmul.f32 $1.442695020e+00, v7  }
0x54f: {  	v54 =	vpop (erf);
	v9 =	vmul.f32 v25, v23;
	v6 =	vperm.xlane v18, v1  }
0x550: {  	v21 =	vld [tilespmem:s29+$0xFFFFFF70];
	v55 =	vpop (erf);
	(erf) = vpow2.f32 v7;
	v7 =	vmul.f32 $2.500000000e-01, v10  }
0x551: {  	[tilespmem:s9+$0xFFFFFE00] =	vst v2;
	v2 =	vmul.f32 v55, v13;
	v6 =	vmul.f32 $2.500000000e-01, v6;
	v10 =	vld [tilespmem:s28+$0xFFFFFF70]  }
0x552: {  	(xrf2) =	vadd.scan.msk.f32 $0xffff, v9;
	v13 =	vld [tilespmem:s10+$0xFFFFFE50];
	v7 =	vmul.f32 $1.442695020e+00, v7  }
0x553: {  	[tilespmem:s9+$0xFFFFFD70] =	vst v2;
	v2 =	vmul.f32 $1.442695020e+00, v6;
	v6 =	vld [tilespmem:s11+$0xFFFFFE50]  }
0x554: {  	v9 =	vld [tilespmem:s10+$0xFFFFFDD0]  }
0x555: {  	v58 =	vpop (erf);
	v25 =	vld [tilespmem:s11+$0xFFFFFDD0];
	(erf) = vpow2.f32 v7  }
0x556: {  	v4 =	vmul.f32 v54, v4;
	(erf) = vpow2.f32 v2;
	v7, _, _ =	vpop (xrf2)  }
0x557: {  	v2 =	vperm.xlane v7, v1;
	v7 =	vmul.f32 v10, v21;
	v10, _, _ =	vpop (xrf2)  }
0x558: {  	[tilespmem:s9+$0xFFFFFE90] =	vst v4;
	v4 =	vmul.f32 v58, v5;
	v10 =	vperm.xlane v10, v1  }
0x559: {  	v36 =	vpop (erf);
	v5 =	vmul.f32 v6, v13;
	v2 =	vmul.f32 $2.500000000e-01, v2  }
0x55a: {  	[tilespmem:s9+$0xFFFFFF20] =	vst v4;
	v38 =	vpop (erf);
	v4 =	vmul.f32 v25, v9;
	(xrf2) =	vadd.scan.msk.f32 $0xffff, v7;
	v6 =	vmul.f32 $2.500000000e-01, v10  }
0x55b: {  	v51 =	vpop (erf);
	(xrf2) =	vadd.scan.msk.f32 $0xffff, v5;
	v2 =	vmul.f32 $1.442695020e+00, v2  }
0x55c: {  	v25 =	vld [tilespmem:s11+$0xFFFFFED0];
	v10 =	vmul.f32 v51, v17;
	v17, _, _ =	vpop (xrf2);
	(xrf2) =	vadd.scan.msk.f32 $0xffff, v4;
	v4 =	vmul.f32 $1.442695020e+00, v6  }
0x55d: {  	v7 =	vld [tilespmem:s10+$0xFFFFFED0];
	(erf) = vpow2.f32 v2;
	v2 =	vperm.xlane v17, v1  }
0x55e: {  	s14 =	simm.s32 $0x7E80;
	v18 =	vld [tilespmem:s10+$0xFFFFFF50]  }
0x55f: {  	v5 =	vld [tilespmem:s11+$0xFFFFFF50];
	[tilespmem:s14+$0xFFFFFF80] =	vst v10;
	v57 =	vpop (erf);
	(erf) = vpow2.f32 v4;
	v2 =	vmul.f32 $2.500000000e-01, v2  }
0x560: {  	v10 =	vld [tilespmem:s13+$0xFFFFFFA0];
	v6 =	vmul.f32 v57, v20  }
0x561: {  	v4 =	vld [tilespmem:s7+$0xFFFFFFA0];
	v2 =	vmul.f32 $1.442695020e+00, v2  }
0x562: {  	v20 =	vmul.f32 v25, v7;
	[tilespmem:s14+$0xFFFFFDD0] =	vst v6  }
0x563: {  	v39 =	vpop (erf);
	v6 =	vld [tilespmem:s13+$0xFFFFFE20];
	(erf) = vpow2.f32 v2  }
0x564: {  	(xrf2) =	vadd.scan.msk.f32 $0xffff, v20;
	v20 =	vld [tilespmem:s7+$0xFFFFFE20];
	v2 =	vmul.f32 v5, v18;
	v5 =	vmul.f32 v39, v19;
	v19, _, _ =	vpop (xrf2)  }
0x565: {  	v19 =	vperm.xlane v19, v1  }
0x566: {  	v4 =	vmul.f32 v4, v10;
	(xrf2) =	vadd.scan.msk.f32 $0xffff, v2;
	[tilespmem:s14+$0xFFFFFE60] =	vst v5  }
0x567: {  	v37 =	vpop (erf);
	v11 =	vld [tilespmem:s13+$0xFFFFFEA0]  }
0x568: {  	(xrf2) =	vadd.scan.msk.f32 $0xffff, v4;
	v4 =	vmul.f32 $2.500000000e-01, v19;
	v5 =	vmul.f32 v37, v24;
	v24 =	vld [tilespmem:s7+$0xFFFFFEA0];
	v35 =	vpop (erf)  }
0x569: {  	v20 =	vmul.f32 v20, v6;
	v19, _, _ =	vpop (xrf2)  }
0x56a: {  	v4 =	vmul.f32 $1.442695020e+00, v4;
	v19 =	vperm.xlane v19, v1;
	v25, _, _ =	vpop (xrf2);
	[tilespmem:s14+$0xFFFFFD40] =	vst v5  }
0x56b: {  	v14 =	vmul.f32 v35, v14;
	v25 =	vperm.xlane v25, v1;
	v16 =	vld [tilespmem:s13+$0xFFFFFDA0]  }
0x56c: {  	v30 =	vld [tilespmem:s7+$0xFFFFFDA0];
	(erf) = vpow2.f32 v4;
	v19 =	vmul.f32 $2.500000000e-01, v19  }
0x56d: {  	[tilespmem:s14+$0xFFFFFEF0] =	vst v14;
	v25 =	vmul.f32 $2.500000000e-01, v25;
	v14 =	vmul.f32 v24, v11;
	v33 =	vpop (erf)  }
0x56e: {  	(xrf2) =	vadd.scan.msk.f32 $0xffff, v20;
	v4 =	vmul.f32 $1.442695020e+00, v19;
	v20 =	vmul.f32 v33, v23;
	v23, _, _ =	vpop (xrf2)  }
0x56f: {  	v19 =	vmul.f32 $1.442695020e+00, v25;
	(xrf2) =	vadd.scan.msk.f32 $0xffff, v14;
	v14 =	vperm.xlane v23, v1  }
0x570: {  	(erf) = vpow2.f32 v4;
	[tilespmem:s9+$0xFFFFFFC0] =	vst v20;
	v20 =	vmul.f32 v48, v3;
	v3, _, _ =	vpop (xrf2)  }
0x571: {  	v15 =	vld [tilespmem:s13+$0xFFFFFF20];
	v23 =	vmul.f32 v30, v16;
	v25 =	vperm.xlane v3, v1  }
0x572: {  	(erf) = vpow2.f32 v19;
	v19 =	vld [tilespmem:s7+$0xFFFFFF20];
	v30, _, _ =	vpop (xrf2);
	[tilespmem:s8+$0xFFFFFDA0] =	vst v20;
	v20 =	vmul.f32 v49, v63  }
0x573: {  	(xrf2) =	vadd.scan.msk.f32 $0xffff, v23;
	v23 =	vperm.xlane v30, v1;
	v59 =	vmul.f32 $2.500000000e-01, v25  }
0x574: {  	v14 =	vmul.f32 $2.500000000e-01, v14;
	v5 =	vld [tilespmem:s10+$0xFFFFFFE0]  }
0x575: {  	v30 =	vld [tilespmem:s11+$0xFFFFFFE0];
	[tilespmem:s8+$0xFFFFFE30] =	vst v20;
	v20 =	vmul.f32 $2.500000000e-01, v23;
	v23 =	vmul.f32 $1.442695020e+00, v59  }
0x576: {  	v14 =	vmul.f32 $1.442695020e+00, v14  }
0x577: {  	v34 =	vld [tilespmem:s29+$0xFFFFFE00];
	v19 =	vmul.f32 v19, v15  }
0x578: {  	v0 =	vld [tilespmem:s28+$0xFFFFFE00];
	v32 =	vpop (erf);
	(erf) = vpow2.f32 v14;
	v14 =	vmul.f32 $1.442695020e+00, v20  }
0x579: {  	v8 =	vmul.f32 v38, v8;
	(erf) = vpow2.f32 v23;
	(xrf2) =	vadd.scan.msk.f32 $0xffff, v19;
	v23, _, _ =	vpop (xrf2)  }
0x57a: {  	v19 =	vmul.f32 v30, v5;
	(erf) = vpow2.f32 v14;
	v24 =	vpop (erf)  }
0x57b: {  	v63 =	vld [tilespmem:s29+$0xFFFFFE80];
	v14 =	vperm.xlane v23, v1;
	v13 =	vmul.f32 v24, v13;
	v25 =	vpop (erf)  }
0x57c: {  	[tilespmem:s8+$0xFFFFFEC0] =	vst v8;
	v20 =	vld [tilespmem:s28+$0xFFFFFE80];
	v9 =	vmul.f32 v25, v9  }
0x57d: {  	v0 =	vmul.f32 v0, v34;
	v14 =	vmul.f32 $2.500000000e-01, v14;
	[tilespmem:s9+$0xFFFFFE10] =	vst v13  }
0x57e: {  	(xrf2) =	vadd.scan.msk.f32 $0xffff, v19;
	v19, _, _ =	vpop (xrf2);
	v2 =	vld [tilespmem:$0x1FC90];
	[tilespmem:s9+$0xFFFFFD80] =	vst v9  }
0x57f: {  	v59, _, _ =	vpop (xrf2);
	(xrf2) =	vadd.scan.msk.f32 $0xffff, v0;
	v14 =	vmul.f32 $1.442695020e+00, v14;
	v0 =	vld [tilespmem:$0x1FCA0]  }
0x580: {  	v30 =	vperm.xlane v19, v1;
	v3 =	vld [tilespmem:$0x1FCC0]  }
0x581: {  	v8 =	vmul.f32 v20, v63;
	v59 =	vperm.xlane v59, v1;
	v23 =	vpop (erf)  }
0x582: {  	v62 =	vnsel vm0, $0x0, v62;
	v53 =	vmul.f32 $2.500000000e-01, v30;
	v7 =	vmul.f32 v23, v7  }
0x583: {  	(xrf2) =	vadd.scan.msk.f32 $0xffff, v8;
	v8 =	vnsel vm0, $0x0, v60;
	(erf) = vpow2.f32 v14;
	v9 =	vmul.f32 $2.500000000e-01, v59;
	v14, _, _ =	vpop (xrf2)  }
0x584: {  	v13 =	vnsel vm0, $0x0, v2;
	v59 =	vsel vm1, v8, v0;
	v0 =	vld [tilespmem:$0x1FCB0];
	v60 =	vperm.xlane v14, v1;
	[tilespmem:s9+$0xFFFFFEA0] =	vst v7  }
0x585: {  	v12 =	vsel vm1, v13, v12;
	v13 =	vmul.f32 $1.442695020e+00, v53;
	v62 =	vsel vm1, v62, v3;
	v3 =	vld [tilespmem:$0x1FCD0]  }
0x586: {  	v9 =	vmul.f32 $1.442695020e+00, v9  }
0x587: {  	v19 =	vld [tilespmem:s10+$0xFFFFFE60];
	(erf) = vpow2.f32 v13  }
0x588: {  	v30 =	vld [tilespmem:s29+$0xFFFFFF00];
	(erf) = vpow2.f32 v9;
	v9 =	vmul.f32 $2.500000000e-01, v60;
	v60, _, _ =	vpop (xrf2)  }
0x589: {  	v2 =	vld [tilespmem:s28+$0xFFFFFF00];
	v7 =	vperm.xlane v60, v1;
	v60 =	vnsel vm0, $0x0, v56  }
0x58a: {  	v60 =	vsel vm1, v60, v3;
	v3 =	vld [tilespmem:$0x1FCE0]  }
0x58b: {  	v53 =	vld [tilespmem:s11+$0xFFFFFE60];
	_ =	sdelay $0x2  }
0x58c: {  	v2 =	vmul.f32 v2, v30  }
0x58d: {  	v20 =	vpop (erf);
	v12 =	vsel vm2, v12, v3;
	v3 =	vld [tilespmem:$0x1FCF0]  }
0x58e: {  	(xrf2) =	vadd.scan.msk.f32 $0xffff, v2;
	v2 =	vmul.f32 v53, v19;
	v53 =	vpop (erf)  }
0x58f: {  	v10 =	vmul.f32 v53, v10;
	_ =	sdelay $0x1  }
0x590: {  	v17 =	vld [tilespmem:s10+$0xFFFFFDE0];
	[tilespmem:s14+$0xFFFFFF90] =	vst v10  }
0x591: {  	v59 =	vsel vm2, v59, v3;
	v3 =	vld [tilespmem:$0x1FD00]  }
0x592: {  	v13 =	vnsel vm0, $0x0, v61;
	v61 =	vld [tilespmem:s11+$0xFFFFFDE0];
	_ =	sdelay $0x2  }
0x593: {  	v0 =	vsel vm1, v13, v0  }
0x594: {  	v3 =	vsel vm2, v0, v3;
	v0 =	vld [tilespmem:$0x1FD10]  }
0x595: {  	(xrf2) =	vadd.scan.msk.f32 $0xffff, v2;
	v2 =	vmul.f32 v61, v17  }
0x596: {  	v7 =	vmul.f32 $2.500000000e-01, v7;
	v13 =	vpop (erf)  }
0x597: {  	v56 =	vmul.f32 $1.442695020e+00, v9;
	(xrf2) =	vadd.scan.msk.f32 $0xffff, v2;
	v2 =	vmul.f32 v13, v6  }
0x598: {  	v6 =	vmul.f32 $1.442695020e+00, v7;
	v7 =	vld [tilespmem:$0x1FD30]  }
0x599: {  	(erf) = vpow2.f32 v56;
	v62 =	vsel vm2, v62, v0;
	v0 =	vld [tilespmem:$0x1FD20];
	[tilespmem:s14+$0xFFFFFDE0] =	vst v2  }
0x59a: {  	(erf) = vpow2.f32 v6;
	v6 =	vld [tilespmem:$0x1FD50];
	_ =	sdelay $0x1  }
0x59b: {  	v14 =	vld [tilespmem:s10+$0xFFFFFEE0]  }
0x59c: {  	v61 =	vld [tilespmem:s11+$0xFFFFFEE0]  }
0x59d: {  	v2 =	vld [tilespmem:$0x1FD40]  }
0x59e: {  	v3 =	vsel vm3, v3, v6;
	v6 =	vld [tilespmem:$0x1FD60];
	_ =	sdelay $0x4  }
0x59f: {  	v2 =	vsel vm3, v59, v2;
	v59 =	vmul.f32 v61, v14;
	v61 =	vsel vm3, v62, v6;
	v6 =	vld [tilespmem:$0x1FD70]  }
0x5a0: {  	v10 =	vpop (erf)  }
0x5a1: {  	v11 =	vmul.f32 v10, v11;
	_ =	sdelay $0x1  }
0x5a2: {  	v56, _, _ =	vpop (xrf2);
	v60 =	vsel vm2, v60, v0  }
0x5a3: {  	v0, _, _ =	vpop (xrf2);
	v60 =	vsel vm3, v60, v6;
	v6 =	vld [tilespmem:$0x1FD80]  }
0x5a4: {  	v56 =	vperm.xlane v56, v1;
	v8 =	vld [tilespmem:s13+$0xFFFFFFB0];
	[tilespmem:s14+$0xFFFFFE70] =	vst v11;
	v11 =	vpop (erf)  }
0x5a5: {  	v4 =	vld [tilespmem:s7+$0xFFFFFFB0];
	v0 =	vperm.xlane v0, v1;
	v16 =	vmul.f32 v11, v16  }
0x5a6: {  	v56 =	vmul.f32 $2.500000000e-01, v56;
	v12 =	vsel vm3, v12, v7;
	v7 =	vld [tilespmem:s13+$0xFFFFFE30]  }
0x5a7: {  	v62 =	vmul.f32 $2.500000000e-01, v0;
	v0 =	vld [tilespmem:s7+$0xFFFFFE30];
	[tilespmem:s14+$0xFFFFFD50] =	vst v16  }
0x5a8: {  	v56 =	vmul.f32 $1.442695020e+00, v56;
	v12 =	vsel vm4, v12, v6;
	v6 =	vsel vm4, v2, v27;
	v2 =	vld [tilespmem:$0x1FD90]  }
0x5a9: {  	v3 =	vsel vm4, v3, v26;
	v26 =	vpop (erf)  }
0x5aa: {  	(erf) = vpow2.f32 v56;
	v15 =	vmul.f32 v26, v15  }
0x5ab: {  	(xrf2) =	vadd.scan.msk.f32 $0xffff, v59;
	v59 =	vmul.f32 v4, v8;
	v4, _, _ =	vpop (xrf2);
	v62 =	vmul.f32 $1.442695020e+00, v62  }
0x5ac: {  	v4 =	vperm.xlane v4, v1;
	v0 =	vmul.f32 v0, v7;
	v27, _, _ =	vpop (xrf2);
	[tilespmem:s14+$0xFFFFFF00] =	vst v15  }
0x5ad: {  	(xrf2) =	vadd.scan.msk.f32 $0xffff, v59;
	(erf) = vpow2.f32 v62;
	v62 =	vperm.xlane v27, v1;
	v27, _, _ =	vpop (xrf2);
	v16 =	vnsel vm0, $0x0, v2;
	v2 =	vld [tilespmem:$0x1FDA0]  }
0x5ae: {  	(xrf2) =	vadd.scan.msk.f32 $0xffff, v0;
	v0 =	vmul.f32 $2.500000000e-01, v4;
	v4 =	vperm.xlane v27, v1;
	v27 =	vpop (erf)  }
0x5af: {  	v5 =	vmul.f32 v27, v5;
	_ =	sdelay $0x1  }
0x5b0: {  	[tilespmem:s9+$0xFFFFFFD0] =	vst v5  }
0x5b1: {  	v15 =	vnsel vm0, $0x0, v2;
	v2 =	vld [tilespmem:$0x1FDB0];
	_ =	sdelay $0x4  }
0x5b2: {  	v5 =	vnsel vm0, $0x0, v2;
	v2 =	vld [tilespmem:$0x1FDC0]  }
0x5b3: {  	v61 =	vsel vm4, v61, v29;
	v29 =	vld [tilespmem:s13+$0xFFFFFEB0]  }
0x5b4: {  	v56 =	vsel vm4, v60, v22;
	v22 =	vld [tilespmem:s7+$0xFFFFFEB0];
	_ =	sdelay $0x2  }
0x5b5: {  	v5 =	vsel vm1, v5, v41;
	v41 =	vnsel vm0, $0x0, v2;
	v2 =	vld [tilespmem:$0x1FDD0]  }
0x5b6: {  	v60 =	vld [tilespmem:s7+$0xFFFFFDB0];
	v0 =	vmul.f32 $1.442695020e+00, v0;
	v59 =	vmul.f32 $2.500000000e-01, v62  }
0x5b7: {  	v62 =	vmul.f32 v22, v29;
	v22 =	vld [tilespmem:s7+$0xFFFFFF30]  }
0x5b8: {  	v59 =	vmul.f32 $1.442695020e+00, v59;
	v16 =	vsel vm1, v16, v31;
	v31 =	vld [tilespmem:s13+$0xFFFFFDB0]  }
0x5b9: {  	(erf) = vpow2.f32 v0;
	v4 =	vmul.f32 $2.500000000e-01, v4;
	v15 =	vsel vm1, v15, v28;
	v28 =	vld [tilespmem:s13+$0xFFFFFF30]  }
0x5ba: {  	v0, _, _ =	vpop (xrf2);
	(erf) = vpow2.f32 v59;
	v59 =	vsel vm1, v41, v2;
	v2 =	vld [tilespmem:$0x1FDE0]  }
0x5bb: {  	v0 =	vperm.xlane v0, v1;
	v4 =	vmul.f32 $1.442695020e+00, v4;
	_ =	sdelay $0x1  }
0x5bc: {  	v9 =	vld [tilespmem:s10+$0xFFFFFFF0];
	(erf) = vpow2.f32 v4;
	v4 =	vmul.f32 v60, v31  }
0x5bd: {  	(xrf2) =	vadd.scan.msk.f32 $0xffff, v62;
	v62 =	vld [tilespmem:s11+$0xFFFFFFF0]  }
0x5be: {  	v60 =	vnsel vm0, $0x0, v2;
	v2 =	vmul.f32 $2.500000000e-01, v0;
	v0, _, _ =	vpop (xrf2);
	(xrf2) =	vadd.scan.msk.f32 $0xffff, v4;
	v4 =	vmul.f32 v22, v28;
	v22 =	vld [tilespmem:$0x1FE00];
	_ =	sdelay $0x1  }
0x5bf: {  	v18 =	vmul.f32 v20, v18;
	_ =	sdelay $0x1  }
0x5c0: {  	v41 =	vld [tilespmem:$0x1FDF0];
	[tilespmem:s9+$0xFFFFFF30] =	vst v18  }
0x5c1: {  	v12 =	vsel vm5, v12, v22;
	v22 =	vmul.f32 v62, v9;
	v62 =	vld [tilespmem:$0x1FE20];
	_ =	sdelay $0x3  }
0x5c2: {  	v18 =	vmul.f32 v32, v21;
	v21 =	vld [tilespmem:$0x1FE10]  }
0x5c3: {  	v0 =	vperm.xlane v0, v1;
	v61 =	vsel vm5, v61, v62;
	v62 =	vld [tilespmem:$0x1FE30]  }
0x5c4: {  	(xrf2) =	vadd.scan.msk.f32 $0xffff, v4;
	v4, _, _ =	vpop (xrf2)  }
0x5c5: {  	v0 =	vmul.f32 $2.500000000e-01, v0;
	v4 =	vperm.xlane v4, v1  }
0x5c6: {  	v60 =	vsel vm1, v60, v41;
	v2 =	vmul.f32 $1.442695020e+00, v2  }
0x5c7: {  	v41 =	vld [tilespmem:s11+$0xFFFFFF60];
	v0 =	vmul.f32 $1.442695020e+00, v0;
	v4 =	vmul.f32 $2.500000000e-01, v4;
	[tilespmem:s8+$0xFFFFFF50] =	vst v18  }
0x5c8: {  	v6 =	vsel vm5, v6, v21;
	v3 =	vsel vm5, v3, v62;
	v62 =	vpop (erf);
	(erf) = vpow2.f32 v2;
	v2 =	vld [tilespmem:$0x1FE40]  }
0x5c9: {  	v21 =	vld [tilespmem:s10+$0xFFFFFF60];
	v4 =	vmul.f32 $1.442695020e+00, v4;
	v18 =	vsel vm2, v59, v40;
	v59 =	vsel vm2, v60, v45;
	v60, _, _ =	vpop (xrf2)  }
0x5ca: {  	(xrf2) =	vadd.scan.msk.f32 $0xffff, v22;
	v22 =	vpop (erf)  }
0x5cb: {  	(erf) = vpow2.f32 v0;
	v0 =	vpop (erf)  }
0x5cc: {  	v5 =	vsel vm2, v5, v43;
	v12 =	vsel vm6, v12, v46;
	v46 =	vpop (erf)  }
0x5cd: {  	v40 =	vld [tilespmem:s28+$0xFFFFFF80];
	v43 =	vperm.xlane v60, v1;
	(erf) = vpow2.f32 v4;
	v4 =	vpop (erf);
	v16 =	vsel vm2, v16, v2  }
0x5ce: {  	v41 =	vmul.f32 v41, v21;
	v2 =	vld [tilespmem:s29+$0xFFFFFF80];
	v17 =	vmul.f32 v4, v17;
	v16 =	vsel vm3, v16, v50;
	v50, _, _ =	vpop (xrf2)  }
0x5cf: {  	v6 =	vsel vm6, v6, v49;
	v49 =	vmul.f32 $2.500000000e-01, v43;
	v43 =	vperm.xlane v50, v1  }
0x5d0: {  	v15 =	vsel vm2, v15, v42;
	(xrf2) =	vadd.scan.msk.f32 $0xffff, v41  }
0x5d1: {  	v15 =	vsel vm3, v15, v52;
	v19 =	vmul.f32 v46, v19;
	[tilespmem:s9+$0xFFFFFD90] =	vst v17;
	v43 =	vmul.f32 $2.500000000e-01, v43  }
0x5d2: {  	v5 =	vsel vm3, v5, v54;
	v54 =	vsel vm3, v18, v55;
	v41 =	vmul.f32 $1.442695020e+00, v49;
	v18 =	vld [tilespmem:s10+$0xFFFFFDF0];
	v17, _, _ =	vpop (xrf2)  }
0x5d3: {  	v15 =	vsel vm4, v15, v24;
	[tilespmem:s9+$0xFFFFFE20] =	vst v19;
	v19 =	vld [tilespmem:s11+$0xFFFFFDF0];
	v49 =	vpop (erf);
	v40 =	vmul.f32 v40, v2  }
0x5d4: {  	v45 =	vsel vm5, v56, v47;
	(erf) = vpow2.f32 v41;
	v55 =	vperm.xlane v17, v1;
	v56, _, _ =	vpop (xrf2)  }
0x5d5: {  	v5 =	vsel vm4, v5, v23;
	v42 =	vsel vm3, v59, v58;
	v58 =	vmul.f32 $1.442695020e+00, v43;
	(xrf2) =	vadd.scan.msk.f32 $0xffff, v40;
	v43 =	vpop (erf)  }
0x5d6: {  	v47 =	vsel vm6, v61, v48;
	v60 =	vld [tilespmem:s11+$0xFFFFFE70];
	v59 =	vmul.f32 $2.500000000e-01, v55;
	v8 =	vmul.f32 v43, v8  }
0x5d7: {  	v38 =	vsel vm6, v3, v38;
	v3 =	vsel vm6, v45, v32;
	v17 =	vld [tilespmem:s10+$0xFFFFFE70];
	v41 =	vperm.xlane v56, v1  }
0x5d8: {  	v33 =	vsel vm4, v16, v33;
	v16 =	vmul.f32 $1.442695020e+00, v59;
	v45 =	vpop (erf);
	[tilespmem:s14+$0xFFFFFFA0] =	vst v8;
	v8 =	vmul.f32 v19, v18  }
0x5d9: {  	v48 =	vsel vm4, v54, v25;
	(erf) = vpow2.f32 v58;
	v7 =	vmul.f32 v45, v7  }
0x5da: {  	v61 =	vmul.f32 $2.500000000e-01, v41;
	v19, _, _ =	vpop (xrf2);
	(erf) = vpow2.f32 v16;
	v24 =	vld [tilespmem:s13+$0xFFFFFFC0];
	(xrf2) =	vadd.scan.msk.f32 $0xffff, v8;
	v8 =	vnsel vm0, $0x0, v51  }
0x5db: {  	v23 =	vld [tilespmem:s7+$0xFFFFFFC0];
	[tilespmem:s14+$0xFFFFFDF0] =	vst v7;
	v7 =	vperm.xlane v19, v1;
	v54 =	vsel vm1, v8, v53;
	v8 =	vmul.f32 v49, v14  }
0x5dc: {  	v16 =	vmul.f32 $1.442695020e+00, v61;
	v19 =	vmul.f32 v60, v17  }
0x5dd: {  	v52 =	vsel vm4, v42, v20;
	v55 =	vpop (erf);
	v7 =	vmul.f32 $2.500000000e-01, v7  }
0x5de: {  	v25 =	vnsel vm0, $0x0, v57;
	(erf) = vpow2.f32 v16;
	(xrf2) =	vadd.scan.msk.f32 $0xffff, v19;
	v19 =	vmul.f32 v55, v29  }
0x5df: {  	v13 =	vsel vm1, v25, v13;
	v25 =	vnsel vm0, $0x0, v37;
	[tilespmem:s9+$0xFFFFFEB0] =	vst v8;
	v7 =	vmul.f32 $1.442695020e+00, v7;
	v8, _, _ =	vpop (xrf2)  }
0x5e0: {  	v20 =	vld [tilespmem:s13+$0xFFFFFE40];
	v16 =	vnsel vm0, $0x0, v39;
	v23 =	vmul.f32 v23, v24;
	v8 =	vperm.xlane v8, v1  }
0x5e1: {  	v14 =	vld [tilespmem:s7+$0xFFFFFE40];
	v56 =	vsel vm1, v16, v10;
	(erf) = vpow2.f32 v7;
	v7 =	vnsel vm0, $0x0, v35  }
0x5e2: {  	[tilespmem:s14+$0xFFFFFE80] =	vst v19;
	v16 =	vld [tilespmem:s10+$0xFFFFFEF0];
	v19 =	vpop (erf);
	(xrf2) =	vadd.scan.msk.f32 $0xffff, v23;
	v23 =	vsel vm1, v7, v26;
	v7 =	vmul.f32 $2.500000000e-01, v8  }
0x5e3: {  	v12 =	vsel vm7, v12, v36;
	v57 =	vsel vm1, v25, v11;
	v10 =	vld [tilespmem:s11+$0xFFFFFEF0];
	v11 =	vmul.f32 v19, v31  }
0x5e4: {  	[tilespmem:s8+$0x0] =	vst v12;
	v26 =	vld [tilespmem:s13+$0xFFFFFEC0];
	v7 =	vmul.f32 $1.442695020e+00, v7  }
0x5e5: {  	v12 =	vsel vm7, v47, v62;
	v31 =	vld [tilespmem:s7+$0xFFFFFEC0];
	[tilespmem:s14+$0xFFFFFD60] =	vst v11  }
0x5e6: {  	v6 =	vsel vm7, v6, v22;
	v22 =	vmul.f32 v22, v63;
	v58 =	vpop (erf);
	v8 =	vmul.f32 v14, v20;
	v25 =	vld [tilespmem:s13+$0xFFFFFDC0]  }
0x5e7: {  	[tilespmem:s8+$0xFFFFFDC0] =	vst v12;
	v12 =	vsel vm5, v48, v4;
	v11 =	vmul.f32 v58, v28;
	v28 =	vmul.f32 v0, v30;
	v59 =	vld [tilespmem:s7+$0xFFFFFDC0];
	v60 =	vpop (erf)  }
0x5e8: {  	v4 =	vsel vm5, v5, v49;
	v30 =	vmul.f32 v10, v16;
	(xrf2) =	vadd.scan.msk.f32 $0xffff, v8;
	(erf) = vpow2.f32 v7;
	v7, _, _ =	vpop (xrf2)  }
0x5e9: {  	v0 =	vsel vm7, v38, v0;
	[tilespmem:s14+$0xFFFFFF10] =	vst v11;
	v9 =	vmul.f32 v60, v9;
	v5 =	vperm.xlane v7, v1;
	v7, _, _ =	vpop (xrf2)  }
0x5ea: {  	[tilespmem:s8+$0xFFFFFE40] =	vst v22;
	v10 =	vsel vm2, v13, v45;
	v29 =	vld [tilespmem:s13+$0xFFFFFF40];
	v13 =	vmul.f32 v31, v26;
	v61 =	vperm.xlane v7, v1  }
0x5eb: {  	v14 =	vmul.f32 v62, v34;
	[tilespmem:s8+$0xFFFFFEE0] =	vst v0;
	v8 =	vsel vm5, v15, v46;
	v15 =	vld [tilespmem:s7+$0xFFFFFF40]  }
0x5ec: {  	[tilespmem:s9+$0xFFFFFFE0] =	vst v9;
	v22 =	vpop (erf);
	v31 =	vmul.f32 v59, v25;
	(xrf2) =	vadd.scan.msk.f32 $0xffff, v13;
	v62 =	vmul.f32 $2.500000000e-01, v61  }
0x5ed: {  	[tilespmem:s8+$0xFFFFFDB0] =	vst v14;
	v14 =	vld [tilespmem:s10+$0x0];
	v0 =	vmul.f32 v22, v21;
	v5 =	vmul.f32 $2.500000000e-01, v5  }
0x5ee: {  	s12 =	sor.u32 $0x1, s3;
	v63 =	vld [tilespmem:s11+$0x0];
	v21 =	vmul.f32 $1.442695020e+00, v62  }
0x5ef: {  	s28 =	smulhi.u32 $0x51EB851F, s12;
	v9 =	vsel vm2, v57, v19;
	v19, _, _ =	vpop (xrf2);
	(xrf2) =	vadd.scan.msk.f32 $0xffff, v31;
	[tilespmem:s9+$0xFFFFFF40] =	vst v0;
	v5 =	vmul.f32 $1.442695020e+00, v5  }
0x5f0: {  	v44 =	vmul.f32 v36, v44;
	v0 =	vmul.f32 v15, v29;
	v15 =	vld [tilespmem:s10+$0xFFFFFF70]  }
0x5f1: {  	s28 =	sshrl.u32 s28, $0x3;
	[tilespmem:s8+$0xFFFFFE50] =	vst v6;
	v27 =	vsel vm5, v33, v27;
	v19 =	vperm.xlane v19, v1;
	v31 =	vld [tilespmem:s11+$0xFFFFFF70];
	(erf) = vpow2.f32 v5  }
0x5f2: {  	s30 =	sand.u32 $0x1, s28;
	s29 =	smul.u32 $0x19, s28;
	v6 =	vsel vm2, v23, v58;
	v11 =	vsel vm2, v54, v43;
	(erf) = vpow2.f32 v21;
	v21, _, _ =	vpop (xrf2);
	(xrf2) =	vadd.scan.msk.f32 $0xffff, v0  }
0x5f3: {  	[tilespmem:s8+$0xFFFFFFF0] =	vst v44;
	p0 =	seq.s32 s30, $0x1;
	s30 =	simm.s32 $0xA;
	v13 =	vsel vm6, v27, v60;
	v32 =	vmul.f32 v63, v14;
	v19 =	vmul.f32 $2.500000000e-01, v19  }
0x5f4: {  	s28 =	ssub.s32 s12, s29;
	s12 =	simm.s32 $0x2D90;
	s29 =	simm.s32 $0x5310;
	[tilespmem:s8+$0xFFFFFED0] =	vst v28;
	v7 =	vsel vm2, v56, v55;
	v5 =	vsel vm5, v52, v22;
	v28 =	vperm.xlane v21, v1;
	v21 =	vpop (erf)  }
.LBB2_7:
0x5f5: {  	v27 =	vld [tilespmem:s12+$0xFFFFFF90];
	v0 =	vmul.f32 $1.442695020e+00, v19;
	s7 =	sadd.s32 $0x280, s7;
	(xrf2) =	vadd.scan.msk.f32 $0xffff, v32;
	v2 =	vmul.f32 v21, v2;
	v3 =	vsel vm7, v3, v21  }
0x5f6: {  	v19 =	vld [tilespmem:s7+$0xFFFFFF90];
	v21 =	vmul.f32 $2.500000000e-01, v28;
	v22, _, _ =	vpop (xrf2);
	v32 =	vmul.f32 v31, v15;
	[tilespmem:s8+$0xFFFFFF70] =	vst v3  }
0x5f7: {  	v31 =	vld [tilespmem:s7+$0xFFFFFD90];
	v22 =	vperm.xlane v22, v1;
	(erf) = vpow2.f32 v0;
	[tilespmem:s8+$0xFFFFFF60] =	vst v2;
	s8 =	smov.u32 s9;
	s9 =	smov.u32 s14  }
0x5f8: {  	v28 =	vld [tilespmem:s12+$0xFFFFFE10];
	v34 =	vmul.f32 $1.442695020e+00, v21;
	(xrf2) =	vadd.scan.msk.f32 $0xffff, v30  }
0x5f9: {  	v21 =	vld [tilespmem:s7+$0xFFFFFE10];
	v2 =	vmul.f32 $2.500000000e-01, v22;
	v3, _, _ =	vpop (xrf2)  }
0x5fa: {  	v23 =	vld [tilespmem:s12+$0xFFFFFE90];
	v3 =	vperm.xlane v3, v1;
	(erf) = vpow2.f32 v34;
	v0 =	vpop (erf)  }
0x5fb: {  	v22 =	vld [tilespmem:s7+$0xFFFFFE90];
	v19 =	vmul.f32 v19, v27;
	v30 =	vmul.f32 $1.442695020e+00, v2;
	v12 =	vsel vm6, v12, v0;
	v33 =	vpop (erf)  }
0x5fc: {  	v0 =	vmul.f32 v0, v18;
	v2 =	vld [tilespmem:s12+$0xFFFFFF10];
	v36 =	vmul.f32 $2.500000000e-01, v3;
	v34, _, _ =	vpop (xrf2);
	v8 =	vsel vm6, v8, v33  }
0x5fd: {  	s30 =	sadd.s32 $0x5, s30;
	v35 =	vld [tilespmem:s7+$0xFFFFFF10];
	(xrf2) =	vadd.scan.msk.f32 $0xffff, v19;
	v18 =	vperm.xlane v34, v1;
	(erf) = vpow2.f32 v30  }
0x5fe: {  	p2 =	slt.u32 s30, $0x23;
	v30 =	vld [tilespmem:s12+$0xFFFFFD90];
	v34 =	vmul.f32 v21, v28;
	v21 =	vmul.f32 $1.442695020e+00, v36;
	[tilespmem:s8+$0xFFFFFDA0] =	vst v0  }
0x5ff: {  	v17 =	vmul.f32 v33, v17;
	v0 =	vmul.f32 $2.500000000e-01, v18;
	v18 =	vld [tilespmem:s10+$0xFFFFFE00];
	v3, _, _ =	vpop (xrf2)  }
0x600: {  	v22 =	vmul.f32 v22, v23;
	(xrf2) =	vadd.scan.msk.f32 $0xffff, v34;
	v19 =	vpop (erf);
	v33 =	vld [tilespmem:s11+$0xFFFFFE00];
	v36 =	vperm.xlane v3, v1  }
0x601: {  	v0 =	vmul.f32 $1.442695020e+00, v0;
	v24 =	vmul.f32 v19, v24;
	v3 =	vsel vm3, v11, v19;
	[tilespmem:s8+$0xFFFFFE30] =	vst v17  }
0x602: {  	v35 =	vmul.f32 v35, v2;
	v11 =	vld [tilespmem:s10+$0xFFFFFE80];
	v19 =	vmul.f32 $2.500000000e-01, v36;
	v34, _, _ =	vpop (xrf2)  }
0x603: {  	v36 =	vmul.f32 v31, v30;
	(xrf2) =	vadd.scan.msk.f32 $0xffff, v22;
	[tilespmem:s14+$0xFFFFFFB0] =	vst v24;
	(erf) = vpow2.f32 v21;
	v17 =	vpop (erf);
	v22 =	vld [tilespmem:s11+$0xFFFFFE80]  }
0x604: {  	v21 =	vmul.f32 v17, v20;
	v17 =	vsel vm3, v10, v17;
	v31 =	vld [tilespmem:s13+$0xFFFFFFD0];
	v10 =	vmul.f32 $1.442695020e+00, v19  }
0x605: {  	v24 =	vld [tilespmem:s29+$0xFFFFFFD0];
	(erf) = vpow2.f32 v0;
	v0 =	vperm.xlane v34, v1  }
0x606: {  	v19 =	vmul.f32 v33, v18;
	(xrf2) =	vadd.scan.msk.f32 $0xffff, v36;
	[tilespmem:s14+$0xFFFFFE00] =	vst v21;
	v20 =	vpop (erf);
	(erf) = vpow2.f32 v10  }
0x607: {  	v33, _, _ =	vpop (xrf2);
	v21 =	vld [tilespmem:s13+$0xFFFFFE50];
	v34 =	vmul.f32 v20, v26;
	v10 =	vsel vm3, v7, v20;
	v0 =	vmul.f32 $2.500000000e-01, v0  }
0x608: {  	v20 =	vperm.xlane v33, v1;
	v33 =	vld [tilespmem:s29+$0xFFFFFE50];
	v7 =	vmul.f32 v22, v11  }
0x609: {  	(xrf2) =	vadd.scan.msk.f32 $0xffff, v35;
	[tilespmem:s14+$0xFFFFFE90] =	vst v34;
	v0 =	vmul.f32 $1.442695020e+00, v0  }
0x60a: {  	v35 =	vmul.f32 $2.500000000e-01, v20;
	v26, _, _ =	vpop (xrf2);
	v20 =	vld [tilespmem:s13+$0xFFFFFED0];
	v24 =	vmul.f32 v24, v31  }
0x60b: {  	v36 =	vperm.xlane v26, v1;
	v34 =	vld [tilespmem:s29+$0xFFFFFED0];
	(erf) = vpow2.f32 v0  }
0x60c: {  	v35 =	vmul.f32 $1.442695020e+00, v35;
	v22 =	vpop (erf);
	(xrf2) =	vadd.scan.msk.f32 $0xffff, v24  }
0x60d: {  	v24 =	vmul.f32 $2.500000000e-01, v36;
	v26, _, _ =	vpop (xrf2);
	v25 =	vmul.f32 v22, v25;
	v22 =	vsel vm3, v9, v22  }
0x60e: {  	v9 =	vperm.xlane v26, v1;
	(erf) = vpow2.f32 v35;
	v0 =	vpop (erf)  }
0x60f: {  	v24 =	vmul.f32 $1.442695020e+00, v24;
	[tilespmem:s14+$0xFFFFFD70] =	vst v25;
	v25 =	vmul.f32 v0, v29;
	(xrf2) =	vadd.scan.msk.f32 $0xffff, v32;
	v26 =	vpop (erf)  }
0x610: {  	v32 =	vmul.f32 $2.500000000e-01, v9;
	v35, _, _ =	vpop (xrf2);
	v29 =	vld [tilespmem:s13+$0xFFFFFDD0];
	v9 =	vsel vm3, v6, v0;
	v0 =	vmul.f32 v26, v14  }
0x611: {  	v13 =	vsel vm7, v13, v26;
	v35 =	vperm.xlane v35, v1;
	(erf) = vpow2.f32 v24;
	v24 =	vld [tilespmem:s29+$0xFFFFFDD0];
	[tilespmem:s14+$0xFFFFFF20] =	vst v25  }
0x612: {  	v26 =	vmul.f32 v33, v21;
	v25 =	vmul.f32 $1.442695020e+00, v32;
	v14 =	vld [tilespmem:s13+$0xFFFFFF50];
	[tilespmem:s8+$0xFFFFFFF0] =	vst v0  }
0x613: {  	v32 =	vmul.f32 v34, v20;
	v0 =	vmul.f32 $2.500000000e-01, v35;
	v6, _, _ =	vpop (xrf2);
	v33 =	vld [tilespmem:s29+$0xFFFFFF50];
	[tilespmem:s8+$0x0] =	vst v13  }
0x614: {  	v6 =	vperm.xlane v6, v1;
	(erf) = vpow2.f32 v25;
	(xrf2) =	vadd.scan.msk.f32 $0xffff, v26;
	v13 =	vpop (erf)  }
0x615: {  	v25 =	vmul.f32 $1.442695020e+00, v0;
	v16 =	vmul.f32 v13, v16;
	v4 =	vsel vm6, v4, v13  }
0x616: {  	v6 =	vmul.f32 $2.500000000e-01, v6;
	v13 =	vmul.f32 v24, v29;
	v24, _, _ =	vpop (xrf2)  }
0x617: {  	(erf) = vpow2.f32 v25;
	v0 =	vpop (erf);
	v24 =	vperm.xlane v24, v1;
	[tilespmem:s8+$0xFFFFFEC0] =	vst v16  }
0x618: {  	v16 =	vmul.f32 $1.442695020e+00, v6;
	v34 =	vmul.f32 v0, v27;
	v26 =	vnsel vm0, $0x0, v0;
	(xrf2) =	vadd.scan.msk.f32 $0xffff, v13;
	v6 =	vld [tilespmem:s10+$0xFFFFFF00]  }
0x619: {  	s14 =	sadd.s32 $0x2D0, s14;
	v0 =	vmul.f32 v33, v14;
	v13 =	vmul.f32 $2.500000000e-01, v24;
	v24 =	vld [tilespmem:s11+$0xFFFFFF00];
	v27, _, _ =	vpop (xrf2)  }
0x61a: {  	[tilespmem:s14+$0xFFFFFF80] =	vst v34;
	v25 =	vpop (erf);
	(erf) = vpow2.f32 v16;
	v16 =	vperm.xlane v27, v1  }
0x61b: {  	v28 =	vmul.f32 v25, v28;
	v27 =	vnsel vm0, $0x0, v25;
	v35 =	vld [tilespmem:s12+$0xFFFFFFA0];
	v13 =	vmul.f32 $1.442695020e+00, v13;
	(xrf2) =	vadd.scan.msk.f32 $0xffff, v32  }
0x61c: {  	v32 =	vld [tilespmem:s7+$0xFFFFFFA0];
	v16 =	vmul.f32 $2.500000000e-01, v16  }
0x61d: {  	[tilespmem:s14+$0xFFFFFDD0] =	vst v28;
	v25 =	vpop (erf);
	(erf) = vpow2.f32 v13  }
0x61e: {  	v33 =	vld [tilespmem:s12+$0xFFFFFE20];
	v28 =	vmul.f32 v25, v23;
	v25 =	vnsel vm0, $0x0, v25;
	v23, _, _ =	vpop (xrf2);
	(xrf2) =	vadd.scan.msk.f32 $0xffff, v0;
	v0 =	vmul.f32 $1.442695020e+00, v16  }
0x61f: {  	v36 =	vmul.f32 v24, v6;
	v16 =	vld [tilespmem:s7+$0xFFFFFE20];
	v37 =	vperm.xlane v23, v1  }
0x620: {  	[tilespmem:s14+$0xFFFFFE60] =	vst v28;
	v13 =	vpop (erf);
	(erf) = vpow2.f32 v0  }
0x621: {  	v38 =	vmul.f32 v13, v30;
	v24 =	vnsel vm0, $0x0, v13;
	v34 =	vld [tilespmem:s12+$0xFFFFFEA0];
	v13 =	vmul.f32 v32, v35  }
0x622: {  	v39 =	vmul.f32 $2.500000000e-01, v37;
	v28 =	vld [tilespmem:s7+$0xFFFFFEA0];
	v23, _, _ =	vpop (xrf2)  }
0x623: {  	[tilespmem:s14+$0xFFFFFD40] =	vst v38;
	v0 =	vpop (erf);
	(xrf2) =	vadd.scan.msk.f32 $0xffff, v13;
	v13 =	vperm.xlane v23, v1  }
0x624: {  	v32 =	vld [tilespmem:s12+$0xFFFFFDA0];
	v38 =	vmul.f32 v16, v33;
	v2 =	vmul.f32 v0, v2;
	v23 =	vnsel vm0, $0x0, v0  }
0x625: {  	v37 =	vmul.f32 $1.442695020e+00, v39;
	v0 =	vld [tilespmem:s7+$0xFFFFFDA0];
	v13 =	vmul.f32 $2.500000000e-01, v13;
	v30, _, _ =	vpop (xrf2)  }
0x626: {  	[tilespmem:s14+$0xFFFFFEF0] =	vst v2;
	(xrf2) =	vadd.scan.msk.f32 $0xffff, v38;
	v2 =	vperm.xlane v30, v1;
	v16 =	vpop (erf)  }
0x627: {  	v28 =	vmul.f32 v28, v34;
	v30 =	vld [tilespmem:s12+$0xFFFFFF20];
	v31 =	vmul.f32 v16, v31;
	v16 =	vsel vm4, v3, v16  }
0x628: {  	v13 =	vmul.f32 $1.442695020e+00, v13;
	v38 =	vld [tilespmem:s7+$0xFFFFFF20];
	v2 =	vmul.f32 $2.500000000e-01, v2;
	v3, _, _ =	vpop (xrf2)  }
0x629: {  	(xrf2) =	vadd.scan.msk.f32 $0xffff, v28;
	v28 =	vperm.xlane v3, v1;
	[tilespmem:s9+$0xFFFFFFC0] =	vst v31;
	(erf) = vpow2.f32 v37;
	v37 =	vpop (erf)  }
0x62a: {  	v0 =	vmul.f32 v0, v32;
	v2 =	vmul.f32 $1.442695020e+00, v2;
	v31 =	vld [tilespmem:s13+$0xFFFFFFE0];
	v3 =	vsel vm6, v5, v37  }
0x62b: {  	v5 =	vmul.f32 $2.500000000e-01, v28;
	v28 =	vld [tilespmem:s29+$0xFFFFFFE0];
	(erf) = vpow2.f32 v13  }
0x62c: {  	(xrf2) =	vadd.scan.msk.f32 $0xffff, v0;
	(erf) = vpow2.f32 v2;
	v0 =	vmul.f32 v37, v15  }
0x62d: {  	v2 =	vmul.f32 v38, v30;
	v13, _, _ =	vpop (xrf2);
	v15 =	vmul.f32 $1.442695020e+00, v5  }
0x62e: {  	v13 =	vperm.xlane v13, v1;
	[tilespmem:s8+$0xFFFFFF50] =	vst v0  }
0x62f: {  	(xrf2) =	vadd.scan.msk.f32 $0xffff, v2;
	(erf) = vpow2.f32 v15;
	v2 =	vld [tilespmem:s10+$0xFFFFFF80];
	s10 =	smov.u32 s13;
	s13 =	smov.u32 s12  }
0x630: {  	v0 =	vmul.f32 $2.500000000e-01, v13;
	v5, _, _ =	vpop (xrf2);
	v13 =	vmul.f32 v28, v31;
	v37 =	vld [tilespmem:s11+$0xFFFFFF80];
	s11 =	smov.u32 s29;
	s29 =	smov.u32 s7  }
0x631: {  	v5 =	vperm.xlane v5, v1  }
0x632: {  	v38 =	vmul.f32 $1.442695020e+00, v0;
	v15 =	vpop (erf);
	(xrf2) =	vadd.scan.msk.f32 $0xffff, v13  }
0x633: {  	v5 =	vmul.f32 $2.500000000e-01, v5;
	v28, _, _ =	vpop (xrf2);
	v39 =	vmul.f32 v15, v21;
	v13 =	vsel vm4, v17, v15  }
0x634: {  	v15 =	vperm.xlane v28, v1;
	(erf) = vpow2.f32 v38;
	v0 =	vpop (erf)  }
0x635: {  	v5 =	vmul.f32 $1.442695020e+00, v5;
	v28 =	vmul.f32 v0, v29;
	[tilespmem:s9+$0xFFFFFE10] =	vst v39;
	v21 =	vpop (erf);
	(xrf2) =	vadd.scan.msk.f32 $0xffff, v19  }
0x636: {  	v19 =	vmul.f32 $2.500000000e-01, v15;
	v29, _, _ =	vpop (xrf2);
	v15 =	vsel vm4, v22, v0;
	v17 =	vld [tilespmem:s10+$0xFFFFFE60];
	v38 =	vmul.f32 v21, v20  }
0x637: {  	v10 =	vsel vm4, v10, v21;
	v29 =	vperm.xlane v29, v1;
	(erf) = vpow2.f32 v5;
	[tilespmem:s9+$0xFFFFFD80] =	vst v28;
	v22 =	vld [tilespmem:s11+$0xFFFFFE60]  }
0x638: {  	v21 =	vmul.f32 $1.442695020e+00, v19;
	v28 =	vld [tilespmem:s10+$0xFFFFFDE0];
	[tilespmem:s9+$0xFFFFFEA0] =	vst v38;
	v0 =	vpop (erf);
	v19 =	vmul.f32 v37, v2;
	(xrf2) =	vadd.scan.msk.f32 $0xffff, v7  }
0x639: {  	v7 =	vmul.f32 $2.500000000e-01, v29;
	v20, _, _ =	vpop (xrf2);
	v29 =	vld [tilespmem:s11+$0xFFFFFDE0];
	v14 =	vmul.f32 v0, v14;
	v5 =	vsel vm4, v9, v0  }
0x63a: {  	v0 =	vperm.xlane v20, v1;
	(erf) = vpow2.f32 v21;
	v20 =	vld [tilespmem:s10+$0xFFFFFEE0]  }
0x63b: {  	v37 =	vmul.f32 $1.442695020e+00, v7;
	v9 =	vld [tilespmem:s11+$0xFFFFFEE0];
	[tilespmem:s9+$0xFFFFFF30] =	vst v14;
	(xrf2) =	vadd.scan.msk.f32 $0xffff, v36  }
0x63c: {  	v0 =	vmul.f32 $2.500000000e-01, v0;
	v21 =	vmul.f32 v22, v17;
	v14 =	vld [tilespmem:s10+$0xFFFFFF60];
	v22, _, _ =	vpop (xrf2)  }
0x63d: {  	(erf) = vpow2.f32 v37;
	v7 =	vpop (erf);
	v36 =	vld [tilespmem:s11+$0xFFFFFF60];
	v22 =	vperm.xlane v22, v1  }
0x63e: {  	v0 =	vmul.f32 $1.442695020e+00, v0;
	v35 =	vmul.f32 v7, v35;
	v7 =	vsel vm1, v26, v7;
	(xrf2) =	vadd.scan.msk.f32 $0xffff, v21  }
0x63f: {  	v37 =	vmul.f32 v29, v28;
	v22 =	vmul.f32 $2.500000000e-01, v22;
	v29, _, _ =	vpop (xrf2)  }
0x640: {  	[tilespmem:s14+$0xFFFFFF90] =	vst v35;
	v26 =	vpop (erf);
	(erf) = vpow2.f32 v0;
	v0 =	vmul.f32 v9, v20  }
0x641: {  	v38 =	vmul.f32 v26, v33;
	v9 =	vsel vm1, v27, v26;
	v26 =	vld [tilespmem:s12+$0xFFFFFFB0];
	v22 =	vmul.f32 $1.442695020e+00, v22;
	(xrf2) =	vadd.scan.msk.f32 $0xffff, v37  }
0x642: {  	v27 =	vld [tilespmem:s7+$0xFFFFFFB0];
	v35 =	vmul.f32 v36, v14;
	v36 =	vperm.xlane v29, v1;
	v21, _, _ =	vpop (xrf2)  }
0x643: {  	[tilespmem:s14+$0xFFFFFDE0] =	vst v38;
	v33 =	vpop (erf);
	(erf) = vpow2.f32 v22;
	v37 =	vperm.xlane v21, v1  }
0x644: {  	v29 =	vld [tilespmem:s12+$0xFFFFFE30];
	v34 =	vmul.f32 v33, v34;
	v21 =	vsel vm1, v25, v33;
	(xrf2) =	vadd.scan.msk.f32 $0xffff, v0;
	v0 =	vmul.f32 $2.500000000e-01, v36  }
0x645: {  	v33 =	vld [tilespmem:s7+$0xFFFFFE30];
	v36 =	vmul.f32 $2.500000000e-01, v37;
	v22, _, _ =	vpop (xrf2)  }
0x646: {  	[tilespmem:s14+$0xFFFFFE70] =	vst v34;
	v25 =	vpop (erf);
	v0 =	vmul.f32 $1.442695020e+00, v0;
	v34 =	vperm.xlane v22, v1  }
0x647: {  	v32 =	vmul.f32 v25, v32;
	v22 =	vsel vm1, v24, v25;
	v25 =	vld [tilespmem:s12+$0xFFFFFEB0];
	v24 =	vmul.f32 v27, v26  }
0x648: {  	v36 =	vmul.f32 $1.442695020e+00, v36;
	v27 =	vld [tilespmem:s7+$0xFFFFFEB0];
	v37, _, _ =	vpop (xrf2);
	v34 =	vmul.f32 $2.500000000e-01, v34  }
0x649: {  	[tilespmem:s14+$0xFFFFFD50] =	vst v32;
	v38 =	vpop (erf);
	(xrf2) =	vadd.scan.msk.f32 $0xffff, v24;
	v24 =	vperm.xlane v37, v1;
	(erf) = vpow2.f32 v0  }
0x64a: {  	v32 =	vld [tilespmem:s12+$0xFFFFFDB0];
	v0 =	vmul.f32 v33, v29;
	v39 =	vmul.f32 v38, v30;
	v23 =	vsel vm1, v23, v38  }
0x64b: {  	v34 =	vmul.f32 $1.442695020e+00, v34;
	v37 =	vld [tilespmem:s7+$0xFFFFFDB0];
	v24 =	vmul.f32 $2.500000000e-01, v24;
	v33, _, _ =	vpop (xrf2)  }
0x64c: {  	[tilespmem:s14+$0xFFFFFF00] =	vst v39;
	(xrf2) =	vadd.scan.msk.f32 $0xffff, v0;
	v0 =	vperm.xlane v33, v1;
	v30 =	vpop (erf);
	(erf) = vpow2.f32 v36  }
0x64d: {  	v36 =	vmul.f32 v27, v25;
	v33 =	vld [tilespmem:s12+$0xFFFFFF30];
	v31 =	vmul.f32 v30, v31;
	v27 =	vsel vm5, v16, v30  }
0x64e: {  	v24 =	vmul.f32 $1.442695020e+00, v24;
	v16 =	vld [tilespmem:s7+$0xFFFFFF30];
	v0 =	vmul.f32 $2.500000000e-01, v0;
	v30, _, _ =	vpop (xrf2)  }
0x64f: {  	(xrf2) =	vadd.scan.msk.f32 $0xffff, v36;
	v30 =	vperm.xlane v30, v1;
	[tilespmem:s9+$0xFFFFFFD0] =	vst v31;
	(erf) = vpow2.f32 v34  }
0x650: {  	v34 =	vmul.f32 v37, v32;
	v37 =	vmul.f32 $1.442695020e+00, v0;
	v31 =	vld [tilespmem:s10+$0xFFFFFFF0]  }
0x651: {  	v30 =	vmul.f32 $2.500000000e-01, v30;
	v36 =	vld [tilespmem:s11+$0xFFFFFFF0];
	(erf) = vpow2.f32 v24  }
0x652: {  	(xrf2) =	vadd.scan.msk.f32 $0xffff, v34;
	(erf) = vpow2.f32 v37;
	v0 =	vpop (erf)  }
0x653: {  	v16 =	vmul.f32 v16, v33;
	v24, _, _ =	vpop (xrf2);
	v30 =	vmul.f32 $1.442695020e+00, v30;
	v34 =	vsel vm7, v12, v0  }
0x654: {  	v0 =	vmul.f32 v0, v18;
	v24 =	vperm.xlane v24, v1;
	[tilespmem:s8+$0xFFFFFDC0] =	vst v34  }
0x655: {  	(xrf2) =	vadd.scan.msk.f32 $0xffff, v16;
	(erf) = vpow2.f32 v30;
	v12 =	vpop (erf)  }
0x656: {  	v30 =	vmul.f32 $2.500000000e-01, v24;
	v18, _, _ =	vpop (xrf2);
	v24 =	vmul.f32 v36, v31;
	[tilespmem:s8+$0xFFFFFDB0] =	vst v0;
	v0 =	vsel vm7, v8, v12  }
0x657: {  	v11 =	vmul.f32 v12, v11;
	v8 =	vperm.xlane v18, v1;
	[tilespmem:s8+$0xFFFFFE50] =	vst v0  }
0x658: {  	v18 =	vmul.f32 $1.442695020e+00, v30;
	(xrf2) =	vadd.scan.msk.f32 $0xffff, v24;
	v12 =	vpop (erf)  }
0x659: {  	v8 =	vmul.f32 $2.500000000e-01, v8;
	v16, _, _ =	vpop (xrf2);
	[tilespmem:s8+$0xFFFFFE40] =	vst v11;
	v6 =	vmul.f32 v12, v6;
	v4 =	vsel vm7, v4, v12  }
0x65a: {  	v11 =	vperm.xlane v16, v1;
	(erf) = vpow2.f32 v18;
	v0 =	vpop (erf);
	[tilespmem:s8+$0xFFFFFEE0] =	vst v4  }
0x65b: {  	v18 =	vmul.f32 $1.442695020e+00, v8;
	v16 =	vmul.f32 v0, v17;
	v8 =	vsel vm5, v13, v0;
	v0 =	vpop (erf);
	(xrf2) =	vadd.scan.msk.f32 $0xffff, v35  }
0x65c: {  	v24 =	vmul.f32 $2.500000000e-01, v11;
	v13, _, _ =	vpop (xrf2);
	v17 =	vmul.f32 v0, v28;
	v12 =	vsel vm5, v15, v0;
	[tilespmem:s8+$0xFFFFFED0] =	vst v6  }
0x65d: {  	v0 =	vperm.xlane v13, v1;
	(erf) = vpow2.f32 v18;
	[tilespmem:s9+$0xFFFFFE20] =	vst v16  }
0x65e: {  	v6 =	vmul.f32 $1.442695020e+00, v24;
	[tilespmem:s9+$0xFFFFFD90] =	vst v17;
	v17 =	vld [tilespmem:s10+$0xFFFFFE70];
	v4 =	vpop (erf);
	(xrf2) =	vadd.scan.msk.f32 $0xffff, v19  }
0x65f: {  	v0 =	vmul.f32 $2.500000000e-01, v0;
	v11, _, _ =	vpop (xrf2);
	v18 =	vld [tilespmem:s10+$0xFFFFFDF0];
	v13 =	vmul.f32 v4, v20;
	v4 =	vsel vm5, v10, v4  }
0x660: {  	v10 =	vperm.xlane v11, v1;
	(erf) = vpow2.f32 v6;
	v6 =	vld [tilespmem:s11+$0xFFFFFDF0]  }
0x661: {  	v19 =	vmul.f32 $1.442695020e+00, v0;
	v15 =	vld [tilespmem:s11+$0xFFFFFE70];
	[tilespmem:s9+$0xFFFFFEB0] =	vst v13  }
0x662: {  	v10 =	vmul.f32 $2.500000000e-01, v10;
	v16 =	vld [tilespmem:s10+$0xFFFFFEF0];
	v11, _, _ =	vpop (xrf2)  }
0x663: {  	(erf) = vpow2.f32 v19;
	v0 =	vpop (erf);
	v13 =	vld [tilespmem:s11+$0xFFFFFEF0];
	v24 =	vperm.xlane v11, v1  }
0x664: {  	v10 =	vmul.f32 $1.442695020e+00, v10;
	v20 =	vmul.f32 v0, v26;
	v11 =	vsel vm2, v7, v0  }
0x665: {  	v0 =	vmul.f32 v6, v18;
	v6 =	vmul.f32 $2.500000000e-01, v24;
	v7, _, _ =	vpop (xrf2)  }
0x666: {  	[tilespmem:s14+$0xFFFFFFA0] =	vst v20;
	v19 =	vpop (erf);
	(erf) = vpow2.f32 v10;
	v26 =	vperm.xlane v7, v1  }
0x667: {  	v20 =	vmul.f32 v19, v29;
	v10 =	vsel vm2, v9, v19;
	v24 =	vld [tilespmem:s12+$0xFFFFFFC0];
	v6 =	vmul.f32 $1.442695020e+00, v6;
	(xrf2) =	vadd.scan.msk.f32 $0xffff, v0  }
0x668: {  	v9 =	vmul.f32 v15, v17;
	v0 =	vld [tilespmem:s7+$0xFFFFFFC0];
	v15 =	vmul.f32 $2.500000000e-01, v26;
	v19, _, _ =	vpop (xrf2)  }
0x669: {  	v30 =	vmul.f32 v13, v16;
	[tilespmem:s14+$0xFFFFFDF0] =	vst v20;
	v7 =	vpop (erf);
	(erf) = vpow2.f32 v6  }
0x66a: {  	v20 =	vld [tilespmem:s12+$0xFFFFFE40];
	v25 =	vmul.f32 v7, v25;
	v7 =	vsel vm2, v21, v7;
	v13 =	vmul.f32 $1.442695020e+00, v15;
	(xrf2) =	vadd.scan.msk.f32 $0xffff, v9  }
0x66b: {  	v19 =	vperm.xlane v19, v1;
	v15 =	vld [tilespmem:s7+$0xFFFFFE40]  }
0x66c: {  	[tilespmem:s14+$0xFFFFFE80] =	vst v25;
	v6 =	vpop (erf);
	(erf) = vpow2.f32 v13  }
0x66d: {  	v13 =	vmul.f32 v6, v32;
	v9 =	vsel vm2, v22, v6;
	v26 =	vld [tilespmem:s12+$0xFFFFFEC0];
	v0 =	vmul.f32 v0, v24  }
0x66e: {  	v19 =	vmul.f32 $2.500000000e-01, v19;
	v21 =	vld [tilespmem:s7+$0xFFFFFEC0]  }
0x66f: {  	[tilespmem:s14+$0xFFFFFD60] =	vst v13;
	v6 =	vpop (erf);
	(xrf2) =	vadd.scan.msk.f32 $0xffff, v0  }
0x670: {  	v25 =	vld [tilespmem:s12+$0xFFFFFDC0];
	v0 =	vmul.f32 v15, v20;
	v28 =	vmul.f32 v6, v33;
	v6 =	vsel vm2, v23, v6  }
0x671: {  	v19 =	vmul.f32 $1.442695020e+00, v19;
	v15 =	vld [tilespmem:s7+$0xFFFFFDC0];
	v22, _, _ =	vpop (xrf2)  }
0x672: {  	[tilespmem:s14+$0xFFFFFF10] =	vst v28;
	(xrf2) =	vadd.scan.msk.f32 $0xffff, v0;
	v0 =	vperm.xlane v22, v1;
	v13 =	vpop (erf)  }
0x673: {  	v28 =	vmul.f32 v21, v26;
	v29 =	vld [tilespmem:s12+$0xFFFFFF40];
	v22 =	vmul.f32 v13, v31;
	v13 =	vsel vm6, v27, v13  }
0x674: {  	v23 =	vld [tilespmem:s7+$0xFFFFFF40];
	v0 =	vmul.f32 $2.500000000e-01, v0;
	v27, _, _ =	vpop (xrf2);
	(erf) = vpow2.f32 v19  }
0x675: {  	(xrf2) =	vadd.scan.msk.f32 $0xffff, v28;
	v19 =	vperm.xlane v27, v1;
	[tilespmem:s9+$0xFFFFFFE0] =	vst v22;
	v21 =	vpop (erf)  }
0x676: {  	v15 =	vmul.f32 v15, v25;
	v22 =	vmul.f32 v21, v14;
	v5 =	vsel vm5, v5, v21;
	v14 =	vld [tilespmem:s10+$0x0]  }
0x677: {  	v0 =	vmul.f32 $1.442695020e+00, v0;
	v19 =	vmul.f32 $2.500000000e-01, v19;
	v21 =	vld [tilespmem:s11+$0x0]  }
0x678: {  	(xrf2) =	vadd.scan.msk.f32 $0xffff, v15;
	[tilespmem:s9+$0xFFFFFF40] =	vst v22  }
.Ltmp4:
0x679: {  	v22 =	vmul.f32 v23, v29;
	v23, _, _ =	vpop (xrf2);
	v19 =	vmul.f32 $1.442695020e+00, v19;
	v15 =	vld [tilespmem:s10+$0xFFFFFF70];
	(pc) =	sbr.rel @p2 .LBB2_7-.Ltmp4, $4  }
0x67a: {  	v23 =	vperm.xlane v23, v1;
	v31 =	vld [tilespmem:s11+$0xFFFFFF70];
	(erf) = vpow2.f32 v0  }
0x67b: {  	(xrf2) =	vadd.scan.msk.f32 $0xffff, v22;
	(erf) = vpow2.f32 v19  }
0x67c: {  	v19 =	vmul.f32 $2.500000000e-01, v23;
	v0, _, _ =	vpop (xrf2);
	v32 =	vmul.f32 v21, v14  }
0x67d: {  	s12 =	sadd.s32 $0x280, s12;
	v28 =	vperm.xlane v0, v1;
	v21 =	vpop (erf)  }
0x67e: {  	v0 =	vmul.f32 $1.442695020e+00, v19;
	_ =	sdelay $0x1  }
0x67f: {  	(erf) = vpow2.f32 v0;
	_ =	sdelay $0x6  }
0x680: {  	v23 =	vpop (erf)  }
0x681: {  	v22 =	vpop (erf)  }
0x682: {  	v19 =	vpop (erf)  }
0x683: {  	v0 =	vmul.f32 v19, v24;
	_ =	sdelay $0x1  }
0x684: {  	[tilespmem:s14+$0xFFFFFFB0] =	vst v0  }
0x685: {  	v0 =	vld [tilespmem:s13+$0xFFFFFFD0]  }
0x686: {  	v51 =	vld [tilespmem:s29+$0xFFFFFFD0];
	_ =	sdelay $0x3  }
0x687: {  	(xrf2) =	vadd.scan.msk.f32 $0xffff, v32  }
0x688: {  	(xrf2) =	vadd.scan.msk.f32 $0xffff, v30;
	v24 =	vmul.f32 v51, v0;
	_ =	sdelay $0x1  }
0x689: {  	(xrf2) =	vadd.scan.msk.f32 $0xffff, v24  }
0x68a: {  	v52, _, _ =	vpop (xrf2);
	v27 =	vmul.f32 $2.500000000e-01, v28  }
0x68b: {  	v53, _, _ =	vpop (xrf2)  }
0x68c: {  	v27 =	vmul.f32 $1.442695020e+00, v27;
	v28 =	vperm.xlane v53, v1  }
0x68d: {  	v24 =	vperm.xlane v52, v1  }
0x68e: {  	(erf) = vpow2.f32 v27;
	v54, _, _ =	vpop (xrf2);
	v28 =	vmul.f32 $2.500000000e-01, v28  }
0x68f: {  	v27 =	vperm.xlane v54, v1;
	v24 =	vmul.f32 $2.500000000e-01, v24  }
0x690: {  	v28 =	vmul.f32 $1.442695020e+00, v28;
	v55, _, _ =	vpop (xrf2)  }
0x691: {  	v27 =	vmul.f32 $2.500000000e-01, v27;
	v57, _, _ =	vpop (xrf2);
	v24 =	vmul.f32 $1.442695020e+00, v24  }
0x692: {  	v56 =	vperm.xlane v55, v1;
	v30 =	vperm.xlane v57, v1  }
0x693: {  	v27 =	vmul.f32 $1.442695020e+00, v27;
	(erf) = vpow2.f32 v24;
	v58, _, _ =	vpop (xrf2)  }
0x694: {  	v24 =	vmul.f32 $2.500000000e-01, v56;
	v59 =	vperm.xlane v58, v1  }
0x695: {  	v30 =	vmul.f32 $2.500000000e-01, v30;
	(erf) = vpow2.f32 v28  }
0x696: {  	v24 =	vmul.f32 $1.442695020e+00, v24;
	v28 =	vmul.f32 $2.500000000e-01, v59  }
0x697: {  	v60 =	vmul.f32 $1.442695020e+00, v30;
	(erf) = vpow2.f32 v27  }
0x698: {  	(erf) = vpow2.f32 v24;
	v61 =	vmul.f32 $1.442695020e+00, v28  }
0x699: {  	(erf) = vpow2.f32 v60  }
0x69a: {  	(erf) = vpow2.f32 v61  }
0x69b: {  	v28 =	vpop (erf)  }
0x69c: {  	v20 =	vmul.f32 v28, v20  }
0x69d: {  	v24 =	vpop (erf)  }
0x69e: {  	v27 =	vpop (erf);
	v26 =	vmul.f32 v24, v26;
	[tilespmem:s14+$0xFFFFFE00] =	vst v20  }
0x69f: {  	v25 =	vmul.f32 v27, v25;
	v62 =	vld [tilespmem:s13+$0xFFFFFE50]  }
0x6a0: {  	v33 =	vld [tilespmem:s29+$0xFFFFFE50];
	[tilespmem:s14+$0xFFFFFE90] =	vst v26;
	v20 =	vpop (erf)  }
0x6a1: {  	[tilespmem:s14+$0xFFFFFD70] =	vst v25;
	v37 =	vld [tilespmem:s13+$0xFFFFFED0];
	v30 =	vpop (erf)  }
0x6a2: {  	v36 =	vld [tilespmem:s13+$0xFFFFFDD0];
	v29 =	vmul.f32 v20, v29;
	v26 =	vpop (erf)  }
0x6a3: {  	v34 =	vld [tilespmem:s29+$0xFFFFFDD0];
	v25 =	vpop (erf)  }
0x6a4: {  	v35 =	vld [tilespmem:s29+$0xFFFFFED0];
	[tilespmem:s14+$0xFFFFFF20] =	vst v29;
	v0 =	vmul.f32 v25, v0  }
0x6a5: {  	v31 =	vmul.f32 v31, v15;
	v38 =	vld [tilespmem:s13+$0xFFFFFF50]  }
0x6a6: {  	v63 =	vmul.f32 v33, v62;
	v33 =	vld [tilespmem:s29+$0xFFFFFF50];
	[tilespmem:s14+$0xFFFFFFC0] =	vst v0  }
0x6a7: {  	(xrf2) =	vadd.scan.msk.f32 $0xffff, v31;
	v39 =	vld [tilespmem:s13+$0xFFFFFFE0]  }
0x6a8: {  	(xrf2) =	vadd.scan.msk.f32 $0xffff, v63;
	v0 =	vmul.f32 v34, v36;
	v42 =	vld [tilespmem:s29+$0xFFFFFFE0];
	_ =	sdelay $0x1  }
0x6a9: {  	(xrf2) =	vadd.scan.msk.f32 $0xffff, v0  }
0x6aa: {  	v0 =	vmul.f32 v35, v37  }
0x6ab: {  	v31 =	vmul.f32 v33, v38  }
0x6ac: {  	(xrf2) =	vadd.scan.msk.f32 $0xffff, v0;
	v0 =	vmul.f32 v42, v39  }
0x6ad: {  	(xrf2) =	vadd.scan.msk.f32 $0xffff, v31;
	_ =	sdelay $0x1  }
0x6ae: {  	(xrf2) =	vadd.scan.msk.f32 $0xffff, v0  }
0x6af: {  	v0, _, _ =	vpop (xrf2)  }
0x6b0: {  	v0 =	vperm.xlane v0, v1;
	v43, _, _ =	vpop (xrf2)  }
0x6b1: {  	v29 =	vperm.xlane v43, v1  }
0x6b2: {  	v44, _, _ =	vpop (xrf2);
	v0 =	vmul.f32 $2.500000000e-01, v0  }
0x6b3: {  	v31 =	vperm.xlane v44, v1;
	v29 =	vmul.f32 $2.500000000e-01, v29  }
0x6b4: {  	v0 =	vmul.f32 $1.442695020e+00, v0  }
0x6b5: {  	v45, _, _ =	vpop (xrf2);
	v31 =	vmul.f32 $2.500000000e-01, v31;
	v29 =	vmul.f32 $1.442695020e+00, v29  }
0x6b6: {  	v46, _, _ =	vpop (xrf2);
	(erf) = vpow2.f32 v0;
	v0 =	vperm.xlane v45, v1  }
0x6b7: {  	v33 =	vperm.xlane v46, v1;
	v31 =	vmul.f32 $1.442695020e+00, v31  }
0x6b8: {  	v47, _, _ =	vpop (xrf2);
	(erf) = vpow2.f32 v29;
	v0 =	vmul.f32 $2.500000000e-01, v0  }
0x6b9: {  	v33 =	vmul.f32 $2.500000000e-01, v33;
	v48 =	vperm.xlane v47, v1  }
0x6ba: {  	(erf) = vpow2.f32 v31;
	v0 =	vmul.f32 $1.442695020e+00, v0  }
0x6bb: {  	v18 =	vmul.f32 v23, v18;
	v29 =	vmul.f32 $2.500000000e-01, v48  }
0x6bc: {  	v49 =	vmul.f32 $1.442695020e+00, v33;
	(erf) = vpow2.f32 v0  }
0x6bd: {  	[tilespmem:s9+$0xFFFFFDA0] =	vst v18;
	v0 =	vmul.f32 $1.442695020e+00, v29  }
0x6be: {  	v17 =	vmul.f32 v22, v17;
	v35 =	vld [tilespmem:s10+$0xFFFFFE00];
	(erf) = vpow2.f32 v49  }
0x6bf: {  	v16 =	vmul.f32 v26, v16;
	(erf) = vpow2.f32 v0;
	v0 =	vld [tilespmem:s11+$0xFFFFFE00]  }
0x6c0: {  	[tilespmem:s9+$0xFFFFFE30] =	vst v17;
	v29 =	vpop (erf)  }
0x6c1: {  	v50 =	vld [tilespmem:s11+$0xFFFFFE80];
	[tilespmem:s9+$0xFFFFFEC0] =	vst v16;
	v18 =	vpop (erf)  }
0x6c2: {  	v32 =	vld [tilespmem:s10+$0xFFFFFF00];
	v51 =	vmul.f32 v18, v62  }
0x6c3: {  	v34 =	vld [tilespmem:s10+$0xFFFFFE80];
	v31 =	vpop (erf)  }
0x6c4: {  	v40 =	vld [tilespmem:s11+$0xFFFFFF00];
	v36 =	vmul.f32 v31, v36;
	[tilespmem:s14+$0xFFFFFE10] =	vst v51;
	v0 =	vmul.f32 v0, v35  }
0x6c5: {  	v43 =	vld [tilespmem:s13+$0xFFFFFE60];
	v17 =	vpop (erf)  }
0x6c6: {  	[tilespmem:s14+$0xFFFFFD80] =	vst v36;
	v52 =	vld [tilespmem:s29+$0xFFFFFE60];
	(xrf2) =	vadd.scan.msk.f32 $0xffff, v0;
	v37 =	vmul.f32 v17, v37  }
0x6c7: {  	v45 =	vld [tilespmem:s13+$0xFFFFFDE0];
	v16 =	vpop (erf)  }
0x6c8: {  	v41 =	vmul.f32 v50, v34;
	v0 =	vld [tilespmem:s29+$0xFFFFFDE0];
	v33 =	vpop (erf);
	[tilespmem:s14+$0xFFFFFEA0] =	vst v37  }
0x6c9: {  	v54 =	vmul.f32 v40, v32;
	v53 =	vmul.f32 v33, v39;
	v46 =	vld [tilespmem:s13+$0xFFFFFEE0]  }
0x6ca: {  	(xrf2) =	vadd.scan.msk.f32 $0xffff, v41;
	v55 =	vld [tilespmem:s29+$0xFFFFFEE0]  }
0x6cb: {  	(xrf2) =	vadd.scan.msk.f32 $0xffff, v54;
	[tilespmem:s14+$0xFFFFFFD0] =	vst v53  }
0x6cc: {  	v56 =	vmul.f32 v16, v38;
	v36 =	vmul.f32 v52, v43;
	v47 =	vld [tilespmem:s13+$0xFFFFFFF0]  }
0x6cd: {  	v0 =	vmul.f32 v0, v45;
	v57 =	vld [tilespmem:s29+$0xFFFFFFF0]  }
0x6ce: {  	[tilespmem:s14+$0xFFFFFF30] =	vst v56;
	(xrf2) =	vadd.scan.msk.f32 $0xffff, v36  }
0x6cf: {  	v48 =	vld [tilespmem:s13+$0xFFFFFF60];
	(xrf2) =	vadd.scan.msk.f32 $0xffff, v0;
	v0 =	vmul.f32 v55, v46  }
0x6d0: {  	v58 =	vld [tilespmem:s29+$0xFFFFFF60];
	v60, _, _ =	vpop (xrf2)  }
0x6d1: {  	(xrf2) =	vadd.scan.msk.f32 $0xffff, v0;
	v0 =	vperm.xlane v60, v1  }
0x6d2: {  	v59 =	vmul.f32 v57, v47  }
0x6d3: {  	v0 =	vmul.f32 $2.500000000e-01, v0  }
0x6d4: {  	v61, _, _ =	vpop (xrf2);
	(xrf2) =	vadd.scan.msk.f32 $0xffff, v59  }
0x6d5: {  	v36 =	vmul.f32 v58, v48;
	v63, _, _ =	vpop (xrf2);
	v0 =	vmul.f32 $1.442695020e+00, v0  }
0x6d6: {  	v62 =	vperm.xlane v61, v1;
	v40 =	vperm.xlane v63, v1;
	_ =	sdelay $0x1  }
0x6d7: {  	v37 =	vmul.f32 $2.500000000e-01, v62;
	(xrf2) =	vadd.scan.msk.f32 $0xffff, v36;
	v36 =	vmul.f32 $2.500000000e-01, v40;
	v41, _, _ =	vpop (xrf2)  }
0x6d8: {  	v38 =	vperm.xlane v41, v1;
	(erf) = vpow2.f32 v0;
	v0, _, _ =	vpop (xrf2)  }
0x6d9: {  	v37 =	vmul.f32 $1.442695020e+00, v37;
	v0 =	vperm.xlane v0, v1  }
0x6da: {  	v36 =	vmul.f32 $1.442695020e+00, v36;
	v38 =	vmul.f32 $2.500000000e-01, v38  }
0x6db: {  	(erf) = vpow2.f32 v37;
	v0 =	vmul.f32 $2.500000000e-01, v0  }
0x6dc: {  	(erf) = vpow2.f32 v36;
	v42 =	vmul.f32 $1.442695020e+00, v38;
	v44, _, _ =	vpop (xrf2)  }
0x6dd: {  	v38 =	vperm.xlane v44, v1;
	v49, _, _ =	vpop (xrf2);
	v0 =	vmul.f32 $1.442695020e+00, v0  }
0x6de: {  	(erf) = vpow2.f32 v42;
	v36 =	vperm.xlane v49, v1  }
0x6df: {  	v38 =	vmul.f32 $2.500000000e-01, v38;
	(erf) = vpow2.f32 v0  }
0x6e0: {  	v0 =	vmul.f32 $2.500000000e-01, v36  }
0x6e1: {  	v50, _, _ =	vpop (xrf2);
	v51 =	vmul.f32 $1.442695020e+00, v38  }
0x6e2: {  	v36 =	vperm.xlane v50, v1;
	v0 =	vmul.f32 $1.442695020e+00, v0  }
0x6e3: {  	(erf) = vpow2.f32 v51  }
0x6e4: {  	v44 =	vpop (erf);
	v36 =	vmul.f32 $2.500000000e-01, v36;
	(erf) = vpow2.f32 v0  }
0x6e5: {  	v42 =	vpop (erf)  }
0x6e6: {  	v52 =	vmul.f32 v29, v15;
	v41 =	vpop (erf);
	v0 =	vmul.f32 $1.442695020e+00, v36  }
0x6e7: {  	v15 =	vpop (erf)  }
0x6e8: {  	[tilespmem:s9+$0xFFFFFF50] =	vst v52;
	(erf) = vpow2.f32 v0;
	v0 =	vmul.f32 v15, v43;
	v38 =	vpop (erf)  }
0x6e9: {  	v39 =	vld [tilespmem:s10+$0xFFFFFF80];
	v53 =	vmul.f32 v38, v45  }
0x6ea: {  	v54 =	vld [tilespmem:s11+$0xFFFFFF80];
	[tilespmem:s14+$0xFFFFFE20] =	vst v0  }
0x6eb: {  	v0 =	vld [tilespmem:s13+$0xFFFFFE70];
	[tilespmem:s14+$0xFFFFFD90] =	vst v53  }
0x6ec: {  	v36 =	vpop (erf);
	v45 =	vld [tilespmem:s13+$0xFFFFFDF0]  }
0x6ed: {  	v55 =	vmul.f32 v36, v46;
	v40 =	vpop (erf);
	v56 =	vld [tilespmem:s29+$0xFFFFFDF0]  }
0x6ee: {  	v49 =	vld [tilespmem:s29+$0xFFFFFE70];
	v47 =	vmul.f32 v40, v47  }
0x6ef: {  	[tilespmem:s14+$0xFFFFFEB0] =	vst v55  }
0x6f0: {  	v50 =	vmul.f32 v54, v39;
	v51 =	vld [tilespmem:s13+$0xFFFFFEF0];
	[tilespmem:s14+$0xFFFFFFE0] =	vst v47  }
0x6f1: {  	v43 =	vld [tilespmem:s13+$0x0]  }
0x6f2: {  	(xrf2) =	vadd.scan.msk.f32 $0xffff, v50;
	v37 =	vpop (erf);
	v58 =	vld [tilespmem:s29+$0x0];
	v46 =	vmul.f32 v56, v45  }
0x6f3: {  	v59 =	vld [tilespmem:s29+$0xFFFFFEF0];
	v60 =	vmul.f32 v49, v0;
	v57 =	vmul.f32 v37, v48  }
0x6f4: {  	(xrf2) =	vadd.scan.msk.f32 $0xffff, v46  }
0x6f5: {  	[tilespmem:s14+$0xFFFFFF40] =	vst v57;
	(xrf2) =	vadd.scan.msk.f32 $0xffff, v60  }
0x6f6: {  	v49 =	vld [tilespmem:s13+$0xFFFFFF70]  }
0x6f7: {  	v61 =	vld [tilespmem:s29+$0xFFFFFF70];
	v62 =	vmul.f32 v58, v43  }
0x6f8: {  	v63 =	vmul.f32 v59, v51  }
0x6f9: {  	(xrf2) =	vadd.scan.msk.f32 $0xffff, v62  }
0x6fa: {  	(xrf2) =	vadd.scan.msk.f32 $0xffff, v63;
	_ =	sdelay $0x1  }
0x6fb: {  	v50, _, _ =	vpop (xrf2);
	v46 =	vmul.f32 v61, v49  }
0x6fc: {  	v52 =	vperm.xlane v50, v1  }
0x6fd: {  	(xrf2) =	vadd.scan.msk.f32 $0xffff, v46;
	v53, _, _ =	vpop (xrf2)  }
0x6fe: {  	v46 =	vmul.f32 $2.500000000e-01, v52;
	v47 =	vperm.xlane v53, v1;
	v54, _, _ =	vpop (xrf2)  }
0x6ff: {  	v48 =	vperm.xlane v54, v1  }
0x700: {  	v46 =	vmul.f32 $1.442695020e+00, v46;
	v47 =	vmul.f32 $2.500000000e-01, v47  }
0x701: {  	v55 =	vmul.f32 $2.500000000e-01, v48  }
0x702: {  	(erf) = vpow2.f32 v46;
	v56, _, _ =	vpop (xrf2);
	v47 =	vmul.f32 $1.442695020e+00, v47  }
0x703: {  	v48 =	vperm.xlane v56, v1;
	v57, _, _ =	vpop (xrf2);
	v46 =	vmul.f32 $1.442695020e+00, v55  }
0x704: {  	v50 =	vperm.xlane v57, v1;
	(erf) = vpow2.f32 v47  }
0x705: {  	v58 =	vmul.f32 $2.500000000e-01, v48;
	(erf) = vpow2.f32 v46  }
0x706: {  	v50 =	vmul.f32 $2.500000000e-01, v50  }
0x707: {  	v59, _, _ =	vpop (xrf2);
	v60 =	vmul.f32 $1.442695020e+00, v58  }
0x708: {  	v48 =	vperm.xlane v59, v1;
	v61 =	vmul.f32 $1.442695020e+00, v50  }
0x709: {  	(erf) = vpow2.f32 v60  }
0x70a: {  	v48 =	vmul.f32 $2.500000000e-01, v48;
	(erf) = vpow2.f32 v61;
	_ =	sdelay $0x1  }
0x70b: {  	v46 =	vpop (erf);
	v62 =	vmul.f32 $1.442695020e+00, v48  }
0x70c: {  	v47 =	vpop (erf)  }
0x70d: {  	(erf) = vpow2.f32 v62;
	v45 =	vmul.f32 v47, v45;
	v48 =	vpop (erf)  }
0x70e: {  	v0 =	vmul.f32 v48, v0  }
0x70f: {  	[tilespmem:s14+$0xFFFFFDA0] =	vst v45  }
0x710: {  	v45 =	vld [tilespmem:s13+$0xFFFFFE00]  }
0x711: {  	v50 =	vpop (erf);
	v52 =	vld [tilespmem:s29+$0xFFFFFE00];
	[tilespmem:s14+$0xFFFFFE30] =	vst v0  }
0x712: {  	v53 =	vld [tilespmem:s13+$0xFFFFFE80];
	v0 =	vpop (erf)  }
0x713: {  	v54 =	vld [tilespmem:s29+$0xFFFFFE80];
	v51 =	vmul.f32 v0, v51;
	_ =	sdelay $0x1  }
0x714: {  	[tilespmem:s14+$0xFFFFFEC0] =	vst v51  }
0x715: {  	v55 =	vpop (erf);
	v51 =	vld [tilespmem:s13+$0xFFFFFF00]  }
0x716: {  	v49 =	vmul.f32 v55, v49;
	v52 =	vmul.f32 v52, v45;
	v56 =	vld [tilespmem:s29+$0xFFFFFF00]  }
0x717: {  	v54 =	vmul.f32 v54, v53  }
0x718: {  	[tilespmem:s14+$0xFFFFFF50] =	vst v49;
	(xrf2) =	vadd.scan.msk.f32 $0xffff, v52  }
0x719: {  	v49 =	vld [tilespmem:s13+$0xFFFFFF80];
	(xrf2) =	vadd.scan.msk.f32 $0xffff, v54  }
0x71a: {  	v63 =	vld [tilespmem:s29+$0xFFFFFF80]  }
0x71b: {  	v57 =	vmul.f32 v56, v51;
	_ =	sdelay $0x1  }
0x71c: {  	(xrf2) =	vadd.scan.msk.f32 $0xffff, v57;
	_ =	sdelay $0x1  }
0x71d: {  	v52 =	vmul.f32 v63, v49;
	_ =	sdelay $0x1  }
0x71e: {  	(xrf2) =	vadd.scan.msk.f32 $0xffff, v52  }
0x71f: {  	v2 =	vmul.f32 v21, v2;
	v3 =	vsel vm7, v3, v21;
	v58, _, _ =	vpop (xrf2)  }
0x720: {  	[tilespmem:s8+$0xFFFFFF70] =	vst v3;
	v52 =	vperm.xlane v58, v1;
	v59, _, _ =	vpop (xrf2)  }
0x721: {  	[tilespmem:s8+$0xFFFFFF60] =	vst v2;
	v3 =	vsel vm6, v12, v23;
	v2 =	vsel vm6, v8, v22;
	v54 =	vperm.xlane v59, v1  }
0x722: {  	v14 =	vmul.f32 v30, v14;
	v3 =	vsel vm7, v3, v44;
	v52 =	vmul.f32 $2.500000000e-01, v52  }
0x723: {  	[tilespmem:s9+$0xFFFFFDC0] =	vst v3;
	v3 =	vmul.f32 v42, v34;
	v2 =	vsel vm7, v2, v42;
	v60 =	vmul.f32 $2.500000000e-01, v54  }
0x724: {  	[tilespmem:s9+$0xFFFFFE50] =	vst v2;
	v2 =	vmul.f32 v41, v32;
	v62 =	vmul.f32 $1.442695020e+00, v52;
	v61, _, _ =	vpop (xrf2)  }
0x725: {  	v12 =	vmul.f32 $1.442695020e+00, v60;
	v21 =	vperm.xlane v61, v1  }
0x726: {  	v4 =	vsel vm6, v4, v26;
	[tilespmem:s9+$0xFFFFFFF0] =	vst v14;
	v63 =	vmul.f32 v44, v35;
	(erf) = vpow2.f32 v62  }
0x727: {  	[tilespmem:s9+$0xFFFFFE40] =	vst v3;
	v3 =	vsel vm7, v4, v41;
	(erf) = vpow2.f32 v12;
	v35 =	vmul.f32 $2.500000000e-01, v21  }
0x728: {  	v13 =	vsel vm7, v13, v30;
	v5 =	vsel vm6, v5, v29;
	[tilespmem:s9+$0xFFFFFEE0] =	vst v3;
	v30, _, _ =	vpop (xrf2)  }
0x729: {  	[tilespmem:s9+$0xFFFFFED0] =	vst v2;
	v3 =	vsel vm7, v5, v46;
	v14 =	vperm.xlane v30, v1;
	v44 =	vmul.f32 $1.442695020e+00, v35  }
0x72a: {  	v2 =	vmul.f32 v46, v39;
	[tilespmem:s9+$0xFFFFFF70] =	vst v3;
	v3 =	vmul.f32 v50, v43  }
0x72b: {  	v52 =	vmul.f32 $2.500000000e-01, v14;
	(erf) = vpow2.f32 v44  }
0x72c: {  	v10 =	vsel vm3, v10, v28  }
0x72d: {  	v11 =	vsel vm3, v11, v19;
	[tilespmem:s9+$0xFFFFFF60] =	vst v2;
	v2 =	vsel vm4, v10, v18;
	v54 =	vmul.f32 $1.442695020e+00, v52  }
0x72e: {  	v7 =	vsel vm3, v7, v24;
	v2 =	vsel vm5, v2, v15;
	v56 =	vsel vm3, v9, v27  }
0x72f: {  	[tilespmem:s14+$0xFFFFFFF0] =	vst v3;
	v57 =	vsel vm4, v11, v25;
	v58 =	vsel vm4, v56, v31;
	(erf) = vpow2.f32 v54;
	v3 =	vpop (erf)  }
0x730: {  	v2 =	vsel vm6, v2, v48;
	v59 =	vsel vm5, v57, v33;
	v4 =	vsel vm5, v58, v38;
	v62 =	vpop (erf)  }
0x731: {  	[tilespmem:s9+$0x0] =	vst v13;
	v5 =	vsel vm6, v59, v40;
	v4 =	vsel vm6, v4, v47;
	v2 =	vsel vm7, v2, v62  }
0x732: {  	[tilespmem:s9+$0xFFFFFDB0] =	vst v63;
	v5 =	vsel vm7, v5, v50;
	v60 =	vsel vm3, v6, v20;
	v61 =	vsel vm4, v7, v17  }
0x733: {  	[tilespmem:s14+$0x0] =	vst v5;
	v6 =	vsel vm5, v61, v36;
	v4 =	vsel vm7, v4, v3;
	v3 =	vmul.f32 v3, v45  }
0x734: {  	v0 =	vsel vm6, v6, v0;
	[tilespmem:s14+$0xFFFFFE50] =	vst v2;
	v2 =	vpop (erf)  }
0x735: {  	[tilespmem:s14+$0xFFFFFDB0] =	vst v3;
	v3 =	vmul.f32 v62, v53;
	v0 =	vsel vm7, v0, v2  }
0x736: {  	v63 =	vsel vm4, v60, v16;
	[tilespmem:s14+$0xFFFFFDC0] =	vst v4  }
0x737: {  	v4 =	vsel vm5, v63, v37;
	[tilespmem:s14+$0xFFFFFE40] =	vst v3;
	v3 =	vmul.f32 v2, v51  }
0x738: {  	s7 =	smul.u32 $0xA0, s28;
	v2 =	vsel vm6, v4, v55;
	[tilespmem:s14+$0xFFFFFEE0] =	vst v0;
	v0 =	vpop (erf)  }
0x739: {  	s8 =	simm.s32 $0x3E8;
	[tilespmem:s14+$0xFFFFFED0] =	vst v3;
	v3 =	vmul.f32 v0, v49;
	v0 =	vsel vm7, v2, v0  }
0x73a: {  	s7 =	sshra.s32 s7, $0x2;
	s8 =	simm.s32 @!p0 $0x0;
	[tilespmem:s14+$0xFFFFFF70] =	vst v0  }
0x73b: {  	s7 =	sadd.s32 s7, s8;
	[tilespmem:s14+$0xFFFFFF60] =	vst v3  }
0x73c: {  	v0 =	vld [tilespmem:s7+$0x7D0];
	_ =	sdelay $0x4  }
0x73d: {  	[tilespmem:$0x8CC8] =	vst v0  }
0x73e: {  	v0 =	vld [tilespmem:s7+$0x7E0];
	_ =	sdelay $0x4  }
0x73f: {  	[tilespmem:$0x8CD8] =	vst v0  }
0x740: {  	v0 =	vld [tilespmem:s7+$0x7E8];
	_ =	sdelay $0x1  }
.Ltmp5:
0x741: {  	_ = 	snop;
	(pc) =	sbr.rel @p1 .LBB2_10-.Ltmp5, $3  }
0x742: {  	_ =	sdelay $0x1  }
0x743: {  	[tilespmem:$0x8CE0] =	vst v0  }
0x744: {  	[spmem:s2] =	stream.indirect.scatter.add.f32 [tilespmem:s26], [sflag:$0x4], $0x90, s25, s16, $0xb8;
	[tilespmem:$0x1FA90] =	vst v63  }
0x745: {  	s3 =	sadd.s32 $0x3, s3  }
0x746: {  	s7 =	smulhi.u32 $0x51EB851F, s3;
	_ =	sdelay $0x1  }
0x747: {  	s7 =	sshrl.u32 s7, $0x3  }
0x748: {  	s8 =	smul.u32 $0x19, s7;
	_ =	sdelay $0x1  }
0x749: {  	s3 =	ssub.s32 s3, s8  }
0x74a: {  	p0 =	sne.s32 s3, $0x0  }
0x74b: {  	s8 =	simm.s32 @!p0 $0x5  }
0x74c: {  	s9 =	sand.u32 $0x1, s7;
	_ =	swait.ge @!p0 [sflag:s8], $0x3E8  }
0x74d: {  	p1 =	seq.s32 s9, $0x1;
	s9 =	simm.s32 $0x3E8;
	[sflag:s8] =	ssyncset.done @!p0 $0x0  }
0x74e: {  	s9 =	simm.s32 @!p1 $0x0;
	[sflag:s8] =	ssyncadd.s32 @!p0 $0xFFFFFC18  }
0x74f: {  	p1 =	sgt.u32 s0, $0x6E;
	s10 =	smul.u32 $0x28, s3;
	_ =	swait.ge @!p0 [sflag:s8], $0x3E8  }
0x750: {  	p2 =	sne.s32 @!p1 s3, $0x1;
	[sflag:s8] =	ssyncset.done @!p0 $0x0  }
0x751: {  	s30 =	sadd.s32 s10, s9;
	[sflag:s8] =	ssyncadd.s32 @!p0 $0xFFFFFC18;
	p0 =	por p2, p1  }
0x752: {  	[tilespmem:s17], [sflag:$0x2] =	stream.indirect.gather [hbm4b:s1+s16], $0x80, s30, s16, $0xb8;
	[tilespmem:$0x1FA90] =	vst v63  }
0x753: {  	s3 =	sadd.s32 @!p0 $0x1, s7  }
0x754: {  	s8 =	sadd.s32 $0x7D0, s30;
	s7 =	sand.u32 @!p0 $0x1, s3;
	s3 =	smul.u32 @!p0 $0x3E8, s3  }
0x755: {  	[tilespmem:s18], [sflag:$0x2] =	stream.indirect.gather [hbm4b:s1+s16], $0x80, s8, s16, $0xb8;
	[tilespmem:$0x1FA90] =	vst v63  }
0x756: {  	p3 =	seq.s32 @!p0 s7, $0x1  }
0x757: {  	s7 =	simm.s32 @!p0 $0x3E8;
	p2 =	por @!p1 !p3, p2;
	s3 =	sadd.s32 @!p0 s5, s3  }
.Ltmp6:
0x758: {  	p1 =	por !p2, p1;
	s3 =	sshrl.u32 @!p0 s3, $0x3;
	(pc) =	sbr.rel .LBB2_4-.Ltmp6, $4  }
0x759: {  	s8 =	simm.s32 @!p0 $0x0;
	s7 =	simm.s32 @!p1 $0x0;
	s3 =	sadd.s32 @!p0 s6, s3  }
0x75a: {  	[tilespmem:s7], [sflag:$0x5] =	stream.linear.gather @!p0 [hbm4b:s3+s8], $0x3E8, $0x38;
	[tilespmem:$0x1FA90] =	vst v63  }
0x75b: {  	s0 =	sadd.s32 $0x1, s0;
	s7 =	sadd.s32 @!p0 $0x7D0, s7;
	s3 =	sadd.s32 @!p0 $0x9C40, s3  }
0x75c: {  	[tilespmem:s7], [sflag:$0x5] =	stream.linear.gather @!p0 [hbm4b:s3+s8], $0x3E8, $0x38;
	[tilespmem:$0x1FA90] =	vst v63  }
.LBB2_11:
0x75d: {  	_ =	sfence.sel $0x180000  }
0x75e: {  	[bflag:$0x0] =	sbarrier.arrive $0xFFFF  }
0x75f: {  	_ =	strace $0x90000047  }
0x760: {  	s0 =	stileid.u32;
	[bflag:$0x2] =	sbarrier.arrive $0xFFFF  }
0x761: {  	p0 =	sne.s32 s0, $0x0;
	s0 =	rddreg [dreg:$0x3]  }
0x762: {  	s0 =	sadd.s32 @!p0 $0x100000, s0  }
0x763: {  	[sflag:s0] =	ssyncadd.tile.s32 @!p0 $0x1;
	_ =	shalt  }
.Lfunc_end2:
_tile_overlayer_lowered:
.L_overlay_start_2:
0x764: {  	(tag) =	ssettag $0x2  }
0x765: {  	s0 =	rddreg [dreg:$0x0];
	s2 =	stileid.u32  }
0x766: {  	s1 =	rddreg [dreg:$0x1];
	p0 =	sne.s32 s2, $0x0  }
0x767: {  	s3 =	rddreg [dreg:$0x2];
	[bflag:$0x3] =	sbarrier.arrive $0xFFFF;
	s2 =	simm.s32 @!p0 $0x1C07  }
0x768: {  	[timem:s3], [sflag:s2] =	dma.local @!p0 [hbm:s0], s1  }
0x769: {  	s0 =	simm.s32 @!p0 $0x7  }
0x76a: {  	_ =	swait.ge @!p0 [sflag:s0], s1  }
0x76b: {  	s1 =	ssub.s32 @!p0 $0x0, s1;
	[sflag:s0] =	ssyncset.done @!p0 $0x0  }
0x76c: {  	[sflag:s0] =	ssyncadd.s32 @!p0 s1  }
0x76d: {  	[bflag:$0x3] =	sbarrier.arrive $0xFFFF  }
0x76e: {  	_ =	shalt  }

</sc_bundles>
